<compile_context>
chip_gen: v7x
topology: tpu7x:2x2x1
jax: 0.10.2.dev20260603
libtpu: 0.0.44.dev20260713+nightly
codegen_flags: <defaults>
</compile_context>

<pallas_src>
import functools

import jax
import jax.numpy as jnp
from jax import lax
from jax.experimental import pallas as pl
from jax.experimental.pallas import tpu as pltpu
from jax.experimental.pallas import tpu_sc as plsc

B_ROWS = 16384
SEQ = 50
DIM = 32
NC, NS = 2, 16
NW = NC * NS
RPW = B_ROWS // NW
NBLK = RPW // 128
IW = 128
TBP = 129


def _body(idx_hbm, table_hbm, out_hbm, idx_v, rows0, rows1, tb0, tb1,
          gs0, gs1, ws0, ws1):
    c = lax.axis_index("c")
    s = lax.axis_index("s")
    wid = s * NC + c
    pltpu.sync_copy(idx_hbm.at[wid], idx_v)

    rows = (rows0, rows1)
    tbs = (tb0, tb1)
    gsems = (gs0, gs1)
    wsems = (ws0, ws1)
    iota = lax.iota(jnp.int32, 16)
    rowperm = (iota // 8) * 32 + (iota % 8)

    def fire(b, u):
        for r1l in range(NBLK):
            pltpu.async_copy(
                table_hbm.at[idx_v.at[b * NBLK + r1l]],
                rows[u].at[pl.ds(r1l * IW, IW)],
                gsems[u],
            )

    def wait_gathers(u):
        for r1l in range(NBLK):
            pltpu.make_async_copy(
                table_hbm.at[idx_v.at[r1l]],
                rows[u].at[pl.ds(r1l * IW, IW)],
                gsems[u],
            ).wait()

    def transpose(u):
        for r1l in range(NBLK):
            rv0 = rowperm + r1l * 8
            rv1 = rowperm + (r1l * 8 + 64)

            def tr(jj, _):
                base = r1l * IW + jj * 16
                vs = [(rows[u][base + k, pl.ds(0, 16)],
                       rows[u][base + k, pl.ds(16, 16)])
                      for k in range(16)]
                for k, (v0, v1) in enumerate(vs):
                    lane = jnp.zeros((16,), jnp.int32) + (jj * 16 + k)
                    plsc.store_scatter(tbs[u], [rv0, lane], v0)
                    plsc.store_scatter(tbs[u], [rv1, lane], v1)
                return 0

            lax.fori_loop(0, 8, tr, 0)

    def fire_writes(b, u):
        for c1 in range(4):
            pltpu.async_copy(
                tbs[u].at[pl.ds(c1 * 32, 32), pl.ds(0, 128)],
                out_hbm.at[b, c1, pl.ds(32 * wid, 32)],
                wsems[u],
            )

    def wait_writes(u):
        for c1 in range(4):
            pltpu.make_async_copy(
                tbs[u].at[pl.ds(c1 * 32, 32), pl.ds(0, 128)],
                out_hbm.at[0, c1, pl.ds(32 * wid, 32)],
                wsems[u],
            ).wait()

    fire(0, 0)

    def group(g, _):
        b0 = g * 2

        @pl.when(b0 + 1 < SEQ)
        def _():
            fire(b0 + 1, 1)

        wait_gathers(0)

        @pl.when(g > 0)
        def _():
            wait_writes(0)

        transpose(0)
        fire_writes(b0, 0)

        @pl.when(b0 + 2 < SEQ)
        def _():
            fire(b0 + 2, 0)

        wait_gathers(1)

        @pl.when(g > 0)
        def _():
            wait_writes(1)

        transpose(1)
        fire_writes(b0 + 1, 1)
        return 0

    lax.fori_loop(0, SEQ // 2, group, 0)
    wait_writes(0)
    wait_writes(1)


@functools.partial(
    pl.kernel,
    mesh=plsc.VectorSubcoreMesh(core_axis_name="c", subcore_axis_name="s"),
    compiler_params=pltpu.CompilerParams(
        use_tc_tiling_on_sc=False, needs_layout_passes=False
    ),
    out_type=jax.ShapeDtypeStruct((SEQ, 4, B_ROWS // 16, 128), jnp.float32),
    scratch_types=[
        pltpu.VMEM((SEQ * NBLK, IW), jnp.int32),
        pltpu.VMEM((NBLK * IW, DIM), jnp.float32),
        pltpu.VMEM((NBLK * IW, DIM), jnp.float32),
        pltpu.VMEM((128, TBP), jnp.float32),
        pltpu.VMEM((128, TBP), jnp.float32),
        pltpu.SemaphoreType.DMA,
        pltpu.SemaphoreType.DMA,
        pltpu.SemaphoreType.DMA,
        pltpu.SemaphoreType.DMA,
    ],
)
def _gather_kernel(idx_hbm, table_hbm, out_hbm, idx_v, rows0, rows1,
                   tb0, tb1, gs0, gs1, ws0, ws1):
    _body(idx_hbm, table_hbm, out_hbm, idx_v, rows0, rows1, tb0, tb1,
          gs0, gs1, ws0, ws1)


def kernel(token_ids, weights):
    idx = (token_ids.astype(jnp.int32)
           .reshape(NW, NBLK, 128, SEQ)
           .transpose(0, 3, 1, 2)
           .reshape(NW, SEQ * NBLK, IW))
    out4 = _gather_kernel(idx, weights)
    out5 = out4.reshape(SEQ, 4, B_ROWS // 128, 8, 128)
    return out5.transpose(2, 4, 0, 1, 3).reshape(B_ROWS, SEQ, DIM)

# --- scband reference (transcript-rebuilt; emitter-appended) ---
"""Pipeline reference for scband-embedding-87179246174852 (READ-ONLY COPY).

The authoritative reference and input builder live on the scoring server;
editing this copy changes nothing except your own understanding.
"""

import jax, jax.numpy as jnp
import numpy as np

NUM_EMBEDDINGS = 1000000
EMBEDDING_DIM = 32

def setup_inputs(seed: int = 0) -> dict:
    key = jax.random.key(seed)
    k_idx, k_w = jax.random.split(key)
    token_ids = jax.random.randint(k_idx, (16384, 50), 0, NUM_EMBEDDINGS, dtype=jnp.int64 if jax.config.jax_enable_x64 else jnp.int32)
    std = 1.0 / np.sqrt(EMBEDDING_DIM) * 0.5
    # truncated normal in [-2*std, 2*std]
    weights = jax.random.truncated_normal(k_w, -2.0, 2.0, (NUM_EMBEDDINGS, EMBEDDING_DIM), dtype=jnp.float32) * std
    return {"token_ids": token_ids, "weights": weights}

def reference(token_ids, weights):
    # Faithful translation of: return self.weights[token_ids]
    return jnp.take(weights, token_ids, axis=0)

if __name__ == "__main__":
    import jax
    _d = setup_inputs()
    print(jax.jit(kernel)(*tuple(_d.values())))

</pallas_src>

<mosaic_0001>
#map = affine_map<(d0, d1) -> (0, 0, 0)>
#map1 = affine_map<(d0, d1) -> (0, 0)>
#map2 = affine_map<(d0, d1) -> (0, 0, 0, 0)>
module attributes {stable_mosaic.version = 14 : i64} {
  func.func @_gather_kernel(%arg0: i32, %arg1: i32, %arg2: memref<32x200x128xi32, #tpu.memory_space<hbm>>, %arg3: memref<1000000x32xf32, #tpu.memory_space<hbm>>, %arg4: memref<50x4x1024x128xf32, #tpu.memory_space<hbm>>, %arg5: memref<200x128xi32, #tpu.memory_space<vmem>>, %arg6: memref<512x32xf32, #tpu.memory_space<vmem>>, %arg7: memref<512x32xf32, #tpu.memory_space<vmem>>, %arg8: memref<128x129xf32, #tpu.memory_space<vmem>>, %arg9: memref<128x129xf32, #tpu.memory_space<vmem>>, %arg10: memref<!tpu.dma_semaphore, #tpu.memory_space<semaphore_mem>>, %arg11: memref<!tpu.dma_semaphore, #tpu.memory_space<semaphore_mem>>, %arg12: memref<!tpu.dma_semaphore, #tpu.memory_space<semaphore_mem>>, %arg13: memref<!tpu.dma_semaphore, #tpu.memory_space<semaphore_mem>>) attributes {dimension_semantics = [#tpu.dimension_semantics<core_parallel>, #tpu.dimension_semantics<subcore_parallel>], iteration_bounds = array<i64: 2, 16>, scalar_prefetch = 0 : i64, scratch_operands = 9 : i64, tpu.core_type = #tpu.core_type<sc_vector_subcore>, window_params = [{transform_indices = #map}, {transform_indices = #map1}, {transform_indices = #map2}]} {
    %mul3A = arith.constant 2 : i32
    %mul3A_0 = arith.muli %arg1, %mul3A : i32
    %add3A = arith.addi %mul3A_0, %arg0 : i32
    "tpu.region"() ({
      %run_scoped3A = tpu.sem_alloc : memref<!tpu.dma_semaphore, #tpu.memory_space<semaphore_mem>>
      %dma_start3A_220 = arith.constant 0 : i32
      %dma_start3A_221 = arith.constant 0 : i32
      %dma_start3A_222 = tpu.memref_slice %arg2[%add3A, %dma_start3A_220, %dma_start3A_221] : memref<32x200x128xi32, #tpu.memory_space<hbm>> -> memref<1x200x128xi32, #tpu.memory_space<hbm>>
      %dma_start3A_223 = tpu.memref_squeeze %dma_start3A_222 : memref<1x200x128xi32, #tpu.memory_space<hbm>> -> memref<200x128xi32, #tpu.memory_space<hbm>>
      %dma_start3A_224 = arith.constant 0 : i32
      %dma_start3A_225 = arith.constant 0 : i32
      %dma_start3A_226 = tpu.memref_slice %arg2[%add3A, %dma_start3A_224, %dma_start3A_225] : memref<32x200x128xi32, #tpu.memory_space<hbm>> -> memref<1x200x128xi32, #tpu.memory_space<hbm>>
      %dma_start3A_227 = tpu.memref_squeeze %dma_start3A_226 : memref<1x200x128xi32, #tpu.memory_space<hbm>> -> memref<200x128xi32, #tpu.memory_space<hbm>>
      tpu.enqueue_dma source(%dma_start3A_227 : memref<200x128xi32, #tpu.memory_space<hbm>>) target(%arg5 : memref<200x128xi32, #tpu.memory_space<vmem>>) target_semaphore(%run_scoped3A : memref<!tpu.dma_semaphore, #tpu.memory_space<semaphore_mem>>)
      %dma_wait3A_228 = arith.constant 0 : i32
      %dma_wait3A_229 = arith.constant 0 : i32
      %dma_wait3A_230 = tpu.memref_slice %arg2[%add3A, %dma_wait3A_228, %dma_wait3A_229] : memref<32x200x128xi32, #tpu.memory_space<hbm>> -> memref<1x200x128xi32, #tpu.memory_space<hbm>>
      %dma_wait3A_231 = tpu.memref_squeeze %dma_wait3A_230 : memref<1x200x128xi32, #tpu.memory_space<hbm>> -> memref<200x128xi32, #tpu.memory_space<hbm>>
      %dma_wait3A_232 = arith.constant 0 : i32
      %dma_wait3A_233 = arith.constant 0 : i32
      %dma_wait3A_234 = tpu.memref_slice %arg2[%add3A, %dma_wait3A_232, %dma_wait3A_233] : memref<32x200x128xi32, #tpu.memory_space<hbm>> -> memref<1x200x128xi32, #tpu.memory_space<hbm>>
      %dma_wait3A_235 = tpu.memref_squeeze %dma_wait3A_234 : memref<1x200x128xi32, #tpu.memory_space<hbm>> -> memref<200x128xi32, #tpu.memory_space<hbm>>
      tpu.wait_dma2 semaphore(%run_scoped3A : memref<!tpu.dma_semaphore, #tpu.memory_space<semaphore_mem>>) src(%dma_wait3A_235 : memref<200x128xi32, #tpu.memory_space<hbm>>) dst(%arg5 : memref<200x128xi32, #tpu.memory_space<vmem>>)
      tpu.yield
    }) : () -> ()
    %iota3A = tpu.iota {dimensions = array<i32: 0>} : vector<16xi32>
    %jit3A = arith.constant 8 : i32
    %div3A = vector.broadcast %jit3A : i32 to vector<16xi32>
    %div3A_1 = arith.divsi %iota3A, %div3A : vector<16xi32>
    %sign3A = arith.constant 0 : i32
    %sign3A_2 = vector.broadcast %sign3A : i32 to vector<16xi32>
    %sign3A_3 = arith.cmpi sgt, %iota3A, %sign3A_2 : vector<16xi32>
    %sign3A_4 = arith.extui %sign3A_3 : vector<16xi1> to vector<16xi32>
    %sign3A_5 = arith.constant 0 : i32
    %sign3A_6 = vector.broadcast %sign3A_5 : i32 to vector<16xi32>
    %sign3A_7 = arith.cmpi slt, %iota3A, %sign3A_6 : vector<16xi32>
    %sign3A_8 = arith.extui %sign3A_7 : vector<16xi1> to vector<16xi32>
    %sign3A_9 = arith.subi %sign3A_4, %sign3A_8 : vector<16xi32>
    %sign3A_10 = arith.constant 0 : i32
    %sign3A_11 = arith.cmpi sgt, %jit3A, %sign3A_10 : i32
    %sign3A_12 = arith.extui %sign3A_11 : i1 to i32
    %sign3A_13 = arith.constant 0 : i32
    %sign3A_14 = arith.cmpi slt, %jit3A, %sign3A_13 : i32
    %sign3A_15 = arith.extui %sign3A_14 : i1 to i32
    %sign3A_16 = arith.subi %sign3A_12, %sign3A_15 : i32
    %ne3A = vector.broadcast %sign3A_16 : i32 to vector<16xi32>
    %ne3A_17 = arith.cmpi ne, %sign3A_9, %ne3A : vector<16xi32>
    %rem3A = vector.broadcast %jit3A : i32 to vector<16xi32>
    %rem3A_18 = arith.remsi %iota3A, %rem3A : vector<16xi32>
    %ne3A_19 = arith.constant 0 : i32
    %ne3A_20 = vector.broadcast %ne3A_19 : i32 to vector<16xi32>
    %ne3A_21 = arith.cmpi ne, %rem3A_18, %ne3A_20 : vector<16xi32>
    %and3A = arith.andi %ne3A_17, %ne3A_21 : vector<16xi1>
    %sub3A = arith.constant 1 : i32
    %sub3A_22 = vector.broadcast %sub3A : i32 to vector<16xi32>
    %sub3A_23 = arith.subi %div3A_1, %sub3A_22 : vector<16xi32>
    %select_n3A = arith.select %and3A, %sub3A_23, %div3A_1 : vector<16xi1>, vector<16xi32>
    %mul3A_24 = arith.constant 32 : i32
    %mul3A_25 = vector.broadcast %mul3A_24 : i32 to vector<16xi32>
    %mul3A_26 = arith.muli %select_n3A, %mul3A_25 : vector<16xi32>
    %jit3A_27 = arith.constant 8 : i32
    %eq3A = arith.constant 0 : i32
    %eq3A_28 = arith.cmpi eq, %jit3A_27, %eq3A : i32
    %jit3A_29 = arith.constant 1 : i32
    %select_n3A_30 = arith.select %eq3A_28, %jit3A_29, %jit3A_27 : i32
    %rem3A_31 = vector.broadcast %select_n3A_30 : i32 to vector<16xi32>
    %rem3A_32 = arith.remsi %iota3A, %rem3A_31 : vector<16xi32>
    %ne3A_33 = arith.constant 0 : i32
    %ne3A_34 = vector.broadcast %ne3A_33 : i32 to vector<16xi32>
    %ne3A_35 = arith.cmpi ne, %rem3A_32, %ne3A_34 : vector<16xi32>
    %lt3A = arith.constant 0 : i32
    %lt3A_36 = vector.broadcast %lt3A : i32 to vector<16xi32>
    %lt3A_37 = arith.cmpi slt, %rem3A_32, %lt3A_36 : vector<16xi32>
    %lt3A_38 = arith.constant 0 : i32
    %lt3A_39 = arith.cmpi slt, %select_n3A_30, %lt3A_38 : i32
    %ne3A_40 = vector.broadcast %lt3A_39 : i1 to vector<16xi1>
    %ne3A_41 = vector.broadcast %ne3A_40 : vector<16xi1> to vector<16xi1>
    %ne3A_42 = arith.xori %lt3A_37, %ne3A_41 : vector<16xi1>
    %and3A_43 = arith.andi %ne3A_42, %ne3A_35 : vector<16xi1>
    %add3A_44 = vector.broadcast %select_n3A_30 : i32 to vector<16xi32>
    %add3A_45 = arith.addi %rem3A_32, %add3A_44 : vector<16xi32>
    %select_n3A_46 = arith.select %and3A_43, %add3A_45, %rem3A_32 : vector<16xi1>, vector<16xi32>
    %add3A_47 = arith.addi %mul3A_26, %select_n3A_46 : vector<16xi32>
    %dma_start3A = arith.constant 0 : i32
    %dma_start3A_48 = arith.constant 0 : i32
    %dma_start3A_49 = arith.constant 0 : i32
    %dma_start3A_50 = tpu.memref_slice %arg6[%dma_start3A_48, %dma_start3A_49] : memref<512x32xf32, #tpu.memory_space<vmem>> -> memref<128x32xf32, #tpu.memory_space<vmem>>
    %dma_start3A_51 = arith.constant 0 : i32
    %dma_start3A_52 = tpu.memref_slice %arg5[%dma_start3A, %dma_start3A_51] : memref<200x128xi32, #tpu.memory_space<vmem>> -> memref<1x128xi32, #tpu.memory_space<vmem>>
    %dma_start3A_53 = tpu.memref_squeeze %dma_start3A_52 : memref<1x128xi32, #tpu.memory_space<vmem>> -> memref<128xi32, #tpu.memory_space<vmem>>
    %dma_start3A_54 = arith.constant 0 : i32
    %dma_start3A_55 = arith.constant 0 : i32
    %dma_start3A_56 = tpu.memref_slice %arg3[%dma_start3A_54, %dma_start3A_55] : memref<1000000x32xf32, #tpu.memory_space<hbm>> -> memref<1000000x32xf32, #tpu.memory_space<hbm>>
    tpu.enqueue_indirect_dma source(%dma_start3A_56 : memref<1000000x32xf32, #tpu.memory_space<hbm>>) target(%dma_start3A_50 : memref<128x32xf32, #tpu.memory_space<vmem>>) offsets(%dma_start3A_53 : memref<128xi32, #tpu.memory_space<vmem>>) semaphore(%arg10 : memref<!tpu.dma_semaphore, #tpu.memory_space<semaphore_mem>>)
    %dma_start3A_57 = arith.constant 1 : i32
    %dma_start3A_58 = arith.constant 128 : i32
    %dma_start3A_59 = arith.constant 0 : i32
    %dma_start3A_60 = tpu.memref_slice %arg6[%dma_start3A_58, %dma_start3A_59] : memref<512x32xf32, #tpu.memory_space<vmem>> -> memref<128x32xf32, #tpu.memory_space<vmem>>
    %dma_start3A_61 = arith.constant 0 : i32
    %dma_start3A_62 = tpu.memref_slice %arg5[%dma_start3A_57, %dma_start3A_61] : memref<200x128xi32, #tpu.memory_space<vmem>> -> memref<1x128xi32, #tpu.memory_space<vmem>>
    %dma_start3A_63 = tpu.memref_squeeze %dma_start3A_62 : memref<1x128xi32, #tpu.memory_space<vmem>> -> memref<128xi32, #tpu.memory_space<vmem>>
    %dma_start3A_64 = arith.constant 0 : i32
    %dma_start3A_65 = arith.constant 0 : i32
    %dma_start3A_66 = tpu.memref_slice %arg3[%dma_start3A_64, %dma_start3A_65] : memref<1000000x32xf32, #tpu.memory_space<hbm>> -> memref<1000000x32xf32, #tpu.memory_space<hbm>>
    tpu.enqueue_indirect_dma source(%dma_start3A_66 : memref<1000000x32xf32, #tpu.memory_space<hbm>>) target(%dma_start3A_60 : memref<128x32xf32, #tpu.memory_space<vmem>>) offsets(%dma_start3A_63 : memref<128xi32, #tpu.memory_space<vmem>>) semaphore(%arg10 : memref<!tpu.dma_semaphore, #tpu.memory_space<semaphore_mem>>)
    %dma_start3A_67 = arith.constant 2 : i32
    %dma_start3A_68 = arith.constant 256 : i32
    %dma_start3A_69 = arith.constant 0 : i32
    %dma_start3A_70 = tpu.memref_slice %arg6[%dma_start3A_68, %dma_start3A_69] : memref<512x32xf32, #tpu.memory_space<vmem>> -> memref<128x32xf32, #tpu.memory_space<vmem>>
    %dma_start3A_71 = arith.constant 0 : i32
    %dma_start3A_72 = tpu.memref_slice %arg5[%dma_start3A_67, %dma_start3A_71] : memref<200x128xi32, #tpu.memory_space<vmem>> -> memref<1x128xi32, #tpu.memory_space<vmem>>
    %dma_start3A_73 = tpu.memref_squeeze %dma_start3A_72 : memref<1x128xi32, #tpu.memory_space<vmem>> -> memref<128xi32, #tpu.memory_space<vmem>>
    %dma_start3A_74 = arith.constant 0 : i32
    %dma_start3A_75 = arith.constant 0 : i32
    %dma_start3A_76 = tpu.memref_slice %arg3[%dma_start3A_74, %dma_start3A_75] : memref<1000000x32xf32, #tpu.memory_space<hbm>> -> memref<1000000x32xf32, #tpu.memory_space<hbm>>
    tpu.enqueue_indirect_dma source(%dma_start3A_76 : memref<1000000x32xf32, #tpu.memory_space<hbm>>) target(%dma_start3A_70 : memref<128x32xf32, #tpu.memory_space<vmem>>) offsets(%dma_start3A_73 : memref<128xi32, #tpu.memory_space<vmem>>) semaphore(%arg10 : memref<!tpu.dma_semaphore, #tpu.memory_space<semaphore_mem>>)
    %dma_start3A_77 = arith.constant 3 : i32
    %dma_start3A_78 = arith.constant 384 : i32
    %dma_start3A_79 = arith.constant 0 : i32
    %dma_start3A_80 = tpu.memref_slice %arg6[%dma_start3A_78, %dma_start3A_79] : memref<512x32xf32, #tpu.memory_space<vmem>> -> memref<128x32xf32, #tpu.memory_space<vmem>>
    %dma_start3A_81 = arith.constant 0 : i32
    %dma_start3A_82 = tpu.memref_slice %arg5[%dma_start3A_77, %dma_start3A_81] : memref<200x128xi32, #tpu.memory_space<vmem>> -> memref<1x128xi32, #tpu.memory_space<vmem>>
    %dma_start3A_83 = tpu.memref_squeeze %dma_start3A_82 : memref<1x128xi32, #tpu.memory_space<vmem>> -> memref<128xi32, #tpu.memory_space<vmem>>
    %dma_start3A_84 = arith.constant 0 : i32
    %dma_start3A_85 = arith.constant 0 : i32
    %dma_start3A_86 = tpu.memref_slice %arg3[%dma_start3A_84, %dma_start3A_85] : memref<1000000x32xf32, #tpu.memory_space<hbm>> -> memref<1000000x32xf32, #tpu.memory_space<hbm>>
    tpu.enqueue_indirect_dma source(%dma_start3A_86 : memref<1000000x32xf32, #tpu.memory_space<hbm>>) target(%dma_start3A_80 : memref<128x32xf32, #tpu.memory_space<vmem>>) offsets(%dma_start3A_83 : memref<128xi32, #tpu.memory_space<vmem>>) semaphore(%arg10 : memref<!tpu.dma_semaphore, #tpu.memory_space<semaphore_mem>>)
    %scan3A = arith.constant 0 : i32
    %scan3A_87 = arith.constant 0 : i32
    %scan3A_88 = arith.constant 25 : i32
    %scan3A_89 = arith.addi %scan3A_87, %scan3A_88 : i32
    %scan3A_90 = arith.constant 1 : i32
    %scan3A_91 = scf.for %scan3A_220 = %scan3A_87 to %scan3A_89 step %scan3A_90 iter_args(%scan3A_221 = %scan3A) -> (i32)  : i32 {
      %mul3A_222 = arith.constant 2 : i32
      %mul3A_223 = arith.muli %scan3A_220, %mul3A_222 : i32
      %add3A_224 = arith.constant 1 : i32
      %add3A_225 = arith.addi %mul3A_223, %add3A_224 : i32
      %lt3A_226 = arith.constant 50 : i32
      %lt3A_227 = arith.cmpi slt, %add3A_225, %lt3A_226 : i32
      %convert_element_type3A = arith.extui %lt3A_227 : i1 to i32
      %cond3A = arith.constant 0 : i32
      %cond3A_228 = arith.cmpi ne, %convert_element_type3A, %cond3A : i32
      scf.if %cond3A_228 {
        %add3A_552 = arith.constant 1 : i32
        %add3A_553 = arith.addi %mul3A_223, %add3A_552 : i32
        %mul3A_554 = arith.constant 4 : i32
        %mul3A_555 = arith.muli %add3A_553, %mul3A_554 : i32
        %add3A_556 = arith.constant 0 : i32
        %add3A_557 = arith.addi %mul3A_555, %add3A_556 : i32
        %dma_start3A_558 = arith.constant 0 : i32
        %dma_start3A_559 = arith.constant 0 : i32
        %dma_start3A_560 = tpu.memref_slice %arg7[%dma_start3A_558, %dma_start3A_559] : memref<512x32xf32, #tpu.memory_space<vmem>> -> memref<128x32xf32, #tpu.memory_space<vmem>>
        %dma_start3A_561 = arith.constant 0 : i32
        %dma_start3A_562 = tpu.memref_slice %arg5[%add3A_557, %dma_start3A_561] : memref<200x128xi32, #tpu.memory_space<vmem>> -> memref<1x128xi32, #tpu.memory_space<vmem>>
        %dma_start3A_563 = tpu.memref_squeeze %dma_start3A_562 : memref<1x128xi32, #tpu.memory_space<vmem>> -> memref<128xi32, #tpu.memory_space<vmem>>
        %dma_start3A_564 = arith.constant 0 : i32
        %dma_start3A_565 = arith.constant 0 : i32
        %dma_start3A_566 = tpu.memref_slice %arg3[%dma_start3A_564, %dma_start3A_565] : memref<1000000x32xf32, #tpu.memory_space<hbm>> -> memref<1000000x32xf32, #tpu.memory_space<hbm>>
        tpu.enqueue_indirect_dma source(%dma_start3A_566 : memref<1000000x32xf32, #tpu.memory_space<hbm>>) target(%dma_start3A_560 : memref<128x32xf32, #tpu.memory_space<vmem>>) offsets(%dma_start3A_563 : memref<128xi32, #tpu.memory_space<vmem>>) semaphore(%arg11 : memref<!tpu.dma_semaphore, #tpu.memory_space<semaphore_mem>>)
        %mul3A_567 = arith.constant 4 : i32
        %mul3A_568 = arith.muli %add3A_553, %mul3A_567 : i32
        %add3A_569 = arith.constant 1 : i32
        %add3A_570 = arith.addi %mul3A_568, %add3A_569 : i32
        %dma_start3A_571 = arith.constant 128 : i32
        %dma_start3A_572 = arith.constant 0 : i32
        %dma_start3A_573 = tpu.memref_slice %arg7[%dma_start3A_571, %dma_start3A_572] : memref<512x32xf32, #tpu.memory_space<vmem>> -> memref<128x32xf32, #tpu.memory_space<vmem>>
        %dma_start3A_574 = arith.constant 0 : i32
        %dma_start3A_575 = tpu.memref_slice %arg5[%add3A_570, %dma_start3A_574] : memref<200x128xi32, #tpu.memory_space<vmem>> -> memref<1x128xi32, #tpu.memory_space<vmem>>
        %dma_start3A_576 = tpu.memref_squeeze %dma_start3A_575 : memref<1x128xi32, #tpu.memory_space<vmem>> -> memref<128xi32, #tpu.memory_space<vmem>>
        %dma_start3A_577 = arith.constant 0 : i32
        %dma_start3A_578 = arith.constant 0 : i32
        %dma_start3A_579 = tpu.memref_slice %arg3[%dma_start3A_577, %dma_start3A_578] : memref<1000000x32xf32, #tpu.memory_space<hbm>> -> memref<1000000x32xf32, #tpu.memory_space<hbm>>
        tpu.enqueue_indirect_dma source(%dma_start3A_579 : memref<1000000x32xf32, #tpu.memory_space<hbm>>) target(%dma_start3A_573 : memref<128x32xf32, #tpu.memory_space<vmem>>) offsets(%dma_start3A_576 : memref<128xi32, #tpu.memory_space<vmem>>) semaphore(%arg11 : memref<!tpu.dma_semaphore, #tpu.memory_space<semaphore_mem>>)
        %mul3A_580 = arith.constant 4 : i32
        %mul3A_581 = arith.muli %add3A_553, %mul3A_580 : i32
        %add3A_582 = arith.constant 2 : i32
        %add3A_583 = arith.addi %mul3A_581, %add3A_582 : i32
        %dma_start3A_584 = arith.constant 256 : i32
        %dma_start3A_585 = arith.constant 0 : i32
        %dma_start3A_586 = tpu.memref_slice %arg7[%dma_start3A_584, %dma_start3A_585] : memref<512x32xf32, #tpu.memory_space<vmem>> -> memref<128x32xf32, #tpu.memory_space<vmem>>
        %dma_start3A_587 = arith.constant 0 : i32
        %dma_start3A_588 = tpu.memref_slice %arg5[%add3A_583, %dma_start3A_587] : memref<200x128xi32, #tpu.memory_space<vmem>> -> memref<1x128xi32, #tpu.memory_space<vmem>>
        %dma_start3A_589 = tpu.memref_squeeze %dma_start3A_588 : memref<1x128xi32, #tpu.memory_space<vmem>> -> memref<128xi32, #tpu.memory_space<vmem>>
        %dma_start3A_590 = arith.constant 0 : i32
        %dma_start3A_591 = arith.constant 0 : i32
        %dma_start3A_592 = tpu.memref_slice %arg3[%dma_start3A_590, %dma_start3A_591] : memref<1000000x32xf32, #tpu.memory_space<hbm>> -> memref<1000000x32xf32, #tpu.memory_space<hbm>>
        tpu.enqueue_indirect_dma source(%dma_start3A_592 : memref<1000000x32xf32, #tpu.memory_space<hbm>>) target(%dma_start3A_586 : memref<128x32xf32, #tpu.memory_space<vmem>>) offsets(%dma_start3A_589 : memref<128xi32, #tpu.memory_space<vmem>>) semaphore(%arg11 : memref<!tpu.dma_semaphore, #tpu.memory_space<semaphore_mem>>)
        %mul3A_593 = arith.constant 4 : i32
        %mul3A_594 = arith.muli %add3A_553, %mul3A_593 : i32
        %add3A_595 = arith.constant 3 : i32
        %add3A_596 = arith.addi %mul3A_594, %add3A_595 : i32
        %dma_start3A_597 = arith.constant 384 : i32
        %dma_start3A_598 = arith.constant 0 : i32
        %dma_start3A_599 = tpu.memref_slice %arg7[%dma_start3A_597, %dma_start3A_598] : memref<512x32xf32, #tpu.memory_space<vmem>> -> memref<128x32xf32, #tpu.memory_space<vmem>>
        %dma_start3A_600 = arith.constant 0 : i32
        %dma_start3A_601 = tpu.memref_slice %arg5[%add3A_596, %dma_start3A_600] : memref<200x128xi32, #tpu.memory_space<vmem>> -> memref<1x128xi32, #tpu.memory_space<vmem>>
        %dma_start3A_602 = tpu.memref_squeeze %dma_start3A_601 : memref<1x128xi32, #tpu.memory_space<vmem>> -> memref<128xi32, #tpu.memory_space<vmem>>
        %dma_start3A_603 = arith.constant 0 : i32
        %dma_start3A_604 = arith.constant 0 : i32
        %dma_start3A_605 = tpu.memref_slice %arg3[%dma_start3A_603, %dma_start3A_604] : memref<1000000x32xf32, #tpu.memory_space<hbm>> -> memref<1000000x32xf32, #tpu.memory_space<hbm>>
        tpu.enqueue_indirect_dma source(%dma_start3A_605 : memref<1000000x32xf32, #tpu.memory_space<hbm>>) target(%dma_start3A_599 : memref<128x32xf32, #tpu.memory_space<vmem>>) offsets(%dma_start3A_602 : memref<128xi32, #tpu.memory_space<vmem>>) semaphore(%arg11 : memref<!tpu.dma_semaphore, #tpu.memory_space<semaphore_mem>>)
      } else {
      }
      %dma_wait3A_229 = arith.constant 0 : i32
      %dma_wait3A_230 = arith.constant 0 : i32
      %dma_wait3A_231 = arith.constant 0 : i32
      %dma_wait3A_232 = tpu.memref_slice %arg6[%dma_wait3A_230, %dma_wait3A_231] : memref<512x32xf32, #tpu.memory_space<vmem>> -> memref<128x32xf32, #tpu.memory_space<vmem>>
      %dma_wait3A_233 = arith.constant 0 : i32
      %dma_wait3A_234 = tpu.memref_slice %arg5[%dma_wait3A_229, %dma_wait3A_233] : memref<200x128xi32, #tpu.memory_space<vmem>> -> memref<1x128xi32, #tpu.memory_space<vmem>>
      %dma_wait3A_235 = tpu.memref_squeeze %dma_wait3A_234 : memref<1x128xi32, #tpu.memory_space<vmem>> -> memref<128xi32, #tpu.memory_space<vmem>>
      %dma_wait3A_236 = arith.constant 0 : i32
      %dma_wait3A_237 = arith.constant 0 : i32
      %dma_wait3A_238 = tpu.memref_slice %arg3[%dma_wait3A_236, %dma_wait3A_237] : memref<1000000x32xf32, #tpu.memory_space<hbm>> -> memref<1000000x32xf32, #tpu.memory_space<hbm>>
      tpu.wait_indirect_dma semaphore(%arg10 : memref<!tpu.dma_semaphore, #tpu.memory_space<semaphore_mem>>) src(%dma_wait3A_238 : memref<1000000x32xf32, #tpu.memory_space<hbm>>) dst(%dma_wait3A_232 : memref<128x32xf32, #tpu.memory_space<vmem>>)
      %dma_wait3A_239 = arith.constant 1 : i32
      %dma_wait3A_240 = arith.constant 128 : i32
      %dma_wait3A_241 = arith.constant 0 : i32
      %dma_wait3A_242 = tpu.memref_slice %arg6[%dma_wait3A_240, %dma_wait3A_241] : memref<512x32xf32, #tpu.memory_space<vmem>> -> memref<128x32xf32, #tpu.memory_space<vmem>>
      %dma_wait3A_243 = arith.constant 0 : i32
      %dma_wait3A_244 = tpu.memref_slice %arg5[%dma_wait3A_239, %dma_wait3A_243] : memref<200x128xi32, #tpu.memory_space<vmem>> -> memref<1x128xi32, #tpu.memory_space<vmem>>
      %dma_wait3A_245 = tpu.memref_squeeze %dma_wait3A_244 : memref<1x128xi32, #tpu.memory_space<vmem>> -> memref<128xi32, #tpu.memory_space<vmem>>
      %dma_wait3A_246 = arith.constant 0 : i32
      %dma_wait3A_247 = arith.constant 0 : i32
      %dma_wait3A_248 = tpu.memref_slice %arg3[%dma_wait3A_246, %dma_wait3A_247] : memref<1000000x32xf32, #tpu.memory_space<hbm>> -> memref<1000000x32xf32, #tpu.memory_space<hbm>>
      tpu.wait_indirect_dma semaphore(%arg10 : memref<!tpu.dma_semaphore, #tpu.memory_space<semaphore_mem>>) src(%dma_wait3A_248 : memref<1000000x32xf32, #tpu.memory_space<hbm>>) dst(%dma_wait3A_242 : memref<128x32xf32, #tpu.memory_space<vmem>>)
      %dma_wait3A_249 = arith.constant 2 : i32
      %dma_wait3A_250 = arith.constant 256 : i32
      %dma_wait3A_251 = arith.constant 0 : i32
      %dma_wait3A_252 = tpu.memref_slice %arg6[%dma_wait3A_250, %dma_wait3A_251] : memref<512x32xf32, #tpu.memory_space<vmem>> -> memref<128x32xf32, #tpu.memory_space<vmem>>
      %dma_wait3A_253 = arith.constant 0 : i32
      %dma_wait3A_254 = tpu.memref_slice %arg5[%dma_wait3A_249, %dma_wait3A_253] : memref<200x128xi32, #tpu.memory_space<vmem>> -> memref<1x128xi32, #tpu.memory_space<vmem>>
      %dma_wait3A_255 = tpu.memref_squeeze %dma_wait3A_254 : memref<1x128xi32, #tpu.memory_space<vmem>> -> memref<128xi32, #tpu.memory_space<vmem>>
      %dma_wait3A_256 = arith.constant 0 : i32
      %dma_wait3A_257 = arith.constant 0 : i32
      %dma_wait3A_258 = tpu.memref_slice %arg3[%dma_wait3A_256, %dma_wait3A_257] : memref<1000000x32xf32, #tpu.memory_space<hbm>> -> memref<1000000x32xf32, #tpu.memory_space<hbm>>
      tpu.wait_indirect_dma semaphore(%arg10 : memref<!tpu.dma_semaphore, #tpu.memory_space<semaphore_mem>>) src(%dma_wait3A_258 : memref<1000000x32xf32, #tpu.memory_space<hbm>>) dst(%dma_wait3A_252 : memref<128x32xf32, #tpu.memory_space<vmem>>)
      %dma_wait3A_259 = arith.constant 3 : i32
      %dma_wait3A_260 = arith.constant 384 : i32
      %dma_wait3A_261 = arith.constant 0 : i32
      %dma_wait3A_262 = tpu.memref_slice %arg6[%dma_wait3A_260, %dma_wait3A_261] : memref<512x32xf32, #tpu.memory_space<vmem>> -> memref<128x32xf32, #tpu.memory_space<vmem>>
      %dma_wait3A_263 = arith.constant 0 : i32
      %dma_wait3A_264 = tpu.memref_slice %arg5[%dma_wait3A_259, %dma_wait3A_263] : memref<200x128xi32, #tpu.memory_space<vmem>> -> memref<1x128xi32, #tpu.memory_space<vmem>>
      %dma_wait3A_265 = tpu.memref_squeeze %dma_wait3A_264 : memref<1x128xi32, #tpu.memory_space<vmem>> -> memref<128xi32, #tpu.memory_space<vmem>>
      %dma_wait3A_266 = arith.constant 0 : i32
      %dma_wait3A_267 = arith.constant 0 : i32
      %dma_wait3A_268 = tpu.memref_slice %arg3[%dma_wait3A_266, %dma_wait3A_267] : memref<1000000x32xf32, #tpu.memory_space<hbm>> -> memref<1000000x32xf32, #tpu.memory_space<hbm>>
      tpu.wait_indirect_dma semaphore(%arg10 : memref<!tpu.dma_semaphore, #tpu.memory_space<semaphore_mem>>) src(%dma_wait3A_268 : memref<1000000x32xf32, #tpu.memory_space<hbm>>) dst(%dma_wait3A_262 : memref<128x32xf32, #tpu.memory_space<vmem>>)
      %gt3A = arith.constant 0 : i32
      %gt3A_269 = arith.cmpi sgt, %scan3A_220, %gt3A : i32
      %convert_element_type3A_270 = arith.extui %gt3A_269 : i1 to i32
      %cond3A_271 = arith.constant 0 : i32
      %cond3A_272 = arith.cmpi ne, %convert_element_type3A_270, %cond3A_271 : i32
      scf.if %cond3A_272 {
        %mul3A_552 = arith.constant 32 : i32
        %mul3A_553 = arith.muli %mul3A_552, %add3A : i32
        %dma_wait3A_554 = arith.constant 0 : i32
        %dma_wait3A_555 = arith.constant 0 : i32
        %dma_wait3A_556 = arith.constant 0 : i32
        %dma_wait3A_557 = arith.constant 0 : i32
        %dma_wait3A_558 = tpu.memref_slice %arg8[%dma_wait3A_556, %dma_wait3A_557] : memref<128x129xf32, #tpu.memory_space<vmem>> -> memref<32x128xf32, #tpu.memory_space<vmem>>
        %dma_wait3A_559 = arith.constant 0 : i32
        %dma_wait3A_560 = tpu.memref_slice %arg4[%dma_wait3A_554, %dma_wait3A_555, %mul3A_553, %dma_wait3A_559] : memref<50x4x1024x128xf32, #tpu.memory_space<hbm>> -> memref<1x1x32x128xf32, #tpu.memory_space<hbm>>
        %dma_wait3A_561 = tpu.memref_squeeze %dma_wait3A_560 : memref<1x1x32x128xf32, #tpu.memory_space<hbm>> -> memref<32x128xf32, #tpu.memory_space<hbm>>
        %dma_wait3A_562 = arith.constant 0 : i32
        %dma_wait3A_563 = tpu.memref_slice %arg4[%dma_wait3A_554, %dma_wait3A_555, %mul3A_553, %dma_wait3A_562] : memref<50x4x1024x128xf32, #tpu.memory_space<hbm>> -> memref<1x1x32x128xf32, #tpu.memory_space<hbm>>
        %dma_wait3A_564 = tpu.memref_squeeze %dma_wait3A_563 : memref<1x1x32x128xf32, #tpu.memory_space<hbm>> -> memref<32x128xf32, #tpu.memory_space<hbm>>
        %dma_wait3A_565 = arith.constant 0 : i32
        %dma_wait3A_566 = arith.constant 0 : i32
        %dma_wait3A_567 = tpu.memref_slice %arg8[%dma_wait3A_565, %dma_wait3A_566] : memref<128x129xf32, #tpu.memory_space<vmem>> -> memref<32x128xf32, #tpu.memory_space<vmem>>
        tpu.wait_dma2 semaphore(%arg12 : memref<!tpu.dma_semaphore, #tpu.memory_space<semaphore_mem>>) src(%dma_wait3A_567 : memref<32x128xf32, #tpu.memory_space<vmem>>) dst(%dma_wait3A_564 : memref<32x128xf32, #tpu.memory_space<hbm>>)
        %mul3A_568 = arith.constant 32 : i32
        %mul3A_569 = arith.muli %mul3A_568, %add3A : i32
        %dma_wait3A_570 = arith.constant 0 : i32
        %dma_wait3A_571 = arith.constant 1 : i32
        %dma_wait3A_572 = arith.constant 32 : i32
        %dma_wait3A_573 = arith.constant 0 : i32
        %dma_wait3A_574 = tpu.memref_slice %arg8[%dma_wait3A_572, %dma_wait3A_573] : memref<128x129xf32, #tpu.memory_space<vmem>> -> memref<32x128xf32, #tpu.memory_space<vmem>>
        %dma_wait3A_575 = arith.constant 0 : i32
        %dma_wait3A_576 = tpu.memref_slice %arg4[%dma_wait3A_570, %dma_wait3A_571, %mul3A_569, %dma_wait3A_575] : memref<50x4x1024x128xf32, #tpu.memory_space<hbm>> -> memref<1x1x32x128xf32, #tpu.memory_space<hbm>>
        %dma_wait3A_577 = tpu.memref_squeeze %dma_wait3A_576 : memref<1x1x32x128xf32, #tpu.memory_space<hbm>> -> memref<32x128xf32, #tpu.memory_space<hbm>>
        %dma_wait3A_578 = arith.constant 0 : i32
        %dma_wait3A_579 = tpu.memref_slice %arg4[%dma_wait3A_570, %dma_wait3A_571, %mul3A_569, %dma_wait3A_578] : memref<50x4x1024x128xf32, #tpu.memory_space<hbm>> -> memref<1x1x32x128xf32, #tpu.memory_space<hbm>>
        %dma_wait3A_580 = tpu.memref_squeeze %dma_wait3A_579 : memref<1x1x32x128xf32, #tpu.memory_space<hbm>> -> memref<32x128xf32, #tpu.memory_space<hbm>>
        %dma_wait3A_581 = arith.constant 32 : i32
        %dma_wait3A_582 = arith.constant 0 : i32
        %dma_wait3A_583 = tpu.memref_slice %arg8[%dma_wait3A_581, %dma_wait3A_582] : memref<128x129xf32, #tpu.memory_space<vmem>> -> memref<32x128xf32, #tpu.memory_space<vmem>>
        tpu.wait_dma2 semaphore(%arg12 : memref<!tpu.dma_semaphore, #tpu.memory_space<semaphore_mem>>) src(%dma_wait3A_583 : memref<32x128xf32, #tpu.memory_space<vmem>>) dst(%dma_wait3A_580 : memref<32x128xf32, #tpu.memory_space<hbm>>)
        %mul3A_584 = arith.constant 32 : i32
        %mul3A_585 = arith.muli %mul3A_584, %add3A : i32
        %dma_wait3A_586 = arith.constant 0 : i32
        %dma_wait3A_587 = arith.constant 2 : i32
        %dma_wait3A_588 = arith.constant 64 : i32
        %dma_wait3A_589 = arith.constant 0 : i32
        %dma_wait3A_590 = tpu.memref_slice %arg8[%dma_wait3A_588, %dma_wait3A_589] : memref<128x129xf32, #tpu.memory_space<vmem>> -> memref<32x128xf32, #tpu.memory_space<vmem>>
        %dma_wait3A_591 = arith.constant 0 : i32
        %dma_wait3A_592 = tpu.memref_slice %arg4[%dma_wait3A_586, %dma_wait3A_587, %mul3A_585, %dma_wait3A_591] : memref<50x4x1024x128xf32, #tpu.memory_space<hbm>> -> memref<1x1x32x128xf32, #tpu.memory_space<hbm>>
        %dma_wait3A_593 = tpu.memref_squeeze %dma_wait3A_592 : memref<1x1x32x128xf32, #tpu.memory_space<hbm>> -> memref<32x128xf32, #tpu.memory_space<hbm>>
        %dma_wait3A_594 = arith.constant 0 : i32
        %dma_wait3A_595 = tpu.memref_slice %arg4[%dma_wait3A_586, %dma_wait3A_587, %mul3A_585, %dma_wait3A_594] : memref<50x4x1024x128xf32, #tpu.memory_space<hbm>> -> memref<1x1x32x128xf32, #tpu.memory_space<hbm>>
        %dma_wait3A_596 = tpu.memref_squeeze %dma_wait3A_595 : memref<1x1x32x128xf32, #tpu.memory_space<hbm>> -> memref<32x128xf32, #tpu.memory_space<hbm>>
        %dma_wait3A_597 = arith.constant 64 : i32
        %dma_wait3A_598 = arith.constant 0 : i32
        %dma_wait3A_599 = tpu.memref_slice %arg8[%dma_wait3A_597, %dma_wait3A_598] : memref<128x129xf32, #tpu.memory_space<vmem>> -> memref<32x128xf32, #tpu.memory_space<vmem>>
        tpu.wait_dma2 semaphore(%arg12 : memref<!tpu.dma_semaphore, #tpu.memory_space<semaphore_mem>>) src(%dma_wait3A_599 : memref<32x128xf32, #tpu.memory_space<vmem>>) dst(%dma_wait3A_596 : memref<32x128xf32, #tpu.memory_space<hbm>>)
        %mul3A_600 = arith.constant 32 : i32
        %mul3A_601 = arith.muli %mul3A_600, %add3A : i32
        %dma_wait3A_602 = arith.constant 0 : i32
        %dma_wait3A_603 = arith.constant 3 : i32
        %dma_wait3A_604 = arith.constant 96 : i32
        %dma_wait3A_605 = arith.constant 0 : i32
        %dma_wait3A_606 = tpu.memref_slice %arg8[%dma_wait3A_604, %dma_wait3A_605] : memref<128x129xf32, #tpu.memory_space<vmem>> -> memref<32x128xf32, #tpu.memory_space<vmem>>
        %dma_wait3A_607 = arith.constant 0 : i32
        %dma_wait3A_608 = tpu.memref_slice %arg4[%dma_wait3A_602, %dma_wait3A_603, %mul3A_601, %dma_wait3A_607] : memref<50x4x1024x128xf32, #tpu.memory_space<hbm>> -> memref<1x1x32x128xf32, #tpu.memory_space<hbm>>
        %dma_wait3A_609 = tpu.memref_squeeze %dma_wait3A_608 : memref<1x1x32x128xf32, #tpu.memory_space<hbm>> -> memref<32x128xf32, #tpu.memory_space<hbm>>
        %dma_wait3A_610 = arith.constant 0 : i32
        %dma_wait3A_611 = tpu.memref_slice %arg4[%dma_wait3A_602, %dma_wait3A_603, %mul3A_601, %dma_wait3A_610] : memref<50x4x1024x128xf32, #tpu.memory_space<hbm>> -> memref<1x1x32x128xf32, #tpu.memory_space<hbm>>
        %dma_wait3A_612 = tpu.memref_squeeze %dma_wait3A_611 : memref<1x1x32x128xf32, #tpu.memory_space<hbm>> -> memref<32x128xf32, #tpu.memory_space<hbm>>
        %dma_wait3A_613 = arith.constant 96 : i32
        %dma_wait3A_614 = arith.constant 0 : i32
        %dma_wait3A_615 = tpu.memref_slice %arg8[%dma_wait3A_613, %dma_wait3A_614] : memref<128x129xf32, #tpu.memory_space<vmem>> -> memref<32x128xf32, #tpu.memory_space<vmem>>
        tpu.wait_dma2 semaphore(%arg12 : memref<!tpu.dma_semaphore, #tpu.memory_space<semaphore_mem>>) src(%dma_wait3A_615 : memref<32x128xf32, #tpu.memory_space<vmem>>) dst(%dma_wait3A_612 : memref<32x128xf32, #tpu.memory_space<hbm>>)
      } else {
      }
      %add3A_273 = arith.constant 0 : i32
      %add3A_274 = vector.broadcast %add3A_273 : i32 to vector<16xi32>
      %add3A_275 = arith.addi %add3A_47, %add3A_274 : vector<16xi32>
      %add3A_276 = arith.constant 64 : i32
      %add3A_277 = vector.broadcast %add3A_276 : i32 to vector<16xi32>
      %add3A_278 = arith.addi %add3A_47, %add3A_277 : vector<16xi32>
      %scan3A_279 = arith.constant 0 : i32
      %scan3A_280 = arith.constant 0 : i32
      %scan3A_281 = arith.constant 8 : i32
      %scan3A_282 = arith.addi %scan3A_280, %scan3A_281 : i32
      %scan3A_283 = arith.constant 1 : i32
      %scan3A_284 = scf.for %scan3A_552 = %scan3A_280 to %scan3A_282 step %scan3A_283 iter_args(%scan3A_553 = %scan3A_279) -> (i32)  : i32 {
        %mul3A_554 = arith.constant 16 : i32
        %mul3A_555 = arith.muli %scan3A_552, %mul3A_554 : i32
        %add3A_556 = arith.constant 0 : i32
        %add3A_557 = arith.addi %add3A_556, %mul3A_555 : i32
        %add3A_558 = arith.constant 0 : i32
        %add3A_559 = arith.addi %add3A_557, %add3A_558 : i32
        %get3A = arith.index_cast %add3A_559 : i32 to index
        %get3A_560 = arith.constant 0 : index
        %get3A_561 = tpu.vector_load %arg6[%get3A, %get3A_560] {strides = array<i32>} : memref<512x32xf32, #tpu.memory_space<vmem>>, vector<16xf32>,
        %add3A_562 = arith.constant 0 : i32
        %add3A_563 = arith.addi %add3A_557, %add3A_562 : i32
        %get3A_564 = arith.index_cast %add3A_563 : i32 to index
        %get3A_565 = arith.constant 16 : index
        %get3A_566 = tpu.vector_load %arg6[%get3A_564, %get3A_565] {strides = array<i32>} : memref<512x32xf32, #tpu.memory_space<vmem>>, vector<16xf32>,
        %add3A_567 = arith.constant 1 : i32
        %add3A_568 = arith.addi %add3A_557, %add3A_567 : i32
        %get3A_569 = arith.index_cast %add3A_568 : i32 to index
        %get3A_570 = arith.constant 0 : index
        %get3A_571 = tpu.vector_load %arg6[%get3A_569, %get3A_570] {strides = array<i32>} : memref<512x32xf32, #tpu.memory_space<vmem>>, vector<16xf32>,
        %add3A_572 = arith.constant 1 : i32
        %add3A_573 = arith.addi %add3A_557, %add3A_572 : i32
        %get3A_574 = arith.index_cast %add3A_573 : i32 to index
        %get3A_575 = arith.constant 16 : index
        %get3A_576 = tpu.vector_load %arg6[%get3A_574, %get3A_575] {strides = array<i32>} : memref<512x32xf32, #tpu.memory_space<vmem>>, vector<16xf32>,
        %add3A_577 = arith.constant 2 : i32
        %add3A_578 = arith.addi %add3A_557, %add3A_577 : i32
        %get3A_579 = arith.index_cast %add3A_578 : i32 to index
        %get3A_580 = arith.constant 0 : index
        %get3A_581 = tpu.vector_load %arg6[%get3A_579, %get3A_580] {strides = array<i32>} : memref<512x32xf32, #tpu.memory_space<vmem>>, vector<16xf32>,
        %add3A_582 = arith.constant 2 : i32
        %add3A_583 = arith.addi %add3A_557, %add3A_582 : i32
        %get3A_584 = arith.index_cast %add3A_583 : i32 to index
        %get3A_585 = arith.constant 16 : index
        %get3A_586 = tpu.vector_load %arg6[%get3A_584, %get3A_585] {strides = array<i32>} : memref<512x32xf32, #tpu.memory_space<vmem>>, vector<16xf32>,
        %add3A_587 = arith.constant 3 : i32
        %add3A_588 = arith.addi %add3A_557, %add3A_587 : i32
        %get3A_589 = arith.index_cast %add3A_588 : i32 to index
        %get3A_590 = arith.constant 0 : index
        %get3A_591 = tpu.vector_load %arg6[%get3A_589, %get3A_590] {strides = array<i32>} : memref<512x32xf32, #tpu.memory_space<vmem>>, vector<16xf32>,
        %add3A_592 = arith.constant 3 : i32
        %add3A_593 = arith.addi %add3A_557, %add3A_592 : i32
        %get3A_594 = arith.index_cast %add3A_593 : i32 to index
        %get3A_595 = arith.constant 16 : index
        %get3A_596 = tpu.vector_load %arg6[%get3A_594, %get3A_595] {strides = array<i32>} : memref<512x32xf32, #tpu.memory_space<vmem>>, vector<16xf32>,
        %add3A_597 = arith.constant 4 : i32
        %add3A_598 = arith.addi %add3A_557, %add3A_597 : i32
        %get3A_599 = arith.index_cast %add3A_598 : i32 to index
        %get3A_600 = arith.constant 0 : index
        %get3A_601 = tpu.vector_load %arg6[%get3A_599, %get3A_600] {strides = array<i32>} : memref<512x32xf32, #tpu.memory_space<vmem>>, vector<16xf32>,
        %add3A_602 = arith.constant 4 : i32
        %add3A_603 = arith.addi %add3A_557, %add3A_602 : i32
        %get3A_604 = arith.index_cast %add3A_603 : i32 to index
        %get3A_605 = arith.constant 16 : index
        %get3A_606 = tpu.vector_load %arg6[%get3A_604, %get3A_605] {strides = array<i32>} : memref<512x32xf32, #tpu.memory_space<vmem>>, vector<16xf32>,
        %add3A_607 = arith.constant 5 : i32
        %add3A_608 = arith.addi %add3A_557, %add3A_607 : i32
        %get3A_609 = arith.index_cast %add3A_608 : i32 to index
        %get3A_610 = arith.constant 0 : index
        %get3A_611 = tpu.vector_load %arg6[%get3A_609, %get3A_610] {strides = array<i32>} : memref<512x32xf32, #tpu.memory_space<vmem>>, vector<16xf32>,
        %add3A_612 = arith.constant 5 : i32
        %add3A_613 = arith.addi %add3A_557, %add3A_612 : i32
        %get3A_614 = arith.index_cast %add3A_613 : i32 to index
        %get3A_615 = arith.constant 16 : index
        %get3A_616 = tpu.vector_load %arg6[%get3A_614, %get3A_615] {strides = array<i32>} : memref<512x32xf32, #tpu.memory_space<vmem>>, vector<16xf32>,
        %add3A_617 = arith.constant 6 : i32
        %add3A_618 = arith.addi %add3A_557, %add3A_617 : i32
        %get3A_619 = arith.index_cast %add3A_618 : i32 to index
        %get3A_620 = arith.constant 0 : index
        %get3A_621 = tpu.vector_load %arg6[%get3A_619, %get3A_620] {strides = array<i32>} : memref<512x32xf32, #tpu.memory_space<vmem>>, vector<16xf32>,
        %add3A_622 = arith.constant 6 : i32
        %add3A_623 = arith.addi %add3A_557, %add3A_622 : i32
        %get3A_624 = arith.index_cast %add3A_623 : i32 to index
        %get3A_625 = arith.constant 16 : index
        %get3A_626 = tpu.vector_load %arg6[%get3A_624, %get3A_625] {strides = array<i32>} : memref<512x32xf32, #tpu.memory_space<vmem>>, vector<16xf32>,
        %add3A_627 = arith.constant 7 : i32
        %add3A_628 = arith.addi %add3A_557, %add3A_627 : i32
        %get3A_629 = arith.index_cast %add3A_628 : i32 to index
        %get3A_630 = arith.constant 0 : index
        %get3A_631 = tpu.vector_load %arg6[%get3A_629, %get3A_630] {strides = array<i32>} : memref<512x32xf32, #tpu.memory_space<vmem>>, vector<16xf32>,
        %add3A_632 = arith.constant 7 : i32
        %add3A_633 = arith.addi %add3A_557, %add3A_632 : i32
        %get3A_634 = arith.index_cast %add3A_633 : i32 to index
        %get3A_635 = arith.constant 16 : index
        %get3A_636 = tpu.vector_load %arg6[%get3A_634, %get3A_635] {strides = array<i32>} : memref<512x32xf32, #tpu.memory_space<vmem>>, vector<16xf32>,
        %add3A_637 = arith.constant 8 : i32
        %add3A_638 = arith.addi %add3A_557, %add3A_637 : i32
        %get3A_639 = arith.index_cast %add3A_638 : i32 to index
        %get3A_640 = arith.constant 0 : index
        %get3A_641 = tpu.vector_load %arg6[%get3A_639, %get3A_640] {strides = array<i32>} : memref<512x32xf32, #tpu.memory_space<vmem>>, vector<16xf32>,
        %add3A_642 = arith.constant 8 : i32
        %add3A_643 = arith.addi %add3A_557, %add3A_642 : i32
        %get3A_644 = arith.index_cast %add3A_643 : i32 to index
        %get3A_645 = arith.constant 16 : index
        %get3A_646 = tpu.vector_load %arg6[%get3A_644, %get3A_645] {strides = array<i32>} : memref<512x32xf32, #tpu.memory_space<vmem>>, vector<16xf32>,
        %add3A_647 = arith.constant 9 : i32
        %add3A_648 = arith.addi %add3A_557, %add3A_647 : i32
        %get3A_649 = arith.index_cast %add3A_648 : i32 to index
        %get3A_650 = arith.constant 0 : index
        %get3A_651 = tpu.vector_load %arg6[%get3A_649, %get3A_650] {strides = array<i32>} : memref<512x32xf32, #tpu.memory_space<vmem>>, vector<16xf32>,
        %add3A_652 = arith.constant 9 : i32
        %add3A_653 = arith.addi %add3A_557, %add3A_652 : i32
        %get3A_654 = arith.index_cast %add3A_653 : i32 to index
        %get3A_655 = arith.constant 16 : index
        %get3A_656 = tpu.vector_load %arg6[%get3A_654, %get3A_655] {strides = array<i32>} : memref<512x32xf32, #tpu.memory_space<vmem>>, vector<16xf32>,
        %add3A_657 = arith.constant 10 : i32
        %add3A_658 = arith.addi %add3A_557, %add3A_657 : i32
        %get3A_659 = arith.index_cast %add3A_658 : i32 to index
        %get3A_660 = arith.constant 0 : index
        %get3A_661 = tpu.vector_load %arg6[%get3A_659, %get3A_660] {strides = array<i32>} : memref<512x32xf32, #tpu.memory_space<vmem>>, vector<16xf32>,
        %add3A_662 = arith.constant 10 : i32
        %add3A_663 = arith.addi %add3A_557, %add3A_662 : i32
        %get3A_664 = arith.index_cast %add3A_663 : i32 to index
        %get3A_665 = arith.constant 16 : index
        %get3A_666 = tpu.vector_load %arg6[%get3A_664, %get3A_665] {strides = array<i32>} : memref<512x32xf32, #tpu.memory_space<vmem>>, vector<16xf32>,
        %add3A_667 = arith.constant 11 : i32
        %add3A_668 = arith.addi %add3A_557, %add3A_667 : i32
        %get3A_669 = arith.index_cast %add3A_668 : i32 to index
        %get3A_670 = arith.constant 0 : index
        %get3A_671 = tpu.vector_load %arg6[%get3A_669, %get3A_670] {strides = array<i32>} : memref<512x32xf32, #tpu.memory_space<vmem>>, vector<16xf32>,
        %add3A_672 = arith.constant 11 : i32
        %add3A_673 = arith.addi %add3A_557, %add3A_672 : i32
        %get3A_674 = arith.index_cast %add3A_673 : i32 to index
        %get3A_675 = arith.constant 16 : index
        %get3A_676 = tpu.vector_load %arg6[%get3A_674, %get3A_675] {strides = array<i32>} : memref<512x32xf32, #tpu.memory_space<vmem>>, vector<16xf32>,
        %add3A_677 = arith.constant 12 : i32
        %add3A_678 = arith.addi %add3A_557, %add3A_677 : i32
        %get3A_679 = arith.index_cast %add3A_678 : i32 to index
        %get3A_680 = arith.constant 0 : index
        %get3A_681 = tpu.vector_load %arg6[%get3A_679, %get3A_680] {strides = array<i32>} : memref<512x32xf32, #tpu.memory_space<vmem>>, vector<16xf32>,
        %add3A_682 = arith.constant 12 : i32
        %add3A_683 = arith.addi %add3A_557, %add3A_682 : i32
        %get3A_684 = arith.index_cast %add3A_683 : i32 to index
        %get3A_685 = arith.constant 16 : index
        %get3A_686 = tpu.vector_load %arg6[%get3A_684, %get3A_685] {strides = array<i32>} : memref<512x32xf32, #tpu.memory_space<vmem>>, vector<16xf32>,
        %add3A_687 = arith.constant 13 : i32
        %add3A_688 = arith.addi %add3A_557, %add3A_687 : i32
        %get3A_689 = arith.index_cast %add3A_688 : i32 to index
        %get3A_690 = arith.constant 0 : index
        %get3A_691 = tpu.vector_load %arg6[%get3A_689, %get3A_690] {strides = array<i32>} : memref<512x32xf32, #tpu.memory_space<vmem>>, vector<16xf32>,
        %add3A_692 = arith.constant 13 : i32
        %add3A_693 = arith.addi %add3A_557, %add3A_692 : i32
        %get3A_694 = arith.index_cast %add3A_693 : i32 to index
        %get3A_695 = arith.constant 16 : index
        %get3A_696 = tpu.vector_load %arg6[%get3A_694, %get3A_695] {strides = array<i32>} : memref<512x32xf32, #tpu.memory_space<vmem>>, vector<16xf32>,
        %add3A_697 = arith.constant 14 : i32
        %add3A_698 = arith.addi %add3A_557, %add3A_697 : i32
        %get3A_699 = arith.index_cast %add3A_698 : i32 to index
        %get3A_700 = arith.constant 0 : index
        %get3A_701 = tpu.vector_load %arg6[%get3A_699, %get3A_700] {strides = array<i32>} : memref<512x32xf32, #tpu.memory_space<vmem>>, vector<16xf32>,
        %add3A_702 = arith.constant 14 : i32
        %add3A_703 = arith.addi %add3A_557, %add3A_702 : i32
        %get3A_704 = arith.index_cast %add3A_703 : i32 to index
        %get3A_705 = arith.constant 16 : index
        %get3A_706 = tpu.vector_load %arg6[%get3A_704, %get3A_705] {strides = array<i32>} : memref<512x32xf32, #tpu.memory_space<vmem>>, vector<16xf32>,
        %add3A_707 = arith.constant 15 : i32
        %add3A_708 = arith.addi %add3A_557, %add3A_707 : i32
        %get3A_709 = arith.index_cast %add3A_708 : i32 to index
        %get3A_710 = arith.constant 0 : index
        %get3A_711 = tpu.vector_load %arg6[%get3A_709, %get3A_710] {strides = array<i32>} : memref<512x32xf32, #tpu.memory_space<vmem>>, vector<16xf32>,
        %add3A_712 = arith.constant 15 : i32
        %add3A_713 = arith.addi %add3A_557, %add3A_712 : i32
        %get3A_714 = arith.index_cast %add3A_713 : i32 to index
        %get3A_715 = arith.constant 16 : index
        %get3A_716 = tpu.vector_load %arg6[%get3A_714, %get3A_715] {strides = array<i32>} : memref<512x32xf32, #tpu.memory_space<vmem>>, vector<16xf32>,
        %broadcast_in_dim3A = arith.constant 0 : i32
        %broadcast_in_dim3A_717 = vector.broadcast %broadcast_in_dim3A : i32 to vector<16xi32>
        %mul3A_718 = arith.constant 16 : i32
        %mul3A_719 = arith.muli %scan3A_552, %mul3A_718 : i32
        %add3A_720 = arith.constant 0 : i32
        %add3A_721 = arith.addi %mul3A_719, %add3A_720 : i32
        %add3A_722 = vector.broadcast %add3A_721 : i32 to vector<16xi32>
        %add3A_723 = arith.addi %broadcast_in_dim3A_717, %add3A_722 : vector<16xi32>
        tpu.vector_store_idx %arg8[%add3A_275, %add3A_723], %get3A_561 : memref<128x129xf32, #tpu.memory_space<vmem>>[vector<16xi32>, vector<16xi32>], vector<16xf32>,
        tpu.vector_store_idx %arg8[%add3A_278, %add3A_723], %get3A_566 : memref<128x129xf32, #tpu.memory_space<vmem>>[vector<16xi32>, vector<16xi32>], vector<16xf32>,
        %broadcast_in_dim3A_724 = arith.constant 0 : i32
        %broadcast_in_dim3A_725 = vector.broadcast %broadcast_in_dim3A_724 : i32 to vector<16xi32>
        %mul3A_726 = arith.constant 16 : i32
        %mul3A_727 = arith.muli %scan3A_552, %mul3A_726 : i32
        %add3A_728 = arith.constant 1 : i32
        %add3A_729 = arith.addi %mul3A_727, %add3A_728 : i32
        %add3A_730 = vector.broadcast %add3A_729 : i32 to vector<16xi32>
        %add3A_731 = arith.addi %broadcast_in_dim3A_725, %add3A_730 : vector<16xi32>
        tpu.vector_store_idx %arg8[%add3A_275, %add3A_731], %get3A_571 : memref<128x129xf32, #tpu.memory_space<vmem>>[vector<16xi32>, vector<16xi32>], vector<16xf32>,
        tpu.vector_store_idx %arg8[%add3A_278, %add3A_731], %get3A_576 : memref<128x129xf32, #tpu.memory_space<vmem>>[vector<16xi32>, vector<16xi32>], vector<16xf32>,
        %broadcast_in_dim3A_732 = arith.constant 0 : i32
        %broadcast_in_dim3A_733 = vector.broadcast %broadcast_in_dim3A_732 : i32 to vector<16xi32>
        %mul3A_734 = arith.constant 16 : i32
        %mul3A_735 = arith.muli %scan3A_552, %mul3A_734 : i32
        %add3A_736 = arith.constant 2 : i32
        %add3A_737 = arith.addi %mul3A_735, %add3A_736 : i32
        %add3A_738 = vector.broadcast %add3A_737 : i32 to vector<16xi32>
        %add3A_739 = arith.addi %broadcast_in_dim3A_733, %add3A_738 : vector<16xi32>
        tpu.vector_store_idx %arg8[%add3A_275, %add3A_739], %get3A_581 : memref<128x129xf32, #tpu.memory_space<vmem>>[vector<16xi32>, vector<16xi32>], vector<16xf32>,
        tpu.vector_store_idx %arg8[%add3A_278, %add3A_739], %get3A_586 : memref<128x129xf32, #tpu.memory_space<vmem>>[vector<16xi32>, vector<16xi32>], vector<16xf32>,
        %broadcast_in_dim3A_740 = arith.constant 0 : i32
        %broadcast_in_dim3A_741 = vector.broadcast %broadcast_in_dim3A_740 : i32 to vector<16xi32>
        %mul3A_742 = arith.constant 16 : i32
        %mul3A_743 = arith.muli %scan3A_552, %mul3A_742 : i32
        %add3A_744 = arith.constant 3 : i32
        %add3A_745 = arith.addi %mul3A_743, %add3A_744 : i32
        %add3A_746 = vector.broadcast %add3A_745 : i32 to vector<16xi32>
        %add3A_747 = arith.addi %broadcast_in_dim3A_741, %add3A_746 : vector<16xi32>
        tpu.vector_store_idx %arg8[%add3A_275, %add3A_747], %get3A_591 : memref<128x129xf32, #tpu.memory_space<vmem>>[vector<16xi32>, vector<16xi32>], vector<16xf32>,
        tpu.vector_store_idx %arg8[%add3A_278, %add3A_747], %get3A_596 : memref<128x129xf32, #tpu.memory_space<vmem>>[vector<16xi32>, vector<16xi32>], vector<16xf32>,
        %broadcast_in_dim3A_748 = arith.constant 0 : i32
        %broadcast_in_dim3A_749 = vector.broadcast %broadcast_in_dim3A_748 : i32 to vector<16xi32>
        %mul3A_750 = arith.constant 16 : i32
        %mul3A_751 = arith.muli %scan3A_552, %mul3A_750 : i32
        %add3A_752 = arith.constant 4 : i32
        %add3A_753 = arith.addi %mul3A_751, %add3A_752 : i32
        %add3A_754 = vector.broadcast %add3A_753 : i32 to vector<16xi32>
        %add3A_755 = arith.addi %broadcast_in_dim3A_749, %add3A_754 : vector<16xi32>
        tpu.vector_store_idx %arg8[%add3A_275, %add3A_755], %get3A_601 : memref<128x129xf32, #tpu.memory_space<vmem>>[vector<16xi32>, vector<16xi32>], vector<16xf32>,
        tpu.vector_store_idx %arg8[%add3A_278, %add3A_755], %get3A_606 : memref<128x129xf32, #tpu.memory_space<vmem>>[vector<16xi32>, vector<16xi32>], vector<16xf32>,
        %broadcast_in_dim3A_756 = arith.constant 0 : i32
        %broadcast_in_dim3A_757 = vector.broadcast %broadcast_in_dim3A_756 : i32 to vector<16xi32>
        %mul3A_758 = arith.constant 16 : i32
        %mul3A_759 = arith.muli %scan3A_552, %mul3A_758 : i32
        %add3A_760 = arith.constant 5 : i32
        %add3A_761 = arith.addi %mul3A_759, %add3A_760 : i32
        %add3A_762 = vector.broadcast %add3A_761 : i32 to vector<16xi32>
        %add3A_763 = arith.addi %broadcast_in_dim3A_757, %add3A_762 : vector<16xi32>
        tpu.vector_store_idx %arg8[%add3A_275, %add3A_763], %get3A_611 : memref<128x129xf32, #tpu.memory_space<vmem>>[vector<16xi32>, vector<16xi32>], vector<16xf32>,
        tpu.vector_store_idx %arg8[%add3A_278, %add3A_763], %get3A_616 : memref<128x129xf32, #tpu.memory_space<vmem>>[vector<16xi32>, vector<16xi32>], vector<16xf32>,
        %broadcast_in_dim3A_764 = arith.constant 0 : i32
        %broadcast_in_dim3A_765 = vector.broadcast %broadcast_in_dim3A_764 : i32 to vector<16xi32>
        %mul3A_766 = arith.constant 16 : i32
        %mul3A_767 = arith.muli %scan3A_552, %mul3A_766 : i32
        %add3A_768 = arith.constant 6 : i32
        %add3A_769 = arith.addi %mul3A_767, %add3A_768 : i32
        %add3A_770 = vector.broadcast %add3A_769 : i32 to vector<16xi32>
        %add3A_771 = arith.addi %broadcast_in_dim3A_765, %add3A_770 : vector<16xi32>
        tpu.vector_store_idx %arg8[%add3A_275, %add3A_771], %get3A_621 : memref<128x129xf32, #tpu.memory_space<vmem>>[vector<16xi32>, vector<16xi32>], vector<16xf32>,
        tpu.vector_store_idx %arg8[%add3A_278, %add3A_771], %get3A_626 : memref<128x129xf32, #tpu.memory_space<vmem>>[vector<16xi32>, vector<16xi32>], vector<16xf32>,
        %broadcast_in_dim3A_772 = arith.constant 0 : i32
        %broadcast_in_dim3A_773 = vector.broadcast %broadcast_in_dim3A_772 : i32 to vector<16xi32>
        %mul3A_774 = arith.constant 16 : i32
        %mul3A_775 = arith.muli %scan3A_552, %mul3A_774 : i32
        %add3A_776 = arith.constant 7 : i32
        %add3A_777 = arith.addi %mul3A_775, %add3A_776 : i32
        %add3A_778 = vector.broadcast %add3A_777 : i32 to vector<16xi32>
        %add3A_779 = arith.addi %broadcast_in_dim3A_773, %add3A_778 : vector<16xi32>
        tpu.vector_store_idx %arg8[%add3A_275, %add3A_779], %get3A_631 : memref<128x129xf32, #tpu.memory_space<vmem>>[vector<16xi32>, vector<16xi32>], vector<16xf32>,
        tpu.vector_store_idx %arg8[%add3A_278, %add3A_779], %get3A_636 : memref<128x129xf32, #tpu.memory_space<vmem>>[vector<16xi32>, vector<16xi32>], vector<16xf32>,
        %broadcast_in_dim3A_780 = arith.constant 0 : i32
        %broadcast_in_dim3A_781 = vector.broadcast %broadcast_in_dim3A_780 : i32 to vector<16xi32>
        %mul3A_782 = arith.constant 16 : i32
        %mul3A_783 = arith.muli %scan3A_552, %mul3A_782 : i32
        %add3A_784 = arith.constant 8 : i32
        %add3A_785 = arith.addi %mul3A_783, %add3A_784 : i32
        %add3A_786 = vector.broadcast %add3A_785 : i32 to vector<16xi32>
        %add3A_787 = arith.addi %broadcast_in_dim3A_781, %add3A_786 : vector<16xi32>
        tpu.vector_store_idx %arg8[%add3A_275, %add3A_787], %get3A_641 : memref<128x129xf32, #tpu.memory_space<vmem>>[vector<16xi32>, vector<16xi32>], vector<16xf32>,
        tpu.vector_store_idx %arg8[%add3A_278, %add3A_787], %get3A_646 : memref<128x129xf32, #tpu.memory_space<vmem>>[vector<16xi32>, vector<16xi32>], vector<16xf32>,
        %broadcast_in_dim3A_788 = arith.constant 0 : i32
        %broadcast_in_dim3A_789 = vector.broadcast %broadcast_in_dim3A_788 : i32 to vector<16xi32>
        %mul3A_790 = arith.constant 16 : i32
        %mul3A_791 = arith.muli %scan3A_552, %mul3A_790 : i32
        %add3A_792 = arith.constant 9 : i32
        %add3A_793 = arith.addi %mul3A_791, %add3A_792 : i32
        %add3A_794 = vector.broadcast %add3A_793 : i32 to vector<16xi32>
        %add3A_795 = arith.addi %broadcast_in_dim3A_789, %add3A_794 : vector<16xi32>
        tpu.vector_store_idx %arg8[%add3A_275, %add3A_795], %get3A_651 : memref<128x129xf32, #tpu.memory_space<vmem>>[vector<16xi32>, vector<16xi32>], vector<16xf32>,
        tpu.vector_store_idx %arg8[%add3A_278, %add3A_795], %get3A_656 : memref<128x129xf32, #tpu.memory_space<vmem>>[vector<16xi32>, vector<16xi32>], vector<16xf32>,
        %broadcast_in_dim3A_796 = arith.constant 0 : i32
        %broadcast_in_dim3A_797 = vector.broadcast %broadcast_in_dim3A_796 : i32 to vector<16xi32>
        %mul3A_798 = arith.constant 16 : i32
        %mul3A_799 = arith.muli %scan3A_552, %mul3A_798 : i32
        %add3A_800 = arith.constant 10 : i32
        %add3A_801 = arith.addi %mul3A_799, %add3A_800 : i32
        %add3A_802 = vector.broadcast %add3A_801 : i32 to vector<16xi32>
        %add3A_803 = arith.addi %broadcast_in_dim3A_797, %add3A_802 : vector<16xi32>
        tpu.vector_store_idx %arg8[%add3A_275, %add3A_803], %get3A_661 : memref<128x129xf32, #tpu.memory_space<vmem>>[vector<16xi32>, vector<16xi32>], vector<16xf32>,
        tpu.vector_store_idx %arg8[%add3A_278, %add3A_803], %get3A_666 : memref<128x129xf32, #tpu.memory_space<vmem>>[vector<16xi32>, vector<16xi32>], vector<16xf32>,
        %broadcast_in_dim3A_804 = arith.constant 0 : i32
        %broadcast_in_dim3A_805 = vector.broadcast %broadcast_in_dim3A_804 : i32 to vector<16xi32>
        %mul3A_806 = arith.constant 16 : i32
        %mul3A_807 = arith.muli %scan3A_552, %mul3A_806 : i32
        %add3A_808 = arith.constant 11 : i32
        %add3A_809 = arith.addi %mul3A_807, %add3A_808 : i32
        %add3A_810 = vector.broadcast %add3A_809 : i32 to vector<16xi32>
        %add3A_811 = arith.addi %broadcast_in_dim3A_805, %add3A_810 : vector<16xi32>
        tpu.vector_store_idx %arg8[%add3A_275, %add3A_811], %get3A_671 : memref<128x129xf32, #tpu.memory_space<vmem>>[vector<16xi32>, vector<16xi32>], vector<16xf32>,
        tpu.vector_store_idx %arg8[%add3A_278, %add3A_811], %get3A_676 : memref<128x129xf32, #tpu.memory_space<vmem>>[vector<16xi32>, vector<16xi32>], vector<16xf32>,
        %broadcast_in_dim3A_812 = arith.constant 0 : i32
        %broadcast_in_dim3A_813 = vector.broadcast %broadcast_in_dim3A_812 : i32 to vector<16xi32>
        %mul3A_814 = arith.constant 16 : i32
        %mul3A_815 = arith.muli %scan3A_552, %mul3A_814 : i32
        %add3A_816 = arith.constant 12 : i32
        %add3A_817 = arith.addi %mul3A_815, %add3A_816 : i32
        %add3A_818 = vector.broadcast %add3A_817 : i32 to vector<16xi32>
        %add3A_819 = arith.addi %broadcast_in_dim3A_813, %add3A_818 : vector<16xi32>
        tpu.vector_store_idx %arg8[%add3A_275, %add3A_819], %get3A_681 : memref<128x129xf32, #tpu.memory_space<vmem>>[vector<16xi32>, vector<16xi32>], vector<16xf32>,
        tpu.vector_store_idx %arg8[%add3A_278, %add3A_819], %get3A_686 : memref<128x129xf32, #tpu.memory_space<vmem>>[vector<16xi32>, vector<16xi32>], vector<16xf32>,
        %broadcast_in_dim3A_820 = arith.constant 0 : i32
        %broadcast_in_dim3A_821 = vector.broadcast %broadcast_in_dim3A_820 : i32 to vector<16xi32>
        %mul3A_822 = arith.constant 16 : i32
        %mul3A_823 = arith.muli %scan3A_552, %mul3A_822 : i32
        %add3A_824 = arith.constant 13 : i32
        %add3A_825 = arith.addi %mul3A_823, %add3A_824 : i32
        %add3A_826 = vector.broadcast %add3A_825 : i32 to vector<16xi32>
        %add3A_827 = arith.addi %broadcast_in_dim3A_821, %add3A_826 : vector<16xi32>
        tpu.vector_store_idx %arg8[%add3A_275, %add3A_827], %get3A_691 : memref<128x129xf32, #tpu.memory_space<vmem>>[vector<16xi32>, vector<16xi32>], vector<16xf32>,
        tpu.vector_store_idx %arg8[%add3A_278, %add3A_827], %get3A_696 : memref<128x129xf32, #tpu.memory_space<vmem>>[vector<16xi32>, vector<16xi32>], vector<16xf32>,
        %broadcast_in_dim3A_828 = arith.constant 0 : i32
        %broadcast_in_dim3A_829 = vector.broadcast %broadcast_in_dim3A_828 : i32 to vector<16xi32>
        %mul3A_830 = arith.constant 16 : i32
        %mul3A_831 = arith.muli %scan3A_552, %mul3A_830 : i32
        %add3A_832 = arith.constant 14 : i32
        %add3A_833 = arith.addi %mul3A_831, %add3A_832 : i32
        %add3A_834 = vector.broadcast %add3A_833 : i32 to vector<16xi32>
        %add3A_835 = arith.addi %broadcast_in_dim3A_829, %add3A_834 : vector<16xi32>
        tpu.vector_store_idx %arg8[%add3A_275, %add3A_835], %get3A_701 : memref<128x129xf32, #tpu.memory_space<vmem>>[vector<16xi32>, vector<16xi32>], vector<16xf32>,
        tpu.vector_store_idx %arg8[%add3A_278, %add3A_835], %get3A_706 : memref<128x129xf32, #tpu.memory_space<vmem>>[vector<16xi32>, vector<16xi32>], vector<16xf32>,
        %broadcast_in_dim3A_836 = arith.constant 0 : i32
        %broadcast_in_dim3A_837 = vector.broadcast %broadcast_in_dim3A_836 : i32 to vector<16xi32>
        %mul3A_838 = arith.constant 16 : i32
        %mul3A_839 = arith.muli %scan3A_552, %mul3A_838 : i32
        %add3A_840 = arith.constant 15 : i32
        %add3A_841 = arith.addi %mul3A_839, %add3A_840 : i32
        %add3A_842 = vector.broadcast %add3A_841 : i32 to vector<16xi32>
        %add3A_843 = arith.addi %broadcast_in_dim3A_837, %add3A_842 : vector<16xi32>
        tpu.vector_store_idx %arg8[%add3A_275, %add3A_843], %get3A_711 : memref<128x129xf32, #tpu.memory_space<vmem>>[vector<16xi32>, vector<16xi32>], vector<16xf32>,
        tpu.vector_store_idx %arg8[%add3A_278, %add3A_843], %get3A_716 : memref<128x129xf32, #tpu.memory_space<vmem>>[vector<16xi32>, vector<16xi32>], vector<16xf32>,
        %scan3A_844 = arith.constant 0 : i32
        scf.yield %scan3A_844 : i32
      }
      %scan3A_285 = arith.constant 8 : i32
      %add3A_286 = arith.constant 8 : i32
      %add3A_287 = vector.broadcast %add3A_286 : i32 to vector<16xi32>
      %add3A_288 = arith.addi %add3A_47, %add3A_287 : vector<16xi32>
      %add3A_289 = arith.constant 72 : i32
      %add3A_290 = vector.broadcast %add3A_289 : i32 to vector<16xi32>
      %add3A_291 = arith.addi %add3A_47, %add3A_290 : vector<16xi32>
      %scan3A_292 = arith.constant 0 : i32
      %scan3A_293 = arith.constant 0 : i32
      %scan3A_294 = arith.constant 8 : i32
      %scan3A_295 = arith.addi %scan3A_293, %scan3A_294 : i32
      %scan3A_296 = arith.constant 1 : i32
      %scan3A_297 = scf.for %scan3A_552 = %scan3A_293 to %scan3A_295 step %scan3A_296 iter_args(%scan3A_553 = %scan3A_292) -> (i32)  : i32 {
        %mul3A_554 = arith.constant 16 : i32
        %mul3A_555 = arith.muli %scan3A_552, %mul3A_554 : i32
        %add3A_556 = arith.constant 128 : i32
        %add3A_557 = arith.addi %add3A_556, %mul3A_555 : i32
        %add3A_558 = arith.constant 0 : i32
        %add3A_559 = arith.addi %add3A_557, %add3A_558 : i32
        %get3A = arith.index_cast %add3A_559 : i32 to index
        %get3A_560 = arith.constant 0 : index
        %get3A_561 = tpu.vector_load %arg6[%get3A, %get3A_560] {strides = array<i32>} : memref<512x32xf32, #tpu.memory_space<vmem>>, vector<16xf32>,
        %add3A_562 = arith.constant 0 : i32
        %add3A_563 = arith.addi %add3A_557, %add3A_562 : i32
        %get3A_564 = arith.index_cast %add3A_563 : i32 to index
        %get3A_565 = arith.constant 16 : index
        %get3A_566 = tpu.vector_load %arg6[%get3A_564, %get3A_565] {strides = array<i32>} : memref<512x32xf32, #tpu.memory_space<vmem>>, vector<16xf32>,
        %add3A_567 = arith.constant 1 : i32
        %add3A_568 = arith.addi %add3A_557, %add3A_567 : i32
        %get3A_569 = arith.index_cast %add3A_568 : i32 to index
        %get3A_570 = arith.constant 0 : index
        %get3A_571 = tpu.vector_load %arg6[%get3A_569, %get3A_570] {strides = array<i32>} : memref<512x32xf32, #tpu.memory_space<vmem>>, vector<16xf32>,
        %add3A_572 = arith.constant 1 : i32
        %add3A_573 = arith.addi %add3A_557, %add3A_572 : i32
        %get3A_574 = arith.index_cast %add3A_573 : i32 to index
        %get3A_575 = arith.constant 16 : index
        %get3A_576 = tpu.vector_load %arg6[%get3A_574, %get3A_575] {strides = array<i32>} : memref<512x32xf32, #tpu.memory_space<vmem>>, vector<16xf32>,
        %add3A_577 = arith.constant 2 : i32
        %add3A_578 = arith.addi %add3A_557, %add3A_577 : i32
        %get3A_579 = arith.index_cast %add3A_578 : i32 to index
        %get3A_580 = arith.constant 0 : index
        %get3A_581 = tpu.vector_load %arg6[%get3A_579, %get3A_580] {strides = array<i32>} : memref<512x32xf32, #tpu.memory_space<vmem>>, vector<16xf32>,
        %add3A_582 = arith.constant 2 : i32
        %add3A_583 = arith.addi %add3A_557, %add3A_582 : i32
        %get3A_584 = arith.index_cast %add3A_583 : i32 to index
        %get3A_585 = arith.constant 16 : index
        %get3A_586 = tpu.vector_load %arg6[%get3A_584, %get3A_585] {strides = array<i32>} : memref<512x32xf32, #tpu.memory_space<vmem>>, vector<16xf32>,
        %add3A_587 = arith.constant 3 : i32
        %add3A_588 = arith.addi %add3A_557, %add3A_587 : i32
        %get3A_589 = arith.index_cast %add3A_588 : i32 to index
        %get3A_590 = arith.constant 0 : index
        %get3A_591 = tpu.vector_load %arg6[%get3A_589, %get3A_590] {strides = array<i32>} : memref<512x32xf32, #tpu.memory_space<vmem>>, vector<16xf32>,
        %add3A_592 = arith.constant 3 : i32
        %add3A_593 = arith.addi %add3A_557, %add3A_592 : i32
        %get3A_594 = arith.index_cast %add3A_593 : i32 to index
        %get3A_595 = arith.constant 16 : index
        %get3A_596 = tpu.vector_load %arg6[%get3A_594, %get3A_595] {strides = array<i32>} : memref<512x32xf32, #tpu.memory_space<vmem>>, vector<16xf32>,
        %add3A_597 = arith.constant 4 : i32
        %add3A_598 = arith.addi %add3A_557, %add3A_597 : i32
        %get3A_599 = arith.index_cast %add3A_598 : i32 to index
        %get3A_600 = arith.constant 0 : index
        %get3A_601 = tpu.vector_load %arg6[%get3A_599, %get3A_600] {strides = array<i32>} : memref<512x32xf32, #tpu.memory_space<vmem>>, vector<16xf32>,
        %add3A_602 = arith.constant 4 : i32
        %add3A_603 = arith.addi %add3A_557, %add3A_602 : i32
        %get3A_604 = arith.index_cast %add3A_603 : i32 to index
        %get3A_605 = arith.constant 16 : index
        %get3A_606 = tpu.vector_load %arg6[%get3A_604, %get3A_605] {strides = array<i32>} : memref<512x32xf32, #tpu.memory_space<vmem>>, vector<16xf32>,
        %add3A_607 = arith.constant 5 : i32
        %add3A_608 = arith.addi %add3A_557, %add3A_607 : i32
        %get3A_609 = arith.index_cast %add3A_608 : i32 to index
        %get3A_610 = arith.constant 0 : index
        %get3A_611 = tpu.vector_load %arg6[%get3A_609, %get3A_610] {strides = array<i32>} : memref<512x32xf32, #tpu.memory_space<vmem>>, vector<16xf32>,
        %add3A_612 = arith.constant 5 : i32
        %add3A_613 = arith.addi %add3A_557, %add3A_612 : i32
        %get3A_614 = arith.index_cast %add3A_613 : i32 to index
        %get3A_615 = arith.constant 16 : index
        %get3A_616 = tpu.vector_load %arg6[%get3A_614, %get3A_615] {strides = array<i32>} : memref<512x32xf32, #tpu.memory_space<vmem>>, vector<16xf32>,
        %add3A_617 = arith.constant 6 : i32
        %add3A_618 = arith.addi %add3A_557, %add3A_617 : i32
        %get3A_619 = arith.index_cast %add3A_618 : i32 to index
        %get3A_620 = arith.constant 0 : index
        %get3A_621 = tpu.vector_load %arg6[%get3A_619, %get3A_620] {strides = array<i32>} : memref<512x32xf32, #tpu.memory_space<vmem>>, vector<16xf32>,
        %add3A_622 = arith.constant 6 : i32
        %add3A_623 = arith.addi %add3A_557, %add3A_622 : i32
        %get3A_624 = arith.index_cast %add3A_623 : i32 to index
        %get3A_625 = arith.constant 16 : index
        %get3A_626 = tpu.vector_load %arg6[%get3A_624, %get3A_625] {strides = array<i32>} : memref<512x32xf32, #tpu.memory_space<vmem>>, vector<16xf32>,
        %add3A_627 = arith.constant 7 : i32
        %add3A_628 = arith.addi %add3A_557, %add3A_627 : i32
        %get3A_629 = arith.index_cast %add3A_628 : i32 to index
        %get3A_630 = arith.constant 0 : index
        %get3A_631 = tpu.vector_load %arg6[%get3A_629, %get3A_630] {strides = array<i32>} : memref<512x32xf32, #tpu.memory_space<vmem>>, vector<16xf32>,
        %add3A_632 = arith.constant 7 : i32
        %add3A_633 = arith.addi %add3A_557, %add3A_632 : i32
        %get3A_634 = arith.index_cast %add3A_633 : i32 to index
        %get3A_635 = arith.constant 16 : index
        %get3A_636 = tpu.vector_load %arg6[%get3A_634, %get3A_635] {strides = array<i32>} : memref<512x32xf32, #tpu.memory_space<vmem>>, vector<16xf32>,
        %add3A_637 = arith.constant 8 : i32
        %add3A_638 = arith.addi %add3A_557, %add3A_637 : i32
        %get3A_639 = arith.index_cast %add3A_638 : i32 to index
        %get3A_640 = arith.constant 0 : index
        %get3A_641 = tpu.vector_load %arg6[%get3A_639, %get3A_640] {strides = array<i32>} : memref<512x32xf32, #tpu.memory_space<vmem>>, vector<16xf32>,
        %add3A_642 = arith.constant 8 : i32
        %add3A_643 = arith.addi %add3A_557, %add3A_642 : i32
        %get3A_644 = arith.index_cast %add3A_643 : i32 to index
        %get3A_645 = arith.constant 16 : index
        %get3A_646 = tpu.vector_load %arg6[%get3A_644, %get3A_645] {strides = array<i32>} : memref<512x32xf32, #tpu.memory_space<vmem>>, vector<16xf32>,
        %add3A_647 = arith.constant 9 : i32
        %add3A_648 = arith.addi %add3A_557, %add3A_647 : i32
        %get3A_649 = arith.index_cast %add3A_648 : i32 to index
        %get3A_650 = arith.constant 0 : index
        %get3A_651 = tpu.vector_load %arg6[%get3A_649, %get3A_650] {strides = array<i32>} : memref<512x32xf32, #tpu.memory_space<vmem>>, vector<16xf32>,
        %add3A_652 = arith.constant 9 : i32
        %add3A_653 = arith.addi %add3A_557, %add3A_652 : i32
        %get3A_654 = arith.index_cast %add3A_653 : i32 to index
        %get3A_655 = arith.constant 16 : index
        %get3A_656 = tpu.vector_load %arg6[%get3A_654, %get3A_655] {strides = array<i32>} : memref<512x32xf32, #tpu.memory_space<vmem>>, vector<16xf32>,
        %add3A_657 = arith.constant 10 : i32
        %add3A_658 = arith.addi %add3A_557, %add3A_657 : i32
        %get3A_659 = arith.index_cast %add3A_658 : i32 to index
        %get3A_660 = arith.constant 0 : index
        %get3A_661 = tpu.vector_load %arg6[%get3A_659, %get3A_660] {strides = array<i32>} : memref<512x32xf32, #tpu.memory_space<vmem>>, vector<16xf32>,
        %add3A_662 = arith.constant 10 : i32
        %add3A_663 = arith.addi %add3A_557, %add3A_662 : i32
        %get3A_664 = arith.index_cast %add3A_663 : i32 to index
        %get3A_665 = arith.constant 16 : index
        %get3A_666 = tpu.vector_load %arg6[%get3A_664, %get3A_665] {strides = array<i32>} : memref<512x32xf32, #tpu.memory_space<vmem>>, vector<16xf32>,
        %add3A_667 = arith.constant 11 : i32
        %add3A_668 = arith.addi %add3A_557, %add3A_667 : i32
        %get3A_669 = arith.index_cast %add3A_668 : i32 to index
        %get3A_670 = arith.constant 0 : index
        %get3A_671 = tpu.vector_load %arg6[%get3A_669, %get3A_670] {strides = array<i32>} : memref<512x32xf32, #tpu.memory_space<vmem>>, vector<16xf32>,
        %add3A_672 = arith.constant 11 : i32
        %add3A_673 = arith.addi %add3A_557, %add3A_672 : i32
        %get3A_674 = arith.index_cast %add3A_673 : i32 to index
        %get3A_675 = arith.constant 16 : index
        %get3A_676 = tpu.vector_load %arg6[%get3A_674, %get3A_675] {strides = array<i32>} : memref<512x32xf32, #tpu.memory_space<vmem>>, vector<16xf32>,
        %add3A_677 = arith.constant 12 : i32
        %add3A_678 = arith.addi %add3A_557, %add3A_677 : i32
        %get3A_679 = arith.index_cast %add3A_678 : i32 to index
        %get3A_680 = arith.constant 0 : index
        %get3A_681 = tpu.vector_load %arg6[%get3A_679, %get3A_680] {strides = array<i32>} : memref<512x32xf32, #tpu.memory_space<vmem>>, vector<16xf32>,
        %add3A_682 = arith.constant 12 : i32
        %add3A_683 = arith.addi %add3A_557, %add3A_682 : i32
        %get3A_684 = arith.index_cast %add3A_683 : i32 to index
        %get3A_685 = arith.constant 16 : index
        %get3A_686 = tpu.vector_load %arg6[%get3A_684, %get3A_685] {strides = array<i32>} : memref<512x32xf32, #tpu.memory_space<vmem>>, vector<16xf32>,
        %add3A_687 = arith.constant 13 : i32
        %add3A_688 = arith.addi %add3A_557, %add3A_687 : i32
        %get3A_689 = arith.index_cast %add3A_688 : i32 to index
        %get3A_690 = arith.constant 0 : index
        %get3A_691 = tpu.vector_load %arg6[%get3A_689, %get3A_690] {strides = array<i32>} : memref<512x32xf32, #tpu.memory_space<vmem>>, vector<16xf32>,
        %add3A_692 = arith.constant 13 : i32
        %add3A_693 = arith.addi %add3A_557, %add3A_692 : i32
        %get3A_694 = arith.index_cast %add3A_693 : i32 to index
        %get3A_695 = arith.constant 16 : index
        %get3A_696 = tpu.vector_load %arg6[%get3A_694, %get3A_695] {strides = array<i32>} : memref<512x32xf32, #tpu.memory_space<vmem>>, vector<16xf32>,
        %add3A_697 = arith.constant 14 : i32
        %add3A_698 = arith.addi %add3A_557, %add3A_697 : i32
        %get3A_699 = arith.index_cast %add3A_698 : i32 to index
        %get3A_700 = arith.constant 0 : index
        %get3A_701 = tpu.vector_load %arg6[%get3A_699, %get3A_700] {strides = array<i32>} : memref<512x32xf32, #tpu.memory_space<vmem>>, vector<16xf32>,
        %add3A_702 = arith.constant 14 : i32
        %add3A_703 = arith.addi %add3A_557, %add3A_702 : i32
        %get3A_704 = arith.index_cast %add3A_703 : i32 to index
        %get3A_705 = arith.constant 16 : index
        %get3A_706 = tpu.vector_load %arg6[%get3A_704, %get3A_705] {strides = array<i32>} : memref<512x32xf32, #tpu.memory_space<vmem>>, vector<16xf32>,
        %add3A_707 = arith.constant 15 : i32
        %add3A_708 = arith.addi %add3A_557, %add3A_707 : i32
        %get3A_709 = arith.index_cast %add3A_708 : i32 to index
        %get3A_710 = arith.constant 0 : index
        %get3A_711 = tpu.vector_load %arg6[%get3A_709, %get3A_710] {strides = array<i32>} : memref<512x32xf32, #tpu.memory_space<vmem>>, vector<16xf32>,
        %add3A_712 = arith.constant 15 : i32
        %add3A_713 = arith.addi %add3A_557, %add3A_712 : i32
        %get3A_714 = arith.index_cast %add3A_713 : i32 to index
        %get3A_715 = arith.constant 16 : index
        %get3A_716 = tpu.vector_load %arg6[%get3A_714, %get3A_715] {strides = array<i32>} : memref<512x32xf32, #tpu.memory_space<vmem>>, vector<16xf32>,
        %broadcast_in_dim3A = arith.constant 0 : i32
        %broadcast_in_dim3A_717 = vector.broadcast %broadcast_in_dim3A : i32 to vector<16xi32>
        %mul3A_718 = arith.constant 16 : i32
        %mul3A_719 = arith.muli %scan3A_552, %mul3A_718 : i32
        %add3A_720 = arith.constant 0 : i32
        %add3A_721 = arith.addi %mul3A_719, %add3A_720 : i32
        %add3A_722 = vector.broadcast %add3A_721 : i32 to vector<16xi32>
        %add3A_723 = arith.addi %broadcast_in_dim3A_717, %add3A_722 : vector<16xi32>
        tpu.vector_store_idx %arg8[%add3A_288, %add3A_723], %get3A_561 : memref<128x129xf32, #tpu.memory_space<vmem>>[vector<16xi32>, vector<16xi32>], vector<16xf32>,
        tpu.vector_store_idx %arg8[%add3A_291, %add3A_723], %get3A_566 : memref<128x129xf32, #tpu.memory_space<vmem>>[vector<16xi32>, vector<16xi32>], vector<16xf32>,
        %broadcast_in_dim3A_724 = arith.constant 0 : i32
        %broadcast_in_dim3A_725 = vector.broadcast %broadcast_in_dim3A_724 : i32 to vector<16xi32>
        %mul3A_726 = arith.constant 16 : i32
        %mul3A_727 = arith.muli %scan3A_552, %mul3A_726 : i32
        %add3A_728 = arith.constant 1 : i32
        %add3A_729 = arith.addi %mul3A_727, %add3A_728 : i32
        %add3A_730 = vector.broadcast %add3A_729 : i32 to vector<16xi32>
        %add3A_731 = arith.addi %broadcast_in_dim3A_725, %add3A_730 : vector<16xi32>
        tpu.vector_store_idx %arg8[%add3A_288, %add3A_731], %get3A_571 : memref<128x129xf32, #tpu.memory_space<vmem>>[vector<16xi32>, vector<16xi32>], vector<16xf32>,
        tpu.vector_store_idx %arg8[%add3A_291, %add3A_731], %get3A_576 : memref<128x129xf32, #tpu.memory_space<vmem>>[vector<16xi32>, vector<16xi32>], vector<16xf32>,
        %broadcast_in_dim3A_732 = arith.constant 0 : i32
        %broadcast_in_dim3A_733 = vector.broadcast %broadcast_in_dim3A_732 : i32 to vector<16xi32>
        %mul3A_734 = arith.constant 16 : i32
        %mul3A_735 = arith.muli %scan3A_552, %mul3A_734 : i32
        %add3A_736 = arith.constant 2 : i32
        %add3A_737 = arith.addi %mul3A_735, %add3A_736 : i32
        %add3A_738 = vector.broadcast %add3A_737 : i32 to vector<16xi32>
        %add3A_739 = arith.addi %broadcast_in_dim3A_733, %add3A_738 : vector<16xi32>
        tpu.vector_store_idx %arg8[%add3A_288, %add3A_739], %get3A_581 : memref<128x129xf32, #tpu.memory_space<vmem>>[vector<16xi32>, vector<16xi32>], vector<16xf32>,
        tpu.vector_store_idx %arg8[%add3A_291, %add3A_739], %get3A_586 : memref<128x129xf32, #tpu.memory_space<vmem>>[vector<16xi32>, vector<16xi32>], vector<16xf32>,
        %broadcast_in_dim3A_740 = arith.constant 0 : i32
        %broadcast_in_dim3A_741 = vector.broadcast %broadcast_in_dim3A_740 : i32 to vector<16xi32>
        %mul3A_742 = arith.constant 16 : i32
        %mul3A_743 = arith.muli %scan3A_552, %mul3A_742 : i32
        %add3A_744 = arith.constant 3 : i32
        %add3A_745 = arith.addi %mul3A_743, %add3A_744 : i32
        %add3A_746 = vector.broadcast %add3A_745 : i32 to vector<16xi32>
        %add3A_747 = arith.addi %broadcast_in_dim3A_741, %add3A_746 : vector<16xi32>
        tpu.vector_store_idx %arg8[%add3A_288, %add3A_747], %get3A_591 : memref<128x129xf32, #tpu.memory_space<vmem>>[vector<16xi32>, vector<16xi32>], vector<16xf32>,
        tpu.vector_store_idx %arg8[%add3A_291, %add3A_747], %get3A_596 : memref<128x129xf32, #tpu.memory_space<vmem>>[vector<16xi32>, vector<16xi32>], vector<16xf32>,
        %broadcast_in_dim3A_748 = arith.constant 0 : i32
        %broadcast_in_dim3A_749 = vector.broadcast %broadcast_in_dim3A_748 : i32 to vector<16xi32>
        %mul3A_750 = arith.constant 16 : i32
        %mul3A_751 = arith.muli %scan3A_552, %mul3A_750 : i32
        %add3A_752 = arith.constant 4 : i32
        %add3A_753 = arith.addi %mul3A_751, %add3A_752 : i32
        %add3A_754 = vector.broadcast %add3A_753 : i32 to vector<16xi32>
        %add3A_755 = arith.addi %broadcast_in_dim3A_749, %add3A_754 : vector<16xi32>
        tpu.vector_store_idx %arg8[%add3A_288, %add3A_755], %get3A_601 : memref<128x129xf32, #tpu.memory_space<vmem>>[vector<16xi32>, vector<16xi32>], vector<16xf32>,
        tpu.vector_store_idx %arg8[%add3A_291, %add3A_755], %get3A_606 : memref<128x129xf32, #tpu.memory_space<vmem>>[vector<16xi32>, vector<16xi32>], vector<16xf32>,
        %broadcast_in_dim3A_756 = arith.constant 0 : i32
        %broadcast_in_dim3A_757 = vector.broadcast %broadcast_in_dim3A_756 : i32 to vector<16xi32>
        %mul3A_758 = arith.constant 16 : i32
        %mul3A_759 = arith.muli %scan3A_552, %mul3A_758 : i32
        %add3A_760 = arith.constant 5 : i32
        %add3A_761 = arith.addi %mul3A_759, %add3A_760 : i32
        %add3A_762 = vector.broadcast %add3A_761 : i32 to vector<16xi32>
        %add3A_763 = arith.addi %broadcast_in_dim3A_757, %add3A_762 : vector<16xi32>
        tpu.vector_store_idx %arg8[%add3A_288, %add3A_763], %get3A_611 : memref<128x129xf32, #tpu.memory_space<vmem>>[vector<16xi32>, vector<16xi32>], vector<16xf32>,
        tpu.vector_store_idx %arg8[%add3A_291, %add3A_763], %get3A_616 : memref<128x129xf32, #tpu.memory_space<vmem>>[vector<16xi32>, vector<16xi32>], vector<16xf32>,
        %broadcast_in_dim3A_764 = arith.constant 0 : i32
        %broadcast_in_dim3A_765 = vector.broadcast %broadcast_in_dim3A_764 : i32 to vector<16xi32>
        %mul3A_766 = arith.constant 16 : i32
        %mul3A_767 = arith.muli %scan3A_552, %mul3A_766 : i32
        %add3A_768 = arith.constant 6 : i32
        %add3A_769 = arith.addi %mul3A_767, %add3A_768 : i32
        %add3A_770 = vector.broadcast %add3A_769 : i32 to vector<16xi32>
        %add3A_771 = arith.addi %broadcast_in_dim3A_765, %add3A_770 : vector<16xi32>
        tpu.vector_store_idx %arg8[%add3A_288, %add3A_771], %get3A_621 : memref<128x129xf32, #tpu.memory_space<vmem>>[vector<16xi32>, vector<16xi32>], vector<16xf32>,
        tpu.vector_store_idx %arg8[%add3A_291, %add3A_771], %get3A_626 : memref<128x129xf32, #tpu.memory_space<vmem>>[vector<16xi32>, vector<16xi32>], vector<16xf32>,
        %broadcast_in_dim3A_772 = arith.constant 0 : i32
        %broadcast_in_dim3A_773 = vector.broadcast %broadcast_in_dim3A_772 : i32 to vector<16xi32>
        %mul3A_774 = arith.constant 16 : i32
        %mul3A_775 = arith.muli %scan3A_552, %mul3A_774 : i32
        %add3A_776 = arith.constant 7 : i32
        %add3A_777 = arith.addi %mul3A_775, %add3A_776 : i32
        %add3A_778 = vector.broadcast %add3A_777 : i32 to vector<16xi32>
        %add3A_779 = arith.addi %broadcast_in_dim3A_773, %add3A_778 : vector<16xi32>
        tpu.vector_store_idx %arg8[%add3A_288, %add3A_779], %get3A_631 : memref<128x129xf32, #tpu.memory_space<vmem>>[vector<16xi32>, vector<16xi32>], vector<16xf32>,
        tpu.vector_store_idx %arg8[%add3A_291, %add3A_779], %get3A_636 : memref<128x129xf32, #tpu.memory_space<vmem>>[vector<16xi32>, vector<16xi32>], vector<16xf32>,
        %broadcast_in_dim3A_780 = arith.constant 0 : i32
        %broadcast_in_dim3A_781 = vector.broadcast %broadcast_in_dim3A_780 : i32 to vector<16xi32>
        %mul3A_782 = arith.constant 16 : i32
        %mul3A_783 = arith.muli %scan3A_552, %mul3A_782 : i32
        %add3A_784 = arith.constant 8 : i32
        %add3A_785 = arith.addi %mul3A_783, %add3A_784 : i32
        %add3A_786 = vector.broadcast %add3A_785 : i32 to vector<16xi32>
        %add3A_787 = arith.addi %broadcast_in_dim3A_781, %add3A_786 : vector<16xi32>
        tpu.vector_store_idx %arg8[%add3A_288, %add3A_787], %get3A_641 : memref<128x129xf32, #tpu.memory_space<vmem>>[vector<16xi32>, vector<16xi32>], vector<16xf32>,
        tpu.vector_store_idx %arg8[%add3A_291, %add3A_787], %get3A_646 : memref<128x129xf32, #tpu.memory_space<vmem>>[vector<16xi32>, vector<16xi32>], vector<16xf32>,
        %broadcast_in_dim3A_788 = arith.constant 0 : i32
        %broadcast_in_dim3A_789 = vector.broadcast %broadcast_in_dim3A_788 : i32 to vector<16xi32>
        %mul3A_790 = arith.constant 16 : i32
        %mul3A_791 = arith.muli %scan3A_552, %mul3A_790 : i32
        %add3A_792 = arith.constant 9 : i32
        %add3A_793 = arith.addi %mul3A_791, %add3A_792 : i32
        %add3A_794 = vector.broadcast %add3A_793 : i32 to vector<16xi32>
        %add3A_795 = arith.addi %broadcast_in_dim3A_789, %add3A_794 : vector<16xi32>
        tpu.vector_store_idx %arg8[%add3A_288, %add3A_795], %get3A_651 : memref<128x129xf32, #tpu.memory_space<vmem>>[vector<16xi32>, vector<16xi32>], vector<16xf32>,
        tpu.vector_store_idx %arg8[%add3A_291, %add3A_795], %get3A_656 : memref<128x129xf32, #tpu.memory_space<vmem>>[vector<16xi32>, vector<16xi32>], vector<16xf32>,
        %broadcast_in_dim3A_796 = arith.constant 0 : i32
        %broadcast_in_dim3A_797 = vector.broadcast %broadcast_in_dim3A_796 : i32 to vector<16xi32>
        %mul3A_798 = arith.constant 16 : i32
        %mul3A_799 = arith.muli %scan3A_552, %mul3A_798 : i32
        %add3A_800 = arith.constant 10 : i32
        %add3A_801 = arith.addi %mul3A_799, %add3A_800 : i32
        %add3A_802 = vector.broadcast %add3A_801 : i32 to vector<16xi32>
        %add3A_803 = arith.addi %broadcast_in_dim3A_797, %add3A_802 : vector<16xi32>
        tpu.vector_store_idx %arg8[%add3A_288, %add3A_803], %get3A_661 : memref<128x129xf32, #tpu.memory_space<vmem>>[vector<16xi32>, vector<16xi32>], vector<16xf32>,
        tpu.vector_store_idx %arg8[%add3A_291, %add3A_803], %get3A_666 : memref<128x129xf32, #tpu.memory_space<vmem>>[vector<16xi32>, vector<16xi32>], vector<16xf32>,
        %broadcast_in_dim3A_804 = arith.constant 0 : i32
        %broadcast_in_dim3A_805 = vector.broadcast %broadcast_in_dim3A_804 : i32 to vector<16xi32>
        %mul3A_806 = arith.constant 16 : i32
        %mul3A_807 = arith.muli %scan3A_552, %mul3A_806 : i32
        %add3A_808 = arith.constant 11 : i32
        %add3A_809 = arith.addi %mul3A_807, %add3A_808 : i32
        %add3A_810 = vector.broadcast %add3A_809 : i32 to vector<16xi32>
        %add3A_811 = arith.addi %broadcast_in_dim3A_805, %add3A_810 : vector<16xi32>
        tpu.vector_store_idx %arg8[%add3A_288, %add3A_811], %get3A_671 : memref<128x129xf32, #tpu.memory_space<vmem>>[vector<16xi32>, vector<16xi32>], vector<16xf32>,
        tpu.vector_store_idx %arg8[%add3A_291, %add3A_811], %get3A_676 : memref<128x129xf32, #tpu.memory_space<vmem>>[vector<16xi32>, vector<16xi32>], vector<16xf32>,
        %broadcast_in_dim3A_812 = arith.constant 0 : i32
        %broadcast_in_dim3A_813 = vector.broadcast %broadcast_in_dim3A_812 : i32 to vector<16xi32>
        %mul3A_814 = arith.constant 16 : i32
        %mul3A_815 = arith.muli %scan3A_552, %mul3A_814 : i32
        %add3A_816 = arith.constant 12 : i32
        %add3A_817 = arith.addi %mul3A_815, %add3A_816 : i32
        %add3A_818 = vector.broadcast %add3A_817 : i32 to vector<16xi32>
        %add3A_819 = arith.addi %broadcast_in_dim3A_813, %add3A_818 : vector<16xi32>
        tpu.vector_store_idx %arg8[%add3A_288, %add3A_819], %get3A_681 : memref<128x129xf32, #tpu.memory_space<vmem>>[vector<16xi32>, vector<16xi32>], vector<16xf32>,
        tpu.vector_store_idx %arg8[%add3A_291, %add3A_819], %get3A_686 : memref<128x129xf32, #tpu.memory_space<vmem>>[vector<16xi32>, vector<16xi32>], vector<16xf32>,
        %broadcast_in_dim3A_820 = arith.constant 0 : i32
        %broadcast_in_dim3A_821 = vector.broadcast %broadcast_in_dim3A_820 : i32 to vector<16xi32>
        %mul3A_822 = arith.constant 16 : i32
        %mul3A_823 = arith.muli %scan3A_552, %mul3A_822 : i32
        %add3A_824 = arith.constant 13 : i32
        %add3A_825 = arith.addi %mul3A_823, %add3A_824 : i32
        %add3A_826 = vector.broadcast %add3A_825 : i32 to vector<16xi32>
        %add3A_827 = arith.addi %broadcast_in_dim3A_821, %add3A_826 : vector<16xi32>
        tpu.vector_store_idx %arg8[%add3A_288, %add3A_827], %get3A_691 : memref<128x129xf32, #tpu.memory_space<vmem>>[vector<16xi32>, vector<16xi32>], vector<16xf32>,
        tpu.vector_store_idx %arg8[%add3A_291, %add3A_827], %get3A_696 : memref<128x129xf32, #tpu.memory_space<vmem>>[vector<16xi32>, vector<16xi32>], vector<16xf32>,
        %broadcast_in_dim3A_828 = arith.constant 0 : i32
        %broadcast_in_dim3A_829 = vector.broadcast %broadcast_in_dim3A_828 : i32 to vector<16xi32>
        %mul3A_830 = arith.constant 16 : i32
        %mul3A_831 = arith.muli %scan3A_552, %mul3A_830 : i32
        %add3A_832 = arith.constant 14 : i32
        %add3A_833 = arith.addi %mul3A_831, %add3A_832 : i32
        %add3A_834 = vector.broadcast %add3A_833 : i32 to vector<16xi32>
        %add3A_835 = arith.addi %broadcast_in_dim3A_829, %add3A_834 : vector<16xi32>
        tpu.vector_store_idx %arg8[%add3A_288, %add3A_835], %get3A_701 : memref<128x129xf32, #tpu.memory_space<vmem>>[vector<16xi32>, vector<16xi32>], vector<16xf32>,
        tpu.vector_store_idx %arg8[%add3A_291, %add3A_835], %get3A_706 : memref<128x129xf32, #tpu.memory_space<vmem>>[vector<16xi32>, vector<16xi32>], vector<16xf32>,
        %broadcast_in_dim3A_836 = arith.constant 0 : i32
        %broadcast_in_dim3A_837 = vector.broadcast %broadcast_in_dim3A_836 : i32 to vector<16xi32>
        %mul3A_838 = arith.constant 16 : i32
        %mul3A_839 = arith.muli %scan3A_552, %mul3A_838 : i32
        %add3A_840 = arith.constant 15 : i32
        %add3A_841 = arith.addi %mul3A_839, %add3A_840 : i32
        %add3A_842 = vector.broadcast %add3A_841 : i32 to vector<16xi32>
        %add3A_843 = arith.addi %broadcast_in_dim3A_837, %add3A_842 : vector<16xi32>
        tpu.vector_store_idx %arg8[%add3A_288, %add3A_843], %get3A_711 : memref<128x129xf32, #tpu.memory_space<vmem>>[vector<16xi32>, vector<16xi32>], vector<16xf32>,
        tpu.vector_store_idx %arg8[%add3A_291, %add3A_843], %get3A_716 : memref<128x129xf32, #tpu.memory_space<vmem>>[vector<16xi32>, vector<16xi32>], vector<16xf32>,
        %scan3A_844 = arith.constant 0 : i32
        scf.yield %scan3A_844 : i32
      }
      %scan3A_298 = arith.constant 8 : i32
      %add3A_299 = arith.constant 16 : i32
      %add3A_300 = vector.broadcast %add3A_299 : i32 to vector<16xi32>
      %add3A_301 = arith.addi %add3A_47, %add3A_300 : vector<16xi32>
      %add3A_302 = arith.constant 80 : i32
      %add3A_303 = vector.broadcast %add3A_302 : i32 to vector<16xi32>
      %add3A_304 = arith.addi %add3A_47, %add3A_303 : vector<16xi32>
      %scan3A_305 = arith.constant 0 : i32
      %scan3A_306 = arith.constant 0 : i32
      %scan3A_307 = arith.constant 8 : i32
      %scan3A_308 = arith.addi %scan3A_306, %scan3A_307 : i32
      %scan3A_309 = arith.constant 1 : i32
      %scan3A_310 = scf.for %scan3A_552 = %scan3A_306 to %scan3A_308 step %scan3A_309 iter_args(%scan3A_553 = %scan3A_305) -> (i32)  : i32 {
        %mul3A_554 = arith.constant 16 : i32
        %mul3A_555 = arith.muli %scan3A_552, %mul3A_554 : i32
        %add3A_556 = arith.constant 256 : i32
        %add3A_557 = arith.addi %add3A_556, %mul3A_555 : i32
        %add3A_558 = arith.constant 0 : i32
        %add3A_559 = arith.addi %add3A_557, %add3A_558 : i32
        %get3A = arith.index_cast %add3A_559 : i32 to index
        %get3A_560 = arith.constant 0 : index
        %get3A_561 = tpu.vector_load %arg6[%get3A, %get3A_560] {strides = array<i32>} : memref<512x32xf32, #tpu.memory_space<vmem>>, vector<16xf32>,
        %add3A_562 = arith.constant 0 : i32
        %add3A_563 = arith.addi %add3A_557, %add3A_562 : i32
        %get3A_564 = arith.index_cast %add3A_563 : i32 to index
        %get3A_565 = arith.constant 16 : index
        %get3A_566 = tpu.vector_load %arg6[%get3A_564, %get3A_565] {strides = array<i32>} : memref<512x32xf32, #tpu.memory_space<vmem>>, vector<16xf32>,
        %add3A_567 = arith.constant 1 : i32
        %add3A_568 = arith.addi %add3A_557, %add3A_567 : i32
        %get3A_569 = arith.index_cast %add3A_568 : i32 to index
        %get3A_570 = arith.constant 0 : index
        %get3A_571 = tpu.vector_load %arg6[%get3A_569, %get3A_570] {strides = array<i32>} : memref<512x32xf32, #tpu.memory_space<vmem>>, vector<16xf32>,
        %add3A_572 = arith.constant 1 : i32
        %add3A_573 = arith.addi %add3A_557, %add3A_572 : i32
        %get3A_574 = arith.index_cast %add3A_573 : i32 to index
        %get3A_575 = arith.constant 16 : index
        %get3A_576 = tpu.vector_load %arg6[%get3A_574, %get3A_575] {strides = array<i32>} : memref<512x32xf32, #tpu.memory_space<vmem>>, vector<16xf32>,
        %add3A_577 = arith.constant 2 : i32
        %add3A_578 = arith.addi %add3A_557, %add3A_577 : i32
        %get3A_579 = arith.index_cast %add3A_578 : i32 to index
        %get3A_580 = arith.constant 0 : index
        %get3A_581 = tpu.vector_load %arg6[%get3A_579, %get3A_580] {strides = array<i32>} : memref<512x32xf32, #tpu.memory_space<vmem>>, vector<16xf32>,
        %add3A_582 = arith.constant 2 : i32
        %add3A_583 = arith.addi %add3A_557, %add3A_582 : i32
        %get3A_584 = arith.index_cast %add3A_583 : i32 to index
        %get3A_585 = arith.constant 16 : index
        %get3A_586 = tpu.vector_load %arg6[%get3A_584, %get3A_585] {strides = array<i32>} : memref<512x32xf32, #tpu.memory_space<vmem>>, vector<16xf32>,
        %add3A_587 = arith.constant 3 : i32
        %add3A_588 = arith.addi %add3A_557, %add3A_587 : i32
        %get3A_589 = arith.index_cast %add3A_588 : i32 to index
        %get3A_590 = arith.constant 0 : index
        %get3A_591 = tpu.vector_load %arg6[%get3A_589, %get3A_590] {strides = array<i32>} : memref<512x32xf32, #tpu.memory_space<vmem>>, vector<16xf32>,
        %add3A_592 = arith.constant 3 : i32
        %add3A_593 = arith.addi %add3A_557, %add3A_592 : i32
        %get3A_594 = arith.index_cast %add3A_593 : i32 to index
        %get3A_595 = arith.constant 16 : index
        %get3A_596 = tpu.vector_load %arg6[%get3A_594, %get3A_595] {strides = array<i32>} : memref<512x32xf32, #tpu.memory_space<vmem>>, vector<16xf32>,
        %add3A_597 = arith.constant 4 : i32
        %add3A_598 = arith.addi %add3A_557, %add3A_597 : i32
        %get3A_599 = arith.index_cast %add3A_598 : i32 to index
        %get3A_600 = arith.constant 0 : index
        %get3A_601 = tpu.vector_load %arg6[%get3A_599, %get3A_600] {strides = array<i32>} : memref<512x32xf32, #tpu.memory_space<vmem>>, vector<16xf32>,
        %add3A_602 = arith.constant 4 : i32
        %add3A_603 = arith.addi %add3A_557, %add3A_602 : i32
        %get3A_604 = arith.index_cast %add3A_603 : i32 to index
        %get3A_605 = arith.constant 16 : index
        %get3A_606 = tpu.vector_load %arg6[%get3A_604, %get3A_605] {strides = array<i32>} : memref<512x32xf32, #tpu.memory_space<vmem>>, vector<16xf32>,
        %add3A_607 = arith.constant 5 : i32
        %add3A_608 = arith.addi %add3A_557, %add3A_607 : i32
        %get3A_609 = arith.index_cast %add3A_608 : i32 to index
        %get3A_610 = arith.constant 0 : index
        %get3A_611 = tpu.vector_load %arg6[%get3A_609, %get3A_610] {strides = array<i32>} : memref<512x32xf32, #tpu.memory_space<vmem>>, vector<16xf32>,
        %add3A_612 = arith.constant 5 : i32
        %add3A_613 = arith.addi %add3A_557, %add3A_612 : i32
        %get3A_614 = arith.index_cast %add3A_613 : i32 to index
        %get3A_615 = arith.constant 16 : index
        %get3A_616 = tpu.vector_load %arg6[%get3A_614, %get3A_615] {strides = array<i32>} : memref<512x32xf32, #tpu.memory_space<vmem>>, vector<16xf32>,
        %add3A_617 = arith.constant 6 : i32
        %add3A_618 = arith.addi %add3A_557, %add3A_617 : i32
        %get3A_619 = arith.index_cast %add3A_618 : i32 to index
        %get3A_620 = arith.constant 0 : index
        %get3A_621 = tpu.vector_load %arg6[%get3A_619, %get3A_620] {strides = array<i32>} : memref<512x32xf32, #tpu.memory_space<vmem>>, vector<16xf32>,
        %add3A_622 = arith.constant 6 : i32
        %add3A_623 = arith.addi %add3A_557, %add3A_622 : i32
        %get3A_624 = arith.index_cast %add3A_623 : i32 to index
        %get3A_625 = arith.constant 16 : index
        %get3A_626 = tpu.vector_load %arg6[%get3A_624, %get3A_625] {strides = array<i32>} : memref<512x32xf32, #tpu.memory_space<vmem>>, vector<16xf32>,
        %add3A_627 = arith.constant 7 : i32
        %add3A_628 = arith.addi %add3A_557, %add3A_627 : i32
        %get3A_629 = arith.index_cast %add3A_628 : i32 to index
        %get3A_630 = arith.constant 0 : index
        %get3A_631 = tpu.vector_load %arg6[%get3A_629, %get3A_630] {strides = array<i32>} : memref<512x32xf32, #tpu.memory_space<vmem>>, vector<16xf32>,
        %add3A_632 = arith.constant 7 : i32
        %add3A_633 = arith.addi %add3A_557, %add3A_632 : i32
        %get3A_634 = arith.index_cast %add3A_633 : i32 to index
        %get3A_635 = arith.constant 16 : index
        %get3A_636 = tpu.vector_load %arg6[%get3A_634, %get3A_635] {strides = array<i32>} : memref<512x32xf32, #tpu.memory_space<vmem>>, vector<16xf32>,
        %add3A_637 = arith.constant 8 : i32
        %add3A_638 = arith.addi %add3A_557, %add3A_637 : i32
        %get3A_639 = arith.index_cast %add3A_638 : i32 to index
        %get3A_640 = arith.constant 0 : index
        %get3A_641 = tpu.vector_load %arg6[%get3A_639, %get3A_640] {strides = array<i32>} : memref<512x32xf32, #tpu.memory_space<vmem>>, vector<16xf32>,
        %add3A_642 = arith.constant 8 : i32
        %add3A_643 = arith.addi %add3A_557, %add3A_642 : i32
        %get3A_644 = arith.index_cast %add3A_643 : i32 to index
        %get3A_645 = arith.constant 16 : index
        %get3A_646 = tpu.vector_load %arg6[%get3A_644, %get3A_645] {strides = array<i32>} : memref<512x32xf32, #tpu.memory_space<vmem>>, vector<16xf32>,
        %add3A_647 = arith.constant 9 : i32
        %add3A_648 = arith.addi %add3A_557, %add3A_647 : i32
        %get3A_649 = arith.index_cast %add3A_648 : i32 to index
        %get3A_650 = arith.constant 0 : index
        %get3A_651 = tpu.vector_load %arg6[%get3A_649, %get3A_650] {strides = array<i32>} : memref<512x32xf32, #tpu.memory_space<vmem>>, vector<16xf32>,
        %add3A_652 = arith.constant 9 : i32
        %add3A_653 = arith.addi %add3A_557, %add3A_652 : i32
        %get3A_654 = arith.index_cast %add3A_653 : i32 to index
        %get3A_655 = arith.constant 16 : index
        %get3A_656 = tpu.vector_load %arg6[%get3A_654, %get3A_655] {strides = array<i32>} : memref<512x32xf32, #tpu.memory_space<vmem>>, vector<16xf32>,
        %add3A_657 = arith.constant 10 : i32
        %add3A_658 = arith.addi %add3A_557, %add3A_657 : i32
        %get3A_659 = arith.index_cast %add3A_658 : i32 to index
        %get3A_660 = arith.constant 0 : index
        %get3A_661 = tpu.vector_load %arg6[%get3A_659, %get3A_660] {strides = array<i32>} : memref<512x32xf32, #tpu.memory_space<vmem>>, vector<16xf32>,
        %add3A_662 = arith.constant 10 : i32
        %add3A_663 = arith.addi %add3A_557, %add3A_662 : i32
        %get3A_664 = arith.index_cast %add3A_663 : i32 to index
        %get3A_665 = arith.constant 16 : index
        %get3A_666 = tpu.vector_load %arg6[%get3A_664, %get3A_665] {strides = array<i32>} : memref<512x32xf32, #tpu.memory_space<vmem>>, vector<16xf32>,
        %add3A_667 = arith.constant 11 : i32
        %add3A_668 = arith.addi %add3A_557, %add3A_667 : i32
        %get3A_669 = arith.index_cast %add3A_668 : i32 to index
        %get3A_670 = arith.constant 0 : index
        %get3A_671 = tpu.vector_load %arg6[%get3A_669, %get3A_670] {strides = array<i32>} : memref<512x32xf32, #tpu.memory_space<vmem>>, vector<16xf32>,
        %add3A_672 = arith.constant 11 : i32
        %add3A_673 = arith.addi %add3A_557, %add3A_672 : i32
        %get3A_674 = arith.index_cast %add3A_673 : i32 to index
        %get3A_675 = arith.constant 16 : index
        %get3A_676 = tpu.vector_load %arg6[%get3A_674, %get3A_675] {strides = array<i32>} : memref<512x32xf32, #tpu.memory_space<vmem>>, vector<16xf32>,
        %add3A_677 = arith.constant 12 : i32
        %add3A_678 = arith.addi %add3A_557, %add3A_677 : i32
        %get3A_679 = arith.index_cast %add3A_678 : i32 to index
        %get3A_680 = arith.constant 0 : index
        %get3A_681 = tpu.vector_load %arg6[%get3A_679, %get3A_680] {strides = array<i32>} : memref<512x32xf32, #tpu.memory_space<vmem>>, vector<16xf32>,
        %add3A_682 = arith.constant 12 : i32
        %add3A_683 = arith.addi %add3A_557, %add3A_682 : i32
        %get3A_684 = arith.index_cast %add3A_683 : i32 to index
        %get3A_685 = arith.constant 16 : index
        %get3A_686 = tpu.vector_load %arg6[%get3A_684, %get3A_685] {strides = array<i32>} : memref<512x32xf32, #tpu.memory_space<vmem>>, vector<16xf32>,
        %add3A_687 = arith.constant 13 : i32
        %add3A_688 = arith.addi %add3A_557, %add3A_687 : i32
        %get3A_689 = arith.index_cast %add3A_688 : i32 to index
        %get3A_690 = arith.constant 0 : index
        %get3A_691 = tpu.vector_load %arg6[%get3A_689, %get3A_690] {strides = array<i32>} : memref<512x32xf32, #tpu.memory_space<vmem>>, vector<16xf32>,
        %add3A_692 = arith.constant 13 : i32
        %add3A_693 = arith.addi %add3A_557, %add3A_692 : i32
        %get3A_694 = arith.index_cast %add3A_693 : i32 to index
        %get3A_695 = arith.constant 16 : index
        %get3A_696 = tpu.vector_load %arg6[%get3A_694, %get3A_695] {strides = array<i32>} : memref<512x32xf32, #tpu.memory_space<vmem>>, vector<16xf32>,
        %add3A_697 = arith.constant 14 : i32
        %add3A_698 = arith.addi %add3A_557, %add3A_697 : i32
        %get3A_699 = arith.index_cast %add3A_698 : i32 to index
        %get3A_700 = arith.constant 0 : index
        %get3A_701 = tpu.vector_load %arg6[%get3A_699, %get3A_700] {strides = array<i32>} : memref<512x32xf32, #tpu.memory_space<vmem>>, vector<16xf32>,
        %add3A_702 = arith.constant 14 : i32
        %add3A_703 = arith.addi %add3A_557, %add3A_702 : i32
        %get3A_704 = arith.index_cast %add3A_703 : i32 to index
        %get3A_705 = arith.constant 16 : index
        %get3A_706 = tpu.vector_load %arg6[%get3A_704, %get3A_705] {strides = array<i32>} : memref<512x32xf32, #tpu.memory_space<vmem>>, vector<16xf32>,
        %add3A_707 = arith.constant 15 : i32
        %add3A_708 = arith.addi %add3A_557, %add3A_707 : i32
        %get3A_709 = arith.index_cast %add3A_708 : i32 to index
        %get3A_710 = arith.constant 0 : index
        %get3A_711 = tpu.vector_load %arg6[%get3A_709, %get3A_710] {strides = array<i32>} : memref<512x32xf32, #tpu.memory_space<vmem>>, vector<16xf32>,
        %add3A_712 = arith.constant 15 : i32
        %add3A_713 = arith.addi %add3A_557, %add3A_712 : i32
        %get3A_714 = arith.index_cast %add3A_713 : i32 to index
        %get3A_715 = arith.constant 16 : index
        %get3A_716 = tpu.vector_load %arg6[%get3A_714, %get3A_715] {strides = array<i32>} : memref<512x32xf32, #tpu.memory_space<vmem>>, vector<16xf32>,
        %broadcast_in_dim3A = arith.constant 0 : i32
        %broadcast_in_dim3A_717 = vector.broadcast %broadcast_in_dim3A : i32 to vector<16xi32>
        %mul3A_718 = arith.constant 16 : i32
        %mul3A_719 = arith.muli %scan3A_552, %mul3A_718 : i32
        %add3A_720 = arith.constant 0 : i32
        %add3A_721 = arith.addi %mul3A_719, %add3A_720 : i32
        %add3A_722 = vector.broadcast %add3A_721 : i32 to vector<16xi32>
        %add3A_723 = arith.addi %broadcast_in_dim3A_717, %add3A_722 : vector<16xi32>
        tpu.vector_store_idx %arg8[%add3A_301, %add3A_723], %get3A_561 : memref<128x129xf32, #tpu.memory_space<vmem>>[vector<16xi32>, vector<16xi32>], vector<16xf32>,
        tpu.vector_store_idx %arg8[%add3A_304, %add3A_723], %get3A_566 : memref<128x129xf32, #tpu.memory_space<vmem>>[vector<16xi32>, vector<16xi32>], vector<16xf32>,
        %broadcast_in_dim3A_724 = arith.constant 0 : i32
        %broadcast_in_dim3A_725 = vector.broadcast %broadcast_in_dim3A_724 : i32 to vector<16xi32>
        %mul3A_726 = arith.constant 16 : i32
        %mul3A_727 = arith.muli %scan3A_552, %mul3A_726 : i32
        %add3A_728 = arith.constant 1 : i32
        %add3A_729 = arith.addi %mul3A_727, %add3A_728 : i32
        %add3A_730 = vector.broadcast %add3A_729 : i32 to vector<16xi32>
        %add3A_731 = arith.addi %broadcast_in_dim3A_725, %add3A_730 : vector<16xi32>
        tpu.vector_store_idx %arg8[%add3A_301, %add3A_731], %get3A_571 : memref<128x129xf32, #tpu.memory_space<vmem>>[vector<16xi32>, vector<16xi32>], vector<16xf32>,
        tpu.vector_store_idx %arg8[%add3A_304, %add3A_731], %get3A_576 : memref<128x129xf32, #tpu.memory_space<vmem>>[vector<16xi32>, vector<16xi32>], vector<16xf32>,
        %broadcast_in_dim3A_732 = arith.constant 0 : i32
        %broadcast_in_dim3A_733 = vector.broadcast %broadcast_in_dim3A_732 : i32 to vector<16xi32>
        %mul3A_734 = arith.constant 16 : i32
        %mul3A_735 = arith.muli %scan3A_552, %mul3A_734 : i32
        %add3A_736 = arith.constant 2 : i32
        %add3A_737 = arith.addi %mul3A_735, %add3A_736 : i32
        %add3A_738 = vector.broadcast %add3A_737 : i32 to vector<16xi32>
        %add3A_739 = arith.addi %broadcast_in_dim3A_733, %add3A_738 : vector<16xi32>
        tpu.vector_store_idx %arg8[%add3A_301, %add3A_739], %get3A_581 : memref<128x129xf32, #tpu.memory_space<vmem>>[vector<16xi32>, vector<16xi32>], vector<16xf32>,
        tpu.vector_store_idx %arg8[%add3A_304, %add3A_739], %get3A_586 : memref<128x129xf32, #tpu.memory_space<vmem>>[vector<16xi32>, vector<16xi32>], vector<16xf32>,
        %broadcast_in_dim3A_740 = arith.constant 0 : i32
        %broadcast_in_dim3A_741 = vector.broadcast %broadcast_in_dim3A_740 : i32 to vector<16xi32>
        %mul3A_742 = arith.constant 16 : i32
        %mul3A_743 = arith.muli %scan3A_552, %mul3A_742 : i32
        %add3A_744 = arith.constant 3 : i32
        %add3A_745 = arith.addi %mul3A_743, %add3A_744 : i32
        %add3A_746 = vector.broadcast %add3A_745 : i32 to vector<16xi32>
        %add3A_747 = arith.addi %broadcast_in_dim3A_741, %add3A_746 : vector<16xi32>
        tpu.vector_store_idx %arg8[%add3A_301, %add3A_747], %get3A_591 : memref<128x129xf32, #tpu.memory_space<vmem>>[vector<16xi32>, vector<16xi32>], vector<16xf32>,
        tpu.vector_store_idx %arg8[%add3A_304, %add3A_747], %get3A_596 : memref<128x129xf32, #tpu.memory_space<vmem>>[vector<16xi32>, vector<16xi32>], vector<16xf32>,
        %broadcast_in_dim3A_748 = arith.constant 0 : i32
        %broadcast_in_dim3A_749 = vector.broadcast %broadcast_in_dim3A_748 : i32 to vector<16xi32>
        %mul3A_750 = arith.constant 16 : i32
        %mul3A_751 = arith.muli %scan3A_552, %mul3A_750 : i32
        %add3A_752 = arith.constant 4 : i32
        %add3A_753 = arith.addi %mul3A_751, %add3A_752 : i32
        %add3A_754 = vector.broadcast %add3A_753 : i32 to vector<16xi32>
        %add3A_755 = arith.addi %broadcast_in_dim3A_749, %add3A_754 : vector<16xi32>
        tpu.vector_store_idx %arg8[%add3A_301, %add3A_755], %get3A_601 : memref<128x129xf32, #tpu.memory_space<vmem>>[vector<16xi32>, vector<16xi32>], vector<16xf32>,
        tpu.vector_store_idx %arg8[%add3A_304, %add3A_755], %get3A_606 : memref<128x129xf32, #tpu.memory_space<vmem>>[vector<16xi32>, vector<16xi32>], vector<16xf32>,
        %broadcast_in_dim3A_756 = arith.constant 0 : i32
        %broadcast_in_dim3A_757 = vector.broadcast %broadcast_in_dim3A_756 : i32 to vector<16xi32>
        %mul3A_758 = arith.constant 16 : i32
        %mul3A_759 = arith.muli %scan3A_552, %mul3A_758 : i32
        %add3A_760 = arith.constant 5 : i32
        %add3A_761 = arith.addi %mul3A_759, %add3A_760 : i32
        %add3A_762 = vector.broadcast %add3A_761 : i32 to vector<16xi32>
        %add3A_763 = arith.addi %broadcast_in_dim3A_757, %add3A_762 : vector<16xi32>
        tpu.vector_store_idx %arg8[%add3A_301, %add3A_763], %get3A_611 : memref<128x129xf32, #tpu.memory_space<vmem>>[vector<16xi32>, vector<16xi32>], vector<16xf32>,
        tpu.vector_store_idx %arg8[%add3A_304, %add3A_763], %get3A_616 : memref<128x129xf32, #tpu.memory_space<vmem>>[vector<16xi32>, vector<16xi32>], vector<16xf32>,
        %broadcast_in_dim3A_764 = arith.constant 0 : i32
        %broadcast_in_dim3A_765 = vector.broadcast %broadcast_in_dim3A_764 : i32 to vector<16xi32>
        %mul3A_766 = arith.constant 16 : i32
        %mul3A_767 = arith.muli %scan3A_552, %mul3A_766 : i32
        %add3A_768 = arith.constant 6 : i32
        %add3A_769 = arith.addi %mul3A_767, %add3A_768 : i32
        %add3A_770 = vector.broadcast %add3A_769 : i32 to vector<16xi32>
        %add3A_771 = arith.addi %broadcast_in_dim3A_765, %add3A_770 : vector<16xi32>
        tpu.vector_store_idx %arg8[%add3A_301, %add3A_771], %get3A_621 : memref<128x129xf32, #tpu.memory_space<vmem>>[vector<16xi32>, vector<16xi32>], vector<16xf32>,
        tpu.vector_store_idx %arg8[%add3A_304, %add3A_771], %get3A_626 : memref<128x129xf32, #tpu.memory_space<vmem>>[vector<16xi32>, vector<16xi32>], vector<16xf32>,
        %broadcast_in_dim3A_772 = arith.constant 0 : i32
        %broadcast_in_dim3A_773 = vector.broadcast %broadcast_in_dim3A_772 : i32 to vector<16xi32>
        %mul3A_774 = arith.constant 16 : i32
        %mul3A_775 = arith.muli %scan3A_552, %mul3A_774 : i32
        %add3A_776 = arith.constant 7 : i32
        %add3A_777 = arith.addi %mul3A_775, %add3A_776 : i32
        %add3A_778 = vector.broadcast %add3A_777 : i32 to vector<16xi32>
        %add3A_779 = arith.addi %broadcast_in_dim3A_773, %add3A_778 : vector<16xi32>
        tpu.vector_store_idx %arg8[%add3A_301, %add3A_779], %get3A_631 : memref<128x129xf32, #tpu.memory_space<vmem>>[vector<16xi32>, vector<16xi32>], vector<16xf32>,
        tpu.vector_store_idx %arg8[%add3A_304, %add3A_779], %get3A_636 : memref<128x129xf32, #tpu.memory_space<vmem>>[vector<16xi32>, vector<16xi32>], vector<16xf32>,
        %broadcast_in_dim3A_780 = arith.constant 0 : i32
        %broadcast_in_dim3A_781 = vector.broadcast %broadcast_in_dim3A_780 : i32 to vector<16xi32>
        %mul3A_782 = arith.constant 16 : i32
        %mul3A_783 = arith.muli %scan3A_552, %mul3A_782 : i32
        %add3A_784 = arith.constant 8 : i32
        %add3A_785 = arith.addi %mul3A_783, %add3A_784 : i32
        %add3A_786 = vector.broadcast %add3A_785 : i32 to vector<16xi32>
        %add3A_787 = arith.addi %broadcast_in_dim3A_781, %add3A_786 : vector<16xi32>
        tpu.vector_store_idx %arg8[%add3A_301, %add3A_787], %get3A_641 : memref<128x129xf32, #tpu.memory_space<vmem>>[vector<16xi32>, vector<16xi32>], vector<16xf32>,
        tpu.vector_store_idx %arg8[%add3A_304, %add3A_787], %get3A_646 : memref<128x129xf32, #tpu.memory_space<vmem>>[vector<16xi32>, vector<16xi32>], vector<16xf32>,
        %broadcast_in_dim3A_788 = arith.constant 0 : i32
        %broadcast_in_dim3A_789 = vector.broadcast %broadcast_in_dim3A_788 : i32 to vector<16xi32>
        %mul3A_790 = arith.constant 16 : i32
        %mul3A_791 = arith.muli %scan3A_552, %mul3A_790 : i32
        %add3A_792 = arith.constant 9 : i32
        %add3A_793 = arith.addi %mul3A_791, %add3A_792 : i32
        %add3A_794 = vector.broadcast %add3A_793 : i32 to vector<16xi32>
        %add3A_795 = arith.addi %broadcast_in_dim3A_789, %add3A_794 : vector<16xi32>
        tpu.vector_store_idx %arg8[%add3A_301, %add3A_795], %get3A_651 : memref<128x129xf32, #tpu.memory_space<vmem>>[vector<16xi32>, vector<16xi32>], vector<16xf32>,
        tpu.vector_store_idx %arg8[%add3A_304, %add3A_795], %get3A_656 : memref<128x129xf32, #tpu.memory_space<vmem>>[vector<16xi32>, vector<16xi32>], vector<16xf32>,
        %broadcast_in_dim3A_796 = arith.constant 0 : i32
        %broadcast_in_dim3A_797 = vector.broadcast %broadcast_in_dim3A_796 : i32 to vector<16xi32>
        %mul3A_798 = arith.constant 16 : i32
        %mul3A_799 = arith.muli %scan3A_552, %mul3A_798 : i32
        %add3A_800 = arith.constant 10 : i32
        %add3A_801 = arith.addi %mul3A_799, %add3A_800 : i32
        %add3A_802 = vector.broadcast %add3A_801 : i32 to vector<16xi32>
        %add3A_803 = arith.addi %broadcast_in_dim3A_797, %add3A_802 : vector<16xi32>
        tpu.vector_store_idx %arg8[%add3A_301, %add3A_803], %get3A_661 : memref<128x129xf32, #tpu.memory_space<vmem>>[vector<16xi32>, vector<16xi32>], vector<16xf32>,
        tpu.vector_store_idx %arg8[%add3A_304, %add3A_803], %get3A_666 : memref<128x129xf32, #tpu.memory_space<vmem>>[vector<16xi32>, vector<16xi32>], vector<16xf32>,
        %broadcast_in_dim3A_804 = arith.constant 0 : i32
        %broadcast_in_dim3A_805 = vector.broadcast %broadcast_in_dim3A_804 : i32 to vector<16xi32>
        %mul3A_806 = arith.constant 16 : i32
        %mul3A_807 = arith.muli %scan3A_552, %mul3A_806 : i32
        %add3A_808 = arith.constant 11 : i32
        %add3A_809 = arith.addi %mul3A_807, %add3A_808 : i32
        %add3A_810 = vector.broadcast %add3A_809 : i32 to vector<16xi32>
        %add3A_811 = arith.addi %broadcast_in_dim3A_805, %add3A_810 : vector<16xi32>
        tpu.vector_store_idx %arg8[%add3A_301, %add3A_811], %get3A_671 : memref<128x129xf32, #tpu.memory_space<vmem>>[vector<16xi32>, vector<16xi32>], vector<16xf32>,
        tpu.vector_store_idx %arg8[%add3A_304, %add3A_811], %get3A_676 : memref<128x129xf32, #tpu.memory_space<vmem>>[vector<16xi32>, vector<16xi32>], vector<16xf32>,
        %broadcast_in_dim3A_812 = arith.constant 0 : i32
        %broadcast_in_dim3A_813 = vector.broadcast %broadcast_in_dim3A_812 : i32 to vector<16xi32>
        %mul3A_814 = arith.constant 16 : i32
        %mul3A_815 = arith.muli %scan3A_552, %mul3A_814 : i32
        %add3A_816 = arith.constant 12 : i32
        %add3A_817 = arith.addi %mul3A_815, %add3A_816 : i32
        %add3A_818 = vector.broadcast %add3A_817 : i32 to vector<16xi32>
        %add3A_819 = arith.addi %broadcast_in_dim3A_813, %add3A_818 : vector<16xi32>
        tpu.vector_store_idx %arg8[%add3A_301, %add3A_819], %get3A_681 : memref<128x129xf32, #tpu.memory_space<vmem>>[vector<16xi32>, vector<16xi32>], vector<16xf32>,
        tpu.vector_store_idx %arg8[%add3A_304, %add3A_819], %get3A_686 : memref<128x129xf32, #tpu.memory_space<vmem>>[vector<16xi32>, vector<16xi32>], vector<16xf32>,
        %broadcast_in_dim3A_820 = arith.constant 0 : i32
        %broadcast_in_dim3A_821 = vector.broadcast %broadcast_in_dim3A_820 : i32 to vector<16xi32>
        %mul3A_822 = arith.constant 16 : i32
        %mul3A_823 = arith.muli %scan3A_552, %mul3A_822 : i32
        %add3A_824 = arith.constant 13 : i32
        %add3A_825 = arith.addi %mul3A_823, %add3A_824 : i32
        %add3A_826 = vector.broadcast %add3A_825 : i32 to vector<16xi32>
        %add3A_827 = arith.addi %broadcast_in_dim3A_821, %add3A_826 : vector<16xi32>
        tpu.vector_store_idx %arg8[%add3A_301, %add3A_827], %get3A_691 : memref<128x129xf32, #tpu.memory_space<vmem>>[vector<16xi32>, vector<16xi32>], vector<16xf32>,
        tpu.vector_store_idx %arg8[%add3A_304, %add3A_827], %get3A_696 : memref<128x129xf32, #tpu.memory_space<vmem>>[vector<16xi32>, vector<16xi32>], vector<16xf32>,
        %broadcast_in_dim3A_828 = arith.constant 0 : i32
        %broadcast_in_dim3A_829 = vector.broadcast %broadcast_in_dim3A_828 : i32 to vector<16xi32>
        %mul3A_830 = arith.constant 16 : i32
        %mul3A_831 = arith.muli %scan3A_552, %mul3A_830 : i32
        %add3A_832 = arith.constant 14 : i32
        %add3A_833 = arith.addi %mul3A_831, %add3A_832 : i32
        %add3A_834 = vector.broadcast %add3A_833 : i32 to vector<16xi32>
        %add3A_835 = arith.addi %broadcast_in_dim3A_829, %add3A_834 : vector<16xi32>
        tpu.vector_store_idx %arg8[%add3A_301, %add3A_835], %get3A_701 : memref<128x129xf32, #tpu.memory_space<vmem>>[vector<16xi32>, vector<16xi32>], vector<16xf32>,
        tpu.vector_store_idx %arg8[%add3A_304, %add3A_835], %get3A_706 : memref<128x129xf32, #tpu.memory_space<vmem>>[vector<16xi32>, vector<16xi32>], vector<16xf32>,
        %broadcast_in_dim3A_836 = arith.constant 0 : i32
        %broadcast_in_dim3A_837 = vector.broadcast %broadcast_in_dim3A_836 : i32 to vector<16xi32>
        %mul3A_838 = arith.constant 16 : i32
        %mul3A_839 = arith.muli %scan3A_552, %mul3A_838 : i32
        %add3A_840 = arith.constant 15 : i32
        %add3A_841 = arith.addi %mul3A_839, %add3A_840 : i32
        %add3A_842 = vector.broadcast %add3A_841 : i32 to vector<16xi32>
        %add3A_843 = arith.addi %broadcast_in_dim3A_837, %add3A_842 : vector<16xi32>
        tpu.vector_store_idx %arg8[%add3A_301, %add3A_843], %get3A_711 : memref<128x129xf32, #tpu.memory_space<vmem>>[vector<16xi32>, vector<16xi32>], vector<16xf32>,
        tpu.vector_store_idx %arg8[%add3A_304, %add3A_843], %get3A_716 : memref<128x129xf32, #tpu.memory_space<vmem>>[vector<16xi32>, vector<16xi32>], vector<16xf32>,
        %scan3A_844 = arith.constant 0 : i32
        scf.yield %scan3A_844 : i32
      }
      %scan3A_311 = arith.constant 8 : i32
      %add3A_312 = arith.constant 24 : i32
      %add3A_313 = vector.broadcast %add3A_312 : i32 to vector<16xi32>
      %add3A_314 = arith.addi %add3A_47, %add3A_313 : vector<16xi32>
      %add3A_315 = arith.constant 88 : i32
      %add3A_316 = vector.broadcast %add3A_315 : i32 to vector<16xi32>
      %add3A_317 = arith.addi %add3A_47, %add3A_316 : vector<16xi32>
      %scan3A_318 = arith.constant 0 : i32
      %scan3A_319 = arith.constant 0 : i32
      %scan3A_320 = arith.constant 8 : i32
      %scan3A_321 = arith.addi %scan3A_319, %scan3A_320 : i32
      %scan3A_322 = arith.constant 1 : i32
      %scan3A_323 = scf.for %scan3A_552 = %scan3A_319 to %scan3A_321 step %scan3A_322 iter_args(%scan3A_553 = %scan3A_318) -> (i32)  : i32 {
        %mul3A_554 = arith.constant 16 : i32
        %mul3A_555 = arith.muli %scan3A_552, %mul3A_554 : i32
        %add3A_556 = arith.constant 384 : i32
        %add3A_557 = arith.addi %add3A_556, %mul3A_555 : i32
        %add3A_558 = arith.constant 0 : i32
        %add3A_559 = arith.addi %add3A_557, %add3A_558 : i32
        %get3A = arith.index_cast %add3A_559 : i32 to index
        %get3A_560 = arith.constant 0 : index
        %get3A_561 = tpu.vector_load %arg6[%get3A, %get3A_560] {strides = array<i32>} : memref<512x32xf32, #tpu.memory_space<vmem>>, vector<16xf32>,
        %add3A_562 = arith.constant 0 : i32
        %add3A_563 = arith.addi %add3A_557, %add3A_562 : i32
        %get3A_564 = arith.index_cast %add3A_563 : i32 to index
        %get3A_565 = arith.constant 16 : index
        %get3A_566 = tpu.vector_load %arg6[%get3A_564, %get3A_565] {strides = array<i32>} : memref<512x32xf32, #tpu.memory_space<vmem>>, vector<16xf32>,
        %add3A_567 = arith.constant 1 : i32
        %add3A_568 = arith.addi %add3A_557, %add3A_567 : i32
        %get3A_569 = arith.index_cast %add3A_568 : i32 to index
        %get3A_570 = arith.constant 0 : index
        %get3A_571 = tpu.vector_load %arg6[%get3A_569, %get3A_570] {strides = array<i32>} : memref<512x32xf32, #tpu.memory_space<vmem>>, vector<16xf32>,
        %add3A_572 = arith.constant 1 : i32
        %add3A_573 = arith.addi %add3A_557, %add3A_572 : i32
        %get3A_574 = arith.index_cast %add3A_573 : i32 to index
        %get3A_575 = arith.constant 16 : index
        %get3A_576 = tpu.vector_load %arg6[%get3A_574, %get3A_575] {strides = array<i32>} : memref<512x32xf32, #tpu.memory_space<vmem>>, vector<16xf32>,
        %add3A_577 = arith.constant 2 : i32
        %add3A_578 = arith.addi %add3A_557, %add3A_577 : i32
        %get3A_579 = arith.index_cast %add3A_578 : i32 to index
        %get3A_580 = arith.constant 0 : index
        %get3A_581 = tpu.vector_load %arg6[%get3A_579, %get3A_580] {strides = array<i32>} : memref<512x32xf32, #tpu.memory_space<vmem>>, vector<16xf32>,
        %add3A_582 = arith.constant 2 : i32
        %add3A_583 = arith.addi %add3A_557, %add3A_582 : i32
        %get3A_584 = arith.index_cast %add3A_583 : i32 to index
        %get3A_585 = arith.constant 16 : index
        %get3A_586 = tpu.vector_load %arg6[%get3A_584, %get3A_585] {strides = array<i32>} : memref<512x32xf32, #tpu.memory_space<vmem>>, vector<16xf32>,
        %add3A_587 = arith.constant 3 : i32
        %add3A_588 = arith.addi %add3A_557, %add3A_587 : i32
        %get3A_589 = arith.index_cast %add3A_588 : i32 to index
        %get3A_590 = arith.constant 0 : index
        %get3A_591 = tpu.vector_load %arg6[%get3A_589, %get3A_590] {strides = array<i32>} : memref<512x32xf32, #tpu.memory_space<vmem>>, vector<16xf32>,
        %add3A_592 = arith.constant 3 : i32
        %add3A_593 = arith.addi %add3A_557, %add3A_592 : i32
        %get3A_594 = arith.index_cast %add3A_593 : i32 to index
        %get3A_595 = arith.constant 16 : index
        %get3A_596 = tpu.vector_load %arg6[%get3A_594, %get3A_595] {strides = array<i32>} : memref<512x32xf32, #tpu.memory_space<vmem>>, vector<16xf32>,
        %add3A_597 = arith.constant 4 : i32
        %add3A_598 = arith.addi %add3A_557, %add3A_597 : i32
        %get3A_599 = arith.index_cast %add3A_598 : i32 to index
        %get3A_600 = arith.constant 0 : index
        %get3A_601 = tpu.vector_load %arg6[%get3A_599, %get3A_600] {strides = array<i32>} : memref<512x32xf32, #tpu.memory_space<vmem>>, vector<16xf32>,
        %add3A_602 = arith.constant 4 : i32
        %add3A_603 = arith.addi %add3A_557, %add3A_602 : i32
        %get3A_604 = arith.index_cast %add3A_603 : i32 to index
        %get3A_605 = arith.constant 16 : index
        %get3A_606 = tpu.vector_load %arg6[%get3A_604, %get3A_605] {strides = array<i32>} : memref<512x32xf32, #tpu.memory_space<vmem>>, vector<16xf32>,
        %add3A_607 = arith.constant 5 : i32
        %add3A_608 = arith.addi %add3A_557, %add3A_607 : i32
        %get3A_609 = arith.index_cast %add3A_608 : i32 to index
        %get3A_610 = arith.constant 0 : index
        %get3A_611 = tpu.vector_load %arg6[%get3A_609, %get3A_610] {strides = array<i32>} : memref<512x32xf32, #tpu.memory_space<vmem>>, vector<16xf32>,
        %add3A_612 = arith.constant 5 : i32
        %add3A_613 = arith.addi %add3A_557, %add3A_612 : i32
        %get3A_614 = arith.index_cast %add3A_613 : i32 to index
        %get3A_615 = arith.constant 16 : index
        %get3A_616 = tpu.vector_load %arg6[%get3A_614, %get3A_615] {strides = array<i32>} : memref<512x32xf32, #tpu.memory_space<vmem>>, vector<16xf32>,
        %add3A_617 = arith.constant 6 : i32
        %add3A_618 = arith.addi %add3A_557, %add3A_617 : i32
        %get3A_619 = arith.index_cast %add3A_618 : i32 to index
        %get3A_620 = arith.constant 0 : index
        %get3A_621 = tpu.vector_load %arg6[%get3A_619, %get3A_620] {strides = array<i32>} : memref<512x32xf32, #tpu.memory_space<vmem>>, vector<16xf32>,
        %add3A_622 = arith.constant 6 : i32
        %add3A_623 = arith.addi %add3A_557, %add3A_622 : i32
        %get3A_624 = arith.index_cast %add3A_623 : i32 to index
        %get3A_625 = arith.constant 16 : index
        %get3A_626 = tpu.vector_load %arg6[%get3A_624, %get3A_625] {strides = array<i32>} : memref<512x32xf32, #tpu.memory_space<vmem>>, vector<16xf32>,
        %add3A_627 = arith.constant 7 : i32
        %add3A_628 = arith.addi %add3A_557, %add3A_627 : i32
        %get3A_629 = arith.index_cast %add3A_628 : i32 to index
        %get3A_630 = arith.constant 0 : index
        %get3A_631 = tpu.vector_load %arg6[%get3A_629, %get3A_630] {strides = array<i32>} : memref<512x32xf32, #tpu.memory_space<vmem>>, vector<16xf32>,
        %add3A_632 = arith.constant 7 : i32
        %add3A_633 = arith.addi %add3A_557, %add3A_632 : i32
        %get3A_634 = arith.index_cast %add3A_633 : i32 to index
        %get3A_635 = arith.constant 16 : index
        %get3A_636 = tpu.vector_load %arg6[%get3A_634, %get3A_635] {strides = array<i32>} : memref<512x32xf32, #tpu.memory_space<vmem>>, vector<16xf32>,
        %add3A_637 = arith.constant 8 : i32
        %add3A_638 = arith.addi %add3A_557, %add3A_637 : i32
        %get3A_639 = arith.index_cast %add3A_638 : i32 to index
        %get3A_640 = arith.constant 0 : index
        %get3A_641 = tpu.vector_load %arg6[%get3A_639, %get3A_640] {strides = array<i32>} : memref<512x32xf32, #tpu.memory_space<vmem>>, vector<16xf32>,
        %add3A_642 = arith.constant 8 : i32
        %add3A_643 = arith.addi %add3A_557, %add3A_642 : i32
        %get3A_644 = arith.index_cast %add3A_643 : i32 to index
        %get3A_645 = arith.constant 16 : index
        %get3A_646 = tpu.vector_load %arg6[%get3A_644, %get3A_645] {strides = array<i32>} : memref<512x32xf32, #tpu.memory_space<vmem>>, vector<16xf32>,
        %add3A_647 = arith.constant 9 : i32
        %add3A_648 = arith.addi %add3A_557, %add3A_647 : i32
        %get3A_649 = arith.index_cast %add3A_648 : i32 to index
        %get3A_650 = arith.constant 0 : index
        %get3A_651 = tpu.vector_load %arg6[%get3A_649, %get3A_650] {strides = array<i32>} : memref<512x32xf32, #tpu.memory_space<vmem>>, vector<16xf32>,
        %add3A_652 = arith.constant 9 : i32
        %add3A_653 = arith.addi %add3A_557, %add3A_652 : i32
        %get3A_654 = arith.index_cast %add3A_653 : i32 to index
        %get3A_655 = arith.constant 16 : index
        %get3A_656 = tpu.vector_load %arg6[%get3A_654, %get3A_655] {strides = array<i32>} : memref<512x32xf32, #tpu.memory_space<vmem>>, vector<16xf32>,
        %add3A_657 = arith.constant 10 : i32
        %add3A_658 = arith.addi %add3A_557, %add3A_657 : i32
        %get3A_659 = arith.index_cast %add3A_658 : i32 to index
        %get3A_660 = arith.constant 0 : index
        %get3A_661 = tpu.vector_load %arg6[%get3A_659, %get3A_660] {strides = array<i32>} : memref<512x32xf32, #tpu.memory_space<vmem>>, vector<16xf32>,
        %add3A_662 = arith.constant 10 : i32
        %add3A_663 = arith.addi %add3A_557, %add3A_662 : i32
        %get3A_664 = arith.index_cast %add3A_663 : i32 to index
        %get3A_665 = arith.constant 16 : index
        %get3A_666 = tpu.vector_load %arg6[%get3A_664, %get3A_665] {strides = array<i32>} : memref<512x32xf32, #tpu.memory_space<vmem>>, vector<16xf32>,
        %add3A_667 = arith.constant 11 : i32
        %add3A_668 = arith.addi %add3A_557, %add3A_667 : i32
        %get3A_669 = arith.index_cast %add3A_668 : i32 to index
        %get3A_670 = arith.constant 0 : index
        %get3A_671 = tpu.vector_load %arg6[%get3A_669, %get3A_670] {strides = array<i32>} : memref<512x32xf32, #tpu.memory_space<vmem>>, vector<16xf32>,
        %add3A_672 = arith.constant 11 : i32
        %add3A_673 = arith.addi %add3A_557, %add3A_672 : i32
        %get3A_674 = arith.index_cast %add3A_673 : i32 to index
        %get3A_675 = arith.constant 16 : index
        %get3A_676 = tpu.vector_load %arg6[%get3A_674, %get3A_675] {strides = array<i32>} : memref<512x32xf32, #tpu.memory_space<vmem>>, vector<16xf32>,
        %add3A_677 = arith.constant 12 : i32
        %add3A_678 = arith.addi %add3A_557, %add3A_677 : i32
        %get3A_679 = arith.index_cast %add3A_678 : i32 to index
        %get3A_680 = arith.constant 0 : index
        %get3A_681 = tpu.vector_load %arg6[%get3A_679, %get3A_680] {strides = array<i32>} : memref<512x32xf32, #tpu.memory_space<vmem>>, vector<16xf32>,
        %add3A_682 = arith.constant 12 : i32
        %add3A_683 = arith.addi %add3A_557, %add3A_682 : i32
        %get3A_684 = arith.index_cast %add3A_683 : i32 to index
        %get3A_685 = arith.constant 16 : index
        %get3A_686 = tpu.vector_load %arg6[%get3A_684, %get3A_685] {strides = array<i32>} : memref<512x32xf32, #tpu.memory_space<vmem>>, vector<16xf32>,
        %add3A_687 = arith.constant 13 : i32
        %add3A_688 = arith.addi %add3A_557, %add3A_687 : i32
        %get3A_689 = arith.index_cast %add3A_688 : i32 to index
        %get3A_690 = arith.constant 0 : index
        %get3A_691 = tpu.vector_load %arg6[%get3A_689, %get3A_690] {strides = array<i32>} : memref<512x32xf32, #tpu.memory_space<vmem>>, vector<16xf32>,
        %add3A_692 = arith.constant 13 : i32
        %add3A_693 = arith.addi %add3A_557, %add3A_692 : i32
        %get3A_694 = arith.index_cast %add3A_693 : i32 to index
        %get3A_695 = arith.constant 16 : index
        %get3A_696 = tpu.vector_load %arg6[%get3A_694, %get3A_695] {strides = array<i32>} : memref<512x32xf32, #tpu.memory_space<vmem>>, vector<16xf32>,
        %add3A_697 = arith.constant 14 : i32
        %add3A_698 = arith.addi %add3A_557, %add3A_697 : i32
        %get3A_699 = arith.index_cast %add3A_698 : i32 to index
        %get3A_700 = arith.constant 0 : index
        %get3A_701 = tpu.vector_load %arg6[%get3A_699, %get3A_700] {strides = array<i32>} : memref<512x32xf32, #tpu.memory_space<vmem>>, vector<16xf32>,
        %add3A_702 = arith.constant 14 : i32
        %add3A_703 = arith.addi %add3A_557, %add3A_702 : i32
        %get3A_704 = arith.index_cast %add3A_703 : i32 to index
        %get3A_705 = arith.constant 16 : index
        %get3A_706 = tpu.vector_load %arg6[%get3A_704, %get3A_705] {strides = array<i32>} : memref<512x32xf32, #tpu.memory_space<vmem>>, vector<16xf32>,
        %add3A_707 = arith.constant 15 : i32
        %add3A_708 = arith.addi %add3A_557, %add3A_707 : i32
        %get3A_709 = arith.index_cast %add3A_708 : i32 to index
        %get3A_710 = arith.constant 0 : index
        %get3A_711 = tpu.vector_load %arg6[%get3A_709, %get3A_710] {strides = array<i32>} : memref<512x32xf32, #tpu.memory_space<vmem>>, vector<16xf32>,
        %add3A_712 = arith.constant 15 : i32
        %add3A_713 = arith.addi %add3A_557, %add3A_712 : i32
        %get3A_714 = arith.index_cast %add3A_713 : i32 to index
        %get3A_715 = arith.constant 16 : index
        %get3A_716 = tpu.vector_load %arg6[%get3A_714, %get3A_715] {strides = array<i32>} : memref<512x32xf32, #tpu.memory_space<vmem>>, vector<16xf32>,
        %broadcast_in_dim3A = arith.constant 0 : i32
        %broadcast_in_dim3A_717 = vector.broadcast %broadcast_in_dim3A : i32 to vector<16xi32>
        %mul3A_718 = arith.constant 16 : i32
        %mul3A_719 = arith.muli %scan3A_552, %mul3A_718 : i32
        %add3A_720 = arith.constant 0 : i32
        %add3A_721 = arith.addi %mul3A_719, %add3A_720 : i32
        %add3A_722 = vector.broadcast %add3A_721 : i32 to vector<16xi32>
        %add3A_723 = arith.addi %broadcast_in_dim3A_717, %add3A_722 : vector<16xi32>
        tpu.vector_store_idx %arg8[%add3A_314, %add3A_723], %get3A_561 : memref<128x129xf32, #tpu.memory_space<vmem>>[vector<16xi32>, vector<16xi32>], vector<16xf32>,
        tpu.vector_store_idx %arg8[%add3A_317, %add3A_723], %get3A_566 : memref<128x129xf32, #tpu.memory_space<vmem>>[vector<16xi32>, vector<16xi32>], vector<16xf32>,
        %broadcast_in_dim3A_724 = arith.constant 0 : i32
        %broadcast_in_dim3A_725 = vector.broadcast %broadcast_in_dim3A_724 : i32 to vector<16xi32>
        %mul3A_726 = arith.constant 16 : i32
        %mul3A_727 = arith.muli %scan3A_552, %mul3A_726 : i32
        %add3A_728 = arith.constant 1 : i32
        %add3A_729 = arith.addi %mul3A_727, %add3A_728 : i32
        %add3A_730 = vector.broadcast %add3A_729 : i32 to vector<16xi32>
        %add3A_731 = arith.addi %broadcast_in_dim3A_725, %add3A_730 : vector<16xi32>
        tpu.vector_store_idx %arg8[%add3A_314, %add3A_731], %get3A_571 : memref<128x129xf32, #tpu.memory_space<vmem>>[vector<16xi32>, vector<16xi32>], vector<16xf32>,
        tpu.vector_store_idx %arg8[%add3A_317, %add3A_731], %get3A_576 : memref<128x129xf32, #tpu.memory_space<vmem>>[vector<16xi32>, vector<16xi32>], vector<16xf32>,
        %broadcast_in_dim3A_732 = arith.constant 0 : i32
        %broadcast_in_dim3A_733 = vector.broadcast %broadcast_in_dim3A_732 : i32 to vector<16xi32>
        %mul3A_734 = arith.constant 16 : i32
        %mul3A_735 = arith.muli %scan3A_552, %mul3A_734 : i32
        %add3A_736 = arith.constant 2 : i32
        %add3A_737 = arith.addi %mul3A_735, %add3A_736 : i32
        %add3A_738 = vector.broadcast %add3A_737 : i32 to vector<16xi32>
        %add3A_739 = arith.addi %broadcast_in_dim3A_733, %add3A_738 : vector<16xi32>
        tpu.vector_store_idx %arg8[%add3A_314, %add3A_739], %get3A_581 : memref<128x129xf32, #tpu.memory_space<vmem>>[vector<16xi32>, vector<16xi32>], vector<16xf32>,
        tpu.vector_store_idx %arg8[%add3A_317, %add3A_739], %get3A_586 : memref<128x129xf32, #tpu.memory_space<vmem>>[vector<16xi32>, vector<16xi32>], vector<16xf32>,
        %broadcast_in_dim3A_740 = arith.constant 0 : i32
        %broadcast_in_dim3A_741 = vector.broadcast %broadcast_in_dim3A_740 : i32 to vector<16xi32>
        %mul3A_742 = arith.constant 16 : i32
        %mul3A_743 = arith.muli %scan3A_552, %mul3A_742 : i32
        %add3A_744 = arith.constant 3 : i32
        %add3A_745 = arith.addi %mul3A_743, %add3A_744 : i32
        %add3A_746 = vector.broadcast %add3A_745 : i32 to vector<16xi32>
        %add3A_747 = arith.addi %broadcast_in_dim3A_741, %add3A_746 : vector<16xi32>
        tpu.vector_store_idx %arg8[%add3A_314, %add3A_747], %get3A_591 : memref<128x129xf32, #tpu.memory_space<vmem>>[vector<16xi32>, vector<16xi32>], vector<16xf32>,
        tpu.vector_store_idx %arg8[%add3A_317, %add3A_747], %get3A_596 : memref<128x129xf32, #tpu.memory_space<vmem>>[vector<16xi32>, vector<16xi32>], vector<16xf32>,
        %broadcast_in_dim3A_748 = arith.constant 0 : i32
        %broadcast_in_dim3A_749 = vector.broadcast %broadcast_in_dim3A_748 : i32 to vector<16xi32>
        %mul3A_750 = arith.constant 16 : i32
        %mul3A_751 = arith.muli %scan3A_552, %mul3A_750 : i32
        %add3A_752 = arith.constant 4 : i32
        %add3A_753 = arith.addi %mul3A_751, %add3A_752 : i32
        %add3A_754 = vector.broadcast %add3A_753 : i32 to vector<16xi32>
        %add3A_755 = arith.addi %broadcast_in_dim3A_749, %add3A_754 : vector<16xi32>
        tpu.vector_store_idx %arg8[%add3A_314, %add3A_755], %get3A_601 : memref<128x129xf32, #tpu.memory_space<vmem>>[vector<16xi32>, vector<16xi32>], vector<16xf32>,
        tpu.vector_store_idx %arg8[%add3A_317, %add3A_755], %get3A_606 : memref<128x129xf32, #tpu.memory_space<vmem>>[vector<16xi32>, vector<16xi32>], vector<16xf32>,
        %broadcast_in_dim3A_756 = arith.constant 0 : i32
        %broadcast_in_dim3A_757 = vector.broadcast %broadcast_in_dim3A_756 : i32 to vector<16xi32>
        %mul3A_758 = arith.constant 16 : i32
        %mul3A_759 = arith.muli %scan3A_552, %mul3A_758 : i32
        %add3A_760 = arith.constant 5 : i32
        %add3A_761 = arith.addi %mul3A_759, %add3A_760 : i32
        %add3A_762 = vector.broadcast %add3A_761 : i32 to vector<16xi32>
        %add3A_763 = arith.addi %broadcast_in_dim3A_757, %add3A_762 : vector<16xi32>
        tpu.vector_store_idx %arg8[%add3A_314, %add3A_763], %get3A_611 : memref<128x129xf32, #tpu.memory_space<vmem>>[vector<16xi32>, vector<16xi32>], vector<16xf32>,
        tpu.vector_store_idx %arg8[%add3A_317, %add3A_763], %get3A_616 : memref<128x129xf32, #tpu.memory_space<vmem>>[vector<16xi32>, vector<16xi32>], vector<16xf32>,
        %broadcast_in_dim3A_764 = arith.constant 0 : i32
        %broadcast_in_dim3A_765 = vector.broadcast %broadcast_in_dim3A_764 : i32 to vector<16xi32>
        %mul3A_766 = arith.constant 16 : i32
        %mul3A_767 = arith.muli %scan3A_552, %mul3A_766 : i32
        %add3A_768 = arith.constant 6 : i32
        %add3A_769 = arith.addi %mul3A_767, %add3A_768 : i32
        %add3A_770 = vector.broadcast %add3A_769 : i32 to vector<16xi32>
        %add3A_771 = arith.addi %broadcast_in_dim3A_765, %add3A_770 : vector<16xi32>
        tpu.vector_store_idx %arg8[%add3A_314, %add3A_771], %get3A_621 : memref<128x129xf32, #tpu.memory_space<vmem>>[vector<16xi32>, vector<16xi32>], vector<16xf32>,
        tpu.vector_store_idx %arg8[%add3A_317, %add3A_771], %get3A_626 : memref<128x129xf32, #tpu.memory_space<vmem>>[vector<16xi32>, vector<16xi32>], vector<16xf32>,
        %broadcast_in_dim3A_772 = arith.constant 0 : i32
        %broadcast_in_dim3A_773 = vector.broadcast %broadcast_in_dim3A_772 : i32 to vector<16xi32>
        %mul3A_774 = arith.constant 16 : i32
        %mul3A_775 = arith.muli %scan3A_552, %mul3A_774 : i32
        %add3A_776 = arith.constant 7 : i32
        %add3A_777 = arith.addi %mul3A_775, %add3A_776 : i32
        %add3A_778 = vector.broadcast %add3A_777 : i32 to vector<16xi32>
        %add3A_779 = arith.addi %broadcast_in_dim3A_773, %add3A_778 : vector<16xi32>
        tpu.vector_store_idx %arg8[%add3A_314, %add3A_779], %get3A_631 : memref<128x129xf32, #tpu.memory_space<vmem>>[vector<16xi32>, vector<16xi32>], vector<16xf32>,
        tpu.vector_store_idx %arg8[%add3A_317, %add3A_779], %get3A_636 : memref<128x129xf32, #tpu.memory_space<vmem>>[vector<16xi32>, vector<16xi32>], vector<16xf32>,
        %broadcast_in_dim3A_780 = arith.constant 0 : i32
        %broadcast_in_dim3A_781 = vector.broadcast %broadcast_in_dim3A_780 : i32 to vector<16xi32>
        %mul3A_782 = arith.constant 16 : i32
        %mul3A_783 = arith.muli %scan3A_552, %mul3A_782 : i32
        %add3A_784 = arith.constant 8 : i32
        %add3A_785 = arith.addi %mul3A_783, %add3A_784 : i32
        %add3A_786 = vector.broadcast %add3A_785 : i32 to vector<16xi32>
        %add3A_787 = arith.addi %broadcast_in_dim3A_781, %add3A_786 : vector<16xi32>
        tpu.vector_store_idx %arg8[%add3A_314, %add3A_787], %get3A_641 : memref<128x129xf32, #tpu.memory_space<vmem>>[vector<16xi32>, vector<16xi32>], vector<16xf32>,
        tpu.vector_store_idx %arg8[%add3A_317, %add3A_787], %get3A_646 : memref<128x129xf32, #tpu.memory_space<vmem>>[vector<16xi32>, vector<16xi32>], vector<16xf32>,
        %broadcast_in_dim3A_788 = arith.constant 0 : i32
        %broadcast_in_dim3A_789 = vector.broadcast %broadcast_in_dim3A_788 : i32 to vector<16xi32>
        %mul3A_790 = arith.constant 16 : i32
        %mul3A_791 = arith.muli %scan3A_552, %mul3A_790 : i32
        %add3A_792 = arith.constant 9 : i32
        %add3A_793 = arith.addi %mul3A_791, %add3A_792 : i32
        %add3A_794 = vector.broadcast %add3A_793 : i32 to vector<16xi32>
        %add3A_795 = arith.addi %broadcast_in_dim3A_789, %add3A_794 : vector<16xi32>
        tpu.vector_store_idx %arg8[%add3A_314, %add3A_795], %get3A_651 : memref<128x129xf32, #tpu.memory_space<vmem>>[vector<16xi32>, vector<16xi32>], vector<16xf32>,
        tpu.vector_store_idx %arg8[%add3A_317, %add3A_795], %get3A_656 : memref<128x129xf32, #tpu.memory_space<vmem>>[vector<16xi32>, vector<16xi32>], vector<16xf32>,
        %broadcast_in_dim3A_796 = arith.constant 0 : i32
        %broadcast_in_dim3A_797 = vector.broadcast %broadcast_in_dim3A_796 : i32 to vector<16xi32>
        %mul3A_798 = arith.constant 16 : i32
        %mul3A_799 = arith.muli %scan3A_552, %mul3A_798 : i32
        %add3A_800 = arith.constant 10 : i32
        %add3A_801 = arith.addi %mul3A_799, %add3A_800 : i32
        %add3A_802 = vector.broadcast %add3A_801 : i32 to vector<16xi32>
        %add3A_803 = arith.addi %broadcast_in_dim3A_797, %add3A_802 : vector<16xi32>
        tpu.vector_store_idx %arg8[%add3A_314, %add3A_803], %get3A_661 : memref<128x129xf32, #tpu.memory_space<vmem>>[vector<16xi32>, vector<16xi32>], vector<16xf32>,
        tpu.vector_store_idx %arg8[%add3A_317, %add3A_803], %get3A_666 : memref<128x129xf32, #tpu.memory_space<vmem>>[vector<16xi32>, vector<16xi32>], vector<16xf32>,
        %broadcast_in_dim3A_804 = arith.constant 0 : i32
        %broadcast_in_dim3A_805 = vector.broadcast %broadcast_in_dim3A_804 : i32 to vector<16xi32>
        %mul3A_806 = arith.constant 16 : i32
        %mul3A_807 = arith.muli %scan3A_552, %mul3A_806 : i32
        %add3A_808 = arith.constant 11 : i32
        %add3A_809 = arith.addi %mul3A_807, %add3A_808 : i32
        %add3A_810 = vector.broadcast %add3A_809 : i32 to vector<16xi32>
        %add3A_811 = arith.addi %broadcast_in_dim3A_805, %add3A_810 : vector<16xi32>
        tpu.vector_store_idx %arg8[%add3A_314, %add3A_811], %get3A_671 : memref<128x129xf32, #tpu.memory_space<vmem>>[vector<16xi32>, vector<16xi32>], vector<16xf32>,
        tpu.vector_store_idx %arg8[%add3A_317, %add3A_811], %get3A_676 : memref<128x129xf32, #tpu.memory_space<vmem>>[vector<16xi32>, vector<16xi32>], vector<16xf32>,
        %broadcast_in_dim3A_812 = arith.constant 0 : i32
        %broadcast_in_dim3A_813 = vector.broadcast %broadcast_in_dim3A_812 : i32 to vector<16xi32>
        %mul3A_814 = arith.constant 16 : i32
        %mul3A_815 = arith.muli %scan3A_552, %mul3A_814 : i32
        %add3A_816 = arith.constant 12 : i32
        %add3A_817 = arith.addi %mul3A_815, %add3A_816 : i32
        %add3A_818 = vector.broadcast %add3A_817 : i32 to vector<16xi32>
        %add3A_819 = arith.addi %broadcast_in_dim3A_813, %add3A_818 : vector<16xi32>
        tpu.vector_store_idx %arg8[%add3A_314, %add3A_819], %get3A_681 : memref<128x129xf32, #tpu.memory_space<vmem>>[vector<16xi32>, vector<16xi32>], vector<16xf32>,
        tpu.vector_store_idx %arg8[%add3A_317, %add3A_819], %get3A_686 : memref<128x129xf32, #tpu.memory_space<vmem>>[vector<16xi32>, vector<16xi32>], vector<16xf32>,
        %broadcast_in_dim3A_820 = arith.constant 0 : i32
        %broadcast_in_dim3A_821 = vector.broadcast %broadcast_in_dim3A_820 : i32 to vector<16xi32>
        %mul3A_822 = arith.constant 16 : i32
        %mul3A_823 = arith.muli %scan3A_552, %mul3A_822 : i32
        %add3A_824 = arith.constant 13 : i32
        %add3A_825 = arith.addi %mul3A_823, %add3A_824 : i32
        %add3A_826 = vector.broadcast %add3A_825 : i32 to vector<16xi32>
        %add3A_827 = arith.addi %broadcast_in_dim3A_821, %add3A_826 : vector<16xi32>
        tpu.vector_store_idx %arg8[%add3A_314, %add3A_827], %get3A_691 : memref<128x129xf32, #tpu.memory_space<vmem>>[vector<16xi32>, vector<16xi32>], vector<16xf32>,
        tpu.vector_store_idx %arg8[%add3A_317, %add3A_827], %get3A_696 : memref<128x129xf32, #tpu.memory_space<vmem>>[vector<16xi32>, vector<16xi32>], vector<16xf32>,
        %broadcast_in_dim3A_828 = arith.constant 0 : i32
        %broadcast_in_dim3A_829 = vector.broadcast %broadcast_in_dim3A_828 : i32 to vector<16xi32>
        %mul3A_830 = arith.constant 16 : i32
        %mul3A_831 = arith.muli %scan3A_552, %mul3A_830 : i32
        %add3A_832 = arith.constant 14 : i32
        %add3A_833 = arith.addi %mul3A_831, %add3A_832 : i32
        %add3A_834 = vector.broadcast %add3A_833 : i32 to vector<16xi32>
        %add3A_835 = arith.addi %broadcast_in_dim3A_829, %add3A_834 : vector<16xi32>
        tpu.vector_store_idx %arg8[%add3A_314, %add3A_835], %get3A_701 : memref<128x129xf32, #tpu.memory_space<vmem>>[vector<16xi32>, vector<16xi32>], vector<16xf32>,
        tpu.vector_store_idx %arg8[%add3A_317, %add3A_835], %get3A_706 : memref<128x129xf32, #tpu.memory_space<vmem>>[vector<16xi32>, vector<16xi32>], vector<16xf32>,
        %broadcast_in_dim3A_836 = arith.constant 0 : i32
        %broadcast_in_dim3A_837 = vector.broadcast %broadcast_in_dim3A_836 : i32 to vector<16xi32>
        %mul3A_838 = arith.constant 16 : i32
        %mul3A_839 = arith.muli %scan3A_552, %mul3A_838 : i32
        %add3A_840 = arith.constant 15 : i32
        %add3A_841 = arith.addi %mul3A_839, %add3A_840 : i32
        %add3A_842 = vector.broadcast %add3A_841 : i32 to vector<16xi32>
        %add3A_843 = arith.addi %broadcast_in_dim3A_837, %add3A_842 : vector<16xi32>
        tpu.vector_store_idx %arg8[%add3A_314, %add3A_843], %get3A_711 : memref<128x129xf32, #tpu.memory_space<vmem>>[vector<16xi32>, vector<16xi32>], vector<16xf32>,
        tpu.vector_store_idx %arg8[%add3A_317, %add3A_843], %get3A_716 : memref<128x129xf32, #tpu.memory_space<vmem>>[vector<16xi32>, vector<16xi32>], vector<16xf32>,
        %scan3A_844 = arith.constant 0 : i32
        scf.yield %scan3A_844 : i32
      }
      %scan3A_324 = arith.constant 8 : i32
      %mul3A_325 = arith.constant 32 : i32
      %mul3A_326 = arith.muli %mul3A_325, %add3A : i32
      %dma_start3A_327 = arith.constant 0 : i32
      %dma_start3A_328 = arith.constant 0 : i32
      %dma_start3A_329 = arith.constant 0 : i32
      %dma_start3A_330 = tpu.memref_slice %arg8[%dma_start3A_328, %dma_start3A_329] : memref<128x129xf32, #tpu.memory_space<vmem>> -> memref<32x128xf32, #tpu.memory_space<vmem>>
      %dma_start3A_331 = arith.constant 0 : i32
      %dma_start3A_332 = tpu.memref_slice %arg4[%mul3A_223, %dma_start3A_327, %mul3A_326, %dma_start3A_331] : memref<50x4x1024x128xf32, #tpu.memory_space<hbm>> -> memref<1x1x32x128xf32, #tpu.memory_space<hbm>>
      %dma_start3A_333 = tpu.memref_squeeze %dma_start3A_332 : memref<1x1x32x128xf32, #tpu.memory_space<hbm>> -> memref<32x128xf32, #tpu.memory_space<hbm>>
      %dma_start3A_334 = arith.constant 0 : i32
      %dma_start3A_335 = tpu.memref_slice %arg4[%mul3A_223, %dma_start3A_327, %mul3A_326, %dma_start3A_334] : memref<50x4x1024x128xf32, #tpu.memory_space<hbm>> -> memref<1x1x32x128xf32, #tpu.memory_space<hbm>>
      %dma_start3A_336 = tpu.memref_squeeze %dma_start3A_335 : memref<1x1x32x128xf32, #tpu.memory_space<hbm>> -> memref<32x128xf32, #tpu.memory_space<hbm>>
      %dma_start3A_337 = arith.constant 0 : i32
      %dma_start3A_338 = arith.constant 0 : i32
      %dma_start3A_339 = tpu.memref_slice %arg8[%dma_start3A_337, %dma_start3A_338] : memref<128x129xf32, #tpu.memory_space<vmem>> -> memref<32x128xf32, #tpu.memory_space<vmem>>
      tpu.enqueue_dma source(%dma_start3A_339 : memref<32x128xf32, #tpu.memory_space<vmem>>) target(%dma_start3A_336 : memref<32x128xf32, #tpu.memory_space<hbm>>) target_semaphore(%arg12 : memref<!tpu.dma_semaphore, #tpu.memory_space<semaphore_mem>>)
      %mul3A_340 = arith.constant 32 : i32
      %mul3A_341 = arith.muli %mul3A_340, %add3A : i32
      %dma_start3A_342 = arith.constant 1 : i32
      %dma_start3A_343 = arith.constant 32 : i32
      %dma_start3A_344 = arith.constant 0 : i32
      %dma_start3A_345 = tpu.memref_slice %arg8[%dma_start3A_343, %dma_start3A_344] : memref<128x129xf32, #tpu.memory_space<vmem>> -> memref<32x128xf32, #tpu.memory_space<vmem>>
      %dma_start3A_346 = arith.constant 0 : i32
      %dma_start3A_347 = tpu.memref_slice %arg4[%mul3A_223, %dma_start3A_342, %mul3A_341, %dma_start3A_346] : memref<50x4x1024x128xf32, #tpu.memory_space<hbm>> -> memref<1x1x32x128xf32, #tpu.memory_space<hbm>>
      %dma_start3A_348 = tpu.memref_squeeze %dma_start3A_347 : memref<1x1x32x128xf32, #tpu.memory_space<hbm>> -> memref<32x128xf32, #tpu.memory_space<hbm>>
      %dma_start3A_349 = arith.constant 0 : i32
      %dma_start3A_350 = tpu.memref_slice %arg4[%mul3A_223, %dma_start3A_342, %mul3A_341, %dma_start3A_349] : memref<50x4x1024x128xf32, #tpu.memory_space<hbm>> -> memref<1x1x32x128xf32, #tpu.memory_space<hbm>>
      %dma_start3A_351 = tpu.memref_squeeze %dma_start3A_350 : memref<1x1x32x128xf32, #tpu.memory_space<hbm>> -> memref<32x128xf32, #tpu.memory_space<hbm>>
      %dma_start3A_352 = arith.constant 32 : i32
      %dma_start3A_353 = arith.constant 0 : i32
      %dma_start3A_354 = tpu.memref_slice %arg8[%dma_start3A_352, %dma_start3A_353] : memref<128x129xf32, #tpu.memory_space<vmem>> -> memref<32x128xf32, #tpu.memory_space<vmem>>
      tpu.enqueue_dma source(%dma_start3A_354 : memref<32x128xf32, #tpu.memory_space<vmem>>) target(%dma_start3A_351 : memref<32x128xf32, #tpu.memory_space<hbm>>) target_semaphore(%arg12 : memref<!tpu.dma_semaphore, #tpu.memory_space<semaphore_mem>>)
      %mul3A_355 = arith.constant 32 : i32
      %mul3A_356 = arith.muli %mul3A_355, %add3A : i32
      %dma_start3A_357 = arith.constant 2 : i32
      %dma_start3A_358 = arith.constant 64 : i32
      %dma_start3A_359 = arith.constant 0 : i32
      %dma_start3A_360 = tpu.memref_slice %arg8[%dma_start3A_358, %dma_start3A_359] : memref<128x129xf32, #tpu.memory_space<vmem>> -> memref<32x128xf32, #tpu.memory_space<vmem>>
      %dma_start3A_361 = arith.constant 0 : i32
      %dma_start3A_362 = tpu.memref_slice %arg4[%mul3A_223, %dma_start3A_357, %mul3A_356, %dma_start3A_361] : memref<50x4x1024x128xf32, #tpu.memory_space<hbm>> -> memref<1x1x32x128xf32, #tpu.memory_space<hbm>>
      %dma_start3A_363 = tpu.memref_squeeze %dma_start3A_362 : memref<1x1x32x128xf32, #tpu.memory_space<hbm>> -> memref<32x128xf32, #tpu.memory_space<hbm>>
      %dma_start3A_364 = arith.constant 0 : i32
      %dma_start3A_365 = tpu.memref_slice %arg4[%mul3A_223, %dma_start3A_357, %mul3A_356, %dma_start3A_364] : memref<50x4x1024x128xf32, #tpu.memory_space<hbm>> -> memref<1x1x32x128xf32, #tpu.memory_space<hbm>>
      %dma_start3A_366 = tpu.memref_squeeze %dma_start3A_365 : memref<1x1x32x128xf32, #tpu.memory_space<hbm>> -> memref<32x128xf32, #tpu.memory_space<hbm>>
      %dma_start3A_367 = arith.constant 64 : i32
      %dma_start3A_368 = arith.constant 0 : i32
      %dma_start3A_369 = tpu.memref_slice %arg8[%dma_start3A_367, %dma_start3A_368] : memref<128x129xf32, #tpu.memory_space<vmem>> -> memref<32x128xf32, #tpu.memory_space<vmem>>
      tpu.enqueue_dma source(%dma_start3A_369 : memref<32x128xf32, #tpu.memory_space<vmem>>) target(%dma_start3A_366 : memref<32x128xf32, #tpu.memory_space<hbm>>) target_semaphore(%arg12 : memref<!tpu.dma_semaphore, #tpu.memory_space<semaphore_mem>>)
      %mul3A_370 = arith.constant 32 : i32
      %mul3A_371 = arith.muli %mul3A_370, %add3A : i32
      %dma_start3A_372 = arith.constant 3 : i32
      %dma_start3A_373 = arith.constant 96 : i32
      %dma_start3A_374 = arith.constant 0 : i32
      %dma_start3A_375 = tpu.memref_slice %arg8[%dma_start3A_373, %dma_start3A_374] : memref<128x129xf32, #tpu.memory_space<vmem>> -> memref<32x128xf32, #tpu.memory_space<vmem>>
      %dma_start3A_376 = arith.constant 0 : i32
      %dma_start3A_377 = tpu.memref_slice %arg4[%mul3A_223, %dma_start3A_372, %mul3A_371, %dma_start3A_376] : memref<50x4x1024x128xf32, #tpu.memory_space<hbm>> -> memref<1x1x32x128xf32, #tpu.memory_space<hbm>>
      %dma_start3A_378 = tpu.memref_squeeze %dma_start3A_377 : memref<1x1x32x128xf32, #tpu.memory_space<hbm>> -> memref<32x128xf32, #tpu.memory_space<hbm>>
      %dma_start3A_379 = arith.constant 0 : i32
      %dma_start3A_380 = tpu.memref_slice %arg4[%mul3A_223, %dma_start3A_372, %mul3A_371, %dma_start3A_379] : memref<50x4x1024x128xf32, #tpu.memory_space<hbm>> -> memref<1x1x32x128xf32, #tpu.memory_space<hbm>>
      %dma_start3A_381 = tpu.memref_squeeze %dma_start3A_380 : memref<1x1x32x128xf32, #tpu.memory_space<hbm>> -> memref<32x128xf32, #tpu.memory_space<hbm>>
      %dma_start3A_382 = arith.constant 96 : i32
      %dma_start3A_383 = arith.constant 0 : i32
      %dma_start3A_384 = tpu.memref_slice %arg8[%dma_start3A_382, %dma_start3A_383] : memref<128x129xf32, #tpu.memory_space<vmem>> -> memref<32x128xf32, #tpu.memory_space<vmem>>
      tpu.enqueue_dma source(%dma_start3A_384 : memref<32x128xf32, #tpu.memory_space<vmem>>) target(%dma_start3A_381 : memref<32x128xf32, #tpu.memory_space<hbm>>) target_semaphore(%arg12 : memref<!tpu.dma_semaphore, #tpu.memory_space<semaphore_mem>>)
      %add3A_385 = arith.constant 2 : i32
      %add3A_386 = arith.addi %mul3A_223, %add3A_385 : i32
      %lt3A_387 = arith.constant 50 : i32
      %lt3A_388 = arith.cmpi slt, %add3A_386, %lt3A_387 : i32
      %convert_element_type3A_389 = arith.extui %lt3A_388 : i1 to i32
      %cond3A_390 = arith.constant 0 : i32
      %cond3A_391 = arith.cmpi ne, %convert_element_type3A_389, %cond3A_390 : i32
      scf.if %cond3A_391 {
        %add3A_552 = arith.constant 2 : i32
        %add3A_553 = arith.addi %mul3A_223, %add3A_552 : i32
        %mul3A_554 = arith.constant 4 : i32
        %mul3A_555 = arith.muli %add3A_553, %mul3A_554 : i32
        %add3A_556 = arith.constant 0 : i32
        %add3A_557 = arith.addi %mul3A_555, %add3A_556 : i32
        %dma_start3A_558 = arith.constant 0 : i32
        %dma_start3A_559 = arith.constant 0 : i32
        %dma_start3A_560 = tpu.memref_slice %arg6[%dma_start3A_558, %dma_start3A_559] : memref<512x32xf32, #tpu.memory_space<vmem>> -> memref<128x32xf32, #tpu.memory_space<vmem>>
        %dma_start3A_561 = arith.constant 0 : i32
        %dma_start3A_562 = tpu.memref_slice %arg5[%add3A_557, %dma_start3A_561] : memref<200x128xi32, #tpu.memory_space<vmem>> -> memref<1x128xi32, #tpu.memory_space<vmem>>
        %dma_start3A_563 = tpu.memref_squeeze %dma_start3A_562 : memref<1x128xi32, #tpu.memory_space<vmem>> -> memref<128xi32, #tpu.memory_space<vmem>>
        %dma_start3A_564 = arith.constant 0 : i32
        %dma_start3A_565 = arith.constant 0 : i32
        %dma_start3A_566 = tpu.memref_slice %arg3[%dma_start3A_564, %dma_start3A_565] : memref<1000000x32xf32, #tpu.memory_space<hbm>> -> memref<1000000x32xf32, #tpu.memory_space<hbm>>
        tpu.enqueue_indirect_dma source(%dma_start3A_566 : memref<1000000x32xf32, #tpu.memory_space<hbm>>) target(%dma_start3A_560 : memref<128x32xf32, #tpu.memory_space<vmem>>) offsets(%dma_start3A_563 : memref<128xi32, #tpu.memory_space<vmem>>) semaphore(%arg10 : memref<!tpu.dma_semaphore, #tpu.memory_space<semaphore_mem>>)
        %mul3A_567 = arith.constant 4 : i32
        %mul3A_568 = arith.muli %add3A_553, %mul3A_567 : i32
        %add3A_569 = arith.constant 1 : i32
        %add3A_570 = arith.addi %mul3A_568, %add3A_569 : i32
        %dma_start3A_571 = arith.constant 128 : i32
        %dma_start3A_572 = arith.constant 0 : i32
        %dma_start3A_573 = tpu.memref_slice %arg6[%dma_start3A_571, %dma_start3A_572] : memref<512x32xf32, #tpu.memory_space<vmem>> -> memref<128x32xf32, #tpu.memory_space<vmem>>
        %dma_start3A_574 = arith.constant 0 : i32
        %dma_start3A_575 = tpu.memref_slice %arg5[%add3A_570, %dma_start3A_574] : memref<200x128xi32, #tpu.memory_space<vmem>> -> memref<1x128xi32, #tpu.memory_space<vmem>>
        %dma_start3A_576 = tpu.memref_squeeze %dma_start3A_575 : memref<1x128xi32, #tpu.memory_space<vmem>> -> memref<128xi32, #tpu.memory_space<vmem>>
        %dma_start3A_577 = arith.constant 0 : i32
        %dma_start3A_578 = arith.constant 0 : i32
        %dma_start3A_579 = tpu.memref_slice %arg3[%dma_start3A_577, %dma_start3A_578] : memref<1000000x32xf32, #tpu.memory_space<hbm>> -> memref<1000000x32xf32, #tpu.memory_space<hbm>>
        tpu.enqueue_indirect_dma source(%dma_start3A_579 : memref<1000000x32xf32, #tpu.memory_space<hbm>>) target(%dma_start3A_573 : memref<128x32xf32, #tpu.memory_space<vmem>>) offsets(%dma_start3A_576 : memref<128xi32, #tpu.memory_space<vmem>>) semaphore(%arg10 : memref<!tpu.dma_semaphore, #tpu.memory_space<semaphore_mem>>)
        %mul3A_580 = arith.constant 4 : i32
        %mul3A_581 = arith.muli %add3A_553, %mul3A_580 : i32
        %add3A_582 = arith.constant 2 : i32
        %add3A_583 = arith.addi %mul3A_581, %add3A_582 : i32
        %dma_start3A_584 = arith.constant 256 : i32
        %dma_start3A_585 = arith.constant 0 : i32
        %dma_start3A_586 = tpu.memref_slice %arg6[%dma_start3A_584, %dma_start3A_585] : memref<512x32xf32, #tpu.memory_space<vmem>> -> memref<128x32xf32, #tpu.memory_space<vmem>>
        %dma_start3A_587 = arith.constant 0 : i32
        %dma_start3A_588 = tpu.memref_slice %arg5[%add3A_583, %dma_start3A_587] : memref<200x128xi32, #tpu.memory_space<vmem>> -> memref<1x128xi32, #tpu.memory_space<vmem>>
        %dma_start3A_589 = tpu.memref_squeeze %dma_start3A_588 : memref<1x128xi32, #tpu.memory_space<vmem>> -> memref<128xi32, #tpu.memory_space<vmem>>
        %dma_start3A_590 = arith.constant 0 : i32
        %dma_start3A_591 = arith.constant 0 : i32
        %dma_start3A_592 = tpu.memref_slice %arg3[%dma_start3A_590, %dma_start3A_591] : memref<1000000x32xf32, #tpu.memory_space<hbm>> -> memref<1000000x32xf32, #tpu.memory_space<hbm>>
        tpu.enqueue_indirect_dma source(%dma_start3A_592 : memref<1000000x32xf32, #tpu.memory_space<hbm>>) target(%dma_start3A_586 : memref<128x32xf32, #tpu.memory_space<vmem>>) offsets(%dma_start3A_589 : memref<128xi32, #tpu.memory_space<vmem>>) semaphore(%arg10 : memref<!tpu.dma_semaphore, #tpu.memory_space<semaphore_mem>>)
        %mul3A_593 = arith.constant 4 : i32
        %mul3A_594 = arith.muli %add3A_553, %mul3A_593 : i32
        %add3A_595 = arith.constant 3 : i32
        %add3A_596 = arith.addi %mul3A_594, %add3A_595 : i32
        %dma_start3A_597 = arith.constant 384 : i32
        %dma_start3A_598 = arith.constant 0 : i32
        %dma_start3A_599 = tpu.memref_slice %arg6[%dma_start3A_597, %dma_start3A_598] : memref<512x32xf32, #tpu.memory_space<vmem>> -> memref<128x32xf32, #tpu.memory_space<vmem>>
        %dma_start3A_600 = arith.constant 0 : i32
        %dma_start3A_601 = tpu.memref_slice %arg5[%add3A_596, %dma_start3A_600] : memref<200x128xi32, #tpu.memory_space<vmem>> -> memref<1x128xi32, #tpu.memory_space<vmem>>
        %dma_start3A_602 = tpu.memref_squeeze %dma_start3A_601 : memref<1x128xi32, #tpu.memory_space<vmem>> -> memref<128xi32, #tpu.memory_space<vmem>>
        %dma_start3A_603 = arith.constant 0 : i32
        %dma_start3A_604 = arith.constant 0 : i32
        %dma_start3A_605 = tpu.memref_slice %arg3[%dma_start3A_603, %dma_start3A_604] : memref<1000000x32xf32, #tpu.memory_space<hbm>> -> memref<1000000x32xf32, #tpu.memory_space<hbm>>
        tpu.enqueue_indirect_dma source(%dma_start3A_605 : memref<1000000x32xf32, #tpu.memory_space<hbm>>) target(%dma_start3A_599 : memref<128x32xf32, #tpu.memory_space<vmem>>) offsets(%dma_start3A_602 : memref<128xi32, #tpu.memory_space<vmem>>) semaphore(%arg10 : memref<!tpu.dma_semaphore, #tpu.memory_space<semaphore_mem>>)
      } else {
      }
      %dma_wait3A_392 = arith.constant 0 : i32
      %dma_wait3A_393 = arith.constant 0 : i32
      %dma_wait3A_394 = arith.constant 0 : i32
      %dma_wait3A_395 = tpu.memref_slice %arg7[%dma_wait3A_393, %dma_wait3A_394] : memref<512x32xf32, #tpu.memory_space<vmem>> -> memref<128x32xf32, #tpu.memory_space<vmem>>
      %dma_wait3A_396 = arith.constant 0 : i32
      %dma_wait3A_397 = tpu.memref_slice %arg5[%dma_wait3A_392, %dma_wait3A_396] : memref<200x128xi32, #tpu.memory_space<vmem>> -> memref<1x128xi32, #tpu.memory_space<vmem>>
      %dma_wait3A_398 = tpu.memref_squeeze %dma_wait3A_397 : memref<1x128xi32, #tpu.memory_space<vmem>> -> memref<128xi32, #tpu.memory_space<vmem>>
      %dma_wait3A_399 = arith.constant 0 : i32
      %dma_wait3A_400 = arith.constant 0 : i32
      %dma_wait3A_401 = tpu.memref_slice %arg3[%dma_wait3A_399, %dma_wait3A_400] : memref<1000000x32xf32, #tpu.memory_space<hbm>> -> memref<1000000x32xf32, #tpu.memory_space<hbm>>
      tpu.wait_indirect_dma semaphore(%arg11 : memref<!tpu.dma_semaphore, #tpu.memory_space<semaphore_mem>>) src(%dma_wait3A_401 : memref<1000000x32xf32, #tpu.memory_space<hbm>>) dst(%dma_wait3A_395 : memref<128x32xf32, #tpu.memory_space<vmem>>)
      %dma_wait3A_402 = arith.constant 1 : i32
      %dma_wait3A_403 = arith.constant 128 : i32
      %dma_wait3A_404 = arith.constant 0 : i32
      %dma_wait3A_405 = tpu.memref_slice %arg7[%dma_wait3A_403, %dma_wait3A_404] : memref<512x32xf32, #tpu.memory_space<vmem>> -> memref<128x32xf32, #tpu.memory_space<vmem>>
      %dma_wait3A_406 = arith.constant 0 : i32
      %dma_wait3A_407 = tpu.memref_slice %arg5[%dma_wait3A_402, %dma_wait3A_406] : memref<200x128xi32, #tpu.memory_space<vmem>> -> memref<1x128xi32, #tpu.memory_space<vmem>>
      %dma_wait3A_408 = tpu.memref_squeeze %dma_wait3A_407 : memref<1x128xi32, #tpu.memory_space<vmem>> -> memref<128xi32, #tpu.memory_space<vmem>>
      %dma_wait3A_409 = arith.constant 0 : i32
      %dma_wait3A_410 = arith.constant 0 : i32
      %dma_wait3A_411 = tpu.memref_slice %arg3[%dma_wait3A_409, %dma_wait3A_410] : memref<1000000x32xf32, #tpu.memory_space<hbm>> -> memref<1000000x32xf32, #tpu.memory_space<hbm>>
      tpu.wait_indirect_dma semaphore(%arg11 : memref<!tpu.dma_semaphore, #tpu.memory_space<semaphore_mem>>) src(%dma_wait3A_411 : memref<1000000x32xf32, #tpu.memory_space<hbm>>) dst(%dma_wait3A_405 : memref<128x32xf32, #tpu.memory_space<vmem>>)
      %dma_wait3A_412 = arith.constant 2 : i32
      %dma_wait3A_413 = arith.constant 256 : i32
      %dma_wait3A_414 = arith.constant 0 : i32
      %dma_wait3A_415 = tpu.memref_slice %arg7[%dma_wait3A_413, %dma_wait3A_414] : memref<512x32xf32, #tpu.memory_space<vmem>> -> memref<128x32xf32, #tpu.memory_space<vmem>>
      %dma_wait3A_416 = arith.constant 0 : i32
      %dma_wait3A_417 = tpu.memref_slice %arg5[%dma_wait3A_412, %dma_wait3A_416] : memref<200x128xi32, #tpu.memory_space<vmem>> -> memref<1x128xi32, #tpu.memory_space<vmem>>
      %dma_wait3A_418 = tpu.memref_squeeze %dma_wait3A_417 : memref<1x128xi32, #tpu.memory_space<vmem>> -> memref<128xi32, #tpu.memory_space<vmem>>
      %dma_wait3A_419 = arith.constant 0 : i32
      %dma_wait3A_420 = arith.constant 0 : i32
      %dma_wait3A_421 = tpu.memref_slice %arg3[%dma_wait3A_419, %dma_wait3A_420] : memref<1000000x32xf32, #tpu.memory_space<hbm>> -> memref<1000000x32xf32, #tpu.memory_space<hbm>>
      tpu.wait_indirect_dma semaphore(%arg11 : memref<!tpu.dma_semaphore, #tpu.memory_space<semaphore_mem>>) src(%dma_wait3A_421 : memref<1000000x32xf32, #tpu.memory_space<hbm>>) dst(%dma_wait3A_415 : memref<128x32xf32, #tpu.memory_space<vmem>>)
      %dma_wait3A_422 = arith.constant 3 : i32
      %dma_wait3A_423 = arith.constant 384 : i32
      %dma_wait3A_424 = arith.constant 0 : i32
      %dma_wait3A_425 = tpu.memref_slice %arg7[%dma_wait3A_423, %dma_wait3A_424] : memref<512x32xf32, #tpu.memory_space<vmem>> -> memref<128x32xf32, #tpu.memory_space<vmem>>
      %dma_wait3A_426 = arith.constant 0 : i32
      %dma_wait3A_427 = tpu.memref_slice %arg5[%dma_wait3A_422, %dma_wait3A_426] : memref<200x128xi32, #tpu.memory_space<vmem>> -> memref<1x128xi32, #tpu.memory_space<vmem>>
      %dma_wait3A_428 = tpu.memref_squeeze %dma_wait3A_427 : memref<1x128xi32, #tpu.memory_space<vmem>> -> memref<128xi32, #tpu.memory_space<vmem>>
      %dma_wait3A_429 = arith.constant 0 : i32
      %dma_wait3A_430 = arith.constant 0 : i32
      %dma_wait3A_431 = tpu.memref_slice %arg3[%dma_wait3A_429, %dma_wait3A_430] : memref<1000000x32xf32, #tpu.memory_space<hbm>> -> memref<1000000x32xf32, #tpu.memory_space<hbm>>
      tpu.wait_indirect_dma semaphore(%arg11 : memref<!tpu.dma_semaphore, #tpu.memory_space<semaphore_mem>>) src(%dma_wait3A_431 : memref<1000000x32xf32, #tpu.memory_space<hbm>>) dst(%dma_wait3A_425 : memref<128x32xf32, #tpu.memory_space<vmem>>)
      %gt3A_432 = arith.constant 0 : i32
      %gt3A_433 = arith.cmpi sgt, %scan3A_220, %gt3A_432 : i32
      %convert_element_type3A_434 = arith.extui %gt3A_433 : i1 to i32
      %cond3A_435 = arith.constant 0 : i32
      %cond3A_436 = arith.cmpi ne, %convert_element_type3A_434, %cond3A_435 : i32
      scf.if %cond3A_436 {
        %mul3A_552 = arith.constant 32 : i32
        %mul3A_553 = arith.muli %mul3A_552, %add3A : i32
        %dma_wait3A_554 = arith.constant 0 : i32
        %dma_wait3A_555 = arith.constant 0 : i32
        %dma_wait3A_556 = arith.constant 0 : i32
        %dma_wait3A_557 = arith.constant 0 : i32
        %dma_wait3A_558 = tpu.memref_slice %arg9[%dma_wait3A_556, %dma_wait3A_557] : memref<128x129xf32, #tpu.memory_space<vmem>> -> memref<32x128xf32, #tpu.memory_space<vmem>>
        %dma_wait3A_559 = arith.constant 0 : i32
        %dma_wait3A_560 = tpu.memref_slice %arg4[%dma_wait3A_554, %dma_wait3A_555, %mul3A_553, %dma_wait3A_559] : memref<50x4x1024x128xf32, #tpu.memory_space<hbm>> -> memref<1x1x32x128xf32, #tpu.memory_space<hbm>>
        %dma_wait3A_561 = tpu.memref_squeeze %dma_wait3A_560 : memref<1x1x32x128xf32, #tpu.memory_space<hbm>> -> memref<32x128xf32, #tpu.memory_space<hbm>>
        %dma_wait3A_562 = arith.constant 0 : i32
        %dma_wait3A_563 = tpu.memref_slice %arg4[%dma_wait3A_554, %dma_wait3A_555, %mul3A_553, %dma_wait3A_562] : memref<50x4x1024x128xf32, #tpu.memory_space<hbm>> -> memref<1x1x32x128xf32, #tpu.memory_space<hbm>>
        %dma_wait3A_564 = tpu.memref_squeeze %dma_wait3A_563 : memref<1x1x32x128xf32, #tpu.memory_space<hbm>> -> memref<32x128xf32, #tpu.memory_space<hbm>>
        %dma_wait3A_565 = arith.constant 0 : i32
        %dma_wait3A_566 = arith.constant 0 : i32
        %dma_wait3A_567 = tpu.memref_slice %arg9[%dma_wait3A_565, %dma_wait3A_566] : memref<128x129xf32, #tpu.memory_space<vmem>> -> memref<32x128xf32, #tpu.memory_space<vmem>>
        tpu.wait_dma2 semaphore(%arg13 : memref<!tpu.dma_semaphore, #tpu.memory_space<semaphore_mem>>) src(%dma_wait3A_567 : memref<32x128xf32, #tpu.memory_space<vmem>>) dst(%dma_wait3A_564 : memref<32x128xf32, #tpu.memory_space<hbm>>)
        %mul3A_568 = arith.constant 32 : i32
        %mul3A_569 = arith.muli %mul3A_568, %add3A : i32
        %dma_wait3A_570 = arith.constant 0 : i32
        %dma_wait3A_571 = arith.constant 1 : i32
        %dma_wait3A_572 = arith.constant 32 : i32
        %dma_wait3A_573 = arith.constant 0 : i32
        %dma_wait3A_574 = tpu.memref_slice %arg9[%dma_wait3A_572, %dma_wait3A_573] : memref<128x129xf32, #tpu.memory_space<vmem>> -> memref<32x128xf32, #tpu.memory_space<vmem>>
        %dma_wait3A_575 = arith.constant 0 : i32
        %dma_wait3A_576 = tpu.memref_slice %arg4[%dma_wait3A_570, %dma_wait3A_571, %mul3A_569, %dma_wait3A_575] : memref<50x4x1024x128xf32, #tpu.memory_space<hbm>> -> memref<1x1x32x128xf32, #tpu.memory_space<hbm>>
        %dma_wait3A_577 = tpu.memref_squeeze %dma_wait3A_576 : memref<1x1x32x128xf32, #tpu.memory_space<hbm>> -> memref<32x128xf32, #tpu.memory_space<hbm>>
        %dma_wait3A_578 = arith.constant 0 : i32
        %dma_wait3A_579 = tpu.memref_slice %arg4[%dma_wait3A_570, %dma_wait3A_571, %mul3A_569, %dma_wait3A_578] : memref<50x4x1024x128xf32, #tpu.memory_space<hbm>> -> memref<1x1x32x128xf32, #tpu.memory_space<hbm>>
        %dma_wait3A_580 = tpu.memref_squeeze %dma_wait3A_579 : memref<1x1x32x128xf32, #tpu.memory_space<hbm>> -> memref<32x128xf32, #tpu.memory_space<hbm>>
        %dma_wait3A_581 = arith.constant 32 : i32
        %dma_wait3A_582 = arith.constant 0 : i32
        %dma_wait3A_583 = tpu.memref_slice %arg9[%dma_wait3A_581, %dma_wait3A_582] : memref<128x129xf32, #tpu.memory_space<vmem>> -> memref<32x128xf32, #tpu.memory_space<vmem>>
        tpu.wait_dma2 semaphore(%arg13 : memref<!tpu.dma_semaphore, #tpu.memory_space<semaphore_mem>>) src(%dma_wait3A_583 : memref<32x128xf32, #tpu.memory_space<vmem>>) dst(%dma_wait3A_580 : memref<32x128xf32, #tpu.memory_space<hbm>>)
        %mul3A_584 = arith.constant 32 : i32
        %mul3A_585 = arith.muli %mul3A_584, %add3A : i32
        %dma_wait3A_586 = arith.constant 0 : i32
        %dma_wait3A_587 = arith.constant 2 : i32
        %dma_wait3A_588 = arith.constant 64 : i32
        %dma_wait3A_589 = arith.constant 0 : i32
        %dma_wait3A_590 = tpu.memref_slice %arg9[%dma_wait3A_588, %dma_wait3A_589] : memref<128x129xf32, #tpu.memory_space<vmem>> -> memref<32x128xf32, #tpu.memory_space<vmem>>
        %dma_wait3A_591 = arith.constant 0 : i32
        %dma_wait3A_592 = tpu.memref_slice %arg4[%dma_wait3A_586, %dma_wait3A_587, %mul3A_585, %dma_wait3A_591] : memref<50x4x1024x128xf32, #tpu.memory_space<hbm>> -> memref<1x1x32x128xf32, #tpu.memory_space<hbm>>
        %dma_wait3A_593 = tpu.memref_squeeze %dma_wait3A_592 : memref<1x1x32x128xf32, #tpu.memory_space<hbm>> -> memref<32x128xf32, #tpu.memory_space<hbm>>
        %dma_wait3A_594 = arith.constant 0 : i32
        %dma_wait3A_595 = tpu.memref_slice %arg4[%dma_wait3A_586, %dma_wait3A_587, %mul3A_585, %dma_wait3A_594] : memref<50x4x1024x128xf32, #tpu.memory_space<hbm>> -> memref<1x1x32x128xf32, #tpu.memory_space<hbm>>
        %dma_wait3A_596 = tpu.memref_squeeze %dma_wait3A_595 : memref<1x1x32x128xf32, #tpu.memory_space<hbm>> -> memref<32x128xf32, #tpu.memory_space<hbm>>
        %dma_wait3A_597 = arith.constant 64 : i32
        %dma_wait3A_598 = arith.constant 0 : i32
        %dma_wait3A_599 = tpu.memref_slice %arg9[%dma_wait3A_597, %dma_wait3A_598] : memref<128x129xf32, #tpu.memory_space<vmem>> -> memref<32x128xf32, #tpu.memory_space<vmem>>
        tpu.wait_dma2 semaphore(%arg13 : memref<!tpu.dma_semaphore, #tpu.memory_space<semaphore_mem>>) src(%dma_wait3A_599 : memref<32x128xf32, #tpu.memory_space<vmem>>) dst(%dma_wait3A_596 : memref<32x128xf32, #tpu.memory_space<hbm>>)
        %mul3A_600 = arith.constant 32 : i32
        %mul3A_601 = arith.muli %mul3A_600, %add3A : i32
        %dma_wait3A_602 = arith.constant 0 : i32
        %dma_wait3A_603 = arith.constant 3 : i32
        %dma_wait3A_604 = arith.constant 96 : i32
        %dma_wait3A_605 = arith.constant 0 : i32
        %dma_wait3A_606 = tpu.memref_slice %arg9[%dma_wait3A_604, %dma_wait3A_605] : memref<128x129xf32, #tpu.memory_space<vmem>> -> memref<32x128xf32, #tpu.memory_space<vmem>>
        %dma_wait3A_607 = arith.constant 0 : i32
        %dma_wait3A_608 = tpu.memref_slice %arg4[%dma_wait3A_602, %dma_wait3A_603, %mul3A_601, %dma_wait3A_607] : memref<50x4x1024x128xf32, #tpu.memory_space<hbm>> -> memref<1x1x32x128xf32, #tpu.memory_space<hbm>>
        %dma_wait3A_609 = tpu.memref_squeeze %dma_wait3A_608 : memref<1x1x32x128xf32, #tpu.memory_space<hbm>> -> memref<32x128xf32, #tpu.memory_space<hbm>>
        %dma_wait3A_610 = arith.constant 0 : i32
        %dma_wait3A_611 = tpu.memref_slice %arg4[%dma_wait3A_602, %dma_wait3A_603, %mul3A_601, %dma_wait3A_610] : memref<50x4x1024x128xf32, #tpu.memory_space<hbm>> -> memref<1x1x32x128xf32, #tpu.memory_space<hbm>>
        %dma_wait3A_612 = tpu.memref_squeeze %dma_wait3A_611 : memref<1x1x32x128xf32, #tpu.memory_space<hbm>> -> memref<32x128xf32, #tpu.memory_space<hbm>>
        %dma_wait3A_613 = arith.constant 96 : i32
        %dma_wait3A_614 = arith.constant 0 : i32
        %dma_wait3A_615 = tpu.memref_slice %arg9[%dma_wait3A_613, %dma_wait3A_614] : memref<128x129xf32, #tpu.memory_space<vmem>> -> memref<32x128xf32, #tpu.memory_space<vmem>>
        tpu.wait_dma2 semaphore(%arg13 : memref<!tpu.dma_semaphore, #tpu.memory_space<semaphore_mem>>) src(%dma_wait3A_615 : memref<32x128xf32, #tpu.memory_space<vmem>>) dst(%dma_wait3A_612 : memref<32x128xf32, #tpu.memory_space<hbm>>)
      } else {
      }
      %add3A_437 = arith.constant 0 : i32
      %add3A_438 = vector.broadcast %add3A_437 : i32 to vector<16xi32>
      %add3A_439 = arith.addi %add3A_47, %add3A_438 : vector<16xi32>
      %add3A_440 = arith.constant 64 : i32
      %add3A_441 = vector.broadcast %add3A_440 : i32 to vector<16xi32>
      %add3A_442 = arith.addi %add3A_47, %add3A_441 : vector<16xi32>
      %scan3A_443 = arith.constant 0 : i32
      %scan3A_444 = arith.constant 0 : i32
      %scan3A_445 = arith.constant 8 : i32
      %scan3A_446 = arith.addi %scan3A_444, %scan3A_445 : i32
      %scan3A_447 = arith.constant 1 : i32
      %scan3A_448 = scf.for %scan3A_552 = %scan3A_444 to %scan3A_446 step %scan3A_447 iter_args(%scan3A_553 = %scan3A_443) -> (i32)  : i32 {
        %mul3A_554 = arith.constant 16 : i32
        %mul3A_555 = arith.muli %scan3A_552, %mul3A_554 : i32
        %add3A_556 = arith.constant 0 : i32
        %add3A_557 = arith.addi %add3A_556, %mul3A_555 : i32
        %add3A_558 = arith.constant 0 : i32
        %add3A_559 = arith.addi %add3A_557, %add3A_558 : i32
        %get3A = arith.index_cast %add3A_559 : i32 to index
        %get3A_560 = arith.constant 0 : index
        %get3A_561 = tpu.vector_load %arg7[%get3A, %get3A_560] {strides = array<i32>} : memref<512x32xf32, #tpu.memory_space<vmem>>, vector<16xf32>,
        %add3A_562 = arith.constant 0 : i32
        %add3A_563 = arith.addi %add3A_557, %add3A_562 : i32
        %get3A_564 = arith.index_cast %add3A_563 : i32 to index
        %get3A_565 = arith.constant 16 : index
        %get3A_566 = tpu.vector_load %arg7[%get3A_564, %get3A_565] {strides = array<i32>} : memref<512x32xf32, #tpu.memory_space<vmem>>, vector<16xf32>,
        %add3A_567 = arith.constant 1 : i32
        %add3A_568 = arith.addi %add3A_557, %add3A_567 : i32
        %get3A_569 = arith.index_cast %add3A_568 : i32 to index
        %get3A_570 = arith.constant 0 : index
        %get3A_571 = tpu.vector_load %arg7[%get3A_569, %get3A_570] {strides = array<i32>} : memref<512x32xf32, #tpu.memory_space<vmem>>, vector<16xf32>,
        %add3A_572 = arith.constant 1 : i32
        %add3A_573 = arith.addi %add3A_557, %add3A_572 : i32
        %get3A_574 = arith.index_cast %add3A_573 : i32 to index
        %get3A_575 = arith.constant 16 : index
        %get3A_576 = tpu.vector_load %arg7[%get3A_574, %get3A_575] {strides = array<i32>} : memref<512x32xf32, #tpu.memory_space<vmem>>, vector<16xf32>,
        %add3A_577 = arith.constant 2 : i32
        %add3A_578 = arith.addi %add3A_557, %add3A_577 : i32
        %get3A_579 = arith.index_cast %add3A_578 : i32 to index
        %get3A_580 = arith.constant 0 : index
        %get3A_581 = tpu.vector_load %arg7[%get3A_579, %get3A_580] {strides = array<i32>} : memref<512x32xf32, #tpu.memory_space<vmem>>, vector<16xf32>,
        %add3A_582 = arith.constant 2 : i32
        %add3A_583 = arith.addi %add3A_557, %add3A_582 : i32
        %get3A_584 = arith.index_cast %add3A_583 : i32 to index
        %get3A_585 = arith.constant 16 : index
        %get3A_586 = tpu.vector_load %arg7[%get3A_584, %get3A_585] {strides = array<i32>} : memref<512x32xf32, #tpu.memory_space<vmem>>, vector<16xf32>,
        %add3A_587 = arith.constant 3 : i32
        %add3A_588 = arith.addi %add3A_557, %add3A_587 : i32
        %get3A_589 = arith.index_cast %add3A_588 : i32 to index
        %get3A_590 = arith.constant 0 : index
        %get3A_591 = tpu.vector_load %arg7[%get3A_589, %get3A_590] {strides = array<i32>} : memref<512x32xf32, #tpu.memory_space<vmem>>, vector<16xf32>,
        %add3A_592 = arith.constant 3 : i32
        %add3A_593 = arith.addi %add3A_557, %add3A_592 : i32
        %get3A_594 = arith.index_cast %add3A_593 : i32 to index
        %get3A_595 = arith.constant 16 : index
        %get3A_596 = tpu.vector_load %arg7[%get3A_594, %get3A_595] {strides = array<i32>} : memref<512x32xf32, #tpu.memory_space<vmem>>, vector<16xf32>,
        %add3A_597 = arith.constant 4 : i32
        %add3A_598 = arith.addi %add3A_557, %add3A_597 : i32
        %get3A_599 = arith.index_cast %add3A_598 : i32 to index
        %get3A_600 = arith.constant 0 : index
        %get3A_601 = tpu.vector_load %arg7[%get3A_599, %get3A_600] {strides = array<i32>} : memref<512x32xf32, #tpu.memory_space<vmem>>, vector<16xf32>,
        %add3A_602 = arith.constant 4 : i32
        %add3A_603 = arith.addi %add3A_557, %add3A_602 : i32
        %get3A_604 = arith.index_cast %add3A_603 : i32 to index
        %get3A_605 = arith.constant 16 : index
        %get3A_606 = tpu.vector_load %arg7[%get3A_604, %get3A_605] {strides = array<i32>} : memref<512x32xf32, #tpu.memory_space<vmem>>, vector<16xf32>,
        %add3A_607 = arith.constant 5 : i32
        %add3A_608 = arith.addi %add3A_557, %add3A_607 : i32
        %get3A_609 = arith.index_cast %add3A_608 : i32 to index
        %get3A_610 = arith.constant 0 : index
        %get3A_611 = tpu.vector_load %arg7[%get3A_609, %get3A_610] {strides = array<i32>} : memref<512x32xf32, #tpu.memory_space<vmem>>, vector<16xf32>,
        %add3A_612 = arith.constant 5 : i32
        %add3A_613 = arith.addi %add3A_557, %add3A_612 : i32
        %get3A_614 = arith.index_cast %add3A_613 : i32 to index
        %get3A_615 = arith.constant 16 : index
        %get3A_616 = tpu.vector_load %arg7[%get3A_614, %get3A_615] {strides = array<i32>} : memref<512x32xf32, #tpu.memory_space<vmem>>, vector<16xf32>,
        %add3A_617 = arith.constant 6 : i32
        %add3A_618 = arith.addi %add3A_557, %add3A_617 : i32
        %get3A_619 = arith.index_cast %add3A_618 : i32 to index
        %get3A_620 = arith.constant 0 : index
        %get3A_621 = tpu.vector_load %arg7[%get3A_619, %get3A_620] {strides = array<i32>} : memref<512x32xf32, #tpu.memory_space<vmem>>, vector<16xf32>,
        %add3A_622 = arith.constant 6 : i32
        %add3A_623 = arith.addi %add3A_557, %add3A_622 : i32
        %get3A_624 = arith.index_cast %add3A_623 : i32 to index
        %get3A_625 = arith.constant 16 : index
        %get3A_626 = tpu.vector_load %arg7[%get3A_624, %get3A_625] {strides = array<i32>} : memref<512x32xf32, #tpu.memory_space<vmem>>, vector<16xf32>,
        %add3A_627 = arith.constant 7 : i32
        %add3A_628 = arith.addi %add3A_557, %add3A_627 : i32
        %get3A_629 = arith.index_cast %add3A_628 : i32 to index
        %get3A_630 = arith.constant 0 : index
        %get3A_631 = tpu.vector_load %arg7[%get3A_629, %get3A_630] {strides = array<i32>} : memref<512x32xf32, #tpu.memory_space<vmem>>, vector<16xf32>,
        %add3A_632 = arith.constant 7 : i32
        %add3A_633 = arith.addi %add3A_557, %add3A_632 : i32
        %get3A_634 = arith.index_cast %add3A_633 : i32 to index
        %get3A_635 = arith.constant 16 : index
        %get3A_636 = tpu.vector_load %arg7[%get3A_634, %get3A_635] {strides = array<i32>} : memref<512x32xf32, #tpu.memory_space<vmem>>, vector<16xf32>,
        %add3A_637 = arith.constant 8 : i32
        %add3A_638 = arith.addi %add3A_557, %add3A_637 : i32
        %get3A_639 = arith.index_cast %add3A_638 : i32 to index
        %get3A_640 = arith.constant 0 : index
        %get3A_641 = tpu.vector_load %arg7[%get3A_639, %get3A_640] {strides = array<i32>} : memref<512x32xf32, #tpu.memory_space<vmem>>, vector<16xf32>,
        %add3A_642 = arith.constant 8 : i32
        %add3A_643 = arith.addi %add3A_557, %add3A_642 : i32
        %get3A_644 = arith.index_cast %add3A_643 : i32 to index
        %get3A_645 = arith.constant 16 : index
        %get3A_646 = tpu.vector_load %arg7[%get3A_644, %get3A_645] {strides = array<i32>} : memref<512x32xf32, #tpu.memory_space<vmem>>, vector<16xf32>,
        %add3A_647 = arith.constant 9 : i32
        %add3A_648 = arith.addi %add3A_557, %add3A_647 : i32
        %get3A_649 = arith.index_cast %add3A_648 : i32 to index
        %get3A_650 = arith.constant 0 : index
        %get3A_651 = tpu.vector_load %arg7[%get3A_649, %get3A_650] {strides = array<i32>} : memref<512x32xf32, #tpu.memory_space<vmem>>, vector<16xf32>,
        %add3A_652 = arith.constant 9 : i32
        %add3A_653 = arith.addi %add3A_557, %add3A_652 : i32
        %get3A_654 = arith.index_cast %add3A_653 : i32 to index
        %get3A_655 = arith.constant 16 : index
        %get3A_656 = tpu.vector_load %arg7[%get3A_654, %get3A_655] {strides = array<i32>} : memref<512x32xf32, #tpu.memory_space<vmem>>, vector<16xf32>,
        %add3A_657 = arith.constant 10 : i32
        %add3A_658 = arith.addi %add3A_557, %add3A_657 : i32
        %get3A_659 = arith.index_cast %add3A_658 : i32 to index
        %get3A_660 = arith.constant 0 : index
        %get3A_661 = tpu.vector_load %arg7[%get3A_659, %get3A_660] {strides = array<i32>} : memref<512x32xf32, #tpu.memory_space<vmem>>, vector<16xf32>,
        %add3A_662 = arith.constant 10 : i32
        %add3A_663 = arith.addi %add3A_557, %add3A_662 : i32
        %get3A_664 = arith.index_cast %add3A_663 : i32 to index
        %get3A_665 = arith.constant 16 : index
        %get3A_666 = tpu.vector_load %arg7[%get3A_664, %get3A_665] {strides = array<i32>} : memref<512x32xf32, #tpu.memory_space<vmem>>, vector<16xf32>,
        %add3A_667 = arith.constant 11 : i32
        %add3A_668 = arith.addi %add3A_557, %add3A_667 : i32
        %get3A_669 = arith.index_cast %add3A_668 : i32 to index
        %get3A_670 = arith.constant 0 : index
        %get3A_671 = tpu.vector_load %arg7[%get3A_669, %get3A_670] {strides = array<i32>} : memref<512x32xf32, #tpu.memory_space<vmem>>, vector<16xf32>,
        %add3A_672 = arith.constant 11 : i32
        %add3A_673 = arith.addi %add3A_557, %add3A_672 : i32
        %get3A_674 = arith.index_cast %add3A_673 : i32 to index
        %get3A_675 = arith.constant 16 : index
        %get3A_676 = tpu.vector_load %arg7[%get3A_674, %get3A_675] {strides = array<i32>} : memref<512x32xf32, #tpu.memory_space<vmem>>, vector<16xf32>,
        %add3A_677 = arith.constant 12 : i32
        %add3A_678 = arith.addi %add3A_557, %add3A_677 : i32
        %get3A_679 = arith.index_cast %add3A_678 : i32 to index
        %get3A_680 = arith.constant 0 : index
        %get3A_681 = tpu.vector_load %arg7[%get3A_679, %get3A_680] {strides = array<i32>} : memref<512x32xf32, #tpu.memory_space<vmem>>, vector<16xf32>,
        %add3A_682 = arith.constant 12 : i32
        %add3A_683 = arith.addi %add3A_557, %add3A_682 : i32
        %get3A_684 = arith.index_cast %add3A_683 : i32 to index
        %get3A_685 = arith.constant 16 : index
        %get3A_686 = tpu.vector_load %arg7[%get3A_684, %get3A_685] {strides = array<i32>} : memref<512x32xf32, #tpu.memory_space<vmem>>, vector<16xf32>,
        %add3A_687 = arith.constant 13 : i32
        %add3A_688 = arith.addi %add3A_557, %add3A_687 : i32
        %get3A_689 = arith.index_cast %add3A_688 : i32 to index
        %get3A_690 = arith.constant 0 : index
        %get3A_691 = tpu.vector_load %arg7[%get3A_689, %get3A_690] {strides = array<i32>} : memref<512x32xf32, #tpu.memory_space<vmem>>, vector<16xf32>,
        %add3A_692 = arith.constant 13 : i32
        %add3A_693 = arith.addi %add3A_557, %add3A_692 : i32
        %get3A_694 = arith.index_cast %add3A_693 : i32 to index
        %get3A_695 = arith.constant 16 : index
        %get3A_696 = tpu.vector_load %arg7[%get3A_694, %get3A_695] {strides = array<i32>} : memref<512x32xf32, #tpu.memory_space<vmem>>, vector<16xf32>,
        %add3A_697 = arith.constant 14 : i32
        %add3A_698 = arith.addi %add3A_557, %add3A_697 : i32
        %get3A_699 = arith.index_cast %add3A_698 : i32 to index
        %get3A_700 = arith.constant 0 : index
        %get3A_701 = tpu.vector_load %arg7[%get3A_699, %get3A_700] {strides = array<i32>} : memref<512x32xf32, #tpu.memory_space<vmem>>, vector<16xf32>,
        %add3A_702 = arith.constant 14 : i32
        %add3A_703 = arith.addi %add3A_557, %add3A_702 : i32
        %get3A_704 = arith.index_cast %add3A_703 : i32 to index
        %get3A_705 = arith.constant 16 : index
        %get3A_706 = tpu.vector_load %arg7[%get3A_704, %get3A_705] {strides = array<i32>} : memref<512x32xf32, #tpu.memory_space<vmem>>, vector<16xf32>,
        %add3A_707 = arith.constant 15 : i32
        %add3A_708 = arith.addi %add3A_557, %add3A_707 : i32
        %get3A_709 = arith.index_cast %add3A_708 : i32 to index
        %get3A_710 = arith.constant 0 : index
        %get3A_711 = tpu.vector_load %arg7[%get3A_709, %get3A_710] {strides = array<i32>} : memref<512x32xf32, #tpu.memory_space<vmem>>, vector<16xf32>,
        %add3A_712 = arith.constant 15 : i32
        %add3A_713 = arith.addi %add3A_557, %add3A_712 : i32
        %get3A_714 = arith.index_cast %add3A_713 : i32 to index
        %get3A_715 = arith.constant 16 : index
        %get3A_716 = tpu.vector_load %arg7[%get3A_714, %get3A_715] {strides = array<i32>} : memref<512x32xf32, #tpu.memory_space<vmem>>, vector<16xf32>,
        %broadcast_in_dim3A = arith.constant 0 : i32
        %broadcast_in_dim3A_717 = vector.broadcast %broadcast_in_dim3A : i32 to vector<16xi32>
        %mul3A_718 = arith.constant 16 : i32
        %mul3A_719 = arith.muli %scan3A_552, %mul3A_718 : i32
        %add3A_720 = arith.constant 0 : i32
        %add3A_721 = arith.addi %mul3A_719, %add3A_720 : i32
        %add3A_722 = vector.broadcast %add3A_721 : i32 to vector<16xi32>
        %add3A_723 = arith.addi %broadcast_in_dim3A_717, %add3A_722 : vector<16xi32>
        tpu.vector_store_idx %arg9[%add3A_439, %add3A_723], %get3A_561 : memref<128x129xf32, #tpu.memory_space<vmem>>[vector<16xi32>, vector<16xi32>], vector<16xf32>,
        tpu.vector_store_idx %arg9[%add3A_442, %add3A_723], %get3A_566 : memref<128x129xf32, #tpu.memory_space<vmem>>[vector<16xi32>, vector<16xi32>], vector<16xf32>,
        %broadcast_in_dim3A_724 = arith.constant 0 : i32
        %broadcast_in_dim3A_725 = vector.broadcast %broadcast_in_dim3A_724 : i32 to vector<16xi32>
        %mul3A_726 = arith.constant 16 : i32
        %mul3A_727 = arith.muli %scan3A_552, %mul3A_726 : i32
        %add3A_728 = arith.constant 1 : i32
        %add3A_729 = arith.addi %mul3A_727, %add3A_728 : i32
        %add3A_730 = vector.broadcast %add3A_729 : i32 to vector<16xi32>
        %add3A_731 = arith.addi %broadcast_in_dim3A_725, %add3A_730 : vector<16xi32>
        tpu.vector_store_idx %arg9[%add3A_439, %add3A_731], %get3A_571 : memref<128x129xf32, #tpu.memory_space<vmem>>[vector<16xi32>, vector<16xi32>], vector<16xf32>,
        tpu.vector_store_idx %arg9[%add3A_442, %add3A_731], %get3A_576 : memref<128x129xf32, #tpu.memory_space<vmem>>[vector<16xi32>, vector<16xi32>], vector<16xf32>,
        %broadcast_in_dim3A_732 = arith.constant 0 : i32
        %broadcast_in_dim3A_733 = vector.broadcast %broadcast_in_dim3A_732 : i32 to vector<16xi32>
        %mul3A_734 = arith.constant 16 : i32
        %mul3A_735 = arith.muli %scan3A_552, %mul3A_734 : i32
        %add3A_736 = arith.constant 2 : i32
        %add3A_737 = arith.addi %mul3A_735, %add3A_736 : i32
        %add3A_738 = vector.broadcast %add3A_737 : i32 to vector<16xi32>
        %add3A_739 = arith.addi %broadcast_in_dim3A_733, %add3A_738 : vector<16xi32>
        tpu.vector_store_idx %arg9[%add3A_439, %add3A_739], %get3A_581 : memref<128x129xf32, #tpu.memory_space<vmem>>[vector<16xi32>, vector<16xi32>], vector<16xf32>,
        tpu.vector_store_idx %arg9[%add3A_442, %add3A_739], %get3A_586 : memref<128x129xf32, #tpu.memory_space<vmem>>[vector<16xi32>, vector<16xi32>], vector<16xf32>,
        %broadcast_in_dim3A_740 = arith.constant 0 : i32
        %broadcast_in_dim3A_741 = vector.broadcast %broadcast_in_dim3A_740 : i32 to vector<16xi32>
        %mul3A_742 = arith.constant 16 : i32
        %mul3A_743 = arith.muli %scan3A_552, %mul3A_742 : i32
        %add3A_744 = arith.constant 3 : i32
        %add3A_745 = arith.addi %mul3A_743, %add3A_744 : i32
        %add3A_746 = vector.broadcast %add3A_745 : i32 to vector<16xi32>
        %add3A_747 = arith.addi %broadcast_in_dim3A_741, %add3A_746 : vector<16xi32>
        tpu.vector_store_idx %arg9[%add3A_439, %add3A_747], %get3A_591 : memref<128x129xf32, #tpu.memory_space<vmem>>[vector<16xi32>, vector<16xi32>], vector<16xf32>,
        tpu.vector_store_idx %arg9[%add3A_442, %add3A_747], %get3A_596 : memref<128x129xf32, #tpu.memory_space<vmem>>[vector<16xi32>, vector<16xi32>], vector<16xf32>,
        %broadcast_in_dim3A_748 = arith.constant 0 : i32
        %broadcast_in_dim3A_749 = vector.broadcast %broadcast_in_dim3A_748 : i32 to vector<16xi32>
        %mul3A_750 = arith.constant 16 : i32
        %mul3A_751 = arith.muli %scan3A_552, %mul3A_750 : i32
        %add3A_752 = arith.constant 4 : i32
        %add3A_753 = arith.addi %mul3A_751, %add3A_752 : i32
        %add3A_754 = vector.broadcast %add3A_753 : i32 to vector<16xi32>
        %add3A_755 = arith.addi %broadcast_in_dim3A_749, %add3A_754 : vector<16xi32>
        tpu.vector_store_idx %arg9[%add3A_439, %add3A_755], %get3A_601 : memref<128x129xf32, #tpu.memory_space<vmem>>[vector<16xi32>, vector<16xi32>], vector<16xf32>,
        tpu.vector_store_idx %arg9[%add3A_442, %add3A_755], %get3A_606 : memref<128x129xf32, #tpu.memory_space<vmem>>[vector<16xi32>, vector<16xi32>], vector<16xf32>,
        %broadcast_in_dim3A_756 = arith.constant 0 : i32
        %broadcast_in_dim3A_757 = vector.broadcast %broadcast_in_dim3A_756 : i32 to vector<16xi32>
        %mul3A_758 = arith.constant 16 : i32
        %mul3A_759 = arith.muli %scan3A_552, %mul3A_758 : i32
        %add3A_760 = arith.constant 5 : i32
        %add3A_761 = arith.addi %mul3A_759, %add3A_760 : i32
        %add3A_762 = vector.broadcast %add3A_761 : i32 to vector<16xi32>
        %add3A_763 = arith.addi %broadcast_in_dim3A_757, %add3A_762 : vector<16xi32>
        tpu.vector_store_idx %arg9[%add3A_439, %add3A_763], %get3A_611 : memref<128x129xf32, #tpu.memory_space<vmem>>[vector<16xi32>, vector<16xi32>], vector<16xf32>,
        tpu.vector_store_idx %arg9[%add3A_442, %add3A_763], %get3A_616 : memref<128x129xf32, #tpu.memory_space<vmem>>[vector<16xi32>, vector<16xi32>], vector<16xf32>,
        %broadcast_in_dim3A_764 = arith.constant 0 : i32
        %broadcast_in_dim3A_765 = vector.broadcast %broadcast_in_dim3A_764 : i32 to vector<16xi32>
        %mul3A_766 = arith.constant 16 : i32
        %mul3A_767 = arith.muli %scan3A_552, %mul3A_766 : i32
        %add3A_768 = arith.constant 6 : i32
        %add3A_769 = arith.addi %mul3A_767, %add3A_768 : i32
        %add3A_770 = vector.broadcast %add3A_769 : i32 to vector<16xi32>
        %add3A_771 = arith.addi %broadcast_in_dim3A_765, %add3A_770 : vector<16xi32>
        tpu.vector_store_idx %arg9[%add3A_439, %add3A_771], %get3A_621 : memref<128x129xf32, #tpu.memory_space<vmem>>[vector<16xi32>, vector<16xi32>], vector<16xf32>,
        tpu.vector_store_idx %arg9[%add3A_442, %add3A_771], %get3A_626 : memref<128x129xf32, #tpu.memory_space<vmem>>[vector<16xi32>, vector<16xi32>], vector<16xf32>,
        %broadcast_in_dim3A_772 = arith.constant 0 : i32
        %broadcast_in_dim3A_773 = vector.broadcast %broadcast_in_dim3A_772 : i32 to vector<16xi32>
        %mul3A_774 = arith.constant 16 : i32
        %mul3A_775 = arith.muli %scan3A_552, %mul3A_774 : i32
        %add3A_776 = arith.constant 7 : i32
        %add3A_777 = arith.addi %mul3A_775, %add3A_776 : i32
        %add3A_778 = vector.broadcast %add3A_777 : i32 to vector<16xi32>
        %add3A_779 = arith.addi %broadcast_in_dim3A_773, %add3A_778 : vector<16xi32>
        tpu.vector_store_idx %arg9[%add3A_439, %add3A_779], %get3A_631 : memref<128x129xf32, #tpu.memory_space<vmem>>[vector<16xi32>, vector<16xi32>], vector<16xf32>,
        tpu.vector_store_idx %arg9[%add3A_442, %add3A_779], %get3A_636 : memref<128x129xf32, #tpu.memory_space<vmem>>[vector<16xi32>, vector<16xi32>], vector<16xf32>,
        %broadcast_in_dim3A_780 = arith.constant 0 : i32
        %broadcast_in_dim3A_781 = vector.broadcast %broadcast_in_dim3A_780 : i32 to vector<16xi32>
        %mul3A_782 = arith.constant 16 : i32
        %mul3A_783 = arith.muli %scan3A_552, %mul3A_782 : i32
        %add3A_784 = arith.constant 8 : i32
        %add3A_785 = arith.addi %mul3A_783, %add3A_784 : i32
        %add3A_786 = vector.broadcast %add3A_785 : i32 to vector<16xi32>
        %add3A_787 = arith.addi %broadcast_in_dim3A_781, %add3A_786 : vector<16xi32>
        tpu.vector_store_idx %arg9[%add3A_439, %add3A_787], %get3A_641 : memref<128x129xf32, #tpu.memory_space<vmem>>[vector<16xi32>, vector<16xi32>], vector<16xf32>,
        tpu.vector_store_idx %arg9[%add3A_442, %add3A_787], %get3A_646 : memref<128x129xf32, #tpu.memory_space<vmem>>[vector<16xi32>, vector<16xi32>], vector<16xf32>,
        %broadcast_in_dim3A_788 = arith.constant 0 : i32
        %broadcast_in_dim3A_789 = vector.broadcast %broadcast_in_dim3A_788 : i32 to vector<16xi32>
        %mul3A_790 = arith.constant 16 : i32
        %mul3A_791 = arith.muli %scan3A_552, %mul3A_790 : i32
        %add3A_792 = arith.constant 9 : i32
        %add3A_793 = arith.addi %mul3A_791, %add3A_792 : i32
        %add3A_794 = vector.broadcast %add3A_793 : i32 to vector<16xi32>
        %add3A_795 = arith.addi %broadcast_in_dim3A_789, %add3A_794 : vector<16xi32>
        tpu.vector_store_idx %arg9[%add3A_439, %add3A_795], %get3A_651 : memref<128x129xf32, #tpu.memory_space<vmem>>[vector<16xi32>, vector<16xi32>], vector<16xf32>,
        tpu.vector_store_idx %arg9[%add3A_442, %add3A_795], %get3A_656 : memref<128x129xf32, #tpu.memory_space<vmem>>[vector<16xi32>, vector<16xi32>], vector<16xf32>,
        %broadcast_in_dim3A_796 = arith.constant 0 : i32
        %broadcast_in_dim3A_797 = vector.broadcast %broadcast_in_dim3A_796 : i32 to vector<16xi32>
        %mul3A_798 = arith.constant 16 : i32
        %mul3A_799 = arith.muli %scan3A_552, %mul3A_798 : i32
        %add3A_800 = arith.constant 10 : i32
        %add3A_801 = arith.addi %mul3A_799, %add3A_800 : i32
        %add3A_802 = vector.broadcast %add3A_801 : i32 to vector<16xi32>
        %add3A_803 = arith.addi %broadcast_in_dim3A_797, %add3A_802 : vector<16xi32>
        tpu.vector_store_idx %arg9[%add3A_439, %add3A_803], %get3A_661 : memref<128x129xf32, #tpu.memory_space<vmem>>[vector<16xi32>, vector<16xi32>], vector<16xf32>,
        tpu.vector_store_idx %arg9[%add3A_442, %add3A_803], %get3A_666 : memref<128x129xf32, #tpu.memory_space<vmem>>[vector<16xi32>, vector<16xi32>], vector<16xf32>,
        %broadcast_in_dim3A_804 = arith.constant 0 : i32
        %broadcast_in_dim3A_805 = vector.broadcast %broadcast_in_dim3A_804 : i32 to vector<16xi32>
        %mul3A_806 = arith.constant 16 : i32
        %mul3A_807 = arith.muli %scan3A_552, %mul3A_806 : i32
        %add3A_808 = arith.constant 11 : i32
        %add3A_809 = arith.addi %mul3A_807, %add3A_808 : i32
        %add3A_810 = vector.broadcast %add3A_809 : i32 to vector<16xi32>
        %add3A_811 = arith.addi %broadcast_in_dim3A_805, %add3A_810 : vector<16xi32>
        tpu.vector_store_idx %arg9[%add3A_439, %add3A_811], %get3A_671 : memref<128x129xf32, #tpu.memory_space<vmem>>[vector<16xi32>, vector<16xi32>], vector<16xf32>,
        tpu.vector_store_idx %arg9[%add3A_442, %add3A_811], %get3A_676 : memref<128x129xf32, #tpu.memory_space<vmem>>[vector<16xi32>, vector<16xi32>], vector<16xf32>,
        %broadcast_in_dim3A_812 = arith.constant 0 : i32
        %broadcast_in_dim3A_813 = vector.broadcast %broadcast_in_dim3A_812 : i32 to vector<16xi32>
        %mul3A_814 = arith.constant 16 : i32
        %mul3A_815 = arith.muli %scan3A_552, %mul3A_814 : i32
        %add3A_816 = arith.constant 12 : i32
        %add3A_817 = arith.addi %mul3A_815, %add3A_816 : i32
        %add3A_818 = vector.broadcast %add3A_817 : i32 to vector<16xi32>
        %add3A_819 = arith.addi %broadcast_in_dim3A_813, %add3A_818 : vector<16xi32>
        tpu.vector_store_idx %arg9[%add3A_439, %add3A_819], %get3A_681 : memref<128x129xf32, #tpu.memory_space<vmem>>[vector<16xi32>, vector<16xi32>], vector<16xf32>,
        tpu.vector_store_idx %arg9[%add3A_442, %add3A_819], %get3A_686 : memref<128x129xf32, #tpu.memory_space<vmem>>[vector<16xi32>, vector<16xi32>], vector<16xf32>,
        %broadcast_in_dim3A_820 = arith.constant 0 : i32
        %broadcast_in_dim3A_821 = vector.broadcast %broadcast_in_dim3A_820 : i32 to vector<16xi32>
        %mul3A_822 = arith.constant 16 : i32
        %mul3A_823 = arith.muli %scan3A_552, %mul3A_822 : i32
        %add3A_824 = arith.constant 13 : i32
        %add3A_825 = arith.addi %mul3A_823, %add3A_824 : i32
        %add3A_826 = vector.broadcast %add3A_825 : i32 to vector<16xi32>
        %add3A_827 = arith.addi %broadcast_in_dim3A_821, %add3A_826 : vector<16xi32>
        tpu.vector_store_idx %arg9[%add3A_439, %add3A_827], %get3A_691 : memref<128x129xf32, #tpu.memory_space<vmem>>[vector<16xi32>, vector<16xi32>], vector<16xf32>,
        tpu.vector_store_idx %arg9[%add3A_442, %add3A_827], %get3A_696 : memref<128x129xf32, #tpu.memory_space<vmem>>[vector<16xi32>, vector<16xi32>], vector<16xf32>,
        %broadcast_in_dim3A_828 = arith.constant 0 : i32
        %broadcast_in_dim3A_829 = vector.broadcast %broadcast_in_dim3A_828 : i32 to vector<16xi32>
        %mul3A_830 = arith.constant 16 : i32
        %mul3A_831 = arith.muli %scan3A_552, %mul3A_830 : i32
        %add3A_832 = arith.constant 14 : i32
        %add3A_833 = arith.addi %mul3A_831, %add3A_832 : i32
        %add3A_834 = vector.broadcast %add3A_833 : i32 to vector<16xi32>
        %add3A_835 = arith.addi %broadcast_in_dim3A_829, %add3A_834 : vector<16xi32>
        tpu.vector_store_idx %arg9[%add3A_439, %add3A_835], %get3A_701 : memref<128x129xf32, #tpu.memory_space<vmem>>[vector<16xi32>, vector<16xi32>], vector<16xf32>,
        tpu.vector_store_idx %arg9[%add3A_442, %add3A_835], %get3A_706 : memref<128x129xf32, #tpu.memory_space<vmem>>[vector<16xi32>, vector<16xi32>], vector<16xf32>,
        %broadcast_in_dim3A_836 = arith.constant 0 : i32
        %broadcast_in_dim3A_837 = vector.broadcast %broadcast_in_dim3A_836 : i32 to vector<16xi32>
        %mul3A_838 = arith.constant 16 : i32
        %mul3A_839 = arith.muli %scan3A_552, %mul3A_838 : i32
        %add3A_840 = arith.constant 15 : i32
        %add3A_841 = arith.addi %mul3A_839, %add3A_840 : i32
        %add3A_842 = vector.broadcast %add3A_841 : i32 to vector<16xi32>
        %add3A_843 = arith.addi %broadcast_in_dim3A_837, %add3A_842 : vector<16xi32>
        tpu.vector_store_idx %arg9[%add3A_439, %add3A_843], %get3A_711 : memref<128x129xf32, #tpu.memory_space<vmem>>[vector<16xi32>, vector<16xi32>], vector<16xf32>,
        tpu.vector_store_idx %arg9[%add3A_442, %add3A_843], %get3A_716 : memref<128x129xf32, #tpu.memory_space<vmem>>[vector<16xi32>, vector<16xi32>], vector<16xf32>,
        %scan3A_844 = arith.constant 0 : i32
        scf.yield %scan3A_844 : i32
      }
      %scan3A_449 = arith.constant 8 : i32
      %add3A_450 = arith.constant 8 : i32
      %add3A_451 = vector.broadcast %add3A_450 : i32 to vector<16xi32>
      %add3A_452 = arith.addi %add3A_47, %add3A_451 : vector<16xi32>
      %add3A_453 = arith.constant 72 : i32
      %add3A_454 = vector.broadcast %add3A_453 : i32 to vector<16xi32>
      %add3A_455 = arith.addi %add3A_47, %add3A_454 : vector<16xi32>
      %scan3A_456 = arith.constant 0 : i32
      %scan3A_457 = arith.constant 0 : i32
      %scan3A_458 = arith.constant 8 : i32
      %scan3A_459 = arith.addi %scan3A_457, %scan3A_458 : i32
      %scan3A_460 = arith.constant 1 : i32
      %scan3A_461 = scf.for %scan3A_552 = %scan3A_457 to %scan3A_459 step %scan3A_460 iter_args(%scan3A_553 = %scan3A_456) -> (i32)  : i32 {
        %mul3A_554 = arith.constant 16 : i32
        %mul3A_555 = arith.muli %scan3A_552, %mul3A_554 : i32
        %add3A_556 = arith.constant 128 : i32
        %add3A_557 = arith.addi %add3A_556, %mul3A_555 : i32
        %add3A_558 = arith.constant 0 : i32
        %add3A_559 = arith.addi %add3A_557, %add3A_558 : i32
        %get3A = arith.index_cast %add3A_559 : i32 to index
        %get3A_560 = arith.constant 0 : index
        %get3A_561 = tpu.vector_load %arg7[%get3A, %get3A_560] {strides = array<i32>} : memref<512x32xf32, #tpu.memory_space<vmem>>, vector<16xf32>,
        %add3A_562 = arith.constant 0 : i32
        %add3A_563 = arith.addi %add3A_557, %add3A_562 : i32
        %get3A_564 = arith.index_cast %add3A_563 : i32 to index
        %get3A_565 = arith.constant 16 : index
        %get3A_566 = tpu.vector_load %arg7[%get3A_564, %get3A_565] {strides = array<i32>} : memref<512x32xf32, #tpu.memory_space<vmem>>, vector<16xf32>,
        %add3A_567 = arith.constant 1 : i32
        %add3A_568 = arith.addi %add3A_557, %add3A_567 : i32
        %get3A_569 = arith.index_cast %add3A_568 : i32 to index
        %get3A_570 = arith.constant 0 : index
        %get3A_571 = tpu.vector_load %arg7[%get3A_569, %get3A_570] {strides = array<i32>} : memref<512x32xf32, #tpu.memory_space<vmem>>, vector<16xf32>,
        %add3A_572 = arith.constant 1 : i32
        %add3A_573 = arith.addi %add3A_557, %add3A_572 : i32
        %get3A_574 = arith.index_cast %add3A_573 : i32 to index
        %get3A_575 = arith.constant 16 : index
        %get3A_576 = tpu.vector_load %arg7[%get3A_574, %get3A_575] {strides = array<i32>} : memref<512x32xf32, #tpu.memory_space<vmem>>, vector<16xf32>,
        %add3A_577 = arith.constant 2 : i32
        %add3A_578 = arith.addi %add3A_557, %add3A_577 : i32
        %get3A_579 = arith.index_cast %add3A_578 : i32 to index
        %get3A_580 = arith.constant 0 : index
        %get3A_581 = tpu.vector_load %arg7[%get3A_579, %get3A_580] {strides = array<i32>} : memref<512x32xf32, #tpu.memory_space<vmem>>, vector<16xf32>,
        %add3A_582 = arith.constant 2 : i32
        %add3A_583 = arith.addi %add3A_557, %add3A_582 : i32
        %get3A_584 = arith.index_cast %add3A_583 : i32 to index
        %get3A_585 = arith.constant 16 : index
        %get3A_586 = tpu.vector_load %arg7[%get3A_584, %get3A_585] {strides = array<i32>} : memref<512x32xf32, #tpu.memory_space<vmem>>, vector<16xf32>,
        %add3A_587 = arith.constant 3 : i32
        %add3A_588 = arith.addi %add3A_557, %add3A_587 : i32
        %get3A_589 = arith.index_cast %add3A_588 : i32 to index
        %get3A_590 = arith.constant 0 : index
        %get3A_591 = tpu.vector_load %arg7[%get3A_589, %get3A_590] {strides = array<i32>} : memref<512x32xf32, #tpu.memory_space<vmem>>, vector<16xf32>,
        %add3A_592 = arith.constant 3 : i32
        %add3A_593 = arith.addi %add3A_557, %add3A_592 : i32
        %get3A_594 = arith.index_cast %add3A_593 : i32 to index
        %get3A_595 = arith.constant 16 : index
        %get3A_596 = tpu.vector_load %arg7[%get3A_594, %get3A_595] {strides = array<i32>} : memref<512x32xf32, #tpu.memory_space<vmem>>, vector<16xf32>,
        %add3A_597 = arith.constant 4 : i32
        %add3A_598 = arith.addi %add3A_557, %add3A_597 : i32
        %get3A_599 = arith.index_cast %add3A_598 : i32 to index
        %get3A_600 = arith.constant 0 : index
        %get3A_601 = tpu.vector_load %arg7[%get3A_599, %get3A_600] {strides = array<i32>} : memref<512x32xf32, #tpu.memory_space<vmem>>, vector<16xf32>,
        %add3A_602 = arith.constant 4 : i32
        %add3A_603 = arith.addi %add3A_557, %add3A_602 : i32
        %get3A_604 = arith.index_cast %add3A_603 : i32 to index
        %get3A_605 = arith.constant 16 : index
        %get3A_606 = tpu.vector_load %arg7[%get3A_604, %get3A_605] {strides = array<i32>} : memref<512x32xf32, #tpu.memory_space<vmem>>, vector<16xf32>,
        %add3A_607 = arith.constant 5 : i32
        %add3A_608 = arith.addi %add3A_557, %add3A_607 : i32
        %get3A_609 = arith.index_cast %add3A_608 : i32 to index
        %get3A_610 = arith.constant 0 : index
        %get3A_611 = tpu.vector_load %arg7[%get3A_609, %get3A_610] {strides = array<i32>} : memref<512x32xf32, #tpu.memory_space<vmem>>, vector<16xf32>,
        %add3A_612 = arith.constant 5 : i32
        %add3A_613 = arith.addi %add3A_557, %add3A_612 : i32
        %get3A_614 = arith.index_cast %add3A_613 : i32 to index
        %get3A_615 = arith.constant 16 : index
        %get3A_616 = tpu.vector_load %arg7[%get3A_614, %get3A_615] {strides = array<i32>} : memref<512x32xf32, #tpu.memory_space<vmem>>, vector<16xf32>,
        %add3A_617 = arith.constant 6 : i32
        %add3A_618 = arith.addi %add3A_557, %add3A_617 : i32
        %get3A_619 = arith.index_cast %add3A_618 : i32 to index
        %get3A_620 = arith.constant 0 : index
        %get3A_621 = tpu.vector_load %arg7[%get3A_619, %get3A_620] {strides = array<i32>} : memref<512x32xf32, #tpu.memory_space<vmem>>, vector<16xf32>,
        %add3A_622 = arith.constant 6 : i32
        %add3A_623 = arith.addi %add3A_557, %add3A_622 : i32
        %get3A_624 = arith.index_cast %add3A_623 : i32 to index
        %get3A_625 = arith.constant 16 : index
        %get3A_626 = tpu.vector_load %arg7[%get3A_624, %get3A_625] {strides = array<i32>} : memref<512x32xf32, #tpu.memory_space<vmem>>, vector<16xf32>,
        %add3A_627 = arith.constant 7 : i32
        %add3A_628 = arith.addi %add3A_557, %add3A_627 : i32
        %get3A_629 = arith.index_cast %add3A_628 : i32 to index
        %get3A_630 = arith.constant 0 : index
        %get3A_631 = tpu.vector_load %arg7[%get3A_629, %get3A_630] {strides = array<i32>} : memref<512x32xf32, #tpu.memory_space<vmem>>, vector<16xf32>,
        %add3A_632 = arith.constant 7 : i32
        %add3A_633 = arith.addi %add3A_557, %add3A_632 : i32
        %get3A_634 = arith.index_cast %add3A_633 : i32 to index
        %get3A_635 = arith.constant 16 : index
        %get3A_636 = tpu.vector_load %arg7[%get3A_634, %get3A_635] {strides = array<i32>} : memref<512x32xf32, #tpu.memory_space<vmem>>, vector<16xf32>,
        %add3A_637 = arith.constant 8 : i32
        %add3A_638 = arith.addi %add3A_557, %add3A_637 : i32
        %get3A_639 = arith.index_cast %add3A_638 : i32 to index
        %get3A_640 = arith.constant 0 : index
        %get3A_641 = tpu.vector_load %arg7[%get3A_639, %get3A_640] {strides = array<i32>} : memref<512x32xf32, #tpu.memory_space<vmem>>, vector<16xf32>,
        %add3A_642 = arith.constant 8 : i32
        %add3A_643 = arith.addi %add3A_557, %add3A_642 : i32
        %get3A_644 = arith.index_cast %add3A_643 : i32 to index
        %get3A_645 = arith.constant 16 : index
        %get3A_646 = tpu.vector_load %arg7[%get3A_644, %get3A_645] {strides = array<i32>} : memref<512x32xf32, #tpu.memory_space<vmem>>, vector<16xf32>,
        %add3A_647 = arith.constant 9 : i32
        %add3A_648 = arith.addi %add3A_557, %add3A_647 : i32
        %get3A_649 = arith.index_cast %add3A_648 : i32 to index
        %get3A_650 = arith.constant 0 : index
        %get3A_651 = tpu.vector_load %arg7[%get3A_649, %get3A_650] {strides = array<i32>} : memref<512x32xf32, #tpu.memory_space<vmem>>, vector<16xf32>,
        %add3A_652 = arith.constant 9 : i32
        %add3A_653 = arith.addi %add3A_557, %add3A_652 : i32
        %get3A_654 = arith.index_cast %add3A_653 : i32 to index
        %get3A_655 = arith.constant 16 : index
        %get3A_656 = tpu.vector_load %arg7[%get3A_654, %get3A_655] {strides = array<i32>} : memref<512x32xf32, #tpu.memory_space<vmem>>, vector<16xf32>,
        %add3A_657 = arith.constant 10 : i32
        %add3A_658 = arith.addi %add3A_557, %add3A_657 : i32
        %get3A_659 = arith.index_cast %add3A_658 : i32 to index
        %get3A_660 = arith.constant 0 : index
        %get3A_661 = tpu.vector_load %arg7[%get3A_659, %get3A_660] {strides = array<i32>} : memref<512x32xf32, #tpu.memory_space<vmem>>, vector<16xf32>,
        %add3A_662 = arith.constant 10 : i32
        %add3A_663 = arith.addi %add3A_557, %add3A_662 : i32
        %get3A_664 = arith.index_cast %add3A_663 : i32 to index
        %get3A_665 = arith.constant 16 : index
        %get3A_666 = tpu.vector_load %arg7[%get3A_664, %get3A_665] {strides = array<i32>} : memref<512x32xf32, #tpu.memory_space<vmem>>, vector<16xf32>,
        %add3A_667 = arith.constant 11 : i32
        %add3A_668 = arith.addi %add3A_557, %add3A_667 : i32
        %get3A_669 = arith.index_cast %add3A_668 : i32 to index
        %get3A_670 = arith.constant 0 : index
        %get3A_671 = tpu.vector_load %arg7[%get3A_669, %get3A_670] {strides = array<i32>} : memref<512x32xf32, #tpu.memory_space<vmem>>, vector<16xf32>,
        %add3A_672 = arith.constant 11 : i32
        %add3A_673 = arith.addi %add3A_557, %add3A_672 : i32
        %get3A_674 = arith.index_cast %add3A_673 : i32 to index
        %get3A_675 = arith.constant 16 : index
        %get3A_676 = tpu.vector_load %arg7[%get3A_674, %get3A_675] {strides = array<i32>} : memref<512x32xf32, #tpu.memory_space<vmem>>, vector<16xf32>,
        %add3A_677 = arith.constant 12 : i32
        %add3A_678 = arith.addi %add3A_557, %add3A_677 : i32
        %get3A_679 = arith.index_cast %add3A_678 : i32 to index
        %get3A_680 = arith.constant 0 : index
        %get3A_681 = tpu.vector_load %arg7[%get3A_679, %get3A_680] {strides = array<i32>} : memref<512x32xf32, #tpu.memory_space<vmem>>, vector<16xf32>,
        %add3A_682 = arith.constant 12 : i32
        %add3A_683 = arith.addi %add3A_557, %add3A_682 : i32
        %get3A_684 = arith.index_cast %add3A_683 : i32 to index
        %get3A_685 = arith.constant 16 : index
        %get3A_686 = tpu.vector_load %arg7[%get3A_684, %get3A_685] {strides = array<i32>} : memref<512x32xf32, #tpu.memory_space<vmem>>, vector<16xf32>,
        %add3A_687 = arith.constant 13 : i32
        %add3A_688 = arith.addi %add3A_557, %add3A_687 : i32
        %get3A_689 = arith.index_cast %add3A_688 : i32 to index
        %get3A_690 = arith.constant 0 : index
        %get3A_691 = tpu.vector_load %arg7[%get3A_689, %get3A_690] {strides = array<i32>} : memref<512x32xf32, #tpu.memory_space<vmem>>, vector<16xf32>,
        %add3A_692 = arith.constant 13 : i32
        %add3A_693 = arith.addi %add3A_557, %add3A_692 : i32
        %get3A_694 = arith.index_cast %add3A_693 : i32 to index
        %get3A_695 = arith.constant 16 : index
        %get3A_696 = tpu.vector_load %arg7[%get3A_694, %get3A_695] {strides = array<i32>} : memref<512x32xf32, #tpu.memory_space<vmem>>, vector<16xf32>,
        %add3A_697 = arith.constant 14 : i32
        %add3A_698 = arith.addi %add3A_557, %add3A_697 : i32
        %get3A_699 = arith.index_cast %add3A_698 : i32 to index
        %get3A_700 = arith.constant 0 : index
        %get3A_701 = tpu.vector_load %arg7[%get3A_699, %get3A_700] {strides = array<i32>} : memref<512x32xf32, #tpu.memory_space<vmem>>, vector<16xf32>,
        %add3A_702 = arith.constant 14 : i32
        %add3A_703 = arith.addi %add3A_557, %add3A_702 : i32
        %get3A_704 = arith.index_cast %add3A_703 : i32 to index
        %get3A_705 = arith.constant 16 : index
        %get3A_706 = tpu.vector_load %arg7[%get3A_704, %get3A_705] {strides = array<i32>} : memref<512x32xf32, #tpu.memory_space<vmem>>, vector<16xf32>,
        %add3A_707 = arith.constant 15 : i32
        %add3A_708 = arith.addi %add3A_557, %add3A_707 : i32
        %get3A_709 = arith.index_cast %add3A_708 : i32 to index
        %get3A_710 = arith.constant 0 : index
        %get3A_711 = tpu.vector_load %arg7[%get3A_709, %get3A_710] {strides = array<i32>} : memref<512x32xf32, #tpu.memory_space<vmem>>, vector<16xf32>,
        %add3A_712 = arith.constant 15 : i32
        %add3A_713 = arith.addi %add3A_557, %add3A_712 : i32
        %get3A_714 = arith.index_cast %add3A_713 : i32 to index
        %get3A_715 = arith.constant 16 : index
        %get3A_716 = tpu.vector_load %arg7[%get3A_714, %get3A_715] {strides = array<i32>} : memref<512x32xf32, #tpu.memory_space<vmem>>, vector<16xf32>,
        %broadcast_in_dim3A = arith.constant 0 : i32
        %broadcast_in_dim3A_717 = vector.broadcast %broadcast_in_dim3A : i32 to vector<16xi32>
        %mul3A_718 = arith.constant 16 : i32
        %mul3A_719 = arith.muli %scan3A_552, %mul3A_718 : i32
        %add3A_720 = arith.constant 0 : i32
        %add3A_721 = arith.addi %mul3A_719, %add3A_720 : i32
        %add3A_722 = vector.broadcast %add3A_721 : i32 to vector<16xi32>
        %add3A_723 = arith.addi %broadcast_in_dim3A_717, %add3A_722 : vector<16xi32>
        tpu.vector_store_idx %arg9[%add3A_452, %add3A_723], %get3A_561 : memref<128x129xf32, #tpu.memory_space<vmem>>[vector<16xi32>, vector<16xi32>], vector<16xf32>,
        tpu.vector_store_idx %arg9[%add3A_455, %add3A_723], %get3A_566 : memref<128x129xf32, #tpu.memory_space<vmem>>[vector<16xi32>, vector<16xi32>], vector<16xf32>,
        %broadcast_in_dim3A_724 = arith.constant 0 : i32
        %broadcast_in_dim3A_725 = vector.broadcast %broadcast_in_dim3A_724 : i32 to vector<16xi32>
        %mul3A_726 = arith.constant 16 : i32
        %mul3A_727 = arith.muli %scan3A_552, %mul3A_726 : i32
        %add3A_728 = arith.constant 1 : i32
        %add3A_729 = arith.addi %mul3A_727, %add3A_728 : i32
        %add3A_730 = vector.broadcast %add3A_729 : i32 to vector<16xi32>
        %add3A_731 = arith.addi %broadcast_in_dim3A_725, %add3A_730 : vector<16xi32>
        tpu.vector_store_idx %arg9[%add3A_452, %add3A_731], %get3A_571 : memref<128x129xf32, #tpu.memory_space<vmem>>[vector<16xi32>, vector<16xi32>], vector<16xf32>,
        tpu.vector_store_idx %arg9[%add3A_455, %add3A_731], %get3A_576 : memref<128x129xf32, #tpu.memory_space<vmem>>[vector<16xi32>, vector<16xi32>], vector<16xf32>,
        %broadcast_in_dim3A_732 = arith.constant 0 : i32
        %broadcast_in_dim3A_733 = vector.broadcast %broadcast_in_dim3A_732 : i32 to vector<16xi32>
        %mul3A_734 = arith.constant 16 : i32
        %mul3A_735 = arith.muli %scan3A_552, %mul3A_734 : i32
        %add3A_736 = arith.constant 2 : i32
        %add3A_737 = arith.addi %mul3A_735, %add3A_736 : i32
        %add3A_738 = vector.broadcast %add3A_737 : i32 to vector<16xi32>
        %add3A_739 = arith.addi %broadcast_in_dim3A_733, %add3A_738 : vector<16xi32>
        tpu.vector_store_idx %arg9[%add3A_452, %add3A_739], %get3A_581 : memref<128x129xf32, #tpu.memory_space<vmem>>[vector<16xi32>, vector<16xi32>], vector<16xf32>,
        tpu.vector_store_idx %arg9[%add3A_455, %add3A_739], %get3A_586 : memref<128x129xf32, #tpu.memory_space<vmem>>[vector<16xi32>, vector<16xi32>], vector<16xf32>,
        %broadcast_in_dim3A_740 = arith.constant 0 : i32
        %broadcast_in_dim3A_741 = vector.broadcast %broadcast_in_dim3A_740 : i32 to vector<16xi32>
        %mul3A_742 = arith.constant 16 : i32
        %mul3A_743 = arith.muli %scan3A_552, %mul3A_742 : i32
        %add3A_744 = arith.constant 3 : i32
        %add3A_745 = arith.addi %mul3A_743, %add3A_744 : i32
        %add3A_746 = vector.broadcast %add3A_745 : i32 to vector<16xi32>
        %add3A_747 = arith.addi %broadcast_in_dim3A_741, %add3A_746 : vector<16xi32>
        tpu.vector_store_idx %arg9[%add3A_452, %add3A_747], %get3A_591 : memref<128x129xf32, #tpu.memory_space<vmem>>[vector<16xi32>, vector<16xi32>], vector<16xf32>,
        tpu.vector_store_idx %arg9[%add3A_455, %add3A_747], %get3A_596 : memref<128x129xf32, #tpu.memory_space<vmem>>[vector<16xi32>, vector<16xi32>], vector<16xf32>,
        %broadcast_in_dim3A_748 = arith.constant 0 : i32
        %broadcast_in_dim3A_749 = vector.broadcast %broadcast_in_dim3A_748 : i32 to vector<16xi32>
        %mul3A_750 = arith.constant 16 : i32
        %mul3A_751 = arith.muli %scan3A_552, %mul3A_750 : i32
        %add3A_752 = arith.constant 4 : i32
        %add3A_753 = arith.addi %mul3A_751, %add3A_752 : i32
        %add3A_754 = vector.broadcast %add3A_753 : i32 to vector<16xi32>
        %add3A_755 = arith.addi %broadcast_in_dim3A_749, %add3A_754 : vector<16xi32>
        tpu.vector_store_idx %arg9[%add3A_452, %add3A_755], %get3A_601 : memref<128x129xf32, #tpu.memory_space<vmem>>[vector<16xi32>, vector<16xi32>], vector<16xf32>,
        tpu.vector_store_idx %arg9[%add3A_455, %add3A_755], %get3A_606 : memref<128x129xf32, #tpu.memory_space<vmem>>[vector<16xi32>, vector<16xi32>], vector<16xf32>,
        %broadcast_in_dim3A_756 = arith.constant 0 : i32
        %broadcast_in_dim3A_757 = vector.broadcast %broadcast_in_dim3A_756 : i32 to vector<16xi32>
        %mul3A_758 = arith.constant 16 : i32
        %mul3A_759 = arith.muli %scan3A_552, %mul3A_758 : i32
        %add3A_760 = arith.constant 5 : i32
        %add3A_761 = arith.addi %mul3A_759, %add3A_760 : i32
        %add3A_762 = vector.broadcast %add3A_761 : i32 to vector<16xi32>
        %add3A_763 = arith.addi %broadcast_in_dim3A_757, %add3A_762 : vector<16xi32>
        tpu.vector_store_idx %arg9[%add3A_452, %add3A_763], %get3A_611 : memref<128x129xf32, #tpu.memory_space<vmem>>[vector<16xi32>, vector<16xi32>], vector<16xf32>,
        tpu.vector_store_idx %arg9[%add3A_455, %add3A_763], %get3A_616 : memref<128x129xf32, #tpu.memory_space<vmem>>[vector<16xi32>, vector<16xi32>], vector<16xf32>,
        %broadcast_in_dim3A_764 = arith.constant 0 : i32
        %broadcast_in_dim3A_765 = vector.broadcast %broadcast_in_dim3A_764 : i32 to vector<16xi32>
        %mul3A_766 = arith.constant 16 : i32
        %mul3A_767 = arith.muli %scan3A_552, %mul3A_766 : i32
        %add3A_768 = arith.constant 6 : i32
        %add3A_769 = arith.addi %mul3A_767, %add3A_768 : i32
        %add3A_770 = vector.broadcast %add3A_769 : i32 to vector<16xi32>
        %add3A_771 = arith.addi %broadcast_in_dim3A_765, %add3A_770 : vector<16xi32>
        tpu.vector_store_idx %arg9[%add3A_452, %add3A_771], %get3A_621 : memref<128x129xf32, #tpu.memory_space<vmem>>[vector<16xi32>, vector<16xi32>], vector<16xf32>,
        tpu.vector_store_idx %arg9[%add3A_455, %add3A_771], %get3A_626 : memref<128x129xf32, #tpu.memory_space<vmem>>[vector<16xi32>, vector<16xi32>], vector<16xf32>,
        %broadcast_in_dim3A_772 = arith.constant 0 : i32
        %broadcast_in_dim3A_773 = vector.broadcast %broadcast_in_dim3A_772 : i32 to vector<16xi32>
        %mul3A_774 = arith.constant 16 : i32
        %mul3A_775 = arith.muli %scan3A_552, %mul3A_774 : i32
        %add3A_776 = arith.constant 7 : i32
        %add3A_777 = arith.addi %mul3A_775, %add3A_776 : i32
        %add3A_778 = vector.broadcast %add3A_777 : i32 to vector<16xi32>
        %add3A_779 = arith.addi %broadcast_in_dim3A_773, %add3A_778 : vector<16xi32>
        tpu.vector_store_idx %arg9[%add3A_452, %add3A_779], %get3A_631 : memref<128x129xf32, #tpu.memory_space<vmem>>[vector<16xi32>, vector<16xi32>], vector<16xf32>,
        tpu.vector_store_idx %arg9[%add3A_455, %add3A_779], %get3A_636 : memref<128x129xf32, #tpu.memory_space<vmem>>[vector<16xi32>, vector<16xi32>], vector<16xf32>,
        %broadcast_in_dim3A_780 = arith.constant 0 : i32
        %broadcast_in_dim3A_781 = vector.broadcast %broadcast_in_dim3A_780 : i32 to vector<16xi32>
        %mul3A_782 = arith.constant 16 : i32
        %mul3A_783 = arith.muli %scan3A_552, %mul3A_782 : i32
        %add3A_784 = arith.constant 8 : i32
        %add3A_785 = arith.addi %mul3A_783, %add3A_784 : i32
        %add3A_786 = vector.broadcast %add3A_785 : i32 to vector<16xi32>
        %add3A_787 = arith.addi %broadcast_in_dim3A_781, %add3A_786 : vector<16xi32>
        tpu.vector_store_idx %arg9[%add3A_452, %add3A_787], %get3A_641 : memref<128x129xf32, #tpu.memory_space<vmem>>[vector<16xi32>, vector<16xi32>], vector<16xf32>,
        tpu.vector_store_idx %arg9[%add3A_455, %add3A_787], %get3A_646 : memref<128x129xf32, #tpu.memory_space<vmem>>[vector<16xi32>, vector<16xi32>], vector<16xf32>,
        %broadcast_in_dim3A_788 = arith.constant 0 : i32
        %broadcast_in_dim3A_789 = vector.broadcast %broadcast_in_dim3A_788 : i32 to vector<16xi32>
        %mul3A_790 = arith.constant 16 : i32
        %mul3A_791 = arith.muli %scan3A_552, %mul3A_790 : i32
        %add3A_792 = arith.constant 9 : i32
        %add3A_793 = arith.addi %mul3A_791, %add3A_792 : i32
        %add3A_794 = vector.broadcast %add3A_793 : i32 to vector<16xi32>
        %add3A_795 = arith.addi %broadcast_in_dim3A_789, %add3A_794 : vector<16xi32>
        tpu.vector_store_idx %arg9[%add3A_452, %add3A_795], %get3A_651 : memref<128x129xf32, #tpu.memory_space<vmem>>[vector<16xi32>, vector<16xi32>], vector<16xf32>,
        tpu.vector_store_idx %arg9[%add3A_455, %add3A_795], %get3A_656 : memref<128x129xf32, #tpu.memory_space<vmem>>[vector<16xi32>, vector<16xi32>], vector<16xf32>,
        %broadcast_in_dim3A_796 = arith.constant 0 : i32
        %broadcast_in_dim3A_797 = vector.broadcast %broadcast_in_dim3A_796 : i32 to vector<16xi32>
        %mul3A_798 = arith.constant 16 : i32
        %mul3A_799 = arith.muli %scan3A_552, %mul3A_798 : i32
        %add3A_800 = arith.constant 10 : i32
        %add3A_801 = arith.addi %mul3A_799, %add3A_800 : i32
        %add3A_802 = vector.broadcast %add3A_801 : i32 to vector<16xi32>
        %add3A_803 = arith.addi %broadcast_in_dim3A_797, %add3A_802 : vector<16xi32>
        tpu.vector_store_idx %arg9[%add3A_452, %add3A_803], %get3A_661 : memref<128x129xf32, #tpu.memory_space<vmem>>[vector<16xi32>, vector<16xi32>], vector<16xf32>,
        tpu.vector_store_idx %arg9[%add3A_455, %add3A_803], %get3A_666 : memref<128x129xf32, #tpu.memory_space<vmem>>[vector<16xi32>, vector<16xi32>], vector<16xf32>,
        %broadcast_in_dim3A_804 = arith.constant 0 : i32
        %broadcast_in_dim3A_805 = vector.broadcast %broadcast_in_dim3A_804 : i32 to vector<16xi32>
        %mul3A_806 = arith.constant 16 : i32
        %mul3A_807 = arith.muli %scan3A_552, %mul3A_806 : i32
        %add3A_808 = arith.constant 11 : i32
        %add3A_809 = arith.addi %mul3A_807, %add3A_808 : i32
        %add3A_810 = vector.broadcast %add3A_809 : i32 to vector<16xi32>
        %add3A_811 = arith.addi %broadcast_in_dim3A_805, %add3A_810 : vector<16xi32>
        tpu.vector_store_idx %arg9[%add3A_452, %add3A_811], %get3A_671 : memref<128x129xf32, #tpu.memory_space<vmem>>[vector<16xi32>, vector<16xi32>], vector<16xf32>,
        tpu.vector_store_idx %arg9[%add3A_455, %add3A_811], %get3A_676 : memref<128x129xf32, #tpu.memory_space<vmem>>[vector<16xi32>, vector<16xi32>], vector<16xf32>,
        %broadcast_in_dim3A_812 = arith.constant 0 : i32
        %broadcast_in_dim3A_813 = vector.broadcast %broadcast_in_dim3A_812 : i32 to vector<16xi32>
        %mul3A_814 = arith.constant 16 : i32
        %mul3A_815 = arith.muli %scan3A_552, %mul3A_814 : i32
        %add3A_816 = arith.constant 12 : i32
        %add3A_817 = arith.addi %mul3A_815, %add3A_816 : i32
        %add3A_818 = vector.broadcast %add3A_817 : i32 to vector<16xi32>
        %add3A_819 = arith.addi %broadcast_in_dim3A_813, %add3A_818 : vector<16xi32>
        tpu.vector_store_idx %arg9[%add3A_452, %add3A_819], %get3A_681 : memref<128x129xf32, #tpu.memory_space<vmem>>[vector<16xi32>, vector<16xi32>], vector<16xf32>,
        tpu.vector_store_idx %arg9[%add3A_455, %add3A_819], %get3A_686 : memref<128x129xf32, #tpu.memory_space<vmem>>[vector<16xi32>, vector<16xi32>], vector<16xf32>,
        %broadcast_in_dim3A_820 = arith.constant 0 : i32
        %broadcast_in_dim3A_821 = vector.broadcast %broadcast_in_dim3A_820 : i32 to vector<16xi32>
        %mul3A_822 = arith.constant 16 : i32
        %mul3A_823 = arith.muli %scan3A_552, %mul3A_822 : i32
        %add3A_824 = arith.constant 13 : i32
        %add3A_825 = arith.addi %mul3A_823, %add3A_824 : i32
        %add3A_826 = vector.broadcast %add3A_825 : i32 to vector<16xi32>
        %add3A_827 = arith.addi %broadcast_in_dim3A_821, %add3A_826 : vector<16xi32>
        tpu.vector_store_idx %arg9[%add3A_452, %add3A_827], %get3A_691 : memref<128x129xf32, #tpu.memory_space<vmem>>[vector<16xi32>, vector<16xi32>], vector<16xf32>,
        tpu.vector_store_idx %arg9[%add3A_455, %add3A_827], %get3A_696 : memref<128x129xf32, #tpu.memory_space<vmem>>[vector<16xi32>, vector<16xi32>], vector<16xf32>,
        %broadcast_in_dim3A_828 = arith.constant 0 : i32
        %broadcast_in_dim3A_829 = vector.broadcast %broadcast_in_dim3A_828 : i32 to vector<16xi32>
        %mul3A_830 = arith.constant 16 : i32
        %mul3A_831 = arith.muli %scan3A_552, %mul3A_830 : i32
        %add3A_832 = arith.constant 14 : i32
        %add3A_833 = arith.addi %mul3A_831, %add3A_832 : i32
        %add3A_834 = vector.broadcast %add3A_833 : i32 to vector<16xi32>
        %add3A_835 = arith.addi %broadcast_in_dim3A_829, %add3A_834 : vector<16xi32>
        tpu.vector_store_idx %arg9[%add3A_452, %add3A_835], %get3A_701 : memref<128x129xf32, #tpu.memory_space<vmem>>[vector<16xi32>, vector<16xi32>], vector<16xf32>,
        tpu.vector_store_idx %arg9[%add3A_455, %add3A_835], %get3A_706 : memref<128x129xf32, #tpu.memory_space<vmem>>[vector<16xi32>, vector<16xi32>], vector<16xf32>,
        %broadcast_in_dim3A_836 = arith.constant 0 : i32
        %broadcast_in_dim3A_837 = vector.broadcast %broadcast_in_dim3A_836 : i32 to vector<16xi32>
        %mul3A_838 = arith.constant 16 : i32
        %mul3A_839 = arith.muli %scan3A_552, %mul3A_838 : i32
        %add3A_840 = arith.constant 15 : i32
        %add3A_841 = arith.addi %mul3A_839, %add3A_840 : i32
        %add3A_842 = vector.broadcast %add3A_841 : i32 to vector<16xi32>
        %add3A_843 = arith.addi %broadcast_in_dim3A_837, %add3A_842 : vector<16xi32>
        tpu.vector_store_idx %arg9[%add3A_452, %add3A_843], %get3A_711 : memref<128x129xf32, #tpu.memory_space<vmem>>[vector<16xi32>, vector<16xi32>], vector<16xf32>,
        tpu.vector_store_idx %arg9[%add3A_455, %add3A_843], %get3A_716 : memref<128x129xf32, #tpu.memory_space<vmem>>[vector<16xi32>, vector<16xi32>], vector<16xf32>,
        %scan3A_844 = arith.constant 0 : i32
        scf.yield %scan3A_844 : i32
      }
      %scan3A_462 = arith.constant 8 : i32
      %add3A_463 = arith.constant 16 : i32
      %add3A_464 = vector.broadcast %add3A_463 : i32 to vector<16xi32>
      %add3A_465 = arith.addi %add3A_47, %add3A_464 : vector<16xi32>
      %add3A_466 = arith.constant 80 : i32
      %add3A_467 = vector.broadcast %add3A_466 : i32 to vector<16xi32>
      %add3A_468 = arith.addi %add3A_47, %add3A_467 : vector<16xi32>
      %scan3A_469 = arith.constant 0 : i32
      %scan3A_470 = arith.constant 0 : i32
      %scan3A_471 = arith.constant 8 : i32
      %scan3A_472 = arith.addi %scan3A_470, %scan3A_471 : i32
      %scan3A_473 = arith.constant 1 : i32
      %scan3A_474 = scf.for %scan3A_552 = %scan3A_470 to %scan3A_472 step %scan3A_473 iter_args(%scan3A_553 = %scan3A_469) -> (i32)  : i32 {
        %mul3A_554 = arith.constant 16 : i32
        %mul3A_555 = arith.muli %scan3A_552, %mul3A_554 : i32
        %add3A_556 = arith.constant 256 : i32
        %add3A_557 = arith.addi %add3A_556, %mul3A_555 : i32
        %add3A_558 = arith.constant 0 : i32
        %add3A_559 = arith.addi %add3A_557, %add3A_558 : i32
        %get3A = arith.index_cast %add3A_559 : i32 to index
        %get3A_560 = arith.constant 0 : index
        %get3A_561 = tpu.vector_load %arg7[%get3A, %get3A_560] {strides = array<i32>} : memref<512x32xf32, #tpu.memory_space<vmem>>, vector<16xf32>,
        %add3A_562 = arith.constant 0 : i32
        %add3A_563 = arith.addi %add3A_557, %add3A_562 : i32
        %get3A_564 = arith.index_cast %add3A_563 : i32 to index
        %get3A_565 = arith.constant 16 : index
        %get3A_566 = tpu.vector_load %arg7[%get3A_564, %get3A_565] {strides = array<i32>} : memref<512x32xf32, #tpu.memory_space<vmem>>, vector<16xf32>,
        %add3A_567 = arith.constant 1 : i32
        %add3A_568 = arith.addi %add3A_557, %add3A_567 : i32
        %get3A_569 = arith.index_cast %add3A_568 : i32 to index
        %get3A_570 = arith.constant 0 : index
        %get3A_571 = tpu.vector_load %arg7[%get3A_569, %get3A_570] {strides = array<i32>} : memref<512x32xf32, #tpu.memory_space<vmem>>, vector<16xf32>,
        %add3A_572 = arith.constant 1 : i32
        %add3A_573 = arith.addi %add3A_557, %add3A_572 : i32
        %get3A_574 = arith.index_cast %add3A_573 : i32 to index
        %get3A_575 = arith.constant 16 : index
        %get3A_576 = tpu.vector_load %arg7[%get3A_574, %get3A_575] {strides = array<i32>} : memref<512x32xf32, #tpu.memory_space<vmem>>, vector<16xf32>,
        %add3A_577 = arith.constant 2 : i32
        %add3A_578 = arith.addi %add3A_557, %add3A_577 : i32
        %get3A_579 = arith.index_cast %add3A_578 : i32 to index
        %get3A_580 = arith.constant 0 : index
        %get3A_581 = tpu.vector_load %arg7[%get3A_579, %get3A_580] {strides = array<i32>} : memref<512x32xf32, #tpu.memory_space<vmem>>, vector<16xf32>,
        %add3A_582 = arith.constant 2 : i32
        %add3A_583 = arith.addi %add3A_557, %add3A_582 : i32
        %get3A_584 = arith.index_cast %add3A_583 : i32 to index
        %get3A_585 = arith.constant 16 : index
        %get3A_586 = tpu.vector_load %arg7[%get3A_584, %get3A_585] {strides = array<i32>} : memref<512x32xf32, #tpu.memory_space<vmem>>, vector<16xf32>,
        %add3A_587 = arith.constant 3 : i32
        %add3A_588 = arith.addi %add3A_557, %add3A_587 : i32
        %get3A_589 = arith.index_cast %add3A_588 : i32 to index
        %get3A_590 = arith.constant 0 : index
        %get3A_591 = tpu.vector_load %arg7[%get3A_589, %get3A_590] {strides = array<i32>} : memref<512x32xf32, #tpu.memory_space<vmem>>, vector<16xf32>,
        %add3A_592 = arith.constant 3 : i32
        %add3A_593 = arith.addi %add3A_557, %add3A_592 : i32
        %get3A_594 = arith.index_cast %add3A_593 : i32 to index
        %get3A_595 = arith.constant 16 : index
        %get3A_596 = tpu.vector_load %arg7[%get3A_594, %get3A_595] {strides = array<i32>} : memref<512x32xf32, #tpu.memory_space<vmem>>, vector<16xf32>,
        %add3A_597 = arith.constant 4 : i32
        %add3A_598 = arith.addi %add3A_557, %add3A_597 : i32
        %get3A_599 = arith.index_cast %add3A_598 : i32 to index
        %get3A_600 = arith.constant 0 : index
        %get3A_601 = tpu.vector_load %arg7[%get3A_599, %get3A_600] {strides = array<i32>} : memref<512x32xf32, #tpu.memory_space<vmem>>, vector<16xf32>,
        %add3A_602 = arith.constant 4 : i32
        %add3A_603 = arith.addi %add3A_557, %add3A_602 : i32
        %get3A_604 = arith.index_cast %add3A_603 : i32 to index
        %get3A_605 = arith.constant 16 : index
        %get3A_606 = tpu.vector_load %arg7[%get3A_604, %get3A_605] {strides = array<i32>} : memref<512x32xf32, #tpu.memory_space<vmem>>, vector<16xf32>,
        %add3A_607 = arith.constant 5 : i32
        %add3A_608 = arith.addi %add3A_557, %add3A_607 : i32
        %get3A_609 = arith.index_cast %add3A_608 : i32 to index
        %get3A_610 = arith.constant 0 : index
        %get3A_611 = tpu.vector_load %arg7[%get3A_609, %get3A_610] {strides = array<i32>} : memref<512x32xf32, #tpu.memory_space<vmem>>, vector<16xf32>,
        %add3A_612 = arith.constant 5 : i32
        %add3A_613 = arith.addi %add3A_557, %add3A_612 : i32
        %get3A_614 = arith.index_cast %add3A_613 : i32 to index
        %get3A_615 = arith.constant 16 : index
        %get3A_616 = tpu.vector_load %arg7[%get3A_614, %get3A_615] {strides = array<i32>} : memref<512x32xf32, #tpu.memory_space<vmem>>, vector<16xf32>,
        %add3A_617 = arith.constant 6 : i32
        %add3A_618 = arith.addi %add3A_557, %add3A_617 : i32
        %get3A_619 = arith.index_cast %add3A_618 : i32 to index
        %get3A_620 = arith.constant 0 : index
        %get3A_621 = tpu.vector_load %arg7[%get3A_619, %get3A_620] {strides = array<i32>} : memref<512x32xf32, #tpu.memory_space<vmem>>, vector<16xf32>,
        %add3A_622 = arith.constant 6 : i32
        %add3A_623 = arith.addi %add3A_557, %add3A_622 : i32
        %get3A_624 = arith.index_cast %add3A_623 : i32 to index
        %get3A_625 = arith.constant 16 : index
        %get3A_626 = tpu.vector_load %arg7[%get3A_624, %get3A_625] {strides = array<i32>} : memref<512x32xf32, #tpu.memory_space<vmem>>, vector<16xf32>,
        %add3A_627 = arith.constant 7 : i32
        %add3A_628 = arith.addi %add3A_557, %add3A_627 : i32
        %get3A_629 = arith.index_cast %add3A_628 : i32 to index
        %get3A_630 = arith.constant 0 : index
        %get3A_631 = tpu.vector_load %arg7[%get3A_629, %get3A_630] {strides = array<i32>} : memref<512x32xf32, #tpu.memory_space<vmem>>, vector<16xf32>,
        %add3A_632 = arith.constant 7 : i32
        %add3A_633 = arith.addi %add3A_557, %add3A_632 : i32
        %get3A_634 = arith.index_cast %add3A_633 : i32 to index
        %get3A_635 = arith.constant 16 : index
        %get3A_636 = tpu.vector_load %arg7[%get3A_634, %get3A_635] {strides = array<i32>} : memref<512x32xf32, #tpu.memory_space<vmem>>, vector<16xf32>,
        %add3A_637 = arith.constant 8 : i32
        %add3A_638 = arith.addi %add3A_557, %add3A_637 : i32
        %get3A_639 = arith.index_cast %add3A_638 : i32 to index
        %get3A_640 = arith.constant 0 : index
        %get3A_641 = tpu.vector_load %arg7[%get3A_639, %get3A_640] {strides = array<i32>} : memref<512x32xf32, #tpu.memory_space<vmem>>, vector<16xf32>,
        %add3A_642 = arith.constant 8 : i32
        %add3A_643 = arith.addi %add3A_557, %add3A_642 : i32
        %get3A_644 = arith.index_cast %add3A_643 : i32 to index
        %get3A_645 = arith.constant 16 : index
        %get3A_646 = tpu.vector_load %arg7[%get3A_644, %get3A_645] {strides = array<i32>} : memref<512x32xf32, #tpu.memory_space<vmem>>, vector<16xf32>,
        %add3A_647 = arith.constant 9 : i32
        %add3A_648 = arith.addi %add3A_557, %add3A_647 : i32
        %get3A_649 = arith.index_cast %add3A_648 : i32 to index
        %get3A_650 = arith.constant 0 : index
        %get3A_651 = tpu.vector_load %arg7[%get3A_649, %get3A_650] {strides = array<i32>} : memref<512x32xf32, #tpu.memory_space<vmem>>, vector<16xf32>,
        %add3A_652 = arith.constant 9 : i32
        %add3A_653 = arith.addi %add3A_557, %add3A_652 : i32
        %get3A_654 = arith.index_cast %add3A_653 : i32 to index
        %get3A_655 = arith.constant 16 : index
        %get3A_656 = tpu.vector_load %arg7[%get3A_654, %get3A_655] {strides = array<i32>} : memref<512x32xf32, #tpu.memory_space<vmem>>, vector<16xf32>,
        %add3A_657 = arith.constant 10 : i32
        %add3A_658 = arith.addi %add3A_557, %add3A_657 : i32
        %get3A_659 = arith.index_cast %add3A_658 : i32 to index
        %get3A_660 = arith.constant 0 : index
        %get3A_661 = tpu.vector_load %arg7[%get3A_659, %get3A_660] {strides = array<i32>} : memref<512x32xf32, #tpu.memory_space<vmem>>, vector<16xf32>,
        %add3A_662 = arith.constant 10 : i32
        %add3A_663 = arith.addi %add3A_557, %add3A_662 : i32
        %get3A_664 = arith.index_cast %add3A_663 : i32 to index
        %get3A_665 = arith.constant 16 : index
        %get3A_666 = tpu.vector_load %arg7[%get3A_664, %get3A_665] {strides = array<i32>} : memref<512x32xf32, #tpu.memory_space<vmem>>, vector<16xf32>,
        %add3A_667 = arith.constant 11 : i32
        %add3A_668 = arith.addi %add3A_557, %add3A_667 : i32
        %get3A_669 = arith.index_cast %add3A_668 : i32 to index
        %get3A_670 = arith.constant 0 : index
        %get3A_671 = tpu.vector_load %arg7[%get3A_669, %get3A_670] {strides = array<i32>} : memref<512x32xf32, #tpu.memory_space<vmem>>, vector<16xf32>,
        %add3A_672 = arith.constant 11 : i32
        %add3A_673 = arith.addi %add3A_557, %add3A_672 : i32
        %get3A_674 = arith.index_cast %add3A_673 : i32 to index
        %get3A_675 = arith.constant 16 : index
        %get3A_676 = tpu.vector_load %arg7[%get3A_674, %get3A_675] {strides = array<i32>} : memref<512x32xf32, #tpu.memory_space<vmem>>, vector<16xf32>,
        %add3A_677 = arith.constant 12 : i32
        %add3A_678 = arith.addi %add3A_557, %add3A_677 : i32
        %get3A_679 = arith.index_cast %add3A_678 : i32 to index
        %get3A_680 = arith.constant 0 : index
        %get3A_681 = tpu.vector_load %arg7[%get3A_679, %get3A_680] {strides = array<i32>} : memref<512x32xf32, #tpu.memory_space<vmem>>, vector<16xf32>,
        %add3A_682 = arith.constant 12 : i32
        %add3A_683 = arith.addi %add3A_557, %add3A_682 : i32
        %get3A_684 = arith.index_cast %add3A_683 : i32 to index
        %get3A_685 = arith.constant 16 : index
        %get3A_686 = tpu.vector_load %arg7[%get3A_684, %get3A_685] {strides = array<i32>} : memref<512x32xf32, #tpu.memory_space<vmem>>, vector<16xf32>,
        %add3A_687 = arith.constant 13 : i32
        %add3A_688 = arith.addi %add3A_557, %add3A_687 : i32
        %get3A_689 = arith.index_cast %add3A_688 : i32 to index
        %get3A_690 = arith.constant 0 : index
        %get3A_691 = tpu.vector_load %arg7[%get3A_689, %get3A_690] {strides = array<i32>} : memref<512x32xf32, #tpu.memory_space<vmem>>, vector<16xf32>,
        %add3A_692 = arith.constant 13 : i32
        %add3A_693 = arith.addi %add3A_557, %add3A_692 : i32
        %get3A_694 = arith.index_cast %add3A_693 : i32 to index
        %get3A_695 = arith.constant 16 : index
        %get3A_696 = tpu.vector_load %arg7[%get3A_694, %get3A_695] {strides = array<i32>} : memref<512x32xf32, #tpu.memory_space<vmem>>, vector<16xf32>,
        %add3A_697 = arith.constant 14 : i32
        %add3A_698 = arith.addi %add3A_557, %add3A_697 : i32
        %get3A_699 = arith.index_cast %add3A_698 : i32 to index
        %get3A_700 = arith.constant 0 : index
        %get3A_701 = tpu.vector_load %arg7[%get3A_699, %get3A_700] {strides = array<i32>} : memref<512x32xf32, #tpu.memory_space<vmem>>, vector<16xf32>,
        %add3A_702 = arith.constant 14 : i32
        %add3A_703 = arith.addi %add3A_557, %add3A_702 : i32
        %get3A_704 = arith.index_cast %add3A_703 : i32 to index
        %get3A_705 = arith.constant 16 : index
        %get3A_706 = tpu.vector_load %arg7[%get3A_704, %get3A_705] {strides = array<i32>} : memref<512x32xf32, #tpu.memory_space<vmem>>, vector<16xf32>,
        %add3A_707 = arith.constant 15 : i32
        %add3A_708 = arith.addi %add3A_557, %add3A_707 : i32
        %get3A_709 = arith.index_cast %add3A_708 : i32 to index
        %get3A_710 = arith.constant 0 : index
        %get3A_711 = tpu.vector_load %arg7[%get3A_709, %get3A_710] {strides = array<i32>} : memref<512x32xf32, #tpu.memory_space<vmem>>, vector<16xf32>,
        %add3A_712 = arith.constant 15 : i32
        %add3A_713 = arith.addi %add3A_557, %add3A_712 : i32
        %get3A_714 = arith.index_cast %add3A_713 : i32 to index
        %get3A_715 = arith.constant 16 : index
        %get3A_716 = tpu.vector_load %arg7[%get3A_714, %get3A_715] {strides = array<i32>} : memref<512x32xf32, #tpu.memory_space<vmem>>, vector<16xf32>,
        %broadcast_in_dim3A = arith.constant 0 : i32
        %broadcast_in_dim3A_717 = vector.broadcast %broadcast_in_dim3A : i32 to vector<16xi32>
        %mul3A_718 = arith.constant 16 : i32
        %mul3A_719 = arith.muli %scan3A_552, %mul3A_718 : i32
        %add3A_720 = arith.constant 0 : i32
        %add3A_721 = arith.addi %mul3A_719, %add3A_720 : i32
        %add3A_722 = vector.broadcast %add3A_721 : i32 to vector<16xi32>
        %add3A_723 = arith.addi %broadcast_in_dim3A_717, %add3A_722 : vector<16xi32>
        tpu.vector_store_idx %arg9[%add3A_465, %add3A_723], %get3A_561 : memref<128x129xf32, #tpu.memory_space<vmem>>[vector<16xi32>, vector<16xi32>], vector<16xf32>,
        tpu.vector_store_idx %arg9[%add3A_468, %add3A_723], %get3A_566 : memref<128x129xf32, #tpu.memory_space<vmem>>[vector<16xi32>, vector<16xi32>], vector<16xf32>,
        %broadcast_in_dim3A_724 = arith.constant 0 : i32
        %broadcast_in_dim3A_725 = vector.broadcast %broadcast_in_dim3A_724 : i32 to vector<16xi32>
        %mul3A_726 = arith.constant 16 : i32
        %mul3A_727 = arith.muli %scan3A_552, %mul3A_726 : i32
        %add3A_728 = arith.constant 1 : i32
        %add3A_729 = arith.addi %mul3A_727, %add3A_728 : i32
        %add3A_730 = vector.broadcast %add3A_729 : i32 to vector<16xi32>
        %add3A_731 = arith.addi %broadcast_in_dim3A_725, %add3A_730 : vector<16xi32>
        tpu.vector_store_idx %arg9[%add3A_465, %add3A_731], %get3A_571 : memref<128x129xf32, #tpu.memory_space<vmem>>[vector<16xi32>, vector<16xi32>], vector<16xf32>,
        tpu.vector_store_idx %arg9[%add3A_468, %add3A_731], %get3A_576 : memref<128x129xf32, #tpu.memory_space<vmem>>[vector<16xi32>, vector<16xi32>], vector<16xf32>,
        %broadcast_in_dim3A_732 = arith.constant 0 : i32
        %broadcast_in_dim3A_733 = vector.broadcast %broadcast_in_dim3A_732 : i32 to vector<16xi32>
        %mul3A_734 = arith.constant 16 : i32
        %mul3A_735 = arith.muli %scan3A_552, %mul3A_734 : i32
        %add3A_736 = arith.constant 2 : i32
        %add3A_737 = arith.addi %mul3A_735, %add3A_736 : i32
        %add3A_738 = vector.broadcast %add3A_737 : i32 to vector<16xi32>
        %add3A_739 = arith.addi %broadcast_in_dim3A_733, %add3A_738 : vector<16xi32>
        tpu.vector_store_idx %arg9[%add3A_465, %add3A_739], %get3A_581 : memref<128x129xf32, #tpu.memory_space<vmem>>[vector<16xi32>, vector<16xi32>], vector<16xf32>,
        tpu.vector_store_idx %arg9[%add3A_468, %add3A_739], %get3A_586 : memref<128x129xf32, #tpu.memory_space<vmem>>[vector<16xi32>, vector<16xi32>], vector<16xf32>,
        %broadcast_in_dim3A_740 = arith.constant 0 : i32
        %broadcast_in_dim3A_741 = vector.broadcast %broadcast_in_dim3A_740 : i32 to vector<16xi32>
        %mul3A_742 = arith.constant 16 : i32
        %mul3A_743 = arith.muli %scan3A_552, %mul3A_742 : i32
        %add3A_744 = arith.constant 3 : i32
        %add3A_745 = arith.addi %mul3A_743, %add3A_744 : i32
        %add3A_746 = vector.broadcast %add3A_745 : i32 to vector<16xi32>
        %add3A_747 = arith.addi %broadcast_in_dim3A_741, %add3A_746 : vector<16xi32>
        tpu.vector_store_idx %arg9[%add3A_465, %add3A_747], %get3A_591 : memref<128x129xf32, #tpu.memory_space<vmem>>[vector<16xi32>, vector<16xi32>], vector<16xf32>,
        tpu.vector_store_idx %arg9[%add3A_468, %add3A_747], %get3A_596 : memref<128x129xf32, #tpu.memory_space<vmem>>[vector<16xi32>, vector<16xi32>], vector<16xf32>,
        %broadcast_in_dim3A_748 = arith.constant 0 : i32
        %broadcast_in_dim3A_749 = vector.broadcast %broadcast_in_dim3A_748 : i32 to vector<16xi32>
        %mul3A_750 = arith.constant 16 : i32
        %mul3A_751 = arith.muli %scan3A_552, %mul3A_750 : i32
        %add3A_752 = arith.constant 4 : i32
        %add3A_753 = arith.addi %mul3A_751, %add3A_752 : i32
        %add3A_754 = vector.broadcast %add3A_753 : i32 to vector<16xi32>
        %add3A_755 = arith.addi %broadcast_in_dim3A_749, %add3A_754 : vector<16xi32>
        tpu.vector_store_idx %arg9[%add3A_465, %add3A_755], %get3A_601 : memref<128x129xf32, #tpu.memory_space<vmem>>[vector<16xi32>, vector<16xi32>], vector<16xf32>,
        tpu.vector_store_idx %arg9[%add3A_468, %add3A_755], %get3A_606 : memref<128x129xf32, #tpu.memory_space<vmem>>[vector<16xi32>, vector<16xi32>], vector<16xf32>,
        %broadcast_in_dim3A_756 = arith.constant 0 : i32
        %broadcast_in_dim3A_757 = vector.broadcast %broadcast_in_dim3A_756 : i32 to vector<16xi32>
        %mul3A_758 = arith.constant 16 : i32
        %mul3A_759 = arith.muli %scan3A_552, %mul3A_758 : i32
        %add3A_760 = arith.constant 5 : i32
        %add3A_761 = arith.addi %mul3A_759, %add3A_760 : i32
        %add3A_762 = vector.broadcast %add3A_761 : i32 to vector<16xi32>
        %add3A_763 = arith.addi %broadcast_in_dim3A_757, %add3A_762 : vector<16xi32>
        tpu.vector_store_idx %arg9[%add3A_465, %add3A_763], %get3A_611 : memref<128x129xf32, #tpu.memory_space<vmem>>[vector<16xi32>, vector<16xi32>], vector<16xf32>,
        tpu.vector_store_idx %arg9[%add3A_468, %add3A_763], %get3A_616 : memref<128x129xf32, #tpu.memory_space<vmem>>[vector<16xi32>, vector<16xi32>], vector<16xf32>,
        %broadcast_in_dim3A_764 = arith.constant 0 : i32
        %broadcast_in_dim3A_765 = vector.broadcast %broadcast_in_dim3A_764 : i32 to vector<16xi32>
        %mul3A_766 = arith.constant 16 : i32
        %mul3A_767 = arith.muli %scan3A_552, %mul3A_766 : i32
        %add3A_768 = arith.constant 6 : i32
        %add3A_769 = arith.addi %mul3A_767, %add3A_768 : i32
        %add3A_770 = vector.broadcast %add3A_769 : i32 to vector<16xi32>
        %add3A_771 = arith.addi %broadcast_in_dim3A_765, %add3A_770 : vector<16xi32>
        tpu.vector_store_idx %arg9[%add3A_465, %add3A_771], %get3A_621 : memref<128x129xf32, #tpu.memory_space<vmem>>[vector<16xi32>, vector<16xi32>], vector<16xf32>,
        tpu.vector_store_idx %arg9[%add3A_468, %add3A_771], %get3A_626 : memref<128x129xf32, #tpu.memory_space<vmem>>[vector<16xi32>, vector<16xi32>], vector<16xf32>,
        %broadcast_in_dim3A_772 = arith.constant 0 : i32
        %broadcast_in_dim3A_773 = vector.broadcast %broadcast_in_dim3A_772 : i32 to vector<16xi32>
        %mul3A_774 = arith.constant 16 : i32
        %mul3A_775 = arith.muli %scan3A_552, %mul3A_774 : i32
        %add3A_776 = arith.constant 7 : i32
        %add3A_777 = arith.addi %mul3A_775, %add3A_776 : i32
        %add3A_778 = vector.broadcast %add3A_777 : i32 to vector<16xi32>
        %add3A_779 = arith.addi %broadcast_in_dim3A_773, %add3A_778 : vector<16xi32>
        tpu.vector_store_idx %arg9[%add3A_465, %add3A_779], %get3A_631 : memref<128x129xf32, #tpu.memory_space<vmem>>[vector<16xi32>, vector<16xi32>], vector<16xf32>,
        tpu.vector_store_idx %arg9[%add3A_468, %add3A_779], %get3A_636 : memref<128x129xf32, #tpu.memory_space<vmem>>[vector<16xi32>, vector<16xi32>], vector<16xf32>,
        %broadcast_in_dim3A_780 = arith.constant 0 : i32
        %broadcast_in_dim3A_781 = vector.broadcast %broadcast_in_dim3A_780 : i32 to vector<16xi32>
        %mul3A_782 = arith.constant 16 : i32
        %mul3A_783 = arith.muli %scan3A_552, %mul3A_782 : i32
        %add3A_784 = arith.constant 8 : i32
        %add3A_785 = arith.addi %mul3A_783, %add3A_784 : i32
        %add3A_786 = vector.broadcast %add3A_785 : i32 to vector<16xi32>
        %add3A_787 = arith.addi %broadcast_in_dim3A_781, %add3A_786 : vector<16xi32>
        tpu.vector_store_idx %arg9[%add3A_465, %add3A_787], %get3A_641 : memref<128x129xf32, #tpu.memory_space<vmem>>[vector<16xi32>, vector<16xi32>], vector<16xf32>,
        tpu.vector_store_idx %arg9[%add3A_468, %add3A_787], %get3A_646 : memref<128x129xf32, #tpu.memory_space<vmem>>[vector<16xi32>, vector<16xi32>], vector<16xf32>,
        %broadcast_in_dim3A_788 = arith.constant 0 : i32
        %broadcast_in_dim3A_789 = vector.broadcast %broadcast_in_dim3A_788 : i32 to vector<16xi32>
        %mul3A_790 = arith.constant 16 : i32
        %mul3A_791 = arith.muli %scan3A_552, %mul3A_790 : i32
        %add3A_792 = arith.constant 9 : i32
        %add3A_793 = arith.addi %mul3A_791, %add3A_792 : i32
        %add3A_794 = vector.broadcast %add3A_793 : i32 to vector<16xi32>
        %add3A_795 = arith.addi %broadcast_in_dim3A_789, %add3A_794 : vector<16xi32>
        tpu.vector_store_idx %arg9[%add3A_465, %add3A_795], %get3A_651 : memref<128x129xf32, #tpu.memory_space<vmem>>[vector<16xi32>, vector<16xi32>], vector<16xf32>,
        tpu.vector_store_idx %arg9[%add3A_468, %add3A_795], %get3A_656 : memref<128x129xf32, #tpu.memory_space<vmem>>[vector<16xi32>, vector<16xi32>], vector<16xf32>,
        %broadcast_in_dim3A_796 = arith.constant 0 : i32
        %broadcast_in_dim3A_797 = vector.broadcast %broadcast_in_dim3A_796 : i32 to vector<16xi32>
        %mul3A_798 = arith.constant 16 : i32
        %mul3A_799 = arith.muli %scan3A_552, %mul3A_798 : i32
        %add3A_800 = arith.constant 10 : i32
        %add3A_801 = arith.addi %mul3A_799, %add3A_800 : i32
        %add3A_802 = vector.broadcast %add3A_801 : i32 to vector<16xi32>
        %add3A_803 = arith.addi %broadcast_in_dim3A_797, %add3A_802 : vector<16xi32>
        tpu.vector_store_idx %arg9[%add3A_465, %add3A_803], %get3A_661 : memref<128x129xf32, #tpu.memory_space<vmem>>[vector<16xi32>, vector<16xi32>], vector<16xf32>,
        tpu.vector_store_idx %arg9[%add3A_468, %add3A_803], %get3A_666 : memref<128x129xf32, #tpu.memory_space<vmem>>[vector<16xi32>, vector<16xi32>], vector<16xf32>,
        %broadcast_in_dim3A_804 = arith.constant 0 : i32
        %broadcast_in_dim3A_805 = vector.broadcast %broadcast_in_dim3A_804 : i32 to vector<16xi32>
        %mul3A_806 = arith.constant 16 : i32
        %mul3A_807 = arith.muli %scan3A_552, %mul3A_806 : i32
        %add3A_808 = arith.constant 11 : i32
        %add3A_809 = arith.addi %mul3A_807, %add3A_808 : i32
        %add3A_810 = vector.broadcast %add3A_809 : i32 to vector<16xi32>
        %add3A_811 = arith.addi %broadcast_in_dim3A_805, %add3A_810 : vector<16xi32>
        tpu.vector_store_idx %arg9[%add3A_465, %add3A_811], %get3A_671 : memref<128x129xf32, #tpu.memory_space<vmem>>[vector<16xi32>, vector<16xi32>], vector<16xf32>,
        tpu.vector_store_idx %arg9[%add3A_468, %add3A_811], %get3A_676 : memref<128x129xf32, #tpu.memory_space<vmem>>[vector<16xi32>, vector<16xi32>], vector<16xf32>,
        %broadcast_in_dim3A_812 = arith.constant 0 : i32
        %broadcast_in_dim3A_813 = vector.broadcast %broadcast_in_dim3A_812 : i32 to vector<16xi32>
        %mul3A_814 = arith.constant 16 : i32
        %mul3A_815 = arith.muli %scan3A_552, %mul3A_814 : i32
        %add3A_816 = arith.constant 12 : i32
        %add3A_817 = arith.addi %mul3A_815, %add3A_816 : i32
        %add3A_818 = vector.broadcast %add3A_817 : i32 to vector<16xi32>
        %add3A_819 = arith.addi %broadcast_in_dim3A_813, %add3A_818 : vector<16xi32>
        tpu.vector_store_idx %arg9[%add3A_465, %add3A_819], %get3A_681 : memref<128x129xf32, #tpu.memory_space<vmem>>[vector<16xi32>, vector<16xi32>], vector<16xf32>,
        tpu.vector_store_idx %arg9[%add3A_468, %add3A_819], %get3A_686 : memref<128x129xf32, #tpu.memory_space<vmem>>[vector<16xi32>, vector<16xi32>], vector<16xf32>,
        %broadcast_in_dim3A_820 = arith.constant 0 : i32
        %broadcast_in_dim3A_821 = vector.broadcast %broadcast_in_dim3A_820 : i32 to vector<16xi32>
        %mul3A_822 = arith.constant 16 : i32
        %mul3A_823 = arith.muli %scan3A_552, %mul3A_822 : i32
        %add3A_824 = arith.constant 13 : i32
        %add3A_825 = arith.addi %mul3A_823, %add3A_824 : i32
        %add3A_826 = vector.broadcast %add3A_825 : i32 to vector<16xi32>
        %add3A_827 = arith.addi %broadcast_in_dim3A_821, %add3A_826 : vector<16xi32>
        tpu.vector_store_idx %arg9[%add3A_465, %add3A_827], %get3A_691 : memref<128x129xf32, #tpu.memory_space<vmem>>[vector<16xi32>, vector<16xi32>], vector<16xf32>,
        tpu.vector_store_idx %arg9[%add3A_468, %add3A_827], %get3A_696 : memref<128x129xf32, #tpu.memory_space<vmem>>[vector<16xi32>, vector<16xi32>], vector<16xf32>,
        %broadcast_in_dim3A_828 = arith.constant 0 : i32
        %broadcast_in_dim3A_829 = vector.broadcast %broadcast_in_dim3A_828 : i32 to vector<16xi32>
        %mul3A_830 = arith.constant 16 : i32
        %mul3A_831 = arith.muli %scan3A_552, %mul3A_830 : i32
        %add3A_832 = arith.constant 14 : i32
        %add3A_833 = arith.addi %mul3A_831, %add3A_832 : i32
        %add3A_834 = vector.broadcast %add3A_833 : i32 to vector<16xi32>
        %add3A_835 = arith.addi %broadcast_in_dim3A_829, %add3A_834 : vector<16xi32>
        tpu.vector_store_idx %arg9[%add3A_465, %add3A_835], %get3A_701 : memref<128x129xf32, #tpu.memory_space<vmem>>[vector<16xi32>, vector<16xi32>], vector<16xf32>,
        tpu.vector_store_idx %arg9[%add3A_468, %add3A_835], %get3A_706 : memref<128x129xf32, #tpu.memory_space<vmem>>[vector<16xi32>, vector<16xi32>], vector<16xf32>,
        %broadcast_in_dim3A_836 = arith.constant 0 : i32
        %broadcast_in_dim3A_837 = vector.broadcast %broadcast_in_dim3A_836 : i32 to vector<16xi32>
        %mul3A_838 = arith.constant 16 : i32
        %mul3A_839 = arith.muli %scan3A_552, %mul3A_838 : i32
        %add3A_840 = arith.constant 15 : i32
        %add3A_841 = arith.addi %mul3A_839, %add3A_840 : i32
        %add3A_842 = vector.broadcast %add3A_841 : i32 to vector<16xi32>
        %add3A_843 = arith.addi %broadcast_in_dim3A_837, %add3A_842 : vector<16xi32>
        tpu.vector_store_idx %arg9[%add3A_465, %add3A_843], %get3A_711 : memref<128x129xf32, #tpu.memory_space<vmem>>[vector<16xi32>, vector<16xi32>], vector<16xf32>,
        tpu.vector_store_idx %arg9[%add3A_468, %add3A_843], %get3A_716 : memref<128x129xf32, #tpu.memory_space<vmem>>[vector<16xi32>, vector<16xi32>], vector<16xf32>,
        %scan3A_844 = arith.constant 0 : i32
        scf.yield %scan3A_844 : i32
      }
      %scan3A_475 = arith.constant 8 : i32
      %add3A_476 = arith.constant 24 : i32
      %add3A_477 = vector.broadcast %add3A_476 : i32 to vector<16xi32>
      %add3A_478 = arith.addi %add3A_47, %add3A_477 : vector<16xi32>
      %add3A_479 = arith.constant 88 : i32
      %add3A_480 = vector.broadcast %add3A_479 : i32 to vector<16xi32>
      %add3A_481 = arith.addi %add3A_47, %add3A_480 : vector<16xi32>
      %scan3A_482 = arith.constant 0 : i32
      %scan3A_483 = arith.constant 0 : i32
      %scan3A_484 = arith.constant 8 : i32
      %scan3A_485 = arith.addi %scan3A_483, %scan3A_484 : i32
      %scan3A_486 = arith.constant 1 : i32
      %scan3A_487 = scf.for %scan3A_552 = %scan3A_483 to %scan3A_485 step %scan3A_486 iter_args(%scan3A_553 = %scan3A_482) -> (i32)  : i32 {
        %mul3A_554 = arith.constant 16 : i32
        %mul3A_555 = arith.muli %scan3A_552, %mul3A_554 : i32
        %add3A_556 = arith.constant 384 : i32
        %add3A_557 = arith.addi %add3A_556, %mul3A_555 : i32
        %add3A_558 = arith.constant 0 : i32
        %add3A_559 = arith.addi %add3A_557, %add3A_558 : i32
        %get3A = arith.index_cast %add3A_559 : i32 to index
        %get3A_560 = arith.constant 0 : index
        %get3A_561 = tpu.vector_load %arg7[%get3A, %get3A_560] {strides = array<i32>} : memref<512x32xf32, #tpu.memory_space<vmem>>, vector<16xf32>,
        %add3A_562 = arith.constant 0 : i32
        %add3A_563 = arith.addi %add3A_557, %add3A_562 : i32
        %get3A_564 = arith.index_cast %add3A_563 : i32 to index
        %get3A_565 = arith.constant 16 : index
        %get3A_566 = tpu.vector_load %arg7[%get3A_564, %get3A_565] {strides = array<i32>} : memref<512x32xf32, #tpu.memory_space<vmem>>, vector<16xf32>,
        %add3A_567 = arith.constant 1 : i32
        %add3A_568 = arith.addi %add3A_557, %add3A_567 : i32
        %get3A_569 = arith.index_cast %add3A_568 : i32 to index
        %get3A_570 = arith.constant 0 : index
        %get3A_571 = tpu.vector_load %arg7[%get3A_569, %get3A_570] {strides = array<i32>} : memref<512x32xf32, #tpu.memory_space<vmem>>, vector<16xf32>,
        %add3A_572 = arith.constant 1 : i32
        %add3A_573 = arith.addi %add3A_557, %add3A_572 : i32
        %get3A_574 = arith.index_cast %add3A_573 : i32 to index
        %get3A_575 = arith.constant 16 : index
        %get3A_576 = tpu.vector_load %arg7[%get3A_574, %get3A_575] {strides = array<i32>} : memref<512x32xf32, #tpu.memory_space<vmem>>, vector<16xf32>,
        %add3A_577 = arith.constant 2 : i32
        %add3A_578 = arith.addi %add3A_557, %add3A_577 : i32
        %get3A_579 = arith.index_cast %add3A_578 : i32 to index
        %get3A_580 = arith.constant 0 : index
        %get3A_581 = tpu.vector_load %arg7[%get3A_579, %get3A_580] {strides = array<i32>} : memref<512x32xf32, #tpu.memory_space<vmem>>, vector<16xf32>,
        %add3A_582 = arith.constant 2 : i32
        %add3A_583 = arith.addi %add3A_557, %add3A_582 : i32
        %get3A_584 = arith.index_cast %add3A_583 : i32 to index
        %get3A_585 = arith.constant 16 : index
        %get3A_586 = tpu.vector_load %arg7[%get3A_584, %get3A_585] {strides = array<i32>} : memref<512x32xf32, #tpu.memory_space<vmem>>, vector<16xf32>,
        %add3A_587 = arith.constant 3 : i32
        %add3A_588 = arith.addi %add3A_557, %add3A_587 : i32
        %get3A_589 = arith.index_cast %add3A_588 : i32 to index
        %get3A_590 = arith.constant 0 : index
        %get3A_591 = tpu.vector_load %arg7[%get3A_589, %get3A_590] {strides = array<i32>} : memref<512x32xf32, #tpu.memory_space<vmem>>, vector<16xf32>,
        %add3A_592 = arith.constant 3 : i32
        %add3A_593 = arith.addi %add3A_557, %add3A_592 : i32
        %get3A_594 = arith.index_cast %add3A_593 : i32 to index
        %get3A_595 = arith.constant 16 : index
        %get3A_596 = tpu.vector_load %arg7[%get3A_594, %get3A_595] {strides = array<i32>} : memref<512x32xf32, #tpu.memory_space<vmem>>, vector<16xf32>,
        %add3A_597 = arith.constant 4 : i32
        %add3A_598 = arith.addi %add3A_557, %add3A_597 : i32
        %get3A_599 = arith.index_cast %add3A_598 : i32 to index
        %get3A_600 = arith.constant 0 : index
        %get3A_601 = tpu.vector_load %arg7[%get3A_599, %get3A_600] {strides = array<i32>} : memref<512x32xf32, #tpu.memory_space<vmem>>, vector<16xf32>,
        %add3A_602 = arith.constant 4 : i32
        %add3A_603 = arith.addi %add3A_557, %add3A_602 : i32
        %get3A_604 = arith.index_cast %add3A_603 : i32 to index
        %get3A_605 = arith.constant 16 : index
        %get3A_606 = tpu.vector_load %arg7[%get3A_604, %get3A_605] {strides = array<i32>} : memref<512x32xf32, #tpu.memory_space<vmem>>, vector<16xf32>,
        %add3A_607 = arith.constant 5 : i32
        %add3A_608 = arith.addi %add3A_557, %add3A_607 : i32
        %get3A_609 = arith.index_cast %add3A_608 : i32 to index
        %get3A_610 = arith.constant 0 : index
        %get3A_611 = tpu.vector_load %arg7[%get3A_609, %get3A_610] {strides = array<i32>} : memref<512x32xf32, #tpu.memory_space<vmem>>, vector<16xf32>,
        %add3A_612 = arith.constant 5 : i32
        %add3A_613 = arith.addi %add3A_557, %add3A_612 : i32
        %get3A_614 = arith.index_cast %add3A_613 : i32 to index
        %get3A_615 = arith.constant 16 : index
        %get3A_616 = tpu.vector_load %arg7[%get3A_614, %get3A_615] {strides = array<i32>} : memref<512x32xf32, #tpu.memory_space<vmem>>, vector<16xf32>,
        %add3A_617 = arith.constant 6 : i32
        %add3A_618 = arith.addi %add3A_557, %add3A_617 : i32
        %get3A_619 = arith.index_cast %add3A_618 : i32 to index
        %get3A_620 = arith.constant 0 : index
        %get3A_621 = tpu.vector_load %arg7[%get3A_619, %get3A_620] {strides = array<i32>} : memref<512x32xf32, #tpu.memory_space<vmem>>, vector<16xf32>,
        %add3A_622 = arith.constant 6 : i32
        %add3A_623 = arith.addi %add3A_557, %add3A_622 : i32
        %get3A_624 = arith.index_cast %add3A_623 : i32 to index
        %get3A_625 = arith.constant 16 : index
        %get3A_626 = tpu.vector_load %arg7[%get3A_624, %get3A_625] {strides = array<i32>} : memref<512x32xf32, #tpu.memory_space<vmem>>, vector<16xf32>,
        %add3A_627 = arith.constant 7 : i32
        %add3A_628 = arith.addi %add3A_557, %add3A_627 : i32
        %get3A_629 = arith.index_cast %add3A_628 : i32 to index
        %get3A_630 = arith.constant 0 : index
        %get3A_631 = tpu.vector_load %arg7[%get3A_629, %get3A_630] {strides = array<i32>} : memref<512x32xf32, #tpu.memory_space<vmem>>, vector<16xf32>,
        %add3A_632 = arith.constant 7 : i32
        %add3A_633 = arith.addi %add3A_557, %add3A_632 : i32
        %get3A_634 = arith.index_cast %add3A_633 : i32 to index
        %get3A_635 = arith.constant 16 : index
        %get3A_636 = tpu.vector_load %arg7[%get3A_634, %get3A_635] {strides = array<i32>} : memref<512x32xf32, #tpu.memory_space<vmem>>, vector<16xf32>,
        %add3A_637 = arith.constant 8 : i32
        %add3A_638 = arith.addi %add3A_557, %add3A_637 : i32
        %get3A_639 = arith.index_cast %add3A_638 : i32 to index
        %get3A_640 = arith.constant 0 : index
        %get3A_641 = tpu.vector_load %arg7[%get3A_639, %get3A_640] {strides = array<i32>} : memref<512x32xf32, #tpu.memory_space<vmem>>, vector<16xf32>,
        %add3A_642 = arith.constant 8 : i32
        %add3A_643 = arith.addi %add3A_557, %add3A_642 : i32
        %get3A_644 = arith.index_cast %add3A_643 : i32 to index
        %get3A_645 = arith.constant 16 : index
        %get3A_646 = tpu.vector_load %arg7[%get3A_644, %get3A_645] {strides = array<i32>} : memref<512x32xf32, #tpu.memory_space<vmem>>, vector<16xf32>,
        %add3A_647 = arith.constant 9 : i32
        %add3A_648 = arith.addi %add3A_557, %add3A_647 : i32
        %get3A_649 = arith.index_cast %add3A_648 : i32 to index
        %get3A_650 = arith.constant 0 : index
        %get3A_651 = tpu.vector_load %arg7[%get3A_649, %get3A_650] {strides = array<i32>} : memref<512x32xf32, #tpu.memory_space<vmem>>, vector<16xf32>,
        %add3A_652 = arith.constant 9 : i32
        %add3A_653 = arith.addi %add3A_557, %add3A_652 : i32
        %get3A_654 = arith.index_cast %add3A_653 : i32 to index
        %get3A_655 = arith.constant 16 : index
        %get3A_656 = tpu.vector_load %arg7[%get3A_654, %get3A_655] {strides = array<i32>} : memref<512x32xf32, #tpu.memory_space<vmem>>, vector<16xf32>,
        %add3A_657 = arith.constant 10 : i32
        %add3A_658 = arith.addi %add3A_557, %add3A_657 : i32
        %get3A_659 = arith.index_cast %add3A_658 : i32 to index
        %get3A_660 = arith.constant 0 : index
        %get3A_661 = tpu.vector_load %arg7[%get3A_659, %get3A_660] {strides = array<i32>} : memref<512x32xf32, #tpu.memory_space<vmem>>, vector<16xf32>,
        %add3A_662 = arith.constant 10 : i32
        %add3A_663 = arith.addi %add3A_557, %add3A_662 : i32
        %get3A_664 = arith.index_cast %add3A_663 : i32 to index
        %get3A_665 = arith.constant 16 : index
        %get3A_666 = tpu.vector_load %arg7[%get3A_664, %get3A_665] {strides = array<i32>} : memref<512x32xf32, #tpu.memory_space<vmem>>, vector<16xf32>,
        %add3A_667 = arith.constant 11 : i32
        %add3A_668 = arith.addi %add3A_557, %add3A_667 : i32
        %get3A_669 = arith.index_cast %add3A_668 : i32 to index
        %get3A_670 = arith.constant 0 : index
        %get3A_671 = tpu.vector_load %arg7[%get3A_669, %get3A_670] {strides = array<i32>} : memref<512x32xf32, #tpu.memory_space<vmem>>, vector<16xf32>,
        %add3A_672 = arith.constant 11 : i32
        %add3A_673 = arith.addi %add3A_557, %add3A_672 : i32
        %get3A_674 = arith.index_cast %add3A_673 : i32 to index
        %get3A_675 = arith.constant 16 : index
        %get3A_676 = tpu.vector_load %arg7[%get3A_674, %get3A_675] {strides = array<i32>} : memref<512x32xf32, #tpu.memory_space<vmem>>, vector<16xf32>,
        %add3A_677 = arith.constant 12 : i32
        %add3A_678 = arith.addi %add3A_557, %add3A_677 : i32
        %get3A_679 = arith.index_cast %add3A_678 : i32 to index
        %get3A_680 = arith.constant 0 : index
        %get3A_681 = tpu.vector_load %arg7[%get3A_679, %get3A_680] {strides = array<i32>} : memref<512x32xf32, #tpu.memory_space<vmem>>, vector<16xf32>,
        %add3A_682 = arith.constant 12 : i32
        %add3A_683 = arith.addi %add3A_557, %add3A_682 : i32
        %get3A_684 = arith.index_cast %add3A_683 : i32 to index
        %get3A_685 = arith.constant 16 : index
        %get3A_686 = tpu.vector_load %arg7[%get3A_684, %get3A_685] {strides = array<i32>} : memref<512x32xf32, #tpu.memory_space<vmem>>, vector<16xf32>,
        %add3A_687 = arith.constant 13 : i32
        %add3A_688 = arith.addi %add3A_557, %add3A_687 : i32
        %get3A_689 = arith.index_cast %add3A_688 : i32 to index
        %get3A_690 = arith.constant 0 : index
        %get3A_691 = tpu.vector_load %arg7[%get3A_689, %get3A_690] {strides = array<i32>} : memref<512x32xf32, #tpu.memory_space<vmem>>, vector<16xf32>,
        %add3A_692 = arith.constant 13 : i32
        %add3A_693 = arith.addi %add3A_557, %add3A_692 : i32
        %get3A_694 = arith.index_cast %add3A_693 : i32 to index
        %get3A_695 = arith.constant 16 : index
        %get3A_696 = tpu.vector_load %arg7[%get3A_694, %get3A_695] {strides = array<i32>} : memref<512x32xf32, #tpu.memory_space<vmem>>, vector<16xf32>,
        %add3A_697 = arith.constant 14 : i32
        %add3A_698 = arith.addi %add3A_557, %add3A_697 : i32
        %get3A_699 = arith.index_cast %add3A_698 : i32 to index
        %get3A_700 = arith.constant 0 : index
        %get3A_701 = tpu.vector_load %arg7[%get3A_699, %get3A_700] {strides = array<i32>} : memref<512x32xf32, #tpu.memory_space<vmem>>, vector<16xf32>,
        %add3A_702 = arith.constant 14 : i32
        %add3A_703 = arith.addi %add3A_557, %add3A_702 : i32
        %get3A_704 = arith.index_cast %add3A_703 : i32 to index
        %get3A_705 = arith.constant 16 : index
        %get3A_706 = tpu.vector_load %arg7[%get3A_704, %get3A_705] {strides = array<i32>} : memref<512x32xf32, #tpu.memory_space<vmem>>, vector<16xf32>,
        %add3A_707 = arith.constant 15 : i32
        %add3A_708 = arith.addi %add3A_557, %add3A_707 : i32
        %get3A_709 = arith.index_cast %add3A_708 : i32 to index
        %get3A_710 = arith.constant 0 : index
        %get3A_711 = tpu.vector_load %arg7[%get3A_709, %get3A_710] {strides = array<i32>} : memref<512x32xf32, #tpu.memory_space<vmem>>, vector<16xf32>,
        %add3A_712 = arith.constant 15 : i32
        %add3A_713 = arith.addi %add3A_557, %add3A_712 : i32
        %get3A_714 = arith.index_cast %add3A_713 : i32 to index
        %get3A_715 = arith.constant 16 : index
        %get3A_716 = tpu.vector_load %arg7[%get3A_714, %get3A_715] {strides = array<i32>} : memref<512x32xf32, #tpu.memory_space<vmem>>, vector<16xf32>,
        %broadcast_in_dim3A = arith.constant 0 : i32
        %broadcast_in_dim3A_717 = vector.broadcast %broadcast_in_dim3A : i32 to vector<16xi32>
        %mul3A_718 = arith.constant 16 : i32
        %mul3A_719 = arith.muli %scan3A_552, %mul3A_718 : i32
        %add3A_720 = arith.constant 0 : i32
        %add3A_721 = arith.addi %mul3A_719, %add3A_720 : i32
        %add3A_722 = vector.broadcast %add3A_721 : i32 to vector<16xi32>
        %add3A_723 = arith.addi %broadcast_in_dim3A_717, %add3A_722 : vector<16xi32>
        tpu.vector_store_idx %arg9[%add3A_478, %add3A_723], %get3A_561 : memref<128x129xf32, #tpu.memory_space<vmem>>[vector<16xi32>, vector<16xi32>], vector<16xf32>,
        tpu.vector_store_idx %arg9[%add3A_481, %add3A_723], %get3A_566 : memref<128x129xf32, #tpu.memory_space<vmem>>[vector<16xi32>, vector<16xi32>], vector<16xf32>,
        %broadcast_in_dim3A_724 = arith.constant 0 : i32
        %broadcast_in_dim3A_725 = vector.broadcast %broadcast_in_dim3A_724 : i32 to vector<16xi32>
        %mul3A_726 = arith.constant 16 : i32
        %mul3A_727 = arith.muli %scan3A_552, %mul3A_726 : i32
        %add3A_728 = arith.constant 1 : i32
        %add3A_729 = arith.addi %mul3A_727, %add3A_728 : i32
        %add3A_730 = vector.broadcast %add3A_729 : i32 to vector<16xi32>
        %add3A_731 = arith.addi %broadcast_in_dim3A_725, %add3A_730 : vector<16xi32>
        tpu.vector_store_idx %arg9[%add3A_478, %add3A_731], %get3A_571 : memref<128x129xf32, #tpu.memory_space<vmem>>[vector<16xi32>, vector<16xi32>], vector<16xf32>,
        tpu.vector_store_idx %arg9[%add3A_481, %add3A_731], %get3A_576 : memref<128x129xf32, #tpu.memory_space<vmem>>[vector<16xi32>, vector<16xi32>], vector<16xf32>,
        %broadcast_in_dim3A_732 = arith.constant 0 : i32
        %broadcast_in_dim3A_733 = vector.broadcast %broadcast_in_dim3A_732 : i32 to vector<16xi32>
        %mul3A_734 = arith.constant 16 : i32
        %mul3A_735 = arith.muli %scan3A_552, %mul3A_734 : i32
        %add3A_736 = arith.constant 2 : i32
        %add3A_737 = arith.addi %mul3A_735, %add3A_736 : i32
        %add3A_738 = vector.broadcast %add3A_737 : i32 to vector<16xi32>
        %add3A_739 = arith.addi %broadcast_in_dim3A_733, %add3A_738 : vector<16xi32>
        tpu.vector_store_idx %arg9[%add3A_478, %add3A_739], %get3A_581 : memref<128x129xf32, #tpu.memory_space<vmem>>[vector<16xi32>, vector<16xi32>], vector<16xf32>,
        tpu.vector_store_idx %arg9[%add3A_481, %add3A_739], %get3A_586 : memref<128x129xf32, #tpu.memory_space<vmem>>[vector<16xi32>, vector<16xi32>], vector<16xf32>,
        %broadcast_in_dim3A_740 = arith.constant 0 : i32
        %broadcast_in_dim3A_741 = vector.broadcast %broadcast_in_dim3A_740 : i32 to vector<16xi32>
        %mul3A_742 = arith.constant 16 : i32
        %mul3A_743 = arith.muli %scan3A_552, %mul3A_742 : i32
        %add3A_744 = arith.constant 3 : i32
        %add3A_745 = arith.addi %mul3A_743, %add3A_744 : i32
        %add3A_746 = vector.broadcast %add3A_745 : i32 to vector<16xi32>
        %add3A_747 = arith.addi %broadcast_in_dim3A_741, %add3A_746 : vector<16xi32>
        tpu.vector_store_idx %arg9[%add3A_478, %add3A_747], %get3A_591 : memref<128x129xf32, #tpu.memory_space<vmem>>[vector<16xi32>, vector<16xi32>], vector<16xf32>,
        tpu.vector_store_idx %arg9[%add3A_481, %add3A_747], %get3A_596 : memref<128x129xf32, #tpu.memory_space<vmem>>[vector<16xi32>, vector<16xi32>], vector<16xf32>,
        %broadcast_in_dim3A_748 = arith.constant 0 : i32
        %broadcast_in_dim3A_749 = vector.broadcast %broadcast_in_dim3A_748 : i32 to vector<16xi32>
        %mul3A_750 = arith.constant 16 : i32
        %mul3A_751 = arith.muli %scan3A_552, %mul3A_750 : i32
        %add3A_752 = arith.constant 4 : i32
        %add3A_753 = arith.addi %mul3A_751, %add3A_752 : i32
        %add3A_754 = vector.broadcast %add3A_753 : i32 to vector<16xi32>
        %add3A_755 = arith.addi %broadcast_in_dim3A_749, %add3A_754 : vector<16xi32>
        tpu.vector_store_idx %arg9[%add3A_478, %add3A_755], %get3A_601 : memref<128x129xf32, #tpu.memory_space<vmem>>[vector<16xi32>, vector<16xi32>], vector<16xf32>,
        tpu.vector_store_idx %arg9[%add3A_481, %add3A_755], %get3A_606 : memref<128x129xf32, #tpu.memory_space<vmem>>[vector<16xi32>, vector<16xi32>], vector<16xf32>,
        %broadcast_in_dim3A_756 = arith.constant 0 : i32
        %broadcast_in_dim3A_757 = vector.broadcast %broadcast_in_dim3A_756 : i32 to vector<16xi32>
        %mul3A_758 = arith.constant 16 : i32
        %mul3A_759 = arith.muli %scan3A_552, %mul3A_758 : i32
        %add3A_760 = arith.constant 5 : i32
        %add3A_761 = arith.addi %mul3A_759, %add3A_760 : i32
        %add3A_762 = vector.broadcast %add3A_761 : i32 to vector<16xi32>
        %add3A_763 = arith.addi %broadcast_in_dim3A_757, %add3A_762 : vector<16xi32>
        tpu.vector_store_idx %arg9[%add3A_478, %add3A_763], %get3A_611 : memref<128x129xf32, #tpu.memory_space<vmem>>[vector<16xi32>, vector<16xi32>], vector<16xf32>,
        tpu.vector_store_idx %arg9[%add3A_481, %add3A_763], %get3A_616 : memref<128x129xf32, #tpu.memory_space<vmem>>[vector<16xi32>, vector<16xi32>], vector<16xf32>,
        %broadcast_in_dim3A_764 = arith.constant 0 : i32
        %broadcast_in_dim3A_765 = vector.broadcast %broadcast_in_dim3A_764 : i32 to vector<16xi32>
        %mul3A_766 = arith.constant 16 : i32
        %mul3A_767 = arith.muli %scan3A_552, %mul3A_766 : i32
        %add3A_768 = arith.constant 6 : i32
        %add3A_769 = arith.addi %mul3A_767, %add3A_768 : i32
        %add3A_770 = vector.broadcast %add3A_769 : i32 to vector<16xi32>
        %add3A_771 = arith.addi %broadcast_in_dim3A_765, %add3A_770 : vector<16xi32>
        tpu.vector_store_idx %arg9[%add3A_478, %add3A_771], %get3A_621 : memref<128x129xf32, #tpu.memory_space<vmem>>[vector<16xi32>, vector<16xi32>], vector<16xf32>,
        tpu.vector_store_idx %arg9[%add3A_481, %add3A_771], %get3A_626 : memref<128x129xf32, #tpu.memory_space<vmem>>[vector<16xi32>, vector<16xi32>], vector<16xf32>,
        %broadcast_in_dim3A_772 = arith.constant 0 : i32
        %broadcast_in_dim3A_773 = vector.broadcast %broadcast_in_dim3A_772 : i32 to vector<16xi32>
        %mul3A_774 = arith.constant 16 : i32
        %mul3A_775 = arith.muli %scan3A_552, %mul3A_774 : i32
        %add3A_776 = arith.constant 7 : i32
        %add3A_777 = arith.addi %mul3A_775, %add3A_776 : i32
        %add3A_778 = vector.broadcast %add3A_777 : i32 to vector<16xi32>
        %add3A_779 = arith.addi %broadcast_in_dim3A_773, %add3A_778 : vector<16xi32>
        tpu.vector_store_idx %arg9[%add3A_478, %add3A_779], %get3A_631 : memref<128x129xf32, #tpu.memory_space<vmem>>[vector<16xi32>, vector<16xi32>], vector<16xf32>,
        tpu.vector_store_idx %arg9[%add3A_481, %add3A_779], %get3A_636 : memref<128x129xf32, #tpu.memory_space<vmem>>[vector<16xi32>, vector<16xi32>], vector<16xf32>,
        %broadcast_in_dim3A_780 = arith.constant 0 : i32
        %broadcast_in_dim3A_781 = vector.broadcast %broadcast_in_dim3A_780 : i32 to vector<16xi32>
        %mul3A_782 = arith.constant 16 : i32
        %mul3A_783 = arith.muli %scan3A_552, %mul3A_782 : i32
        %add3A_784 = arith.constant 8 : i32
        %add3A_785 = arith.addi %mul3A_783, %add3A_784 : i32
        %add3A_786 = vector.broadcast %add3A_785 : i32 to vector<16xi32>
        %add3A_787 = arith.addi %broadcast_in_dim3A_781, %add3A_786 : vector<16xi32>
        tpu.vector_store_idx %arg9[%add3A_478, %add3A_787], %get3A_641 : memref<128x129xf32, #tpu.memory_space<vmem>>[vector<16xi32>, vector<16xi32>], vector<16xf32>,
        tpu.vector_store_idx %arg9[%add3A_481, %add3A_787], %get3A_646 : memref<128x129xf32, #tpu.memory_space<vmem>>[vector<16xi32>, vector<16xi32>], vector<16xf32>,
        %broadcast_in_dim3A_788 = arith.constant 0 : i32
        %broadcast_in_dim3A_789 = vector.broadcast %broadcast_in_dim3A_788 : i32 to vector<16xi32>
        %mul3A_790 = arith.constant 16 : i32
        %mul3A_791 = arith.muli %scan3A_552, %mul3A_790 : i32
        %add3A_792 = arith.constant 9 : i32
        %add3A_793 = arith.addi %mul3A_791, %add3A_792 : i32
        %add3A_794 = vector.broadcast %add3A_793 : i32 to vector<16xi32>
        %add3A_795 = arith.addi %broadcast_in_dim3A_789, %add3A_794 : vector<16xi32>
        tpu.vector_store_idx %arg9[%add3A_478, %add3A_795], %get3A_651 : memref<128x129xf32, #tpu.memory_space<vmem>>[vector<16xi32>, vector<16xi32>], vector<16xf32>,
        tpu.vector_store_idx %arg9[%add3A_481, %add3A_795], %get3A_656 : memref<128x129xf32, #tpu.memory_space<vmem>>[vector<16xi32>, vector<16xi32>], vector<16xf32>,
        %broadcast_in_dim3A_796 = arith.constant 0 : i32
        %broadcast_in_dim3A_797 = vector.broadcast %broadcast_in_dim3A_796 : i32 to vector<16xi32>
        %mul3A_798 = arith.constant 16 : i32
        %mul3A_799 = arith.muli %scan3A_552, %mul3A_798 : i32
        %add3A_800 = arith.constant 10 : i32
        %add3A_801 = arith.addi %mul3A_799, %add3A_800 : i32
        %add3A_802 = vector.broadcast %add3A_801 : i32 to vector<16xi32>
        %add3A_803 = arith.addi %broadcast_in_dim3A_797, %add3A_802 : vector<16xi32>
        tpu.vector_store_idx %arg9[%add3A_478, %add3A_803], %get3A_661 : memref<128x129xf32, #tpu.memory_space<vmem>>[vector<16xi32>, vector<16xi32>], vector<16xf32>,
        tpu.vector_store_idx %arg9[%add3A_481, %add3A_803], %get3A_666 : memref<128x129xf32, #tpu.memory_space<vmem>>[vector<16xi32>, vector<16xi32>], vector<16xf32>,
        %broadcast_in_dim3A_804 = arith.constant 0 : i32
        %broadcast_in_dim3A_805 = vector.broadcast %broadcast_in_dim3A_804 : i32 to vector<16xi32>
        %mul3A_806 = arith.constant 16 : i32
        %mul3A_807 = arith.muli %scan3A_552, %mul3A_806 : i32
        %add3A_808 = arith.constant 11 : i32
        %add3A_809 = arith.addi %mul3A_807, %add3A_808 : i32
        %add3A_810 = vector.broadcast %add3A_809 : i32 to vector<16xi32>
        %add3A_811 = arith.addi %broadcast_in_dim3A_805, %add3A_810 : vector<16xi32>
        tpu.vector_store_idx %arg9[%add3A_478, %add3A_811], %get3A_671 : memref<128x129xf32, #tpu.memory_space<vmem>>[vector<16xi32>, vector<16xi32>], vector<16xf32>,
        tpu.vector_store_idx %arg9[%add3A_481, %add3A_811], %get3A_676 : memref<128x129xf32, #tpu.memory_space<vmem>>[vector<16xi32>, vector<16xi32>], vector<16xf32>,
        %broadcast_in_dim3A_812 = arith.constant 0 : i32
        %broadcast_in_dim3A_813 = vector.broadcast %broadcast_in_dim3A_812 : i32 to vector<16xi32>
        %mul3A_814 = arith.constant 16 : i32
        %mul3A_815 = arith.muli %scan3A_552, %mul3A_814 : i32
        %add3A_816 = arith.constant 12 : i32
        %add3A_817 = arith.addi %mul3A_815, %add3A_816 : i32
        %add3A_818 = vector.broadcast %add3A_817 : i32 to vector<16xi32>
        %add3A_819 = arith.addi %broadcast_in_dim3A_813, %add3A_818 : vector<16xi32>
        tpu.vector_store_idx %arg9[%add3A_478, %add3A_819], %get3A_681 : memref<128x129xf32, #tpu.memory_space<vmem>>[vector<16xi32>, vector<16xi32>], vector<16xf32>,
        tpu.vector_store_idx %arg9[%add3A_481, %add3A_819], %get3A_686 : memref<128x129xf32, #tpu.memory_space<vmem>>[vector<16xi32>, vector<16xi32>], vector<16xf32>,
        %broadcast_in_dim3A_820 = arith.constant 0 : i32
        %broadcast_in_dim3A_821 = vector.broadcast %broadcast_in_dim3A_820 : i32 to vector<16xi32>
        %mul3A_822 = arith.constant 16 : i32
        %mul3A_823 = arith.muli %scan3A_552, %mul3A_822 : i32
        %add3A_824 = arith.constant 13 : i32
        %add3A_825 = arith.addi %mul3A_823, %add3A_824 : i32
        %add3A_826 = vector.broadcast %add3A_825 : i32 to vector<16xi32>
        %add3A_827 = arith.addi %broadcast_in_dim3A_821, %add3A_826 : vector<16xi32>
        tpu.vector_store_idx %arg9[%add3A_478, %add3A_827], %get3A_691 : memref<128x129xf32, #tpu.memory_space<vmem>>[vector<16xi32>, vector<16xi32>], vector<16xf32>,
        tpu.vector_store_idx %arg9[%add3A_481, %add3A_827], %get3A_696 : memref<128x129xf32, #tpu.memory_space<vmem>>[vector<16xi32>, vector<16xi32>], vector<16xf32>,
        %broadcast_in_dim3A_828 = arith.constant 0 : i32
        %broadcast_in_dim3A_829 = vector.broadcast %broadcast_in_dim3A_828 : i32 to vector<16xi32>
        %mul3A_830 = arith.constant 16 : i32
        %mul3A_831 = arith.muli %scan3A_552, %mul3A_830 : i32
        %add3A_832 = arith.constant 14 : i32
        %add3A_833 = arith.addi %mul3A_831, %add3A_832 : i32
        %add3A_834 = vector.broadcast %add3A_833 : i32 to vector<16xi32>
        %add3A_835 = arith.addi %broadcast_in_dim3A_829, %add3A_834 : vector<16xi32>
        tpu.vector_store_idx %arg9[%add3A_478, %add3A_835], %get3A_701 : memref<128x129xf32, #tpu.memory_space<vmem>>[vector<16xi32>, vector<16xi32>], vector<16xf32>,
        tpu.vector_store_idx %arg9[%add3A_481, %add3A_835], %get3A_706 : memref<128x129xf32, #tpu.memory_space<vmem>>[vector<16xi32>, vector<16xi32>], vector<16xf32>,
        %broadcast_in_dim3A_836 = arith.constant 0 : i32
        %broadcast_in_dim3A_837 = vector.broadcast %broadcast_in_dim3A_836 : i32 to vector<16xi32>
        %mul3A_838 = arith.constant 16 : i32
        %mul3A_839 = arith.muli %scan3A_552, %mul3A_838 : i32
        %add3A_840 = arith.constant 15 : i32
        %add3A_841 = arith.addi %mul3A_839, %add3A_840 : i32
        %add3A_842 = vector.broadcast %add3A_841 : i32 to vector<16xi32>
        %add3A_843 = arith.addi %broadcast_in_dim3A_837, %add3A_842 : vector<16xi32>
        tpu.vector_store_idx %arg9[%add3A_478, %add3A_843], %get3A_711 : memref<128x129xf32, #tpu.memory_space<vmem>>[vector<16xi32>, vector<16xi32>], vector<16xf32>,
        tpu.vector_store_idx %arg9[%add3A_481, %add3A_843], %get3A_716 : memref<128x129xf32, #tpu.memory_space<vmem>>[vector<16xi32>, vector<16xi32>], vector<16xf32>,
        %scan3A_844 = arith.constant 0 : i32
        scf.yield %scan3A_844 : i32
      }
      %scan3A_488 = arith.constant 8 : i32
      %add3A_489 = arith.constant 1 : i32
      %add3A_490 = arith.addi %mul3A_223, %add3A_489 : i32
      %mul3A_491 = arith.constant 32 : i32
      %mul3A_492 = arith.muli %mul3A_491, %add3A : i32
      %dma_start3A_493 = arith.constant 0 : i32
      %dma_start3A_494 = arith.constant 0 : i32
      %dma_start3A_495 = arith.constant 0 : i32
      %dma_start3A_496 = tpu.memref_slice %arg9[%dma_start3A_494, %dma_start3A_495] : memref<128x129xf32, #tpu.memory_space<vmem>> -> memref<32x128xf32, #tpu.memory_space<vmem>>
      %dma_start3A_497 = arith.constant 0 : i32
      %dma_start3A_498 = tpu.memref_slice %arg4[%add3A_490, %dma_start3A_493, %mul3A_492, %dma_start3A_497] : memref<50x4x1024x128xf32, #tpu.memory_space<hbm>> -> memref<1x1x32x128xf32, #tpu.memory_space<hbm>>
      %dma_start3A_499 = tpu.memref_squeeze %dma_start3A_498 : memref<1x1x32x128xf32, #tpu.memory_space<hbm>> -> memref<32x128xf32, #tpu.memory_space<hbm>>
      %dma_start3A_500 = arith.constant 0 : i32
      %dma_start3A_501 = tpu.memref_slice %arg4[%add3A_490, %dma_start3A_493, %mul3A_492, %dma_start3A_500] : memref<50x4x1024x128xf32, #tpu.memory_space<hbm>> -> memref<1x1x32x128xf32, #tpu.memory_space<hbm>>
      %dma_start3A_502 = tpu.memref_squeeze %dma_start3A_501 : memref<1x1x32x128xf32, #tpu.memory_space<hbm>> -> memref<32x128xf32, #tpu.memory_space<hbm>>
      %dma_start3A_503 = arith.constant 0 : i32
      %dma_start3A_504 = arith.constant 0 : i32
      %dma_start3A_505 = tpu.memref_slice %arg9[%dma_start3A_503, %dma_start3A_504] : memref<128x129xf32, #tpu.memory_space<vmem>> -> memref<32x128xf32, #tpu.memory_space<vmem>>
      tpu.enqueue_dma source(%dma_start3A_505 : memref<32x128xf32, #tpu.memory_space<vmem>>) target(%dma_start3A_502 : memref<32x128xf32, #tpu.memory_space<hbm>>) target_semaphore(%arg13 : memref<!tpu.dma_semaphore, #tpu.memory_space<semaphore_mem>>)
      %mul3A_506 = arith.constant 32 : i32
      %mul3A_507 = arith.muli %mul3A_506, %add3A : i32
      %dma_start3A_508 = arith.constant 1 : i32
      %dma_start3A_509 = arith.constant 32 : i32
      %dma_start3A_510 = arith.constant 0 : i32
      %dma_start3A_511 = tpu.memref_slice %arg9[%dma_start3A_509, %dma_start3A_510] : memref<128x129xf32, #tpu.memory_space<vmem>> -> memref<32x128xf32, #tpu.memory_space<vmem>>
      %dma_start3A_512 = arith.constant 0 : i32
      %dma_start3A_513 = tpu.memref_slice %arg4[%add3A_490, %dma_start3A_508, %mul3A_507, %dma_start3A_512] : memref<50x4x1024x128xf32, #tpu.memory_space<hbm>> -> memref<1x1x32x128xf32, #tpu.memory_space<hbm>>
      %dma_start3A_514 = tpu.memref_squeeze %dma_start3A_513 : memref<1x1x32x128xf32, #tpu.memory_space<hbm>> -> memref<32x128xf32, #tpu.memory_space<hbm>>
      %dma_start3A_515 = arith.constant 0 : i32
      %dma_start3A_516 = tpu.memref_slice %arg4[%add3A_490, %dma_start3A_508, %mul3A_507, %dma_start3A_515] : memref<50x4x1024x128xf32, #tpu.memory_space<hbm>> -> memref<1x1x32x128xf32, #tpu.memory_space<hbm>>
      %dma_start3A_517 = tpu.memref_squeeze %dma_start3A_516 : memref<1x1x32x128xf32, #tpu.memory_space<hbm>> -> memref<32x128xf32, #tpu.memory_space<hbm>>
      %dma_start3A_518 = arith.constant 32 : i32
      %dma_start3A_519 = arith.constant 0 : i32
      %dma_start3A_520 = tpu.memref_slice %arg9[%dma_start3A_518, %dma_start3A_519] : memref<128x129xf32, #tpu.memory_space<vmem>> -> memref<32x128xf32, #tpu.memory_space<vmem>>
      tpu.enqueue_dma source(%dma_start3A_520 : memref<32x128xf32, #tpu.memory_space<vmem>>) target(%dma_start3A_517 : memref<32x128xf32, #tpu.memory_space<hbm>>) target_semaphore(%arg13 : memref<!tpu.dma_semaphore, #tpu.memory_space<semaphore_mem>>)
      %mul3A_521 = arith.constant 32 : i32
      %mul3A_522 = arith.muli %mul3A_521, %add3A : i32
      %dma_start3A_523 = arith.constant 2 : i32
      %dma_start3A_524 = arith.constant 64 : i32
      %dma_start3A_525 = arith.constant 0 : i32
      %dma_start3A_526 = tpu.memref_slice %arg9[%dma_start3A_524, %dma_start3A_525] : memref<128x129xf32, #tpu.memory_space<vmem>> -> memref<32x128xf32, #tpu.memory_space<vmem>>
      %dma_start3A_527 = arith.constant 0 : i32
      %dma_start3A_528 = tpu.memref_slice %arg4[%add3A_490, %dma_start3A_523, %mul3A_522, %dma_start3A_527] : memref<50x4x1024x128xf32, #tpu.memory_space<hbm>> -> memref<1x1x32x128xf32, #tpu.memory_space<hbm>>
      %dma_start3A_529 = tpu.memref_squeeze %dma_start3A_528 : memref<1x1x32x128xf32, #tpu.memory_space<hbm>> -> memref<32x128xf32, #tpu.memory_space<hbm>>
      %dma_start3A_530 = arith.constant 0 : i32
      %dma_start3A_531 = tpu.memref_slice %arg4[%add3A_490, %dma_start3A_523, %mul3A_522, %dma_start3A_530] : memref<50x4x1024x128xf32, #tpu.memory_space<hbm>> -> memref<1x1x32x128xf32, #tpu.memory_space<hbm>>
      %dma_start3A_532 = tpu.memref_squeeze %dma_start3A_531 : memref<1x1x32x128xf32, #tpu.memory_space<hbm>> -> memref<32x128xf32, #tpu.memory_space<hbm>>
      %dma_start3A_533 = arith.constant 64 : i32
      %dma_start3A_534 = arith.constant 0 : i32
      %dma_start3A_535 = tpu.memref_slice %arg9[%dma_start3A_533, %dma_start3A_534] : memref<128x129xf32, #tpu.memory_space<vmem>> -> memref<32x128xf32, #tpu.memory_space<vmem>>
      tpu.enqueue_dma source(%dma_start3A_535 : memref<32x128xf32, #tpu.memory_space<vmem>>) target(%dma_start3A_532 : memref<32x128xf32, #tpu.memory_space<hbm>>) target_semaphore(%arg13 : memref<!tpu.dma_semaphore, #tpu.memory_space<semaphore_mem>>)
      %mul3A_536 = arith.constant 32 : i32
      %mul3A_537 = arith.muli %mul3A_536, %add3A : i32
      %dma_start3A_538 = arith.constant 3 : i32
      %dma_start3A_539 = arith.constant 96 : i32
      %dma_start3A_540 = arith.constant 0 : i32
      %dma_start3A_541 = tpu.memref_slice %arg9[%dma_start3A_539, %dma_start3A_540] : memref<128x129xf32, #tpu.memory_space<vmem>> -> memref<32x128xf32, #tpu.memory_space<vmem>>
      %dma_start3A_542 = arith.constant 0 : i32
      %dma_start3A_543 = tpu.memref_slice %arg4[%add3A_490, %dma_start3A_538, %mul3A_537, %dma_start3A_542] : memref<50x4x1024x128xf32, #tpu.memory_space<hbm>> -> memref<1x1x32x128xf32, #tpu.memory_space<hbm>>
      %dma_start3A_544 = tpu.memref_squeeze %dma_start3A_543 : memref<1x1x32x128xf32, #tpu.memory_space<hbm>> -> memref<32x128xf32, #tpu.memory_space<hbm>>
      %dma_start3A_545 = arith.constant 0 : i32
      %dma_start3A_546 = tpu.memref_slice %arg4[%add3A_490, %dma_start3A_538, %mul3A_537, %dma_start3A_545] : memref<50x4x1024x128xf32, #tpu.memory_space<hbm>> -> memref<1x1x32x128xf32, #tpu.memory_space<hbm>>
      %dma_start3A_547 = tpu.memref_squeeze %dma_start3A_546 : memref<1x1x32x128xf32, #tpu.memory_space<hbm>> -> memref<32x128xf32, #tpu.memory_space<hbm>>
      %dma_start3A_548 = arith.constant 96 : i32
      %dma_start3A_549 = arith.constant 0 : i32
      %dma_start3A_550 = tpu.memref_slice %arg9[%dma_start3A_548, %dma_start3A_549] : memref<128x129xf32, #tpu.memory_space<vmem>> -> memref<32x128xf32, #tpu.memory_space<vmem>>
      tpu.enqueue_dma source(%dma_start3A_550 : memref<32x128xf32, #tpu.memory_space<vmem>>) target(%dma_start3A_547 : memref<32x128xf32, #tpu.memory_space<hbm>>) target_semaphore(%arg13 : memref<!tpu.dma_semaphore, #tpu.memory_space<semaphore_mem>>)
      %scan3A_551 = arith.constant 0 : i32
      scf.yield %scan3A_551 : i32
    }
    %scan3A_92 = arith.constant 25 : i32
    %mul3A_93 = arith.constant 32 : i32
    %mul3A_94 = arith.muli %mul3A_93, %add3A : i32
    %dma_wait3A = arith.constant 0 : i32
    %dma_wait3A_95 = arith.constant 0 : i32
    %dma_wait3A_96 = arith.constant 0 : i32
    %dma_wait3A_97 = arith.constant 0 : i32
    %dma_wait3A_98 = tpu.memref_slice %arg8[%dma_wait3A_96, %dma_wait3A_97] : memref<128x129xf32, #tpu.memory_space<vmem>> -> memref<32x128xf32, #tpu.memory_space<vmem>>
    %dma_wait3A_99 = arith.constant 0 : i32
    %dma_wait3A_100 = tpu.memref_slice %arg4[%dma_wait3A, %dma_wait3A_95, %mul3A_94, %dma_wait3A_99] : memref<50x4x1024x128xf32, #tpu.memory_space<hbm>> -> memref<1x1x32x128xf32, #tpu.memory_space<hbm>>
    %dma_wait3A_101 = tpu.memref_squeeze %dma_wait3A_100 : memref<1x1x32x128xf32, #tpu.memory_space<hbm>> -> memref<32x128xf32, #tpu.memory_space<hbm>>
    %dma_wait3A_102 = arith.constant 0 : i32
    %dma_wait3A_103 = tpu.memref_slice %arg4[%dma_wait3A, %dma_wait3A_95, %mul3A_94, %dma_wait3A_102] : memref<50x4x1024x128xf32, #tpu.memory_space<hbm>> -> memref<1x1x32x128xf32, #tpu.memory_space<hbm>>
    %dma_wait3A_104 = tpu.memref_squeeze %dma_wait3A_103 : memref<1x1x32x128xf32, #tpu.memory_space<hbm>> -> memref<32x128xf32, #tpu.memory_space<hbm>>
    %dma_wait3A_105 = arith.constant 0 : i32
    %dma_wait3A_106 = arith.constant 0 : i32
    %dma_wait3A_107 = tpu.memref_slice %arg8[%dma_wait3A_105, %dma_wait3A_106] : memref<128x129xf32, #tpu.memory_space<vmem>> -> memref<32x128xf32, #tpu.memory_space<vmem>>
    tpu.wait_dma2 semaphore(%arg12 : memref<!tpu.dma_semaphore, #tpu.memory_space<semaphore_mem>>) src(%dma_wait3A_107 : memref<32x128xf32, #tpu.memory_space<vmem>>) dst(%dma_wait3A_104 : memref<32x128xf32, #tpu.memory_space<hbm>>)
    %mul3A_108 = arith.constant 32 : i32
    %mul3A_109 = arith.muli %mul3A_108, %add3A : i32
    %dma_wait3A_110 = arith.constant 0 : i32
    %dma_wait3A_111 = arith.constant 1 : i32
    %dma_wait3A_112 = arith.constant 32 : i32
    %dma_wait3A_113 = arith.constant 0 : i32
    %dma_wait3A_114 = tpu.memref_slice %arg8[%dma_wait3A_112, %dma_wait3A_113] : memref<128x129xf32, #tpu.memory_space<vmem>> -> memref<32x128xf32, #tpu.memory_space<vmem>>
    %dma_wait3A_115 = arith.constant 0 : i32
    %dma_wait3A_116 = tpu.memref_slice %arg4[%dma_wait3A_110, %dma_wait3A_111, %mul3A_109, %dma_wait3A_115] : memref<50x4x1024x128xf32, #tpu.memory_space<hbm>> -> memref<1x1x32x128xf32, #tpu.memory_space<hbm>>
    %dma_wait3A_117 = tpu.memref_squeeze %dma_wait3A_116 : memref<1x1x32x128xf32, #tpu.memory_space<hbm>> -> memref<32x128xf32, #tpu.memory_space<hbm>>
    %dma_wait3A_118 = arith.constant 0 : i32
    %dma_wait3A_119 = tpu.memref_slice %arg4[%dma_wait3A_110, %dma_wait3A_111, %mul3A_109, %dma_wait3A_118] : memref<50x4x1024x128xf32, #tpu.memory_space<hbm>> -> memref<1x1x32x128xf32, #tpu.memory_space<hbm>>
    %dma_wait3A_120 = tpu.memref_squeeze %dma_wait3A_119 : memref<1x1x32x128xf32, #tpu.memory_space<hbm>> -> memref<32x128xf32, #tpu.memory_space<hbm>>
    %dma_wait3A_121 = arith.constant 32 : i32
    %dma_wait3A_122 = arith.constant 0 : i32
    %dma_wait3A_123 = tpu.memref_slice %arg8[%dma_wait3A_121, %dma_wait3A_122] : memref<128x129xf32, #tpu.memory_space<vmem>> -> memref<32x128xf32, #tpu.memory_space<vmem>>
    tpu.wait_dma2 semaphore(%arg12 : memref<!tpu.dma_semaphore, #tpu.memory_space<semaphore_mem>>) src(%dma_wait3A_123 : memref<32x128xf32, #tpu.memory_space<vmem>>) dst(%dma_wait3A_120 : memref<32x128xf32, #tpu.memory_space<hbm>>)
    %mul3A_124 = arith.constant 32 : i32
    %mul3A_125 = arith.muli %mul3A_124, %add3A : i32
    %dma_wait3A_126 = arith.constant 0 : i32
    %dma_wait3A_127 = arith.constant 2 : i32
    %dma_wait3A_128 = arith.constant 64 : i32
    %dma_wait3A_129 = arith.constant 0 : i32
    %dma_wait3A_130 = tpu.memref_slice %arg8[%dma_wait3A_128, %dma_wait3A_129] : memref<128x129xf32, #tpu.memory_space<vmem>> -> memref<32x128xf32, #tpu.memory_space<vmem>>
    %dma_wait3A_131 = arith.constant 0 : i32
    %dma_wait3A_132 = tpu.memref_slice %arg4[%dma_wait3A_126, %dma_wait3A_127, %mul3A_125, %dma_wait3A_131] : memref<50x4x1024x128xf32, #tpu.memory_space<hbm>> -> memref<1x1x32x128xf32, #tpu.memory_space<hbm>>
    %dma_wait3A_133 = tpu.memref_squeeze %dma_wait3A_132 : memref<1x1x32x128xf32, #tpu.memory_space<hbm>> -> memref<32x128xf32, #tpu.memory_space<hbm>>
    %dma_wait3A_134 = arith.constant 0 : i32
    %dma_wait3A_135 = tpu.memref_slice %arg4[%dma_wait3A_126, %dma_wait3A_127, %mul3A_125, %dma_wait3A_134] : memref<50x4x1024x128xf32, #tpu.memory_space<hbm>> -> memref<1x1x32x128xf32, #tpu.memory_space<hbm>>
    %dma_wait3A_136 = tpu.memref_squeeze %dma_wait3A_135 : memref<1x1x32x128xf32, #tpu.memory_space<hbm>> -> memref<32x128xf32, #tpu.memory_space<hbm>>
    %dma_wait3A_137 = arith.constant 64 : i32
    %dma_wait3A_138 = arith.constant 0 : i32
    %dma_wait3A_139 = tpu.memref_slice %arg8[%dma_wait3A_137, %dma_wait3A_138] : memref<128x129xf32, #tpu.memory_space<vmem>> -> memref<32x128xf32, #tpu.memory_space<vmem>>
    tpu.wait_dma2 semaphore(%arg12 : memref<!tpu.dma_semaphore, #tpu.memory_space<semaphore_mem>>) src(%dma_wait3A_139 : memref<32x128xf32, #tpu.memory_space<vmem>>) dst(%dma_wait3A_136 : memref<32x128xf32, #tpu.memory_space<hbm>>)
    %mul3A_140 = arith.constant 32 : i32
    %mul3A_141 = arith.muli %mul3A_140, %add3A : i32
    %dma_wait3A_142 = arith.constant 0 : i32
    %dma_wait3A_143 = arith.constant 3 : i32
    %dma_wait3A_144 = arith.constant 96 : i32
    %dma_wait3A_145 = arith.constant 0 : i32
    %dma_wait3A_146 = tpu.memref_slice %arg8[%dma_wait3A_144, %dma_wait3A_145] : memref<128x129xf32, #tpu.memory_space<vmem>> -> memref<32x128xf32, #tpu.memory_space<vmem>>
    %dma_wait3A_147 = arith.constant 0 : i32
    %dma_wait3A_148 = tpu.memref_slice %arg4[%dma_wait3A_142, %dma_wait3A_143, %mul3A_141, %dma_wait3A_147] : memref<50x4x1024x128xf32, #tpu.memory_space<hbm>> -> memref<1x1x32x128xf32, #tpu.memory_space<hbm>>
    %dma_wait3A_149 = tpu.memref_squeeze %dma_wait3A_148 : memref<1x1x32x128xf32, #tpu.memory_space<hbm>> -> memref<32x128xf32, #tpu.memory_space<hbm>>
    %dma_wait3A_150 = arith.constant 0 : i32
    %dma_wait3A_151 = tpu.memref_slice %arg4[%dma_wait3A_142, %dma_wait3A_143, %mul3A_141, %dma_wait3A_150] : memref<50x4x1024x128xf32, #tpu.memory_space<hbm>> -> memref<1x1x32x128xf32, #tpu.memory_space<hbm>>
    %dma_wait3A_152 = tpu.memref_squeeze %dma_wait3A_151 : memref<1x1x32x128xf32, #tpu.memory_space<hbm>> -> memref<32x128xf32, #tpu.memory_space<hbm>>
    %dma_wait3A_153 = arith.constant 96 : i32
    %dma_wait3A_154 = arith.constant 0 : i32
    %dma_wait3A_155 = tpu.memref_slice %arg8[%dma_wait3A_153, %dma_wait3A_154] : memref<128x129xf32, #tpu.memory_space<vmem>> -> memref<32x128xf32, #tpu.memory_space<vmem>>
    tpu.wait_dma2 semaphore(%arg12 : memref<!tpu.dma_semaphore, #tpu.memory_space<semaphore_mem>>) src(%dma_wait3A_155 : memref<32x128xf32, #tpu.memory_space<vmem>>) dst(%dma_wait3A_152 : memref<32x128xf32, #tpu.memory_space<hbm>>)
    %mul3A_156 = arith.constant 32 : i32
    %mul3A_157 = arith.muli %mul3A_156, %add3A : i32
    %dma_wait3A_158 = arith.constant 0 : i32
    %dma_wait3A_159 = arith.constant 0 : i32
    %dma_wait3A_160 = arith.constant 0 : i32
    %dma_wait3A_161 = arith.constant 0 : i32
    %dma_wait3A_162 = tpu.memref_slice %arg9[%dma_wait3A_160, %dma_wait3A_161] : memref<128x129xf32, #tpu.memory_space<vmem>> -> memref<32x128xf32, #tpu.memory_space<vmem>>
    %dma_wait3A_163 = arith.constant 0 : i32
    %dma_wait3A_164 = tpu.memref_slice %arg4[%dma_wait3A_158, %dma_wait3A_159, %mul3A_157, %dma_wait3A_163] : memref<50x4x1024x128xf32, #tpu.memory_space<hbm>> -> memref<1x1x32x128xf32, #tpu.memory_space<hbm>>
    %dma_wait3A_165 = tpu.memref_squeeze %dma_wait3A_164 : memref<1x1x32x128xf32, #tpu.memory_space<hbm>> -> memref<32x128xf32, #tpu.memory_space<hbm>>
    %dma_wait3A_166 = arith.constant 0 : i32
    %dma_wait3A_167 = tpu.memref_slice %arg4[%dma_wait3A_158, %dma_wait3A_159, %mul3A_157, %dma_wait3A_166] : memref<50x4x1024x128xf32, #tpu.memory_space<hbm>> -> memref<1x1x32x128xf32, #tpu.memory_space<hbm>>
    %dma_wait3A_168 = tpu.memref_squeeze %dma_wait3A_167 : memref<1x1x32x128xf32, #tpu.memory_space<hbm>> -> memref<32x128xf32, #tpu.memory_space<hbm>>
    %dma_wait3A_169 = arith.constant 0 : i32
    %dma_wait3A_170 = arith.constant 0 : i32
    %dma_wait3A_171 = tpu.memref_slice %arg9[%dma_wait3A_169, %dma_wait3A_170] : memref<128x129xf32, #tpu.memory_space<vmem>> -> memref<32x128xf32, #tpu.memory_space<vmem>>
    tpu.wait_dma2 semaphore(%arg13 : memref<!tpu.dma_semaphore, #tpu.memory_space<semaphore_mem>>) src(%dma_wait3A_171 : memref<32x128xf32, #tpu.memory_space<vmem>>) dst(%dma_wait3A_168 : memref<32x128xf32, #tpu.memory_space<hbm>>)
    %mul3A_172 = arith.constant 32 : i32
    %mul3A_173 = arith.muli %mul3A_172, %add3A : i32
    %dma_wait3A_174 = arith.constant 0 : i32
    %dma_wait3A_175 = arith.constant 1 : i32
    %dma_wait3A_176 = arith.constant 32 : i32
    %dma_wait3A_177 = arith.constant 0 : i32
    %dma_wait3A_178 = tpu.memref_slice %arg9[%dma_wait3A_176, %dma_wait3A_177] : memref<128x129xf32, #tpu.memory_space<vmem>> -> memref<32x128xf32, #tpu.memory_space<vmem>>
    %dma_wait3A_179 = arith.constant 0 : i32
    %dma_wait3A_180 = tpu.memref_slice %arg4[%dma_wait3A_174, %dma_wait3A_175, %mul3A_173, %dma_wait3A_179] : memref<50x4x1024x128xf32, #tpu.memory_space<hbm>> -> memref<1x1x32x128xf32, #tpu.memory_space<hbm>>
    %dma_wait3A_181 = tpu.memref_squeeze %dma_wait3A_180 : memref<1x1x32x128xf32, #tpu.memory_space<hbm>> -> memref<32x128xf32, #tpu.memory_space<hbm>>
    %dma_wait3A_182 = arith.constant 0 : i32
    %dma_wait3A_183 = tpu.memref_slice %arg4[%dma_wait3A_174, %dma_wait3A_175, %mul3A_173, %dma_wait3A_182] : memref<50x4x1024x128xf32, #tpu.memory_space<hbm>> -> memref<1x1x32x128xf32, #tpu.memory_space<hbm>>
    %dma_wait3A_184 = tpu.memref_squeeze %dma_wait3A_183 : memref<1x1x32x128xf32, #tpu.memory_space<hbm>> -> memref<32x128xf32, #tpu.memory_space<hbm>>
    %dma_wait3A_185 = arith.constant 32 : i32
    %dma_wait3A_186 = arith.constant 0 : i32
    %dma_wait3A_187 = tpu.memref_slice %arg9[%dma_wait3A_185, %dma_wait3A_186] : memref<128x129xf32, #tpu.memory_space<vmem>> -> memref<32x128xf32, #tpu.memory_space<vmem>>
    tpu.wait_dma2 semaphore(%arg13 : memref<!tpu.dma_semaphore, #tpu.memory_space<semaphore_mem>>) src(%dma_wait3A_187 : memref<32x128xf32, #tpu.memory_space<vmem>>) dst(%dma_wait3A_184 : memref<32x128xf32, #tpu.memory_space<hbm>>)
    %mul3A_188 = arith.constant 32 : i32
    %mul3A_189 = arith.muli %mul3A_188, %add3A : i32
    %dma_wait3A_190 = arith.constant 0 : i32
    %dma_wait3A_191 = arith.constant 2 : i32
    %dma_wait3A_192 = arith.constant 64 : i32
    %dma_wait3A_193 = arith.constant 0 : i32
    %dma_wait3A_194 = tpu.memref_slice %arg9[%dma_wait3A_192, %dma_wait3A_193] : memref<128x129xf32, #tpu.memory_space<vmem>> -> memref<32x128xf32, #tpu.memory_space<vmem>>
    %dma_wait3A_195 = arith.constant 0 : i32
    %dma_wait3A_196 = tpu.memref_slice %arg4[%dma_wait3A_190, %dma_wait3A_191, %mul3A_189, %dma_wait3A_195] : memref<50x4x1024x128xf32, #tpu.memory_space<hbm>> -> memref<1x1x32x128xf32, #tpu.memory_space<hbm>>
    %dma_wait3A_197 = tpu.memref_squeeze %dma_wait3A_196 : memref<1x1x32x128xf32, #tpu.memory_space<hbm>> -> memref<32x128xf32, #tpu.memory_space<hbm>>
    %dma_wait3A_198 = arith.constant 0 : i32
    %dma_wait3A_199 = tpu.memref_slice %arg4[%dma_wait3A_190, %dma_wait3A_191, %mul3A_189, %dma_wait3A_198] : memref<50x4x1024x128xf32, #tpu.memory_space<hbm>> -> memref<1x1x32x128xf32, #tpu.memory_space<hbm>>
    %dma_wait3A_200 = tpu.memref_squeeze %dma_wait3A_199 : memref<1x1x32x128xf32, #tpu.memory_space<hbm>> -> memref<32x128xf32, #tpu.memory_space<hbm>>
    %dma_wait3A_201 = arith.constant 64 : i32
    %dma_wait3A_202 = arith.constant 0 : i32
    %dma_wait3A_203 = tpu.memref_slice %arg9[%dma_wait3A_201, %dma_wait3A_202] : memref<128x129xf32, #tpu.memory_space<vmem>> -> memref<32x128xf32, #tpu.memory_space<vmem>>
    tpu.wait_dma2 semaphore(%arg13 : memref<!tpu.dma_semaphore, #tpu.memory_space<semaphore_mem>>) src(%dma_wait3A_203 : memref<32x128xf32, #tpu.memory_space<vmem>>) dst(%dma_wait3A_200 : memref<32x128xf32, #tpu.memory_space<hbm>>)
    %mul3A_204 = arith.constant 32 : i32
    %mul3A_205 = arith.muli %mul3A_204, %add3A : i32
    %dma_wait3A_206 = arith.constant 0 : i32
    %dma_wait3A_207 = arith.constant 3 : i32
    %dma_wait3A_208 = arith.constant 96 : i32
    %dma_wait3A_209 = arith.constant 0 : i32
    %dma_wait3A_210 = tpu.memref_slice %arg9[%dma_wait3A_208, %dma_wait3A_209] : memref<128x129xf32, #tpu.memory_space<vmem>> -> memref<32x128xf32, #tpu.memory_space<vmem>>
    %dma_wait3A_211 = arith.constant 0 : i32
    %dma_wait3A_212 = tpu.memref_slice %arg4[%dma_wait3A_206, %dma_wait3A_207, %mul3A_205, %dma_wait3A_211] : memref<50x4x1024x128xf32, #tpu.memory_space<hbm>> -> memref<1x1x32x128xf32, #tpu.memory_space<hbm>>
    %dma_wait3A_213 = tpu.memref_squeeze %dma_wait3A_212 : memref<1x1x32x128xf32, #tpu.memory_space<hbm>> -> memref<32x128xf32, #tpu.memory_space<hbm>>
    %dma_wait3A_214 = arith.constant 0 : i32
    %dma_wait3A_215 = tpu.memref_slice %arg4[%dma_wait3A_206, %dma_wait3A_207, %mul3A_205, %dma_wait3A_214] : memref<50x4x1024x128xf32, #tpu.memory_space<hbm>> -> memref<1x1x32x128xf32, #tpu.memory_space<hbm>>
    %dma_wait3A_216 = tpu.memref_squeeze %dma_wait3A_215 : memref<1x1x32x128xf32, #tpu.memory_space<hbm>> -> memref<32x128xf32, #tpu.memory_space<hbm>>
    %dma_wait3A_217 = arith.constant 96 : i32
    %dma_wait3A_218 = arith.constant 0 : i32
    %dma_wait3A_219 = tpu.memref_slice %arg9[%dma_wait3A_217, %dma_wait3A_218] : memref<128x129xf32, #tpu.memory_space<vmem>> -> memref<32x128xf32, #tpu.memory_space<vmem>>
    tpu.wait_dma2 semaphore(%arg13 : memref<!tpu.dma_semaphore, #tpu.memory_space<semaphore_mem>>) src(%dma_wait3A_219 : memref<32x128xf32, #tpu.memory_space<vmem>>) dst(%dma_wait3A_216 : memref<32x128xf32, #tpu.memory_space<hbm>>)
    return
  }
}

</mosaic_0001>

<sc_bundles>
// kernel: kernel.3.cloned.1.call-start
scs
__scs_entry_jumppad:
0x0: {  	(pc) =	sbr.rel $0x88, $3  }
0x1: {  	(tag) =	ssettag $0x0;
	lr =	simm.s32 $0x1  }
0x2: {  	[smem:$0x3F9F] =	sst lr;
	_ =	strace $0xD0000000  }
0x3: {  	_ = 	snop  }
0x4: {  	_ = 	snop  }
0x5: {  	_ = 	snop  }
0x6: {  	_ = 	snop  }
0x7: {  	_ = 	snop  }
__scs_overlays_trampoline_lowered:
0x8: {  	[smem:$0x3FAE] =	sst s0  }
0x9: {  	[smem:$0x3FAF] =	sst s1  }
0xa: {  	[smem:$0x3FB0] =	sst s2  }
0xb: {  	[smem:$0x3FB1] =	sst s3  }
0xc: {  	[smem:$0x3FB2] =	sst s4  }
0xd: {  	[smem:$0x3FB3] =	sst s5  }
0xe: {  	[smem:$0x3FB4] =	sst s6  }
0xf: {  	[smem:$0x3FB5] =	sst s7  }
0x10: {  	[smem:$0x3FB6] =	sst s8  }
0x11: {  	[smem:$0x3FB7] =	sst s9;
	s0 =	simm.s32 @!p0 $0x0  }
0x12: {  	s1 =	sld [smem:$0x3F9D];
	s0 =	simm.s32 @p0 $0x1  }
0x13: {  	[smem:$0x3FB8] =	sst s0;
	s0 =	simm.s32 @!p1 $0x0  }
0x14: {  	s2 =	sld [smem:$0x3F9C];
	s0 =	simm.s32 @p1 $0x1  }
0x15: {  	[smem:$0x3FB9] =	sst s0;
	s0 =	simm.s32 @!p2 $0x0  }
0x16: {  	s3 =	sld [smem:$0x3FDB];
	s0 =	simm.s32 @p2 $0x1  }
0x17: {  	s4 =	simm.s32 $0x1BF5;
	[smem:$0x3FBB] =	sst s0  }
0x18: {  	s0 =	sld [smem:$0x3F9E];
	_ =	swait.ge [sflag:s4], $0x0  }
0x19: {  	s7 =	sld [smem:$0x3F9F]  }
0x1a: {  	s8 =	sadd.s32 $0xFFFFE003, lr  }
0x1b: {  	s9 =	sadd.s32 $0xFFFFFEF7, lr;
	s5 =	simm.s32 $0xFFFFFFFF;
	p2 =	slt.u32 s8, $0xFFFFF086  }
0x1c: {  	p1 =	slt.u32 s9, $0xF7A;
	s5 =	simm.s32 @!p2 $0x0  }
0x1d: {  	s5 =	simm.s32 @p1 $0x1;
	p0 =	seq.s32 s7, s2  }
0x1e: {  	s7 =	smul.u32 @!p0 $0xF7A, s2;
	p2 =	seq.s32 @!p0 s5, $0x0  }
0x1f: {  	s9 =	smul.u32 $0xF7A, s1;
	s8 =	simm.s32 @!p0 $0x1BF5;
	p2 =	por !p2, p0  }
0x20: {  	[sflag:s8] =	ssyncset.s32 @!p0 $0xFFFFF086;
	s6 =	sadd.s32 @!p0 s3, s7;
	s7 =	simm.s32 @!p0 $0x108  }
0x21: {  	s3 =	sadd.s32 s3, s9;
	s6 =	sadd.s32 @!p0 $0x88, s6;
	s7 =	simm.s32 @p2 $0x1082  }
0x22: {  	[simem:s7], [sflag:s8] =	dma.local @!p0 [hbm:s6], $0xF7A  }
0x23: {  	s9 =	sor.u32 $0xD0000000, s2;
	s6 =	simm.s32 $0x108;
	_ =	swait.ge @!p0 [sflag:s8], $0x0  }
0x24: {  	s3 =	sadd.s32 $0x88, s3;
	s6 =	simm.s32 @!p1 $0x1082;
	[sflag:s4] =	ssyncset.s32 $0xFFFFF086  }
0x25: {  	[simem:s6], [sflag:s4] =	dma.local [hbm:s3], $0xF7A  }
0x26: {  	[smem:$0x3F9F] =	sst s1;
	(tag) =	ssettag s2;
	_ =	strace s9  }
0x27: {  	s1 =	sld [smem:$0x3FAF]  }
0x28: {  	s2 =	sld [smem:$0x3FB0]  }
0x29: {  	s4 =	sld [smem:$0x3FB2]  }
0x2a: {  	p0 =	seq.s32 s5, $0x0;
	s5 =	sld [smem:$0x3FB3]  }
0x2b: {  	s6 =	sld [smem:$0x3FB4]  }
0x2c: {  	s7 =	sld [smem:$0x3FB5]  }
0x2d: {  	s3 =	simm.s32 $0x108;
	s8 =	sld [smem:$0x3FB6]  }
0x2e: {  	s3 =	simm.s32 @!p0 $0x1082;
	s9 =	sld [smem:$0x3FB7]  }
0x2f: {  	lr =	sadd.s32 s0, s3;
	s0 =	sld [smem:$0x3FAE]  }
0x30: {  	s3 =	sld [smem:$0x3FB1]  }
0x31: {  	[smem:$0x3FBA] =	sst s10  }
0x32: {  	s10 =	sld [smem:$0x3FB8];
	_ =	sdelay $0x3  }
0x33: {  	p0 =	seq.s32 s10, $0x1;
	s10 =	sld [smem:$0x3FBA];
	_ =	sdelay $0x3  }
0x34: {  	[smem:$0x3FBA] =	sst s10  }
0x35: {  	s10 =	sld [smem:$0x3FB9];
	_ =	sdelay $0x3  }
0x36: {  	p1 =	seq.s32 s10, $0x1;
	s10 =	sld [smem:$0x3FBA];
	_ =	sdelay $0x3  }
0x37: {  	[smem:$0x3FBA] =	sst s10  }
0x38: {  	s10 =	sld [smem:$0x3FBB]  }
0x39: {  	_ = 	snop;
	(pc) =	sbr.ind lr, $3  }
0x3a: {  	_ = 	snop  }
0x3b: {  	_ = 	snop  }
0x3c: {  	p2 =	seq.s32 s10, $0x1;
	s10 =	sld [smem:$0x3FBA]  }
0x3d: {  	_ =	shalt  }
0x3e: {  	_ =	shalt  }
0x3f: {  	_ =	shalt  }
0x40: {  	_ =	shalt  }
0x41: {  	_ =	shalt  }
0x42: {  	_ =	shalt  }
0x43: {  	_ =	shalt  }
0x44: {  	_ =	shalt  }
0x45: {  	_ =	shalt  }
0x46: {  	_ =	shalt  }
0x47: {  	_ =	shalt  }
0x48: {  	_ =	shalt  }
0x49: {  	_ =	shalt  }
0x4a: {  	_ =	shalt  }
0x4b: {  	_ =	shalt  }
0x4c: {  	_ =	shalt  }
0x4d: {  	_ =	shalt  }
0x4e: {  	_ =	shalt  }
0x4f: {  	_ =	shalt  }
0x50: {  	_ =	shalt  }
0x51: {  	_ =	shalt  }
0x52: {  	_ =	shalt  }
0x53: {  	_ =	shalt  }
0x54: {  	_ =	shalt  }
0x55: {  	_ =	shalt  }
0x56: {  	_ =	shalt  }
0x57: {  	_ =	shalt  }
0x58: {  	_ =	shalt  }
0x59: {  	_ =	shalt  }
0x5a: {  	_ =	shalt  }
0x5b: {  	_ =	shalt  }
0x5c: {  	_ =	shalt  }
0x5d: {  	_ =	shalt  }
0x5e: {  	_ =	shalt  }
0x5f: {  	_ =	shalt  }
0x60: {  	_ =	shalt  }
0x61: {  	_ =	shalt  }
0x62: {  	_ =	shalt  }
0x63: {  	_ =	shalt  }
0x64: {  	_ =	shalt  }
0x65: {  	_ =	shalt  }
0x66: {  	_ =	shalt  }
0x67: {  	_ =	shalt  }
0x68: {  	_ =	shalt  }
0x69: {  	_ =	shalt  }
0x6a: {  	_ =	shalt  }
0x6b: {  	_ =	shalt  }
0x6c: {  	_ =	shalt  }
0x6d: {  	_ =	shalt  }
0x6e: {  	_ =	shalt  }
0x6f: {  	_ =	shalt  }
0x70: {  	_ =	shalt  }
0x71: {  	_ =	shalt  }
0x72: {  	_ =	shalt  }
0x73: {  	_ =	shalt  }
0x74: {  	_ =	shalt  }
0x75: {  	_ =	shalt  }
0x76: {  	_ =	shalt  }
0x77: {  	_ =	shalt  }
0x78: {  	_ =	shalt  }
0x79: {  	_ =	shalt  }
0x7a: {  	_ =	shalt  }
0x7b: {  	_ =	shalt  }
0x7c: {  	_ =	shalt  }
0x7d: {  	_ =	shalt  }
0x7e: {  	_ =	shalt  }
0x7f: {  	_ =	shalt  }
0x80: {  	_ =	shalt  }
0x81: {  	_ =	shalt  }
0x82: {  	_ =	shalt  }
0x83: {  	_ =	shalt  }
0x84: {  	_ =	shalt  }
0x85: {  	_ =	shalt  }
0x86: {  	_ =	shalt  }
0x87: {  	_ =	shalt  }
.Lfunc_end0:
.L_simem_size_0:
called_computation_lowered:
.L_overlay_start_0:
0x88: {  	s2 =	sld [smem:$0x3FD9]  }
0x89: {  	s3 =	sld [smem:$0x3FFE];
	_ =	sdelay $0x1  }
0x8a: {  	s1 =	srdreg.scid  }
0x8b: {  	s0 =	sand.u32 $0x1, s1  }
0x8c: {  	s17 =	sshll.u32 s0, $0xA;
	s2 =	sadd.s32 s3, s2  }
0x8d: {  	s2 =	sadd.s32 s2, s17  }
0x8e: {  	[smem:$0x3FC6] =	sst s2  }
0x8f: {  	_ = 	snop  }
0x90: {  	s2 =	sld [smem:$0x3FD0];
	(tm) =	ssettm $0x1  }
0x91: {  	s18 =	sld [smem:$0x3FFB];
	_ =	sdelay $0x3  }
0x92: {  	_ =	strace s18  }
0x93: {  	s3 =	sld [smem:$0x3FFC];
	_ =	sdelay $0x3  }
0x94: {  	_ =	strace s3  }
0x95: {  	s3 =	sld [smem:$0x3FFD];
	_ =	sdelay $0x3  }
0x96: {  	_ =	strace s3  }
0x97: {  	_ =	strace $0x8FFFFFFF  }
0x98: {  	s19 =	sld [smem:$0x3FDB];
	_ =	sdelay $0x1  }
0x99: {  	s4 =	simm.s32 $_scs_section_size  }
0x9a: {  	s5 =	simm.s32 $_size__tile_overlayer_lowered;
	s6 =	simm.s32 $_tile_overlayer_lowered  }
0x9b: {  	s22 =	simm.s32 $0x1BFF;
	s21 =	sshll.u32 s6, $0x1;
	s3 =	sadd.s32 s4, s19  }
0x9c: {  	s7 =	simm.s32 $0x0;
	s20 =	sshll.u32 s5, $0x1;
	s5 =	sadd.s32 s21, s3  }
0x9d: {  	[timem:s7], [sflag:s22] =	dma.local [hbm:s5], s20  }
0x9e: {  	_ =	swait.ge [sflag:s22], s20  }
0x9f: {  	s4 =	ssub.s32 $0x0, s20;
	[sflag:s22] =	ssyncset.done $0x0  }
0xa0: {  	[sflag:s22] =	ssyncadd.s32 s4;
	_ =	sdelay $0x1  }
0xa1: {  	s23 =	simm.s32 $0x1B8B  }
0xa2: {  	_ =	swait.ge [sflag:s23], $0x1  }
0xa3: {  	[sflag:s23] =	ssyncset.done $0x0  }
0xa4: {  	s25 =	simm.s32 $0x1B8E;
	s24 =	sld [smem:$0x3FFE];
	[sflag:s23] =	ssyncadd.s32 $0xFFFFFFFF  }
0xa5: {  	s26 =	simm.s32 $execute0_lowered;
	[smem:$0x3FD2] =	sst s25  }
0xa6: {  	s5 =	sshll.u32 s26, $0x1;
	_ =	strace $0x80000046;
	[dreg:$0x1] =	wrdreg $0xFFFFFFFF  }
0xa7: {  	s28 =	simm.s32 $_size_execute0_lowered;
	s3 =	sadd.s32 s3, s5;
	[dreg:$0x0] =	wrdreg $0x0  }
0xa8: {  	s5 =	sshll.u32 s28, $0x1;
	[dreg:$0x2] =	wrdreg s3  }
0xa9: {  	[dreg:$0x3] =	wrdreg s5  }
0xaa: {  	[dreg:$0x4] =	wrdreg $0xC0  }
0xab: {  	_ =	task [dreg:s7], $0x5FFFF  }
0xac: {  	[dreg:$0x1] =	wrdreg $0xFFFFFFFF  }
0xad: {  	[dreg:$0x0] =	wrdreg $0x60  }
0xae: {  	[dreg:$0x2] =	wrdreg s24  }
0xaf: {  	[dreg:$0x3] =	wrdreg s2  }
0xb0: {  	[dreg:$0x4] =	wrdreg $0x9  }
0xb1: {  	_ =	task.clear_ibuf [dreg:s7], $0x5FFFF;
	_ =	strace $0x90000046  }
0xb2: {  	s29 =	simm.s32 $0x9;
	_ =	strace $0x80000048  }
0xb3: {  	_ =	swait.ge [sflag:s29], $0x1  }
0xb4: {  	[sflag:s29] =	ssyncadd.s32 $0xFFFFFFFF  }
0xb5: {  	_ =	strace $0x90000048  }
0xb6: {  	_ =	sfence  }
0xb7: {  	s30 =	sld [smem:$0x0];
	_ =	sdelay $0x2  }
0xb8: {  	s31 =	sshll.u32 s1, $0xD;
	s1 =	sshrl.u32 s1, $0x2  }
0xb9: {  	s3 =	sand.u32 $0x4000, s31;
	s1 =	sadd.s32 s1, s30  }
0xba: {  	s0 =	sor.u32 s3, s0;
	s1 =	sshll.u32 s1, $0x11  }
0xbb: {  	s0 =	sor.u32 s1, s0  }
0xbc: {  	s0 =	sadd.s32 $0x8F2B, s0  }
0xbd: {  	[sflag:s0] =	ssyncadd.remote.s32 $0x1  }
0xbe: {  	_ =	sfence.sel $0xFFFF  }
0xbf: {  	[dreg:$0x0] =	wrdreg $0xFFFFFFFF;
	(pc) =	sbr.abs _section_cstart, $3  }
0xc0: {  	[dreg:$0x1] =	wrdreg $0xFFFFFFFF  }
0xc1: {  	_ =	task.clear_ibuf [dreg:s7], $0x2FFFF;
	_ =	strace $0x9FFFFFFF  }
0xc2: {  	(tm) =	ssettm $0x7FFFFFFF  }
0xc3: {  	_ =	shalt  }
tec
execute0_lowered:
.L_overlay_start_1:
0x0: {  	(tag) =	ssettag $0x1  }
0x1: {  	vm14 =	vcmask $0x300;
	v0 =	vimm.s32 $0x14B8;
	vm13 =	vcmask $0x704  }
0x2: {  	vm12 =	vcmask $0xB08;
	v3 =	vimm.s32 $0x36B9;
	v0 =	vsel vm14, $0x0, v0  }
0x3: {  	vm11 =	vcmask $0xF0C;
	v3 =	vsel vm14, $0x2201, v3;
	v0 =	vsel vm13, $0x88, v0  }
0x4: {  	vm10 =	vcmask $0x1310;
	v3 =	vsel vm13, $0x2289, v3;
	v0 =	vsel vm12, $0x110, v0  }
0x5: {  	vm9 =	vcmask $0x1714;
	v3 =	vsel vm12, $0x2311, v3;
	v0 =	vsel vm11, $0x198, v0  }
0x6: {  	vm8 =	vcmask $0x1B18;
	v3 =	vsel vm11, $0x2399, v3;
	v0 =	vsel vm10, $0x220, v0  }
0x7: {  	vm7 =	vcmask $0x1F1C;
	v3 =	vsel vm10, $0x2421, v3;
	v0 =	vsel vm9, $0x2A8, v0  }
0x8: {  	vm6 =	vcmask $0x2320;
	v3 =	vsel vm9, $0x24A9, v3;
	v0 =	vsel vm8, $0x330, v0  }
0x9: {  	vm5 =	vcmask $0x2724;
	v3 =	vsel vm8, $0x2531, v3;
	v0 =	vsel vm7, $0x3B8, v0  }
0xa: {  	vm4 =	vcmask $0x2B28;
	v3 =	vsel vm7, $0x25B9, v3;
	v0 =	vsel vm6, $0x1100, v0  }
0xb: {  	vm3 =	vcmask $0x2F2C;
	v3 =	vsel vm6, $0x3301, v3;
	v0 =	vsel vm5, $0x1188, v0  }
0xc: {  	vm2 =	vcmask $0x3330;
	v3 =	vsel vm5, $0x3389, v3;
	v0 =	vsel vm4, $0x1210, v0  }
0xd: {  	vm1 =	vcmask $0x3734;
	v3 =	vsel vm4, $0x3411, v3;
	v0 =	vsel vm3, $0x1298, v0  }
0xe: {  	v1 =	vimm.s32 $0x0;
	v3 =	vsel vm3, $0x3499, v3;
	v0 =	vsel vm2, $0x1320, v0  }
0xf: {  	vm0 =	vcmask $0x3B38;
	v3 =	vsel vm2, $0x3521, v3;
	v2 =	vsel vm1, $0x13A8, v0  }
0x10: {  	v0 =	vsel vm14, $0x3, v1;
	v3 =	vsel vm1, $0x35A9, v3;
	v1 =	vsel vm0, $0x1430, v2  }
0x11: {  	v2 =	vimm.s32 $0x14B9;
	v6 =	vsel vm0, $0x3631, v3;
	v3 =	vimm.s32 $0x14BB  }
0x12: {  	[tilespmem:$0x1FD00] =	vst v1;
	v1 =	vimm.s32 $0x36B8;
	v2 =	vsel vm14, $0x1, v2;
	v3 =	vsel vm14, $0x3, v3  }
0x13: {  	v1 =	vsel vm14, $0x2200, v1;
	v2 =	vsel vm13, $0x89, v2;
	v3 =	vsel vm13, $0x8B, v3  }
0x14: {  	v1 =	vsel vm13, $0x2288, v1;
	v2 =	vsel vm12, $0x111, v2;
	v3 =	vsel vm12, $0x113, v3  }
0x15: {  	v1 =	vsel vm12, $0x2310, v1;
	v2 =	vsel vm11, $0x199, v2;
	v3 =	vsel vm11, $0x19B, v3  }
0x16: {  	v1 =	vsel vm11, $0x2398, v1;
	v2 =	vsel vm10, $0x221, v2;
	v3 =	vsel vm10, $0x223, v3  }
0x17: {  	v1 =	vsel vm10, $0x2420, v1;
	v2 =	vsel vm9, $0x2A9, v2;
	v3 =	vsel vm9, $0x2AB, v3  }
0x18: {  	v1 =	vsel vm9, $0x24A8, v1;
	v2 =	vsel vm8, $0x331, v2;
	v3 =	vsel vm8, $0x333, v3  }
0x19: {  	v1 =	vsel vm8, $0x2530, v1;
	v2 =	vsel vm7, $0x3B9, v2;
	v3 =	vsel vm7, $0x3BB, v3  }
0x1a: {  	v1 =	vsel vm7, $0x25B8, v1;
	v2 =	vsel vm6, $0x1101, v2;
	v3 =	vsel vm6, $0x1103, v3  }
0x1b: {  	v1 =	vsel vm6, $0x3300, v1;
	v2 =	vsel vm5, $0x1189, v2;
	v3 =	vsel vm5, $0x118B, v3  }
0x1c: {  	v1 =	vsel vm5, $0x3388, v1;
	v2 =	vsel vm4, $0x1211, v2;
	v3 =	vsel vm4, $0x1213, v3  }
0x1d: {  	v1 =	vsel vm4, $0x3410, v1;
	v2 =	vsel vm3, $0x1299, v2;
	v3 =	vsel vm3, $0x129B, v3  }
0x1e: {  	v1 =	vsel vm3, $0x3498, v1;
	v2 =	vsel vm2, $0x1321, v2;
	v3 =	vsel vm2, $0x1323, v3  }
0x1f: {  	v1 =	vsel vm2, $0x3520, v1;
	v2 =	vsel vm1, $0x13A9, v2;
	v3 =	vsel vm1, $0x13AB, v3  }
0x20: {  	v1 =	vsel vm1, $0x35A8, v1;
	v5 =	vsel vm0, $0x1431, v2;
	v2 =	vimm.s32 $0x36BA  }
0x21: {  	v9 =	vsel vm0, $0x1433, v3;
	v3 =	vimm.s32 $0x36BC;
	v41 =	vsel vm0, $0x3630, v1  }
0x22: {  	v1 =	vimm.s32 $0x14BA;
	v2 =	vsel vm14, $0x2202, v2;
	v3 =	vsel vm14, $0x2204, v3  }
0x23: {  	v1 =	vsel vm14, $0x2, v1;
	v2 =	vsel vm13, $0x228A, v2;
	v3 =	vsel vm13, $0x228C, v3  }
0x24: {  	v1 =	vsel vm13, $0x8A, v1;
	v2 =	vsel vm12, $0x2312, v2;
	v3 =	vsel vm12, $0x2314, v3  }
0x25: {  	v1 =	vsel vm12, $0x112, v1;
	v2 =	vsel vm11, $0x239A, v2;
	v3 =	vsel vm11, $0x239C, v3  }
0x26: {  	v1 =	vsel vm11, $0x19A, v1;
	v2 =	vsel vm10, $0x2422, v2;
	v3 =	vsel vm10, $0x2424, v3  }
0x27: {  	v1 =	vsel vm10, $0x222, v1;
	v2 =	vsel vm9, $0x24AA, v2;
	v3 =	vsel vm9, $0x24AC, v3  }
0x28: {  	v1 =	vsel vm9, $0x2AA, v1;
	v2 =	vsel vm8, $0x2532, v2;
	v3 =	vsel vm8, $0x2534, v3  }
0x29: {  	v1 =	vsel vm8, $0x332, v1;
	v2 =	vsel vm7, $0x25BA, v2;
	v3 =	vsel vm7, $0x25BC, v3  }
0x2a: {  	v1 =	vsel vm7, $0x3BA, v1;
	v2 =	vsel vm6, $0x3302, v2;
	v3 =	vsel vm6, $0x3304, v3  }
0x2b: {  	v1 =	vsel vm6, $0x1102, v1;
	v2 =	vsel vm5, $0x338A, v2;
	v3 =	vsel vm5, $0x338C, v3  }
0x2c: {  	v1 =	vsel vm5, $0x118A, v1;
	v2 =	vsel vm4, $0x3412, v2;
	v3 =	vsel vm4, $0x3414, v3  }
0x2d: {  	v1 =	vsel vm4, $0x1212, v1;
	v2 =	vsel vm3, $0x349A, v2;
	v3 =	vsel vm3, $0x349C, v3  }
0x2e: {  	v1 =	vsel vm3, $0x129A, v1;
	v2 =	vsel vm2, $0x3522, v2;
	v3 =	vsel vm2, $0x3524, v3  }
0x2f: {  	v1 =	vsel vm2, $0x1322, v1;
	v2 =	vsel vm1, $0x35AA, v2;
	v3 =	vsel vm1, $0x35AC, v3  }
0x30: {  	v1 =	vsel vm1, $0x13AA, v1;
	v8 =	vsel vm0, $0x3632, v2;
	v2 =	vimm.s32 $0x14BC  }
0x31: {  	v12 =	vsel vm0, $0x3634, v3;
	v3 =	vimm.s32 $0x14BE;
	v7 =	vsel vm0, $0x1432, v1  }
0x32: {  	v1 =	vimm.s32 $0x36BB;
	v2 =	vsel vm14, $0x4, v2;
	v3 =	vsel vm14, $0x6, v3  }
0x33: {  	v1 =	vsel vm14, $0x2203, v1;
	v2 =	vsel vm13, $0x8C, v2;
	v3 =	vsel vm13, $0x8E, v3  }
0x34: {  	v1 =	vsel vm13, $0x228B, v1;
	v2 =	vsel vm12, $0x114, v2;
	v3 =	vsel vm12, $0x116, v3  }
0x35: {  	v1 =	vsel vm12, $0x2313, v1;
	v2 =	vsel vm11, $0x19C, v2;
	v3 =	vsel vm11, $0x19E, v3  }
0x36: {  	v1 =	vsel vm11, $0x239B, v1;
	v2 =	vsel vm10, $0x224, v2;
	v3 =	vsel vm10, $0x226, v3  }
0x37: {  	v1 =	vsel vm10, $0x2423, v1;
	v2 =	vsel vm9, $0x2AC, v2;
	v3 =	vsel vm9, $0x2AE, v3  }
0x38: {  	v1 =	vsel vm9, $0x24AB, v1;
	v2 =	vsel vm8, $0x334, v2;
	v3 =	vsel vm8, $0x336, v3  }
0x39: {  	v1 =	vsel vm8, $0x2533, v1;
	v2 =	vsel vm7, $0x3BC, v2;
	v3 =	vsel vm7, $0x3BE, v3  }
0x3a: {  	v1 =	vsel vm7, $0x25BB, v1;
	v2 =	vsel vm6, $0x1104, v2;
	v3 =	vsel vm6, $0x1106, v3  }
0x3b: {  	v1 =	vsel vm6, $0x3303, v1;
	v2 =	vsel vm5, $0x118C, v2;
	v3 =	vsel vm5, $0x118E, v3  }
0x3c: {  	v1 =	vsel vm5, $0x338B, v1;
	v2 =	vsel vm4, $0x1214, v2;
	v3 =	vsel vm4, $0x1216, v3  }
0x3d: {  	v1 =	vsel vm4, $0x3413, v1;
	v2 =	vsel vm3, $0x129C, v2;
	v3 =	vsel vm3, $0x129E, v3  }
0x3e: {  	v1 =	vsel vm3, $0x349B, v1;
	v2 =	vsel vm2, $0x1324, v2;
	v3 =	vsel vm2, $0x1326, v3  }
0x3f: {  	v1 =	vsel vm2, $0x3523, v1;
	v2 =	vsel vm1, $0x13AC, v2;
	v3 =	vsel vm1, $0x13AE, v3  }
0x40: {  	v1 =	vsel vm1, $0x35AB, v1;
	v11 =	vsel vm0, $0x1434, v2;
	v2 =	vimm.s32 $0x36BD  }
0x41: {  	v15 =	vsel vm0, $0x1436, v3;
	v3 =	vimm.s32 $0x36BF;
	v10 =	vsel vm0, $0x3633, v1  }
0x42: {  	v1 =	vimm.s32 $0x14BD;
	v2 =	vsel vm14, $0x2205, v2;
	v3 =	vsel vm14, $0x2207, v3  }
0x43: {  	v1 =	vsel vm14, $0x5, v1;
	v2 =	vsel vm13, $0x228D, v2;
	v3 =	vsel vm13, $0x228F, v3  }
0x44: {  	v1 =	vsel vm13, $0x8D, v1;
	v2 =	vsel vm12, $0x2315, v2;
	v3 =	vsel vm12, $0x2317, v3  }
0x45: {  	v1 =	vsel vm12, $0x115, v1;
	v2 =	vsel vm11, $0x239D, v2;
	v3 =	vsel vm11, $0x239F, v3  }
0x46: {  	v1 =	vsel vm11, $0x19D, v1;
	v2 =	vsel vm10, $0x2425, v2;
	v3 =	vsel vm10, $0x2427, v3  }
0x47: {  	v1 =	vsel vm10, $0x225, v1;
	v2 =	vsel vm9, $0x24AD, v2;
	v3 =	vsel vm9, $0x24AF, v3  }
0x48: {  	v1 =	vsel vm9, $0x2AD, v1;
	v2 =	vsel vm8, $0x2535, v2;
	v3 =	vsel vm8, $0x2537, v3  }
0x49: {  	v1 =	vsel vm8, $0x335, v1;
	v2 =	vsel vm7, $0x25BD, v2;
	v3 =	vsel vm7, $0x25BF, v3  }
0x4a: {  	v1 =	vsel vm7, $0x3BD, v1;
	v2 =	vsel vm6, $0x3305, v2;
	v3 =	vsel vm6, $0x3307, v3  }
0x4b: {  	v1 =	vsel vm6, $0x1105, v1;
	v2 =	vsel vm5, $0x338D, v2;
	v3 =	vsel vm5, $0x338F, v3  }
0x4c: {  	v1 =	vsel vm5, $0x118D, v1;
	v2 =	vsel vm4, $0x3415, v2;
	v3 =	vsel vm4, $0x3417, v3  }
0x4d: {  	v1 =	vsel vm4, $0x1215, v1;
	v2 =	vsel vm3, $0x349D, v2;
	v3 =	vsel vm3, $0x349F, v3  }
0x4e: {  	v1 =	vsel vm3, $0x129D, v1;
	v2 =	vsel vm2, $0x3525, v2;
	v3 =	vsel vm2, $0x3527, v3  }
0x4f: {  	v1 =	vsel vm2, $0x1325, v1;
	v2 =	vsel vm1, $0x35AD, v2;
	v3 =	vsel vm1, $0x35AF, v3  }
0x50: {  	v1 =	vsel vm1, $0x13AD, v1;
	v14 =	vsel vm0, $0x3635, v2;
	v2 =	vimm.s32 $0x14BF  }
0x51: {  	v18 =	vsel vm0, $0x3637, v3;
	v3 =	vimm.s32 $0x18F9;
	v13 =	vsel vm0, $0x1435, v1  }
0x52: {  	v1 =	vimm.s32 $0x36BE;
	v2 =	vsel vm14, $0x7, v2;
	v3 =	vsel vm14, $0x441, v3  }
0x53: {  	v1 =	vsel vm14, $0x2206, v1;
	v2 =	vsel vm13, $0x8F, v2;
	v3 =	vsel vm13, $0x4C9, v3  }
0x54: {  	v1 =	vsel vm13, $0x228E, v1;
	v2 =	vsel vm12, $0x117, v2;
	v3 =	vsel vm12, $0x551, v3  }
0x55: {  	v1 =	vsel vm12, $0x2316, v1;
	v2 =	vsel vm11, $0x19F, v2;
	v3 =	vsel vm11, $0x5D9, v3  }
0x56: {  	v1 =	vsel vm11, $0x239E, v1;
	v2 =	vsel vm10, $0x227, v2;
	v3 =	vsel vm10, $0x661, v3  }
0x57: {  	v1 =	vsel vm10, $0x2426, v1;
	v2 =	vsel vm9, $0x2AF, v2;
	v3 =	vsel vm9, $0x6E9, v3  }
0x58: {  	v1 =	vsel vm9, $0x24AE, v1;
	v2 =	vsel vm8, $0x337, v2;
	v3 =	vsel vm8, $0x771, v3  }
0x59: {  	v1 =	vsel vm8, $0x2536, v1;
	v2 =	vsel vm7, $0x3BF, v2;
	v3 =	vsel vm7, $0x7F9, v3  }
0x5a: {  	v1 =	vsel vm7, $0x25BE, v1;
	v2 =	vsel vm6, $0x1107, v2;
	v3 =	vsel vm6, $0x1541, v3  }
0x5b: {  	v1 =	vsel vm6, $0x3306, v1;
	v2 =	vsel vm5, $0x118F, v2;
	v3 =	vsel vm5, $0x15C9, v3  }
0x5c: {  	v1 =	vsel vm5, $0x338E, v1;
	v2 =	vsel vm4, $0x1217, v2;
	v3 =	vsel vm4, $0x1651, v3  }
0x5d: {  	v1 =	vsel vm4, $0x3416, v1;
	v2 =	vsel vm3, $0x129F, v2;
	v3 =	vsel vm3, $0x16D9, v3  }
0x5e: {  	v1 =	vsel vm3, $0x349E, v1;
	v2 =	vsel vm2, $0x1327, v2;
	v3 =	vsel vm2, $0x1761, v3  }
0x5f: {  	v1 =	vsel vm2, $0x3526, v1;
	v2 =	vsel vm1, $0x13AF, v2;
	v3 =	vsel vm1, $0x17E9, v3  }
0x60: {  	v1 =	vsel vm1, $0x35AE, v1;
	v17 =	vsel vm0, $0x1437, v2;
	v2 =	vimm.s32 $0x3AF8  }
0x61: {  	v36 =	vsel vm0, $0x1871, v3;
	v3 =	vimm.s32 $0x3AFA;
	v16 =	vsel vm0, $0x3636, v1  }
0x62: {  	v1 =	vimm.s32 $0x18F8;
	v2 =	vsel vm14, $0x2640, v2;
	v3 =	vsel vm14, $0x2642, v3  }
0x63: {  	v1 =	vsel vm14, $0x440, v1;
	v2 =	vsel vm13, $0x26C8, v2;
	v3 =	vsel vm13, $0x26CA, v3  }
0x64: {  	v1 =	vsel vm13, $0x4C8, v1;
	v2 =	vsel vm12, $0x2750, v2;
	v3 =	vsel vm12, $0x2752, v3  }
0x65: {  	v1 =	vsel vm12, $0x550, v1;
	v2 =	vsel vm11, $0x27D8, v2;
	v3 =	vsel vm11, $0x27DA, v3  }
0x66: {  	v1 =	vsel vm11, $0x5D8, v1;
	v2 =	vsel vm10, $0x2860, v2;
	v3 =	vsel vm10, $0x2862, v3  }
0x67: {  	v1 =	vsel vm10, $0x660, v1;
	v2 =	vsel vm9, $0x28E8, v2;
	v3 =	vsel vm9, $0x28EA, v3  }
0x68: {  	v1 =	vsel vm9, $0x6E8, v1;
	v2 =	vsel vm8, $0x2970, v2;
	v3 =	vsel vm8, $0x2972, v3  }
0x69: {  	v1 =	vsel vm8, $0x770, v1;
	v2 =	vsel vm7, $0x29F8, v2;
	v3 =	vsel vm7, $0x29FA, v3  }
0x6a: {  	v1 =	vsel vm7, $0x7F8, v1;
	v2 =	vsel vm6, $0x3740, v2;
	v3 =	vsel vm6, $0x3742, v3  }
0x6b: {  	v1 =	vsel vm6, $0x1540, v1;
	v2 =	vsel vm5, $0x37C8, v2;
	v3 =	vsel vm5, $0x37CA, v3  }
0x6c: {  	v1 =	vsel vm5, $0x15C8, v1;
	v2 =	vsel vm4, $0x3850, v2;
	v3 =	vsel vm4, $0x3852, v3  }
0x6d: {  	v1 =	vsel vm4, $0x1650, v1;
	v2 =	vsel vm3, $0x38D8, v2;
	v3 =	vsel vm3, $0x38DA, v3  }
0x6e: {  	v1 =	vsel vm3, $0x16D8, v1;
	v2 =	vsel vm2, $0x3960, v2;
	v3 =	vsel vm2, $0x3962, v3  }
0x6f: {  	v1 =	vsel vm2, $0x1760, v1;
	v2 =	vsel vm1, $0x39E8, v2;
	v3 =	vsel vm1, $0x39EA, v3  }
0x70: {  	v1 =	vsel vm1, $0x17E8, v1;
	v35 =	vsel vm0, $0x3A70, v2;
	v2 =	vimm.s32 $0x18FA  }
0x71: {  	v39 =	vsel vm0, $0x3A72, v3;
	v3 =	vimm.s32 $0x18FC;
	v34 =	vsel vm0, $0x1870, v1  }
0x72: {  	v1 =	vimm.s32 $0x3AF9;
	v2 =	vsel vm14, $0x442, v2;
	v3 =	vsel vm14, $0x444, v3  }
0x73: {  	v1 =	vsel vm14, $0x2641, v1;
	v2 =	vsel vm13, $0x4CA, v2;
	v3 =	vsel vm13, $0x4CC, v3  }
0x74: {  	v1 =	vsel vm13, $0x26C9, v1;
	v2 =	vsel vm12, $0x552, v2;
	v3 =	vsel vm12, $0x554, v3  }
0x75: {  	v1 =	vsel vm12, $0x2751, v1;
	v2 =	vsel vm11, $0x5DA, v2;
	v3 =	vsel vm11, $0x5DC, v3  }
0x76: {  	v1 =	vsel vm11, $0x27D9, v1;
	v2 =	vsel vm10, $0x662, v2;
	v3 =	vsel vm10, $0x664, v3  }
0x77: {  	v1 =	vsel vm10, $0x2861, v1;
	v2 =	vsel vm9, $0x6EA, v2;
	v3 =	vsel vm9, $0x6EC, v3  }
0x78: {  	v1 =	vsel vm9, $0x28E9, v1;
	v2 =	vsel vm8, $0x772, v2;
	v3 =	vsel vm8, $0x774, v3  }
0x79: {  	v1 =	vsel vm8, $0x2971, v1;
	v2 =	vsel vm7, $0x7FA, v2;
	v3 =	vsel vm7, $0x7FC, v3  }
0x7a: {  	v1 =	vsel vm7, $0x29F9, v1;
	v2 =	vsel vm6, $0x1542, v2;
	v3 =	vsel vm6, $0x1544, v3  }
0x7b: {  	v1 =	vsel vm6, $0x3741, v1;
	v2 =	vsel vm5, $0x15CA, v2;
	v3 =	vsel vm5, $0x15CC, v3  }
0x7c: {  	v1 =	vsel vm5, $0x37C9, v1;
	v2 =	vsel vm4, $0x1652, v2;
	v3 =	vsel vm4, $0x1654, v3  }
0x7d: {  	v1 =	vsel vm4, $0x3851, v1;
	v2 =	vsel vm3, $0x16DA, v2;
	v3 =	vsel vm3, $0x16DC, v3  }
0x7e: {  	v1 =	vsel vm3, $0x38D9, v1;
	v2 =	vsel vm2, $0x1762, v2;
	v3 =	vsel vm2, $0x1764, v3  }
0x7f: {  	v1 =	vsel vm2, $0x3961, v1;
	v2 =	vsel vm1, $0x17EA, v2;
	v3 =	vsel vm1, $0x17EC, v3  }
0x80: {  	v1 =	vsel vm1, $0x39E9, v1;
	v38 =	vsel vm0, $0x1872, v2;
	v2 =	vimm.s32 $0x3AFB  }
0x81: {  	v37 =	vsel vm0, $0x3A71, v1;
	v1 =	vimm.s32 $0x18FB;
	v2 =	vsel vm14, $0x2643, v2  }
0x82: {  	v19 =	vsel vm0, $0x1874, v3;
	v1 =	vsel vm14, $0x443, v1;
	v2 =	vsel vm13, $0x26CB, v2  }
0x83: {  	v3 =	vimm.s32 $0x3AFD;
	v1 =	vsel vm13, $0x4CB, v1;
	v2 =	vsel vm12, $0x2753, v2  }
0x84: {  	v3 =	vsel vm14, $0x2645, v3;
	v1 =	vsel vm12, $0x553, v1;
	v2 =	vsel vm11, $0x27DB, v2  }
0x85: {  	v3 =	vsel vm13, $0x26CD, v3;
	v1 =	vsel vm11, $0x5DB, v1;
	v2 =	vsel vm10, $0x2863, v2  }
0x86: {  	v3 =	vsel vm12, $0x2755, v3;
	v1 =	vsel vm10, $0x663, v1;
	v2 =	vsel vm9, $0x28EB, v2  }
0x87: {  	v3 =	vsel vm11, $0x27DD, v3;
	v1 =	vsel vm9, $0x6EB, v1;
	v2 =	vsel vm8, $0x2973, v2  }
0x88: {  	v3 =	vsel vm10, $0x2865, v3;
	v1 =	vsel vm8, $0x773, v1;
	v2 =	vsel vm7, $0x29FB, v2  }
0x89: {  	v3 =	vsel vm9, $0x28ED, v3;
	v1 =	vsel vm7, $0x7FB, v1;
	v2 =	vsel vm6, $0x3743, v2  }
0x8a: {  	v3 =	vsel vm8, $0x2975, v3;
	v1 =	vsel vm6, $0x1543, v1;
	v2 =	vsel vm5, $0x37CB, v2  }
0x8b: {  	v3 =	vsel vm7, $0x29FD, v3;
	v1 =	vsel vm5, $0x15CB, v1;
	v2 =	vsel vm4, $0x3853, v2  }
0x8c: {  	v3 =	vsel vm6, $0x3745, v3;
	v1 =	vsel vm4, $0x1653, v1;
	v2 =	vsel vm3, $0x38DB, v2  }
0x8d: {  	v3 =	vsel vm5, $0x37CD, v3;
	v1 =	vsel vm3, $0x16DB, v1;
	v2 =	vsel vm2, $0x3963, v2  }
0x8e: {  	v3 =	vsel vm4, $0x3855, v3;
	v1 =	vsel vm2, $0x1763, v1;
	v2 =	vsel vm1, $0x39EB, v2  }
0x8f: {  	v1 =	vsel vm1, $0x17EB, v1;
	v40 =	vsel vm0, $0x3A73, v2;
	v2 =	vimm.s32 $0x18FD  }
0x90: {  	v4 =	vsel vm0, $0x1873, v1;
	v1 =	vimm.s32 $0x3AFC;
	v2 =	vsel vm14, $0x445, v2  }
0x91: {  	v3 =	vsel vm3, $0x38DD, v3;
	v1 =	vsel vm14, $0x2644, v1;
	v2 =	vsel vm13, $0x4CD, v2  }
0x92: {  	v3 =	vsel vm2, $0x3965, v3;
	v1 =	vsel vm13, $0x26CC, v1;
	v2 =	vsel vm12, $0x555, v2  }
0x93: {  	v3 =	vsel vm1, $0x39ED, v3;
	v1 =	vsel vm12, $0x2754, v1;
	v2 =	vsel vm11, $0x5DD, v2  }
0x94: {  	v22 =	vsel vm0, $0x3A75, v3;
	v1 =	vsel vm11, $0x27DC, v1;
	v2 =	vsel vm10, $0x665, v2  }
0x95: {  	v3 =	vimm.s32 $0x18FF;
	v1 =	vsel vm10, $0x2864, v1;
	v2 =	vsel vm9, $0x6ED, v2  }
0x96: {  	v3 =	vsel vm14, $0x447, v3;
	v1 =	vsel vm9, $0x28EC, v1;
	v2 =	vsel vm8, $0x775, v2  }
0x97: {  	v3 =	vsel vm13, $0x4CF, v3;
	v1 =	vsel vm8, $0x2974, v1;
	v2 =	vsel vm7, $0x7FD, v2  }
0x98: {  	v3 =	vsel vm12, $0x557, v3;
	v1 =	vsel vm7, $0x29FC, v1;
	v2 =	vsel vm6, $0x1545, v2  }
0x99: {  	v3 =	vsel vm11, $0x5DF, v3;
	v1 =	vsel vm6, $0x3744, v1;
	v2 =	vsel vm5, $0x15CD, v2  }
0x9a: {  	v3 =	vsel vm10, $0x667, v3;
	v1 =	vsel vm5, $0x37CC, v1;
	v2 =	vsel vm4, $0x1655, v2  }
0x9b: {  	v3 =	vsel vm9, $0x6EF, v3;
	v1 =	vsel vm4, $0x3854, v1;
	v2 =	vsel vm3, $0x16DD, v2  }
0x9c: {  	v3 =	vsel vm8, $0x777, v3;
	v1 =	vsel vm3, $0x38DC, v1;
	v2 =	vsel vm2, $0x1765, v2  }
0x9d: {  	v3 =	vsel vm7, $0x7FF, v3;
	v1 =	vsel vm2, $0x3964, v1;
	v2 =	vsel vm1, $0x17ED, v2  }
0x9e: {  	v1 =	vsel vm1, $0x39EC, v1;
	v21 =	vsel vm0, $0x1875, v2;
	v2 =	vimm.s32 $0x3AFE  }
0x9f: {  	v20 =	vsel vm0, $0x3A74, v1;
	v1 =	vimm.s32 $0x18FE;
	v2 =	vsel vm14, $0x2646, v2  }
0xa0: {  	v3 =	vsel vm6, $0x1547, v3;
	v1 =	vsel vm14, $0x446, v1;
	v2 =	vsel vm13, $0x26CE, v2  }
0xa1: {  	v3 =	vsel vm5, $0x15CF, v3;
	v1 =	vsel vm13, $0x4CE, v1;
	v2 =	vsel vm12, $0x2756, v2  }
0xa2: {  	v3 =	vsel vm4, $0x1657, v3;
	v1 =	vsel vm12, $0x556, v1;
	v2 =	vsel vm11, $0x27DE, v2  }
0xa3: {  	v3 =	vsel vm3, $0x16DF, v3;
	v1 =	vsel vm11, $0x5DE, v1;
	v2 =	vsel vm10, $0x2866, v2  }
0xa4: {  	v3 =	vsel vm2, $0x1767, v3;
	v1 =	vsel vm10, $0x666, v1;
	v2 =	vsel vm9, $0x28EE, v2  }
0xa5: {  	v3 =	vsel vm1, $0x17EF, v3;
	v1 =	vsel vm9, $0x6EE, v1;
	v2 =	vsel vm8, $0x2976, v2  }
0xa6: {  	v25 =	vsel vm0, $0x1877, v3;
	v1 =	vsel vm8, $0x776, v1;
	v2 =	vsel vm7, $0x29FE, v2  }
0xa7: {  	v3 =	vimm.s32 $0x3F38;
	v1 =	vsel vm7, $0x7FE, v1;
	v2 =	vsel vm6, $0x3746, v2  }
0xa8: {  	v3 =	vsel vm14, $0x2A80, v3;
	v1 =	vsel vm6, $0x1546, v1;
	v2 =	vsel vm5, $0x37CE, v2  }
0xa9: {  	v3 =	vsel vm13, $0x2B08, v3;
	v1 =	vsel vm5, $0x15CE, v1;
	v2 =	vsel vm4, $0x3856, v2  }
0xaa: {  	v3 =	vsel vm12, $0x2B90, v3;
	v1 =	vsel vm4, $0x1656, v1;
	v2 =	vsel vm3, $0x38DE, v2  }
0xab: {  	v3 =	vsel vm11, $0x2C18, v3;
	v1 =	vsel vm3, $0x16DE, v1;
	v2 =	vsel vm2, $0x3966, v2  }
0xac: {  	v3 =	vsel vm10, $0x2CA0, v3;
	v1 =	vsel vm2, $0x1766, v1;
	v2 =	vsel vm1, $0x39EE, v2  }
0xad: {  	v1 =	vsel vm1, $0x17EE, v1;
	v24 =	vsel vm0, $0x3A76, v2;
	v2 =	vimm.s32 $0x1D38  }
0xae: {  	v23 =	vsel vm0, $0x1876, v1;
	v1 =	vimm.s32 $0x3AFF;
	v2 =	vsel vm14, $0x880, v2  }
0xaf: {  	v3 =	vsel vm9, $0x2D28, v3;
	v1 =	vsel vm14, $0x2647, v1;
	v2 =	vsel vm13, $0x908, v2  }
0xb0: {  	v3 =	vsel vm8, $0x2DB0, v3;
	v1 =	vsel vm13, $0x26CF, v1;
	v2 =	vsel vm12, $0x990, v2  }
0xb1: {  	v3 =	vsel vm7, $0x2E38, v3;
	v1 =	vsel vm12, $0x2757, v1;
	v2 =	vsel vm11, $0xA18, v2  }
0xb2: {  	v3 =	vsel vm6, $0x3B80, v3;
	v1 =	vsel vm11, $0x27DF, v1;
	v2 =	vsel vm10, $0xAA0, v2  }
0xb3: {  	v3 =	vsel vm5, $0x3C08, v3;
	v1 =	vsel vm10, $0x2867, v1;
	v2 =	vsel vm9, $0xB28, v2  }
0xb4: {  	v3 =	vsel vm4, $0x3C90, v3;
	v1 =	vsel vm9, $0x28EF, v1;
	v2 =	vsel vm8, $0xBB0, v2  }
0xb5: {  	v3 =	vsel vm3, $0x3D18, v3;
	v1 =	vsel vm8, $0x2977, v1;
	v2 =	vsel vm7, $0xC38, v2  }
0xb6: {  	v3 =	vsel vm2, $0x3DA0, v3;
	v1 =	vsel vm7, $0x29FF, v1;
	v2 =	vsel vm6, $0x1980, v2  }
0xb7: {  	v3 =	vsel vm1, $0x3E28, v3;
	v1 =	vsel vm6, $0x3747, v1;
	v2 =	vsel vm5, $0x1A08, v2  }
0xb8: {  	v43 =	vsel vm0, $0x3EB0, v3;
	v1 =	vsel vm5, $0x37CF, v1;
	v2 =	vsel vm4, $0x1A90, v2  }
0xb9: {  	v3 =	vimm.s32 $0x1D3A;
	v1 =	vsel vm4, $0x3857, v1;
	v2 =	vsel vm3, $0x1B18, v2  }
0xba: {  	v3 =	vsel vm14, $0x882, v3;
	v1 =	vsel vm3, $0x38DF, v1;
	v2 =	vsel vm2, $0x1BA0, v2  }
0xbb: {  	v3 =	vsel vm13, $0x90A, v3;
	v1 =	vsel vm2, $0x3967, v1;
	v2 =	vsel vm1, $0x1C28, v2  }
0xbc: {  	v1 =	vsel vm1, $0x39EF, v1;
	v42 =	vsel vm0, $0x1CB0, v2;
	v2 =	vimm.s32 $0x3F39  }
0xbd: {  	v26 =	vsel vm0, $0x3A77, v1;
	v1 =	vimm.s32 $0x1D39;
	v2 =	vsel vm14, $0x2A81, v2  }
0xbe: {  	v3 =	vsel vm12, $0x992, v3;
	v1 =	vsel vm14, $0x881, v1;
	v2 =	vsel vm13, $0x2B09, v2  }
0xbf: {  	v3 =	vsel vm11, $0xA1A, v3;
	v1 =	vsel vm13, $0x909, v1;
	v2 =	vsel vm12, $0x2B91, v2  }
0xc0: {  	v3 =	vsel vm10, $0xAA2, v3;
	v1 =	vsel vm12, $0x991, v1;
	v2 =	vsel vm11, $0x2C19, v2  }
0xc1: {  	v3 =	vsel vm9, $0xB2A, v3;
	v1 =	vsel vm11, $0xA19, v1;
	v2 =	vsel vm10, $0x2CA1, v2  }
0xc2: {  	v3 =	vsel vm8, $0xBB2, v3;
	v1 =	vsel vm10, $0xAA1, v1;
	v2 =	vsel vm9, $0x2D29, v2  }
0xc3: {  	v3 =	vsel vm7, $0xC3A, v3;
	v1 =	vsel vm9, $0xB29, v1;
	v2 =	vsel vm8, $0x2DB1, v2  }
0xc4: {  	v3 =	vsel vm6, $0x1982, v3;
	v1 =	vsel vm8, $0xBB1, v1;
	v2 =	vsel vm7, $0x2E39, v2  }
0xc5: {  	v3 =	vsel vm5, $0x1A0A, v3;
	v1 =	vsel vm7, $0xC39, v1;
	v2 =	vsel vm6, $0x3B81, v2  }
0xc6: {  	v3 =	vsel vm4, $0x1A92, v3;
	v1 =	vsel vm6, $0x1981, v1;
	v2 =	vsel vm5, $0x3C09, v2  }
0xc7: {  	v3 =	vsel vm3, $0x1B1A, v3;
	v1 =	vsel vm5, $0x1A09, v1;
	v2 =	vsel vm4, $0x3C91, v2  }
0xc8: {  	v3 =	vsel vm2, $0x1BA2, v3;
	v1 =	vsel vm4, $0x1A91, v1;
	v2 =	vsel vm3, $0x3D19, v2  }
0xc9: {  	v3 =	vsel vm1, $0x1C2A, v3;
	v1 =	vsel vm3, $0x1B19, v1;
	v2 =	vsel vm2, $0x3DA1, v2  }
0xca: {  	v46 =	vsel vm0, $0x1CB2, v3;
	v1 =	vsel vm2, $0x1BA1, v1;
	v2 =	vsel vm1, $0x3E29, v2  }
0xcb: {  	v3 =	vimm.s32 $0x3F3B;
	v1 =	vsel vm1, $0x1C29, v1;
	v45 =	vsel vm0, $0x3EB1, v2  }
0xcc: {  	v2 =	vimm.s32 $0x1D3B;
	v44 =	vsel vm0, $0x1CB1, v1;
	v1 =	vimm.s32 $0x3F3A  }
0xcd: {  	v3 =	vsel vm14, $0x2A83, v3;
	v2 =	vsel vm14, $0x883, v2;
	v1 =	vsel vm14, $0x2A82, v1  }
0xce: {  	v3 =	vsel vm13, $0x2B0B, v3;
	v2 =	vsel vm13, $0x90B, v2;
	v1 =	vsel vm13, $0x2B0A, v1  }
0xcf: {  	v3 =	vsel vm12, $0x2B93, v3;
	v2 =	vsel vm12, $0x993, v2;
	v1 =	vsel vm12, $0x2B92, v1  }
0xd0: {  	v3 =	vsel vm11, $0x2C1B, v3;
	v2 =	vsel vm11, $0xA1B, v2;
	v1 =	vsel vm11, $0x2C1A, v1  }
0xd1: {  	v3 =	vsel vm10, $0x2CA3, v3;
	v2 =	vsel vm10, $0xAA3, v2;
	v1 =	vsel vm10, $0x2CA2, v1  }
0xd2: {  	v3 =	vsel vm9, $0x2D2B, v3;
	v2 =	vsel vm9, $0xB2B, v2;
	v1 =	vsel vm9, $0x2D2A, v1  }
0xd3: {  	v3 =	vsel vm8, $0x2DB3, v3;
	v2 =	vsel vm8, $0xBB3, v2;
	v1 =	vsel vm8, $0x2DB2, v1  }
0xd4: {  	v3 =	vsel vm7, $0x2E3B, v3;
	v2 =	vsel vm7, $0xC3B, v2;
	v1 =	vsel vm7, $0x2E3A, v1  }
0xd5: {  	v3 =	vsel vm6, $0x3B83, v3;
	v2 =	vsel vm6, $0x1983, v2;
	v1 =	vsel vm6, $0x3B82, v1  }
0xd6: {  	v3 =	vsel vm5, $0x3C0B, v3;
	v2 =	vsel vm5, $0x1A0B, v2;
	v1 =	vsel vm5, $0x3C0A, v1  }
0xd7: {  	v3 =	vsel vm4, $0x3C93, v3;
	v2 =	vsel vm4, $0x1A93, v2;
	v1 =	vsel vm4, $0x3C92, v1  }
0xd8: {  	v3 =	vsel vm3, $0x3D1B, v3;
	v2 =	vsel vm3, $0x1B1B, v2;
	v1 =	vsel vm3, $0x3D1A, v1  }
0xd9: {  	v3 =	vsel vm2, $0x3DA3, v3;
	v2 =	vsel vm2, $0x1BA3, v2;
	v1 =	vsel vm2, $0x3DA2, v1  }
0xda: {  	v3 =	vsel vm1, $0x3E2B, v3;
	v2 =	vsel vm1, $0x1C2B, v2;
	v1 =	vsel vm1, $0x3E2A, v1  }
0xdb: {  	v48 =	vsel vm0, $0x1CB3, v2;
	v2 =	vimm.s32 $0x3F3C;
	v47 =	vsel vm0, $0x3EB2, v1  }
0xdc: {  	v1 =	vsel vm0, $0x3EB3, v3;
	v3 =	vimm.s32 $0x1D3D;
	v2 =	vsel vm14, $0x2A84, v2  }
0xdd: {  	[tilespmem:$0x1FD10] =	vst v1;
	v1 =	vimm.s32 $0x1D3C;
	v3 =	vsel vm14, $0x885, v3;
	v2 =	vsel vm13, $0x2B0C, v2  }
0xde: {  	v1 =	vsel vm14, $0x884, v1;
	v3 =	vsel vm13, $0x90D, v3;
	v2 =	vsel vm12, $0x2B94, v2  }
0xdf: {  	v1 =	vsel vm13, $0x90C, v1;
	v3 =	vsel vm12, $0x995, v3;
	v2 =	vsel vm11, $0x2C1C, v2  }
0xe0: {  	v1 =	vsel vm12, $0x994, v1;
	v3 =	vsel vm11, $0xA1D, v3;
	v2 =	vsel vm10, $0x2CA4, v2  }
0xe1: {  	v1 =	vsel vm11, $0xA1C, v1;
	v3 =	vsel vm10, $0xAA5, v3;
	v2 =	vsel vm9, $0x2D2C, v2  }
0xe2: {  	v1 =	vsel vm10, $0xAA4, v1;
	v3 =	vsel vm9, $0xB2D, v3;
	v2 =	vsel vm8, $0x2DB4, v2  }
0xe3: {  	v1 =	vsel vm9, $0xB2C, v1;
	v3 =	vsel vm8, $0xBB5, v3;
	v2 =	vsel vm7, $0x2E3C, v2  }
0xe4: {  	v1 =	vsel vm8, $0xBB4, v1;
	v3 =	vsel vm7, $0xC3D, v3;
	v2 =	vsel vm6, $0x3B84, v2  }
0xe5: {  	v1 =	vsel vm7, $0xC3C, v1;
	v3 =	vsel vm6, $0x1985, v3;
	v2 =	vsel vm5, $0x3C0C, v2  }
0xe6: {  	v1 =	vsel vm6, $0x1984, v1;
	v3 =	vsel vm5, $0x1A0D, v3;
	v2 =	vsel vm4, $0x3C94, v2  }
0xe7: {  	v1 =	vsel vm5, $0x1A0C, v1;
	v3 =	vsel vm4, $0x1A95, v3;
	v2 =	vsel vm3, $0x3D1C, v2  }
0xe8: {  	v1 =	vsel vm4, $0x1A94, v1;
	v3 =	vsel vm3, $0x1B1D, v3;
	v2 =	vsel vm2, $0x3DA4, v2  }
0xe9: {  	v1 =	vsel vm3, $0x1B1C, v1;
	v3 =	vsel vm2, $0x1BA5, v3;
	v2 =	vsel vm1, $0x3E2C, v2  }
0xea: {  	v1 =	vsel vm2, $0x1BA4, v1;
	v3 =	vsel vm1, $0x1C2D, v3;
	v27 =	vsel vm0, $0x3EB4, v2  }
0xeb: {  	v2 =	vimm.s32 $0x1D3E;
	v1 =	vsel vm1, $0x1C2C, v1;
	v28 =	vsel vm0, $0x1CB5, v3  }
0xec: {  	v3 =	vimm.s32 $0x3F3E;
	v2 =	vsel vm14, $0x886, v2;
	v1 =	vsel vm0, $0x1CB4, v1  }
0xed: {  	v3 =	vsel vm14, $0x2A86, v3;
	v2 =	vsel vm13, $0x90E, v2;
	[tilespmem:$0x1FD20] =	vst v1;
	v1 =	vimm.s32 $0x3F3D  }
0xee: {  	v3 =	vsel vm13, $0x2B0E, v3;
	v2 =	vsel vm12, $0x996, v2;
	v1 =	vsel vm14, $0x2A85, v1  }
0xef: {  	v3 =	vsel vm12, $0x2B96, v3;
	v2 =	vsel vm11, $0xA1E, v2;
	v1 =	vsel vm13, $0x2B0D, v1  }
0xf0: {  	v3 =	vsel vm11, $0x2C1E, v3;
	v2 =	vsel vm10, $0xAA6, v2;
	v1 =	vsel vm12, $0x2B95, v1  }
0xf1: {  	v3 =	vsel vm10, $0x2CA6, v3;
	v2 =	vsel vm9, $0xB2E, v2;
	v1 =	vsel vm11, $0x2C1D, v1  }
0xf2: {  	v3 =	vsel vm9, $0x2D2E, v3;
	v2 =	vsel vm8, $0xBB6, v2;
	v1 =	vsel vm10, $0x2CA5, v1  }
0xf3: {  	v3 =	vsel vm8, $0x2DB6, v3;
	v2 =	vsel vm7, $0xC3E, v2;
	v1 =	vsel vm9, $0x2D2D, v1  }
0xf4: {  	v3 =	vsel vm7, $0x2E3E, v3;
	v2 =	vsel vm6, $0x1986, v2;
	v1 =	vsel vm8, $0x2DB5, v1  }
0xf5: {  	v3 =	vsel vm6, $0x3B86, v3;
	v2 =	vsel vm5, $0x1A0E, v2;
	v1 =	vsel vm7, $0x2E3D, v1  }
0xf6: {  	v3 =	vsel vm5, $0x3C0E, v3;
	v2 =	vsel vm4, $0x1A96, v2;
	v1 =	vsel vm6, $0x3B85, v1  }
0xf7: {  	v3 =	vsel vm4, $0x3C96, v3;
	v2 =	vsel vm3, $0x1B1E, v2;
	v1 =	vsel vm5, $0x3C0D, v1  }
0xf8: {  	v3 =	vsel vm3, $0x3D1E, v3;
	v2 =	vsel vm2, $0x1BA6, v2;
	v1 =	vsel vm4, $0x3C95, v1  }
0xf9: {  	v3 =	vsel vm2, $0x3DA6, v3;
	v2 =	vsel vm1, $0x1C2E, v2;
	v1 =	vsel vm3, $0x3D1D, v1  }
0xfa: {  	v3 =	vsel vm1, $0x3E2E, v3;
	v30 =	vsel vm0, $0x1CB6, v2;
	v2 =	vimm.s32 $0x3F3F  }
0xfb: {  	v1 =	vsel vm2, $0x3DA5, v1;
	v31 =	vsel vm0, $0x3EB6, v3;
	v3 =	vimm.s32 $0x2178  }
0xfc: {  	v2 =	vsel vm14, $0x2A87, v2;
	v1 =	vsel vm1, $0x3E2D, v1;
	v3 =	vsel vm14, $0xCC0, v3  }
0xfd: {  	v2 =	vsel vm13, $0x2B0F, v2;
	v29 =	vsel vm0, $0x3EB5, v1;
	v1 =	vimm.s32 $0x1D3F  }
0xfe: {  	v3 =	vsel vm13, $0xD48, v3;
	v2 =	vsel vm12, $0x2B97, v2;
	v1 =	vsel vm14, $0x887, v1  }
0xff: {  	v3 =	vsel vm12, $0xDD0, v3;
	v2 =	vsel vm11, $0x2C1F, v2;
	v1 =	vsel vm13, $0x90F, v1  }
0x100: {  	v3 =	vsel vm11, $0xE58, v3;
	v2 =	vsel vm10, $0x2CA7, v2;
	v1 =	vsel vm12, $0x997, v1  }
0x101: {  	v3 =	vsel vm10, $0xEE0, v3;
	v2 =	vsel vm9, $0x2D2F, v2;
	v1 =	vsel vm11, $0xA1F, v1  }
0x102: {  	v3 =	vsel vm9, $0xF68, v3;
	v2 =	vsel vm8, $0x2DB7, v2;
	v1 =	vsel vm10, $0xAA7, v1  }
0x103: {  	v3 =	vsel vm8, $0xFF0, v3;
	v2 =	vsel vm7, $0x2E3F, v2;
	v1 =	vsel vm9, $0xB2F, v1  }
0x104: {  	v3 =	vsel vm7, $0x1078, v3;
	v2 =	vsel vm6, $0x3B87, v2;
	v1 =	vsel vm8, $0xBB7, v1  }
0x105: {  	v3 =	vsel vm6, $0x1DC0, v3;
	v2 =	vsel vm5, $0x3C0F, v2;
	v1 =	vsel vm7, $0xC3F, v1  }
0x106: {  	v3 =	vsel vm5, $0x1E48, v3;
	v2 =	vsel vm4, $0x3C97, v2;
	v1 =	vsel vm6, $0x1987, v1  }
0x107: {  	v3 =	vsel vm4, $0x1ED0, v3;
	v2 =	vsel vm3, $0x3D1F, v2;
	v1 =	vsel vm5, $0x1A0F, v1  }
0x108: {  	v3 =	vsel vm3, $0x1F58, v3;
	v2 =	vsel vm2, $0x3DA7, v2;
	v1 =	vsel vm4, $0x1A97, v1  }
0x109: {  	v3 =	vsel vm2, $0x1FE0, v3;
	v2 =	vsel vm1, $0x3E2F, v2;
	v1 =	vsel vm3, $0x1B1F, v1  }
0x10a: {  	v3 =	vsel vm1, $0x2068, v3;
	v33 =	vsel vm0, $0x3EB7, v2;
	v2 =	vimm.s32 $0x2179  }
0x10b: {  	v1 =	vsel vm2, $0x1BA7, v1;
	v49 =	vsel vm0, $0x20F0, v3;
	v3 =	vimm.s32 $0x4379  }
0x10c: {  	v2 =	vsel vm14, $0xCC1, v2;
	v1 =	vsel vm1, $0x1C2F, v1;
	v3 =	vsel vm14, $0x2EC1, v3  }
0x10d: {  	v2 =	vsel vm13, $0xD49, v2;
	v32 =	vsel vm0, $0x1CB7, v1;
	v1 =	vimm.s32 $0x4378  }
0x10e: {  	v3 =	vsel vm13, $0x2F49, v3;
	v2 =	vsel vm12, $0xDD1, v2;
	v1 =	vsel vm14, $0x2EC0, v1  }
0x10f: {  	v3 =	vsel vm12, $0x2FD1, v3;
	v2 =	vsel vm11, $0xE59, v2;
	v1 =	vsel vm13, $0x2F48, v1  }
0x110: {  	v3 =	vsel vm11, $0x3059, v3;
	v2 =	vsel vm10, $0xEE1, v2;
	v1 =	vsel vm12, $0x2FD0, v1  }
0x111: {  	v3 =	vsel vm10, $0x30E1, v3;
	v2 =	vsel vm9, $0xF69, v2;
	v1 =	vsel vm11, $0x3058, v1  }
0x112: {  	v3 =	vsel vm9, $0x3169, v3;
	v2 =	vsel vm8, $0xFF1, v2;
	v1 =	vsel vm10, $0x30E0, v1  }
0x113: {  	v3 =	vsel vm8, $0x31F1, v3;
	v2 =	vsel vm7, $0x1079, v2;
	v1 =	vsel vm9, $0x3168, v1  }
0x114: {  	v3 =	vsel vm7, $0x3279, v3;
	v2 =	vsel vm6, $0x1DC1, v2;
	v1 =	vsel vm8, $0x31F0, v1  }
0x115: {  	v3 =	vsel vm6, $0x3FC1, v3;
	v2 =	vsel vm5, $0x1E49, v2;
	v1 =	vsel vm7, $0x3278, v1  }
0x116: {  	v3 =	vsel vm5, $0x4049, v3;
	v2 =	vsel vm4, $0x1ED1, v2;
	v1 =	vsel vm6, $0x3FC0, v1  }
0x117: {  	v3 =	vsel vm4, $0x40D1, v3;
	v2 =	vsel vm3, $0x1F59, v2;
	v1 =	vsel vm5, $0x4048, v1  }
0x118: {  	v3 =	vsel vm3, $0x4159, v3;
	v2 =	vsel vm2, $0x1FE1, v2;
	v1 =	vsel vm4, $0x40D0, v1  }
0x119: {  	v3 =	vsel vm2, $0x41E1, v3;
	v2 =	vsel vm1, $0x2069, v2;
	v1 =	vsel vm3, $0x4158, v1  }
0x11a: {  	v3 =	vsel vm1, $0x4269, v3;
	v51 =	vsel vm0, $0x20F1, v2;
	v2 =	vimm.s32 $0x437A  }
0x11b: {  	v1 =	vsel vm2, $0x41E0, v1;
	v52 =	vsel vm0, $0x42F1, v3;
	v3 =	vimm.s32 $0x217B  }
0x11c: {  	v2 =	vsel vm14, $0x2EC2, v2;
	v1 =	vsel vm1, $0x4268, v1;
	v3 =	vsel vm14, $0xCC3, v3  }
0x11d: {  	v2 =	vsel vm13, $0x2F4A, v2;
	v50 =	vsel vm0, $0x42F0, v1;
	v1 =	vimm.s32 $0x217A  }
0x11e: {  	v3 =	vsel vm13, $0xD4B, v3;
	v2 =	vsel vm12, $0x2FD2, v2;
	v1 =	vsel vm14, $0xCC2, v1  }
0x11f: {  	v3 =	vsel vm12, $0xDD3, v3;
	v2 =	vsel vm11, $0x305A, v2;
	v1 =	vsel vm13, $0xD4A, v1  }
0x120: {  	v3 =	vsel vm11, $0xE5B, v3;
	v2 =	vsel vm10, $0x30E2, v2;
	v1 =	vsel vm12, $0xDD2, v1  }
0x121: {  	v3 =	vsel vm10, $0xEE3, v3;
	v2 =	vsel vm9, $0x316A, v2;
	v1 =	vsel vm11, $0xE5A, v1  }
0x122: {  	v3 =	vsel vm9, $0xF6B, v3;
	v2 =	vsel vm8, $0x31F2, v2;
	v1 =	vsel vm10, $0xEE2, v1  }
0x123: {  	v3 =	vsel vm8, $0xFF3, v3;
	v2 =	vsel vm7, $0x327A, v2;
	v1 =	vsel vm9, $0xF6A, v1  }
0x124: {  	v3 =	vsel vm7, $0x107B, v3;
	v2 =	vsel vm6, $0x3FC2, v2;
	v1 =	vsel vm8, $0xFF2, v1  }
0x125: {  	v3 =	vsel vm6, $0x1DC3, v3;
	v2 =	vsel vm5, $0x404A, v2;
	v1 =	vsel vm7, $0x107A, v1  }
0x126: {  	v3 =	vsel vm5, $0x1E4B, v3;
	v2 =	vsel vm4, $0x40D2, v2;
	v1 =	vsel vm6, $0x1DC2, v1  }
0x127: {  	v3 =	vsel vm4, $0x1ED3, v3;
	v2 =	vsel vm3, $0x415A, v2;
	v1 =	vsel vm5, $0x1E4A, v1  }
0x128: {  	v3 =	vsel vm3, $0x1F5B, v3;
	v2 =	vsel vm2, $0x41E2, v2;
	v1 =	vsel vm4, $0x1ED2, v1  }
0x129: {  	v3 =	vsel vm2, $0x1FE3, v3;
	v2 =	vsel vm1, $0x426A, v2;
	v1 =	vsel vm3, $0x1F5A, v1  }
0x12a: {  	v3 =	vsel vm1, $0x206B, v3;
	v54 =	vsel vm0, $0x42F2, v2;
	v2 =	vimm.s32 $0x217C  }
0x12b: {  	s0 =	srdreg.scid;
	s2 =	stileid.u32;
	v1 =	vsel vm2, $0x1FE2, v1;
	v55 =	vsel vm0, $0x20F3, v3;
	v3 =	vimm.s32 $0x437C  }
0x12c: {  	s0 =	sand.u32 $0x1, s0;
	s3 =	sshll.u32 s2, $0x1;
	v2 =	vsel vm14, $0xCC4, v2;
	v1 =	vsel vm1, $0x206A, v1;
	v3 =	vsel vm14, $0x2EC4, v3  }
0x12d: {  	s1 =	rddreg [dreg:$0x0];
	s6 =	sor.u32 s0, s3;
	s3 =	simm.s32 $0x0;
	v2 =	vsel vm13, $0xD4C, v2;
	v53 =	vsel vm0, $0x20F2, v1;
	v1 =	vimm.s32 $0x437B  }
0x12e: {  	[smem:$0x7FF] =	sst s3;
	v3 =	vsel vm13, $0x2F4C, v3;
	v2 =	vsel vm12, $0xDD4, v2;
	v1 =	vsel vm14, $0x2EC3, v1  }
0x12f: {  	s2 =	rddreg [dreg:$0x1];
	_ =	strace $0x80000047;
	[tilespmem:$0x1FD30] =	vst v41;
	v3 =	vsel vm12, $0x2FD4, v3;
	v2 =	vsel vm11, $0xE5C, v2;
	v1 =	vsel vm13, $0x2F4B, v1  }
0x130: {  	[tilespmem:$0x1FD40] =	vst v5;
	v3 =	vsel vm11, $0x305C, v3;
	v2 =	vsel vm10, $0xEE4, v2;
	v1 =	vsel vm12, $0x2FD3, v1  }
0x131: {  	[tilespmem:$0x1FD50] =	vst v6;
	v3 =	vsel vm10, $0x30E4, v3;
	v2 =	vsel vm9, $0xF6C, v2;
	v1 =	vsel vm11, $0x305B, v1  }
0x132: {  	[tilespmem:$0x1FD60] =	vst v7;
	v3 =	vsel vm9, $0x316C, v3;
	v2 =	vsel vm8, $0xFF4, v2;
	v1 =	vsel vm10, $0x30E3, v1  }
0x133: {  	[tilespmem:$0x1FD70] =	vst v8;
	v3 =	vsel vm8, $0x31F4, v3;
	v2 =	vsel vm7, $0x107C, v2;
	v1 =	vsel vm9, $0x316B, v1  }
0x134: {  	[tilespmem:$0x1FD80] =	vst v9;
	v3 =	vsel vm7, $0x327C, v3;
	v2 =	vsel vm6, $0x1DC4, v2;
	v1 =	vsel vm8, $0x31F3, v1  }
0x135: {  	[tilespmem:$0x1FD90] =	vst v10;
	v3 =	vsel vm6, $0x3FC4, v3;
	v2 =	vsel vm5, $0x1E4C, v2;
	v1 =	vsel vm7, $0x327B, v1  }
0x136: {  	[tilespmem:$0x1FDA0] =	vst v11;
	v3 =	vsel vm5, $0x404C, v3;
	v2 =	vsel vm4, $0x1ED4, v2;
	v1 =	vsel vm6, $0x3FC3, v1  }
0x137: {  	[tilespmem:$0x1FDB0] =	vst v12;
	v3 =	vsel vm4, $0x40D4, v3;
	v2 =	vsel vm3, $0x1F5C, v2;
	v1 =	vsel vm5, $0x404B, v1  }
0x138: {  	[tilespmem:$0x1FDC0] =	vst v13;
	v3 =	vsel vm3, $0x415C, v3;
	v2 =	vsel vm2, $0x1FE4, v2;
	v1 =	vsel vm4, $0x40D3, v1  }
0x139: {  	[tilespmem:$0x1FDD0] =	vst v14;
	v3 =	vsel vm2, $0x41E4, v3;
	v2 =	vsel vm1, $0x206C, v2;
	v1 =	vsel vm3, $0x415B, v1  }
0x13a: {  	[tilespmem:$0x1FDE0] =	vst v15;
	v3 =	vsel vm1, $0x426C, v3;
	v57 =	vsel vm0, $0x20F4, v2;
	v2 =	vimm.s32 $0x437D  }
0x13b: {  	[tilespmem:$0x1FDF0] =	vst v16;
	v1 =	vsel vm2, $0x41E3, v1;
	v58 =	vsel vm0, $0x42F4, v3;
	v3 =	vimm.s32 $0x217E  }
0x13c: {  	[tilespmem:$0x1FE00] =	vst v17;
	v2 =	vsel vm14, $0x2EC5, v2;
	v1 =	vsel vm1, $0x426B, v1;
	v3 =	vsel vm14, $0xCC6, v3  }
0x13d: {  	[tilespmem:$0x1FE10] =	vst v18;
	v2 =	vsel vm13, $0x2F4D, v2;
	v56 =	vsel vm0, $0x42F3, v1;
	v1 =	vimm.s32 $0x217D  }
0x13e: {  	[tilespmem:$0x1FE20] =	vst v34;
	v3 =	vsel vm13, $0xD4E, v3;
	v2 =	vsel vm12, $0x2FD5, v2;
	v1 =	vsel vm14, $0xCC5, v1  }
0x13f: {  	[tilespmem:$0x1FE30] =	vst v35;
	v3 =	vsel vm12, $0xDD6, v3;
	v2 =	vsel vm11, $0x305D, v2;
	v1 =	vsel vm13, $0xD4D, v1  }
0x140: {  	[tilespmem:$0x1FE40] =	vst v36;
	v3 =	vsel vm11, $0xE5E, v3;
	v2 =	vsel vm10, $0x30E5, v2;
	v1 =	vsel vm12, $0xDD5, v1  }
0x141: {  	[tilespmem:$0x1FE50] =	vst v37;
	v3 =	vsel vm10, $0xEE6, v3;
	v2 =	vsel vm9, $0x316D, v2;
	v1 =	vsel vm11, $0xE5D, v1  }
0x142: {  	[tilespmem:$0x1FE60] =	vst v38;
	v3 =	vsel vm9, $0xF6E, v3;
	v2 =	vsel vm8, $0x31F5, v2;
	v1 =	vsel vm10, $0xEE5, v1  }
0x143: {  	[tilespmem:$0x1FE70] =	vst v39;
	v3 =	vsel vm8, $0xFF6, v3;
	v2 =	vsel vm7, $0x327D, v2;
	v1 =	vsel vm9, $0xF6D, v1  }
0x144: {  	[tilespmem:$0x1FE80] =	vst v4;
	v3 =	vsel vm7, $0x107E, v3;
	v2 =	vsel vm6, $0x3FC5, v2;
	v1 =	vsel vm8, $0xFF5, v1  }
0x145: {  	[tilespmem:$0x1FE90] =	vst v40;
	v3 =	vsel vm6, $0x1DC6, v3;
	v2 =	vsel vm5, $0x404D, v2;
	v1 =	vsel vm7, $0x107D, v1  }
0x146: {  	[tilespmem:$0x1FEA0] =	vst v19;
	v3 =	vsel vm5, $0x1E4E, v3;
	v2 =	vsel vm4, $0x40D5, v2;
	v1 =	vsel vm6, $0x1DC5, v1  }
0x147: {  	[tilespmem:$0x1FEB0] =	vst v20;
	v3 =	vsel vm4, $0x1ED6, v3;
	v2 =	vsel vm3, $0x415D, v2;
	v1 =	vsel vm5, $0x1E4D, v1  }
0x148: {  	[tilespmem:$0x1FEC0] =	vst v21;
	v3 =	vsel vm3, $0x1F5E, v3;
	v2 =	vsel vm2, $0x41E5, v2;
	v1 =	vsel vm4, $0x1ED5, v1  }
0x149: {  	[tilespmem:$0x1FED0] =	vst v22;
	v3 =	vsel vm2, $0x1FE6, v3;
	v2 =	vsel vm1, $0x426D, v2;
	v1 =	vsel vm3, $0x1F5D, v1  }
0x14a: {  	[tilespmem:$0x1FEE0] =	vst v23;
	v3 =	vsel vm1, $0x206E, v3;
	v60 =	vsel vm0, $0x42F5, v2;
	v1 =	vsel vm2, $0x1FE5, v1  }
0x14b: {  	[tilespmem:$0x1FEF0] =	vst v24;
	v2 =	vimm.s32 $0x217F;
	v61 =	vsel vm0, $0x20F6, v3;
	v1 =	vsel vm1, $0x206D, v1  }
0x14c: {  	[tilespmem:$0x1FF00] =	vst v25;
	v3 =	vimm.s32 $0x437F;
	v59 =	vsel vm0, $0x20F5, v1;
	v1 =	vimm.s32 $0x437E  }
0x14d: {  	[tilespmem:$0x1FF10] =	vst v26;
	v2 =	vsel vm14, $0xCC7, v2;
	v3 =	vsel vm14, $0x2EC7, v3;
	v1 =	vsel vm14, $0x2EC6, v1  }
0x14e: {  	[tilespmem:$0x1FF20] =	vst v42;
	v2 =	vsel vm13, $0xD4F, v2;
	v3 =	vsel vm13, $0x2F4F, v3;
	v1 =	vsel vm13, $0x2F4E, v1  }
0x14f: {  	[tilespmem:$0x1FF30] =	vst v43;
	v2 =	vsel vm12, $0xDD7, v2;
	v3 =	vsel vm12, $0x2FD7, v3;
	v1 =	vsel vm12, $0x2FD6, v1  }
0x150: {  	[tilespmem:$0x1FF40] =	vst v44;
	v2 =	vsel vm11, $0xE5F, v2;
	v3 =	vsel vm11, $0x305F, v3;
	v1 =	vsel vm11, $0x305E, v1  }
0x151: {  	[tilespmem:$0x1FF50] =	vst v45;
	v2 =	vsel vm10, $0xEE7, v2;
	v3 =	vsel vm10, $0x30E7, v3;
	v1 =	vsel vm10, $0x30E6, v1  }
0x152: {  	[tilespmem:$0x1FF60] =	vst v46;
	v2 =	vsel vm9, $0xF6F, v2;
	v3 =	vsel vm9, $0x316F, v3;
	v1 =	vsel vm9, $0x316E, v1  }
0x153: {  	s11 =	simm.s32 $0x5;
	s18 =	simm.s32 $0x9400;
	[tilespmem:$0x1FF70] =	vst v47;
	v2 =	vsel vm8, $0xFF7, v2;
	v3 =	vsel vm8, $0x31F7, v3;
	v1 =	vsel vm8, $0x31F6, v1  }
0x154: {  	s12 =	simm.s32 $0x80;
	s19 =	simm.s32 $0xA400;
	s20 =	simm.s32 $0xB400;
	[tilespmem:$0x1FF80] =	vst v48;
	v2 =	vsel vm7, $0x107F, v2;
	v3 =	vsel vm7, $0x327F, v3;
	v1 =	vsel vm7, $0x327E, v1  }
0x155: {  	s21 =	simm.s32 $0xC400;
	s22 =	simm.s32 $0xD400;
	s23 =	simm.s32 $0x1;
	[tilespmem:$0x1FF90] =	vst v27;
	v2 =	vsel vm6, $0x1DC7, v2;
	v3 =	vsel vm6, $0x3FC7, v3;
	v1 =	vsel vm6, $0x3FC6, v1  }
0x156: {  	s24 =	simm.s32 $0xE400;
	s25 =	simm.s32 $0x2;
	s26 =	simm.s32 $0x12800;
	[tilespmem:$0x1FFA0] =	vst v28;
	v2 =	vsel vm5, $0x1E4F, v2;
	v3 =	vsel vm5, $0x404F, v3;
	v1 =	vsel vm5, $0x404E, v1  }
0x157: {  	s28 =	simm.s32 $0x3;
	s29 =	simm.s32 $0x4;
	s30 =	simm.s32 $0x0;
	[tilespmem:$0x1FFC0] =	vst v30;
	v2 =	vsel vm4, $0x1ED7, v2;
	v3 =	vsel vm4, $0x40D7, v3;
	v1 =	vsel vm4, $0x40D6, v1  }
0x158: {  	s0 =	ssub.s32 $0x2, s0;
	s8 =	sadd.s32 $0x8000, s2;
	s4 =	smul.u32 $0xC80, s6;
	[tilespmem:$0x1FFD0] =	vst v31;
	v2 =	vsel vm3, $0x1F5F, v2;
	v3 =	vsel vm3, $0x415F, v3;
	v1 =	vsel vm3, $0x415E, v1  }
0x159: {  	s9 =	sadd.s32 $0xC000, s2;
	s7 =	sshrl.u32 s0, $0x1;
	s6 =	sshll.u32 s6, $0xC;
	[tilespmem:$0x1FFB0] =	vst v29;
	v2 =	vsel vm2, $0x1FE7, v2;
	v3 =	vsel vm2, $0x41E7, v3;
	v1 =	vsel vm2, $0x41E6, v1  }
0x15a: {  	s0 =	ssub.s32 s0, s7;
	s5 =	sadd.s32 s4, s1;
	s4 =	sadd.s32 $0xF42A00, s1;
	[tilespmem:$0x1FFF0] =	vst v33;
	v2 =	vsel vm1, $0x206F, v2;
	v3 =	vsel vm1, $0x426F, v3;
	v1 =	vsel vm1, $0x426E, v1  }
0x15b: {  	s7 =	sadd.s32 $0x4000, s2;
	s10 =	smax.u32 s0, $0x1;
	s5 =	sadd.s32 $0x600, s5;
	[tilespmem:$0x1FFE0] =	vst v32;
	v63 =	vsel vm0, $0x20F7, v2;
	v62 =	vsel vm0, $0x42F6, v1;
	v1 =	vsel vm0, $0x42F7, v3  }
.LBB2_1:
0x15c: {  	[tilespmem:s3], [sflag:$0x5] =	stream.linear.gather [hbm4b:s5+s3], $0x6400, $0x38;
	[tilespmem:$0x16C00] =	vst v63  }
0x15d: {  	_ =	swait.ge [sflag:s11], $0x6400  }
0x15e: {  	[sflag:s11] =	ssyncset.done $0x0  }
0x15f: {  	s0 =	simm.s32 $0x6400;
	[sflag:s11] =	ssyncadd.s32 $0xFFFF9C00  }
0x160: {  	[tilespmem:s0], [sflag:$0x1] =	stream.indirect.gather [hbm4b:s4+s12], $0x20, s3, s12, $0xb8;
	[tilespmem:$0x16C00] =	vst v63  }
0x161: {  	s15 =	simm.s32 $0x7400  }
0x162: {  	[tilespmem:s15], [sflag:$0x1] =	stream.indirect.gather [hbm4b:s4+s12], $0x20, s12, s12, $0xb8;
	[tilespmem:$0x16C00] =	vst v63  }
0x163: {  	s16 =	simm.s32 $0x100;
	s1 =	simm.s32 $0x8400  }
0x164: {  	[tilespmem:s1], [sflag:$0x1] =	stream.indirect.gather [hbm4b:s4+s12], $0x20, s16, s12, $0xb8;
	[tilespmem:$0x16C00] =	vst v63  }
0x165: {  	s17 =	simm.s32 $0x180;
	s31 =	simm.s32 $0x0  }
0x166: {  	[tilespmem:s18], [sflag:$0x1] =	stream.indirect.gather [hbm4b:s4+s12], $0x20, s17, s12, $0xb8;
	[tilespmem:$0x16C00] =	vst v63  }
.LBB2_2:
0x167: {  	s1 =	sshllo.u32 s31, $0x1  }
0x168: {  	s0 =	sshll.u32 s1, $0x9  }
0x169: {  	s0 =	sand.u32 $0x3FFFFE00, s0  }
0x16a: {  	[tilespmem:s19], [sflag:$0x2] =	stream.indirect.gather [hbm4b:s4+s12], $0x20, s0, s12, $0xb8;
	[tilespmem:$0x16C00] =	vst v63  }
0x16b: {  	s13 =	sor.u32 $0x80, s0  }
0x16c: {  	[tilespmem:s20], [sflag:$0x2] =	stream.indirect.gather [hbm4b:s4+s12], $0x20, s13, s12, $0xb8;
	[tilespmem:$0x16C00] =	vst v63  }
0x16d: {  	s17 =	sor.u32 $0x100, s0  }
0x16e: {  	[tilespmem:s21], [sflag:$0x2] =	stream.indirect.gather [hbm4b:s4+s12], $0x20, s17, s12, $0xb8;
	[tilespmem:$0x16C00] =	vst v63  }
0x16f: {  	s0 =	sor.u32 $0x180, s0  }
0x170: {  	[tilespmem:s22], [sflag:$0x2] =	stream.indirect.gather [hbm4b:s4+s12], $0x20, s0, s12, $0xb8;
	[tilespmem:$0x16C00] =	vst v63  }
0x171: {  	_ =	swait.ge [sflag:s23], $0x1000  }
0x172: {  	[sflag:s23] =	ssyncset.done $0x0  }
0x173: {  	[sflag:s23] =	ssyncadd.s32 $0xFFFFF000  }
0x174: {  	_ =	swait.ge [sflag:s23], $0x1000  }
0x175: {  	[sflag:s23] =	ssyncset.done $0x0  }
0x176: {  	[sflag:s23] =	ssyncadd.s32 $0xFFFFF000  }
0x177: {  	_ =	swait.ge [sflag:s23], $0x1000  }
0x178: {  	[sflag:s23] =	ssyncset.done $0x0  }
0x179: {  	[sflag:s23] =	ssyncadd.s32 $0xFFFFF000  }
0x17a: {  	_ =	swait.ge [sflag:s23], $0x1000  }
0x17b: {  	p0 =	seq.s32 s31, $0x0;
	[sflag:s23] =	ssyncset.done $0x0  }
0x17c: {  	s0 =	simm.s32 @!p0 $0x3;
	[sflag:s23] =	ssyncadd.s32 $0xFFFFF000  }
0x17d: {  	_ =	swait.ge @!p0 [sflag:s0], $0x1000  }
0x17e: {  	[sflag:s0] =	ssyncset.done @!p0 $0x0  }
0x17f: {  	[sflag:s0] =	ssyncadd.s32 @!p0 $0xFFFFF000  }
0x180: {  	_ =	swait.ge @!p0 [sflag:s0], $0x1000  }
0x181: {  	[sflag:s0] =	ssyncset.done @!p0 $0x0  }
0x182: {  	[sflag:s0] =	ssyncadd.s32 @!p0 $0xFFFFF000  }
0x183: {  	_ =	swait.ge @!p0 [sflag:s0], $0x1000  }
0x184: {  	[sflag:s0] =	ssyncset.done @!p0 $0x0  }
0x185: {  	[sflag:s0] =	ssyncadd.s32 @!p0 $0xFFFFF000  }
0x186: {  	_ =	swait.ge @!p0 [sflag:s0], $0x1000  }
0x187: {  	s14 =	simm.s32 $0xF;
	[sflag:s0] =	ssyncset.done @!p0 $0x0  }
0x188: {  	v43 =	vmov v18;
	s13 =	simm.s32 $0x6500;
	[sflag:s0] =	ssyncadd.s32 @!p0 $0xFFFFF000;
	s0 =	simm.s32 $0xF  }
.LBB2_3:
0x189: {  	v33 =	vld [tilespmem:$0x1FD00]  }
0x18a: {  	v10 =	vld [tilespmem:s13+$0xFFFFFF00]  }
0x18b: {  	v11 =	vld [tilespmem:s13+$0xFFFFFF10]  }
0x18c: {  	v12 =	vld [tilespmem:s13+$0xFFFFFF20]  }
0x18d: {  	v13 =	vld [tilespmem:s13+$0xFFFFFF30]  }
0x18e: {  	v14 =	vld [tilespmem:s13+$0xFFFFFF40]  }
0x18f: {  	v15 =	vld [tilespmem:s13+$0xFFFFFF50]  }
0x190: {  	v16 =	vld [tilespmem:s13+$0xFFFFFF60]  }
0x191: {  	v17 =	vld [tilespmem:s13+$0xFFFFFF70]  }
0x192: {  	v18 =	vld [tilespmem:s13+$0xFFFFFF80]  }
0x193: {  	v19 =	vld [tilespmem:s13+$0xFFFFFF90]  }
0x194: {  	v20 =	vld [tilespmem:s13+$0xFFFFFFA0]  }
0x195: {  	v21 =	vld [tilespmem:s13+$0xFFFFFFB0]  }
0x196: {  	v22 =	vld [tilespmem:s13+$0xFFFFFFC0]  }
0x197: {  	v23 =	vld [tilespmem:s13+$0xFFFFFFD0]  }
0x198: {  	v24 =	vld [tilespmem:s13+$0xFFFFFFE0]  }
0x199: {  	v25 =	vld [tilespmem:s13+$0xFFFFFFF0]  }
0x19a: {  	v26 =	vld [tilespmem:s13+$0x0]  }
0x19b: {  	v27 =	vld [tilespmem:s13+$0x10]  }
0x19c: {  	v28 =	vld [tilespmem:s13+$0x20]  }
0x19d: {  	v29 =	vld [tilespmem:s13+$0x30]  }
0x19e: {  	v9 =	vld [tilespmem:s13+$0x40]  }
0x19f: {  	v7 =	vld [tilespmem:s13+$0x50]  }
0x1a0: {  	v3 =	vld [tilespmem:s13+$0x60]  }
0x1a1: {  	v4 =	vld [tilespmem:s13+$0x70]  }
0x1a2: {  	v34 =	vld [tilespmem:s13+$0xC0]  }
0x1a3: {  	s15 =	sadd.s32 $0xFFFFFFF1, s14;
	v45 =	vld [tilespmem:$0x1FD30]  }
0x1a4: {  	v36 =	vld [tilespmem:s13+$0xD0];
	v2 =	vmov s15  }
0x1a5: {  	s16 =	sadd.s32 $0xFFFFFFF2, s14;
	v44 =	vld [tilespmem:$0x1FD40];
	v5 =	vshrl.u32 v2, $0x3  }
0x1a6: {  	v38 =	vld [tilespmem:s13+$0xE0];
	v8 =	vmov s16;
	v6 =	vshll.u32 v5, v0  }
0x1a7: {  	v47 =	vld [tilespmem:$0x1FD50];
	v8 =	vshrl.u32 v8, $0x3;
	v30 =	vbroadcast v6, $0x0  }
0x1a8: {  	s17 =	sadd.s32 $0xFFFFFFF3, s14;
	v40 =	vld [tilespmem:s13+$0xF0];
	v31 =	vshll.u32 v8, v0  }
0x1a9: {  	v46 =	vld [tilespmem:$0x1FD60];
	v32 =	vmov s17;
	v31 =	vbroadcast v31, $0x0;
	v33 =	vadd.s32 v33, v30  }
0x1aa: {  	v48 =	vld [tilespmem:$0x1FD70];
	v32 =	vshrl.u32 v32, $0x3;
	v30 =	vadd.s32 v45, v30  }
0x1ab: {  	v2 =	vld [tilespmem:s13+$0x80];
	v32 =	vshll.u32 v32, v0;
	v37 =	vadd.s32 v44, v31  }
0x1ac: {  	s17 =	sadd.s32 $0xFFFFFFF5, s14;
	v5 =	vld [tilespmem:s13+$0x90];
	v32 =	vbroadcast v32, $0x0  }
0x1ad: {  	v39 =	vmov s17;
	v8 =	vld [tilespmem:s13+$0xB0]  }
0x1ae: {  	v39 =	vshrl.u32 v39, $0x3;
	v6 =	vld [tilespmem:s13+$0xA0];
	v31 =	vadd.s32 v47, v31;
	v41 =	vadd.s32 v46, v32;
	[tilespmem:v33+s24+$0x0] =	vst.idx.msk $0xffff, v10  }
0x1af: {  	s16 =	sadd.s32 $0xFFFFFFF4, s14;
	v10 =	vadd.s32 v48, v32;
	v32 =	vshll.u32 v39, v0;
	v39 =	vld [tilespmem:$0x1FD80];
	[tilespmem:v30+s24+$0x0] =	vst.idx.msk $0xffff, v11  }
0x1b0: {  	v35 =	vmov s16;
	[tilespmem:v37+s24+$0x0] =	vst.idx.msk $0xffff, v12;
	v37 =	vld [tilespmem:$0x1FD90]  }
0x1b1: {  	v35 =	vshrl.u32 v35, $0x3  }
0x1b2: {  	v35 =	vshll.u32 v35, v0  }
0x1b3: {  	v35 =	vbroadcast v35, $0x0;
	[tilespmem:v31+s24+$0x0] =	vst.idx.msk $0xffff, v13  }
0x1b4: {  	[tilespmem:v41+s24+$0x0] =	vst.idx.msk $0xffff, v14;
	v41 =	vld [tilespmem:$0x1FDB0]  }
0x1b5: {  	s16 =	sadd.s32 $0xFFFFFFF6, s14;
	v11 =	vadd.s32 v39, v35;
	v12 =	vadd.s32 v37, v35;
	v35 =	vld [tilespmem:$0x1FDA0]  }
0x1b6: {  	v42 =	vmov s16  }
0x1b7: {  	s17 =	sadd.s32 $0xFFFFFFF7, s14;
	v42 =	vshrl.u32 v42, $0x3;
	v30 =	vbroadcast v32, $0x0  }
0x1b8: {  	v32 =	vshll.u32 v42, v0;
	v42 =	vmov s17  }
0x1b9: {  	s16 =	sadd.s32 $0xFFFFFFF8, s14;
	v31 =	vbroadcast v32, $0x0;
	v32 =	vshrl.u32 v42, $0x3;
	v14 =	vadd.s32 v41, v30  }
0x1ba: {  	v42 =	vld [tilespmem:$0x1FDC0];
	v13 =	vadd.s32 v35, v30;
	v30 =	vshll.u32 v32, v0;
	v32 =	vmov s16  }
0x1bb: {  	[tilespmem:v10+s24+$0x0] =	vst.idx.msk $0xffff, v15;
	v15 =	vbroadcast v30, $0x0;
	v30 =	vshrl.u32 v32, $0x3;
	v32 =	vld [tilespmem:$0x1FDD0];
	_ =	sdelay $0x3  }
0x1bc: {  	[tilespmem:v11+s24+$0x0] =	vst.idx.msk $0xffff, v16  }
0x1bd: {  	v10 =	vadd.s32 v42, v31;
	[tilespmem:v12+s24+$0x0] =	vst.idx.msk $0xffff, v17;
	v11 =	vadd.s32 v32, v31;
	v31 =	vld [tilespmem:$0x1FDE0]  }
0x1be: {  	[tilespmem:v13+s24+$0x0] =	vst.idx.msk $0xffff, v18;
	v18 =	vld [tilespmem:$0x1FDF0]  }
0x1bf: {  	[tilespmem:v14+s24+$0x0] =	vst.idx.msk $0xffff, v19;
	v19 =	vld [tilespmem:$0x1FE00]  }
0x1c0: {  	s17 =	sadd.s32 $0xFFFFFFF9, s14  }
0x1c1: {  	v33 =	vld [tilespmem:$0x1FD00];
	v16 =	vshll.u32 v30, v0;
	v30 =	vmov s17  }
0x1c2: {  	s16 =	sadd.s32 $0xFFFFFFFA, s14;
	v16 =	vbroadcast v16, $0x0;
	v30 =	vshrl.u32 v30, $0x3;
	v12 =	vadd.s32 v31, v15  }
0x1c3: {  	v13 =	vadd.s32 v18, v15;
	v15 =	vshll.u32 v30, v0;
	v30 =	vmov s16  }
0x1c4: {  	s17 =	sadd.s32 $0xFFFFFFFB, s14;
	v14 =	vadd.s32 v19, v16;
	v15 =	vbroadcast v15, $0x0;
	v17 =	vshrl.u32 v30, $0x3  }
0x1c5: {  	[tilespmem:v10+s24+$0x0] =	vst.idx.msk $0xffff, v20;
	v10 =	vadd.s32 v43, v16;
	v20 =	vmov s17;
	v30 =	vshll.u32 v17, v0  }
0x1c6: {  	s16 =	sadd.s32 $0xFFFFFFFC, s14;
	[tilespmem:v11+s24+$0x0] =	vst.idx.msk $0xffff, v21;
	v17 =	vshrl.u32 v20, $0x3;
	v11 =	vadd.s32 v33, v15;
	v16 =	vbroadcast v30, $0x0  }
0x1c7: {  	v30 =	vshll.u32 v17, v0;
	v33 =	vmov s16;
	[tilespmem:v12+s24+$0x0] =	vst.idx.msk $0xffff, v22;
	v12 =	vadd.s32 v45, v15  }
0x1c8: {  	s17 =	sadd.s32 $0xFFFFFFFD, s14;
	v17 =	vshrl.u32 v33, $0x3;
	v45 =	vadd.s32 v44, v16;
	v15 =	vbroadcast v30, $0x0;
	[tilespmem:v13+s24+$0x0] =	vst.idx.msk $0xffff, v23  }
0x1c9: {  	v20 =	vadd.s32 v47, v16;
	v21 =	vshll.u32 v17, v0;
	v22 =	vmov s17;
	[tilespmem:v14+s24+$0x0] =	vst.idx.msk $0xffff, v24  }
0x1ca: {  	s16 =	sadd.s32 $0xFFFFFFFE, s14;
	v16 =	vbroadcast v21, $0x0;
	v17 =	vshrl.u32 v22, $0x3;
	v23 =	vadd.s32 v46, v15;
	[tilespmem:v10+s24+$0x0] =	vst.idx.msk $0xffff, v25  }
0x1cb: {  	v24 =	vadd.s32 v48, v15;
	v25 =	vshll.u32 v17, v0;
	[tilespmem:v11+s24+$0x0] =	vst.idx.msk $0xffff, v26;
	v26 =	vmov s16  }
0x1cc: {  	s17 =	sadd.s32 $0xFFFFFFFF, s14;
	v15 =	vbroadcast v25, $0x0;
	[tilespmem:v12+s24+$0x0] =	vst.idx.msk $0xffff, v27;
	v27 =	vadd.s32 v39, v16;
	v17 =	vshrl.u32 v26, $0x3  }
0x1cd: {  	v33 =	vmov s17;
	[tilespmem:v45+s24+$0x0] =	vst.idx.msk $0xffff, v28;
	v28 =	vadd.s32 v37, v16;
	v30 =	vshll.u32 v17, v0  }
0x1ce: {  	v35 =	vadd.s32 v35, v15;
	v17 =	vshrl.u32 v33, $0x3;
	[tilespmem:v20+s24+$0x0] =	vst.idx.msk $0xffff, v29;
	v16 =	vbroadcast v30, $0x0  }
0x1cf: {  	v37 =	vadd.s32 v41, v15;
	v41 =	vmov s14;
	v39 =	vshll.u32 v17, v0;
	[tilespmem:v23+s24+$0x0] =	vst.idx.msk $0xffff, v9  }
0x1d0: {  	v45 =	vshrl.u32 v41, $0x3;
	v10 =	vbroadcast v39, $0x0;
	[tilespmem:v24+s24+$0x0] =	vst.idx.msk $0xffff, v7;
	v44 =	vadd.s32 v42, v16  }
0x1d1: {  	v11 =	vshll.u32 v45, v0;
	[tilespmem:v27+s24+$0x0] =	vst.idx.msk $0xffff, v3;
	v3 =	vadd.s32 v32, v16  }
0x1d2: {  	v11 =	vbroadcast v11, $0x0;
	v46 =	vadd.s32 v31, v10;
	[tilespmem:v28+s24+$0x0] =	vst.idx.msk $0xffff, v4  }
0x1d3: {  	[tilespmem:v35+s24+$0x0] =	vst.idx.msk $0xffff, v2;
	v2 =	vadd.s32 v18, v10  }
0x1d4: {  	v47 =	vadd.s32 v19, v11;
	[tilespmem:v37+s24+$0x0] =	vst.idx.msk $0xffff, v5  }
0x1d5: {  	p1 =	sne.s32 s14, $0x7F;
	v48 =	vadd.s32 v43, v11;
	[tilespmem:v44+s24+$0x0] =	vst.idx.msk $0xffff, v6  }
.Ltmp0:
0x1d6: {  	[tilespmem:v3+s24+$0x0] =	vst.idx.msk $0xffff, v8;
	(pc) =	sbr.rel @p1 .LBB2_3-.Ltmp0, $4  }
0x1d7: {  	[tilespmem:v46+s24+$0x0] =	vst.idx.msk $0xffff, v34  }
0x1d8: {  	[tilespmem:v2+s24+$0x0] =	vst.idx.msk $0xffff, v36  }
0x1d9: {  	[tilespmem:v47+s24+$0x0] =	vst.idx.msk $0xffff, v38  }
0x1da: {  	s13 =	sadd.s32 $0x200, s13;
	s14 =	sadd.s32 $0x10, s14;
	[tilespmem:v48+s24+$0x0] =	vst.idx.msk $0xffff, v40  }
0x1db: {  	s13 =	simm.s32 $0x75F0;
	v47 =	vld [tilespmem:$0x1FF10]  }
.LBB2_5:
0x1dc: {  	v2 =	vld [tilespmem:s13+$0xFFFFFE10]  }
0x1dd: {  	v3 =	vld [tilespmem:s13+$0xFFFFFE20]  }
0x1de: {  	v4 =	vld [tilespmem:s13+$0xFFFFFE30]  }
0x1df: {  	v5 =	vld [tilespmem:s13+$0xFFFFFE40]  }
0x1e0: {  	v6 =	vld [tilespmem:s13+$0xFFFFFE50]  }
0x1e1: {  	v7 =	vld [tilespmem:s13+$0xFFFFFE60]  }
0x1e2: {  	v8 =	vld [tilespmem:s13+$0xFFFFFE70]  }
0x1e3: {  	v9 =	vld [tilespmem:s13+$0xFFFFFE80]  }
0x1e4: {  	v10 =	vld [tilespmem:s13+$0xFFFFFE90]  }
0x1e5: {  	v11 =	vld [tilespmem:s13+$0xFFFFFEA0]  }
0x1e6: {  	v12 =	vld [tilespmem:s13+$0xFFFFFEB0]  }
0x1e7: {  	v13 =	vld [tilespmem:s13+$0xFFFFFEC0]  }
0x1e8: {  	v14 =	vld [tilespmem:s13+$0xFFFFFED0]  }
0x1e9: {  	v15 =	vld [tilespmem:s13+$0xFFFFFEE0]  }
0x1ea: {  	v16 =	vld [tilespmem:s13+$0xFFFFFEF0]  }
0x1eb: {  	v17 =	vld [tilespmem:s13+$0xFFFFFF00]  }
0x1ec: {  	v18 =	vld [tilespmem:s13+$0xFFFFFF10]  }
0x1ed: {  	v19 =	vld [tilespmem:s13+$0xFFFFFF20]  }
0x1ee: {  	v20 =	vld [tilespmem:s13+$0xFFFFFF30]  }
0x1ef: {  	v21 =	vld [tilespmem:s13+$0xFFFFFF40]  }
0x1f0: {  	v22 =	vld [tilespmem:s13+$0xFFFFFF50]  }
0x1f1: {  	v23 =	vld [tilespmem:s13+$0xFFFFFF60]  }
0x1f2: {  	v24 =	vld [tilespmem:s13+$0xFFFFFF70]  }
0x1f3: {  	v26 =	vld [tilespmem:s13+$0xFFFFFF80]  }
0x1f4: {  	v27 =	vld [tilespmem:s13+$0xFFFFFF90]  }
0x1f5: {  	v28 =	vld [tilespmem:s13+$0xFFFFFFA0]  }
0x1f6: {  	s14 =	sadd.s32 $0xFFFFFFF1, s0;
	v29 =	vld [tilespmem:s13+$0xFFFFFFB0]  }
0x1f7: {  	v48 =	vld [tilespmem:$0x1FE20];
	v25 =	vmov s14  }
0x1f8: {  	v41 =	vld [tilespmem:$0x1FE30];
	v25 =	vshrl.u32 v25, $0x3  }
0x1f9: {  	v40 =	vld [tilespmem:$0x1FE40];
	v25 =	vshll.u32 v25, v0  }
0x1fa: {  	v42 =	vld [tilespmem:$0x1FE50];
	v25 =	vbroadcast v25, $0x0  }
0x1fb: {  	v43 =	vld [tilespmem:$0x1FE60]  }
0x1fc: {  	v30 =	vld [tilespmem:s13+$0xFFFFFFC0];
	v31 =	vadd.s32 v48, v25  }
0x1fd: {  	v32 =	vld [tilespmem:s13+$0xFFFFFFD0];
	v33 =	vadd.s32 v41, v25  }
0x1fe: {  	v34 =	vld [tilespmem:s13+$0xFFFFFFE0];
	v35 =	vadd.s32 v40, v25  }
0x1ff: {  	v36 =	vld [tilespmem:s13+$0xFFFFFFF0];
	v37 =	vadd.s32 v42, v25  }
0x200: {  	v38 =	vld [tilespmem:s13+$0x0];
	v39 =	vadd.s32 v43, v25  }
0x201: {  	[tilespmem:v31+s24+$0x0] =	vst.idx.msk $0xffff, v2;
	v31 =	vld [tilespmem:$0x1FE70]  }
0x202: {  	[tilespmem:v33+s24+$0x0] =	vst.idx.msk $0xffff, v3;
	v33 =	vld [tilespmem:$0x1FE80]  }
0x203: {  	[tilespmem:v35+s24+$0x0] =	vst.idx.msk $0xffff, v4;
	v35 =	vld [tilespmem:$0x1FE90]  }
0x204: {  	[tilespmem:v37+s24+$0x0] =	vst.idx.msk $0xffff, v5;
	v37 =	vld [tilespmem:$0x1FEA0]  }
0x205: {  	[tilespmem:v39+s24+$0x0] =	vst.idx.msk $0xffff, v6;
	v39 =	vld [tilespmem:$0x1FEB0]  }
0x206: {  	v2 =	vadd.s32 v31, v25  }
0x207: {  	v3 =	vadd.s32 v33, v25  }
0x208: {  	v4 =	vadd.s32 v35, v25  }
0x209: {  	v5 =	vadd.s32 v37, v25  }
0x20a: {  	v6 =	vadd.s32 v39, v25  }
0x20b: {  	v44 =	vld [tilespmem:$0x1FEC0];
	[tilespmem:v2+s24+$0x0] =	vst.idx.msk $0xffff, v7  }
0x20c: {  	v45 =	vld [tilespmem:$0x1FED0];
	[tilespmem:v3+s24+$0x0] =	vst.idx.msk $0xffff, v8  }
0x20d: {  	v46 =	vld [tilespmem:$0x1FEE0];
	[tilespmem:v4+s24+$0x0] =	vst.idx.msk $0xffff, v9  }
0x20e: {  	[tilespmem:v5+s24+$0x0] =	vst.idx.msk $0xffff, v10;
	v10 =	vld [tilespmem:$0x1FEF0]  }
0x20f: {  	[tilespmem:v6+s24+$0x0] =	vst.idx.msk $0xffff, v11;
	v11 =	vld [tilespmem:$0x1FF00]  }
0x210: {  	s17 =	sadd.s32 $0xFFFFFFF9, s0;
	v2 =	vadd.s32 v44, v25  }
0x211: {  	v7 =	vmov s17;
	v3 =	vadd.s32 v45, v25  }
0x212: {  	s15 =	sadd.s32 $0xFFFFFFFA, s0;
	v7 =	vshrl.u32 v7, $0x3;
	v4 =	vadd.s32 v46, v25  }
0x213: {  	v8 =	vmov s15;
	v7 =	vshll.u32 v7, v0;
	v5 =	vadd.s32 v10, v25  }
0x214: {  	s16 =	sadd.s32 $0xFFFFFFFB, s0;
	v8 =	vshrl.u32 v8, $0x3;
	v7 =	vbroadcast v7, $0x0;
	v6 =	vadd.s32 v11, v25  }
0x215: {  	v8 =	vshll.u32 v8, v0;
	[tilespmem:v2+s24+$0x0] =	vst.idx.msk $0xffff, v12;
	v2 =	vadd.s32 v47, v25;
	v25 =	vmov s16  }
0x216: {  	s17 =	sadd.s32 $0xFFFFFFFC, s0;
	v8 =	vbroadcast v8, $0x0;
	[tilespmem:v3+s24+$0x0] =	vst.idx.msk $0xffff, v13;
	v3 =	vadd.s32 v48, v7;
	v9 =	vshrl.u32 v25, $0x3  }
0x217: {  	v41 =	vadd.s32 v41, v7;
	v12 =	vmov s17;
	[tilespmem:v4+s24+$0x0] =	vst.idx.msk $0xffff, v14;
	v48 =	vshll.u32 v9, v0  }
0x218: {  	s15 =	sadd.s32 $0xFFFFFFFD, s0;
	v13 =	vadd.s32 v40, v8;
	v9 =	vshrl.u32 v12, $0x3;
	v7 =	vbroadcast v48, $0x0;
	[tilespmem:v5+s24+$0x0] =	vst.idx.msk $0xffff, v15  }
0x219: {  	v14 =	vadd.s32 v42, v8;
	v15 =	vshll.u32 v9, v0;
	[tilespmem:v6+s24+$0x0] =	vst.idx.msk $0xffff, v16;
	v16 =	vmov s15  }
0x21a: {  	s16 =	sadd.s32 $0xFFFFFFFE, s0;
	v8 =	vbroadcast v15, $0x0;
	[tilespmem:v2+s24+$0x0] =	vst.idx.msk $0xffff, v17;
	v2 =	vadd.s32 v43, v7;
	v9 =	vshrl.u32 v16, $0x3  }
0x21b: {  	v25 =	vmov s16;
	[tilespmem:v3+s24+$0x0] =	vst.idx.msk $0xffff, v18;
	v3 =	vadd.s32 v31, v7;
	v18 =	vshll.u32 v9, v0  }
0x21c: {  	s17 =	sadd.s32 $0xFFFFFFFF, s0;
	v31 =	vadd.s32 v33, v8;
	v9 =	vshrl.u32 v25, $0x3;
	[tilespmem:v41+s24+$0x0] =	vst.idx.msk $0xffff, v19;
	v7 =	vbroadcast v18, $0x0  }
0x21d: {  	v40 =	vmov s17;
	v33 =	vadd.s32 v35, v8;
	v35 =	vshll.u32 v9, v0;
	[tilespmem:v13+s24+$0x0] =	vst.idx.msk $0xffff, v20  }
0x21e: {  	v9 =	vshrl.u32 v40, $0x3;
	v8 =	vbroadcast v35, $0x0;
	[tilespmem:v14+s24+$0x0] =	vst.idx.msk $0xffff, v21;
	v41 =	vadd.s32 v37, v7  }
0x21f: {  	v43 =	vmov s0;
	v42 =	vshll.u32 v9, v0;
	[tilespmem:v2+s24+$0x0] =	vst.idx.msk $0xffff, v22;
	v2 =	vadd.s32 v39, v7  }
0x220: {  	v9 =	vshrl.u32 v43, $0x3;
	v7 =	vbroadcast v42, $0x0;
	[tilespmem:v3+s24+$0x0] =	vst.idx.msk $0xffff, v23;
	v3 =	vadd.s32 v44, v8  }
0x221: {  	v44 =	vadd.s32 v45, v8;
	v45 =	vshll.u32 v9, v0;
	[tilespmem:v31+s24+$0x0] =	vst.idx.msk $0xffff, v24  }
0x222: {  	v46 =	vadd.s32 v46, v7;
	v8 =	vbroadcast v45, $0x0;
	[tilespmem:v33+s24+$0x0] =	vst.idx.msk $0xffff, v26  }
0x223: {  	v48 =	vadd.s32 v10, v7;
	[tilespmem:v41+s24+$0x0] =	vst.idx.msk $0xffff, v27  }
0x224: {  	[tilespmem:v2+s24+$0x0] =	vst.idx.msk $0xffff, v28;
	v2 =	vadd.s32 v11, v8  }
0x225: {  	p1 =	sne.s32 s0, $0x7F;
	[tilespmem:v3+s24+$0x0] =	vst.idx.msk $0xffff, v29;
	v3 =	vadd.s32 v47, v8  }
.Ltmp1:
0x226: {  	[tilespmem:v44+s24+$0x0] =	vst.idx.msk $0xffff, v30;
	(pc) =	sbr.rel @p1 .LBB2_5-.Ltmp1, $4  }
0x227: {  	[tilespmem:v46+s24+$0x0] =	vst.idx.msk $0xffff, v32  }
0x228: {  	[tilespmem:v48+s24+$0x0] =	vst.idx.msk $0xffff, v34  }
0x229: {  	[tilespmem:v2+s24+$0x0] =	vst.idx.msk $0xffff, v36  }
0x22a: {  	s13 =	sadd.s32 $0x200, s13;
	s0 =	sadd.s32 $0x10, s0;
	[tilespmem:v3+s24+$0x0] =	vst.idx.msk $0xffff, v38  }
0x22b: {  	s13 =	simm.s32 $0xF;
	s0 =	simm.s32 $0x85F0;
	s14 =	simm.s32 $0xF;
	v46 =	vld [tilespmem:$0x1FFF0]  }
.LBB2_7:
0x22c: {  	v2 =	vld [tilespmem:s0+$0xFFFFFE10]  }
0x22d: {  	v3 =	vld [tilespmem:s0+$0xFFFFFE20]  }
0x22e: {  	v4 =	vld [tilespmem:s0+$0xFFFFFE30]  }
0x22f: {  	v5 =	vld [tilespmem:s0+$0xFFFFFE40]  }
0x230: {  	v6 =	vld [tilespmem:s0+$0xFFFFFE50]  }
0x231: {  	v7 =	vld [tilespmem:s0+$0xFFFFFE60]  }
0x232: {  	v8 =	vld [tilespmem:s0+$0xFFFFFE70]  }
0x233: {  	v9 =	vld [tilespmem:s0+$0xFFFFFE80]  }
0x234: {  	v10 =	vld [tilespmem:s0+$0xFFFFFE90]  }
0x235: {  	v11 =	vld [tilespmem:s0+$0xFFFFFEA0]  }
0x236: {  	v12 =	vld [tilespmem:s0+$0xFFFFFEB0]  }
0x237: {  	v13 =	vld [tilespmem:s0+$0xFFFFFEC0]  }
0x238: {  	v14 =	vld [tilespmem:s0+$0xFFFFFED0]  }
0x239: {  	v15 =	vld [tilespmem:s0+$0xFFFFFEE0]  }
0x23a: {  	v16 =	vld [tilespmem:s0+$0xFFFFFEF0]  }
0x23b: {  	v17 =	vld [tilespmem:s0+$0xFFFFFF00]  }
0x23c: {  	v18 =	vld [tilespmem:s0+$0xFFFFFF10]  }
0x23d: {  	v19 =	vld [tilespmem:s0+$0xFFFFFF20]  }
0x23e: {  	v20 =	vld [tilespmem:s0+$0xFFFFFF30]  }
0x23f: {  	v21 =	vld [tilespmem:s0+$0xFFFFFF40]  }
0x240: {  	v22 =	vld [tilespmem:s0+$0xFFFFFF50]  }
0x241: {  	v23 =	vld [tilespmem:s0+$0xFFFFFF60]  }
0x242: {  	v24 =	vld [tilespmem:s0+$0xFFFFFF70]  }
0x243: {  	v26 =	vld [tilespmem:s0+$0xFFFFFF80]  }
0x244: {  	v27 =	vld [tilespmem:s0+$0xFFFFFF90]  }
0x245: {  	v28 =	vld [tilespmem:s0+$0xFFFFFFA0]  }
0x246: {  	s15 =	sadd.s32 $0xFFFFFFF1, s14;
	v29 =	vld [tilespmem:s0+$0xFFFFFFB0]  }
0x247: {  	v47 =	vld [tilespmem:$0x1FF20];
	v25 =	vmov s15  }
0x248: {  	v48 =	vld [tilespmem:$0x1FF30];
	v25 =	vshrl.u32 v25, $0x3  }
0x249: {  	v40 =	vld [tilespmem:$0x1FF40];
	v25 =	vshll.u32 v25, v0  }
0x24a: {  	v41 =	vld [tilespmem:$0x1FF50];
	v25 =	vbroadcast v25, $0x0  }
0x24b: {  	v42 =	vld [tilespmem:$0x1FF60]  }
0x24c: {  	v30 =	vld [tilespmem:s0+$0xFFFFFFC0];
	v31 =	vadd.s32 v47, v25  }
0x24d: {  	v32 =	vld [tilespmem:s0+$0xFFFFFFD0];
	v33 =	vadd.s32 v48, v25  }
0x24e: {  	v34 =	vld [tilespmem:s0+$0xFFFFFFE0];
	v35 =	vadd.s32 v40, v25  }
0x24f: {  	v36 =	vld [tilespmem:s0+$0xFFFFFFF0];
	v37 =	vadd.s32 v41, v25  }
0x250: {  	v38 =	vld [tilespmem:s0+$0x0];
	v39 =	vadd.s32 v42, v25  }
0x251: {  	[tilespmem:v31+s24+$0x0] =	vst.idx.msk $0xffff, v2;
	v31 =	vld [tilespmem:$0x1FF70]  }
0x252: {  	[tilespmem:v33+s24+$0x0] =	vst.idx.msk $0xffff, v3;
	v33 =	vld [tilespmem:$0x1FF80]  }
0x253: {  	[tilespmem:v35+s24+$0x0] =	vst.idx.msk $0xffff, v4;
	v35 =	vld [tilespmem:$0x1FD10]  }
0x254: {  	[tilespmem:v37+s24+$0x0] =	vst.idx.msk $0xffff, v5;
	v37 =	vld [tilespmem:$0x1FD20]  }
0x255: {  	[tilespmem:v39+s24+$0x0] =	vst.idx.msk $0xffff, v6;
	v39 =	vld [tilespmem:$0x1FF90]  }
0x256: {  	v2 =	vadd.s32 v31, v25  }
0x257: {  	v3 =	vadd.s32 v33, v25  }
0x258: {  	v4 =	vadd.s32 v35, v25  }
0x259: {  	v5 =	vadd.s32 v37, v25  }
0x25a: {  	v6 =	vadd.s32 v39, v25  }
0x25b: {  	v43 =	vld [tilespmem:$0x1FFA0];
	[tilespmem:v2+s24+$0x0] =	vst.idx.msk $0xffff, v7  }
0x25c: {  	v44 =	vld [tilespmem:$0x1FFB0];
	[tilespmem:v3+s24+$0x0] =	vst.idx.msk $0xffff, v8  }
0x25d: {  	v45 =	vld [tilespmem:$0x1FFC0];
	[tilespmem:v4+s24+$0x0] =	vst.idx.msk $0xffff, v9  }
0x25e: {  	[tilespmem:v5+s24+$0x0] =	vst.idx.msk $0xffff, v10;
	v10 =	vld [tilespmem:$0x1FFD0]  }
0x25f: {  	[tilespmem:v6+s24+$0x0] =	vst.idx.msk $0xffff, v11;
	v11 =	vld [tilespmem:$0x1FFE0]  }
0x260: {  	s17 =	sadd.s32 $0xFFFFFFF9, s14;
	v2 =	vadd.s32 v43, v25  }
0x261: {  	v7 =	vmov s17;
	v3 =	vadd.s32 v44, v25  }
0x262: {  	s16 =	sadd.s32 $0xFFFFFFFA, s14;
	v7 =	vshrl.u32 v7, $0x3;
	v4 =	vadd.s32 v45, v25  }
0x263: {  	v8 =	vmov s16;
	v7 =	vshll.u32 v7, v0;
	v5 =	vadd.s32 v10, v25  }
0x264: {  	s17 =	sadd.s32 $0xFFFFFFFB, s14;
	v8 =	vshrl.u32 v8, $0x3;
	v7 =	vbroadcast v7, $0x0;
	v6 =	vadd.s32 v11, v25  }
0x265: {  	v8 =	vshll.u32 v8, v0;
	[tilespmem:v2+s24+$0x0] =	vst.idx.msk $0xffff, v12;
	v2 =	vadd.s32 v46, v25;
	v25 =	vmov s17  }
0x266: {  	s16 =	sadd.s32 $0xFFFFFFFC, s14;
	v8 =	vbroadcast v8, $0x0;
	[tilespmem:v3+s24+$0x0] =	vst.idx.msk $0xffff, v13;
	v3 =	vadd.s32 v47, v7;
	v9 =	vshrl.u32 v25, $0x3  }
0x267: {  	v12 =	vmov s16;
	v47 =	vadd.s32 v48, v7;
	[tilespmem:v4+s24+$0x0] =	vst.idx.msk $0xffff, v14;
	v48 =	vshll.u32 v9, v0  }
0x268: {  	v13 =	vadd.s32 v40, v8;
	s17 =	sadd.s32 $0xFFFFFFFD, s14;
	v9 =	vshrl.u32 v12, $0x3;
	v7 =	vbroadcast v48, $0x0;
	[tilespmem:v5+s24+$0x0] =	vst.idx.msk $0xffff, v15  }
0x269: {  	v14 =	vadd.s32 v41, v8;
	v15 =	vshll.u32 v9, v0;
	[tilespmem:v6+s24+$0x0] =	vst.idx.msk $0xffff, v16;
	v16 =	vmov s17  }
0x26a: {  	s16 =	sadd.s32 $0xFFFFFFFE, s14;
	v8 =	vbroadcast v15, $0x0;
	[tilespmem:v2+s24+$0x0] =	vst.idx.msk $0xffff, v17;
	v2 =	vadd.s32 v42, v7;
	v9 =	vshrl.u32 v16, $0x3  }
0x26b: {  	[tilespmem:v3+s24+$0x0] =	vst.idx.msk $0xffff, v18;
	v3 =	vadd.s32 v31, v7;
	v17 =	vshll.u32 v9, v0;
	v18 =	vmov s16  }
0x26c: {  	s17 =	sadd.s32 $0xFFFFFFFF, s14;
	v25 =	vadd.s32 v33, v8;
	[tilespmem:v47+s24+$0x0] =	vst.idx.msk $0xffff, v19;
	v7 =	vbroadcast v17, $0x0;
	v9 =	vshrl.u32 v18, $0x3  }
0x26d: {  	v31 =	vadd.s32 v35, v8;
	v35 =	vmov s17;
	[tilespmem:v13+s24+$0x0] =	vst.idx.msk $0xffff, v20;
	v33 =	vshll.u32 v9, v0  }
0x26e: {  	v9 =	vshrl.u32 v35, $0x3;
	[tilespmem:v14+s24+$0x0] =	vst.idx.msk $0xffff, v21;
	v40 =	vadd.s32 v37, v7;
	v8 =	vbroadcast v33, $0x0  }
0x26f: {  	v42 =	vmov s14;
	v41 =	vshll.u32 v9, v0;
	[tilespmem:v2+s24+$0x0] =	vst.idx.msk $0xffff, v22;
	v2 =	vadd.s32 v39, v7  }
0x270: {  	v9 =	vshrl.u32 v42, $0x3;
	v7 =	vbroadcast v41, $0x0;
	[tilespmem:v3+s24+$0x0] =	vst.idx.msk $0xffff, v23;
	v3 =	vadd.s32 v43, v8  }
0x271: {  	v43 =	vadd.s32 v44, v8;
	v44 =	vshll.u32 v9, v0;
	[tilespmem:v25+s24+$0x0] =	vst.idx.msk $0xffff, v24  }
0x272: {  	v47 =	vadd.s32 v45, v7;
	v8 =	vbroadcast v44, $0x0;
	[tilespmem:v31+s24+$0x0] =	vst.idx.msk $0xffff, v26  }
0x273: {  	v48 =	vadd.s32 v10, v7;
	[tilespmem:v40+s24+$0x0] =	vst.idx.msk $0xffff, v27  }
0x274: {  	[tilespmem:v2+s24+$0x0] =	vst.idx.msk $0xffff, v28;
	v2 =	vadd.s32 v11, v8  }
0x275: {  	p1 =	sne.s32 s14, $0x7F;
	[tilespmem:v3+s24+$0x0] =	vst.idx.msk $0xffff, v29;
	v3 =	vadd.s32 v46, v8  }
.Ltmp2:
0x276: {  	[tilespmem:v43+s24+$0x0] =	vst.idx.msk $0xffff, v30;
	(pc) =	sbr.rel @p1 .LBB2_7-.Ltmp2, $4  }
0x277: {  	[tilespmem:v47+s24+$0x0] =	vst.idx.msk $0xffff, v32  }
0x278: {  	[tilespmem:v48+s24+$0x0] =	vst.idx.msk $0xffff, v34  }
0x279: {  	[tilespmem:v2+s24+$0x0] =	vst.idx.msk $0xffff, v36  }
0x27a: {  	s0 =	sadd.s32 $0x200, s0;
	s14 =	sadd.s32 $0x10, s14;
	[tilespmem:v3+s24+$0x0] =	vst.idx.msk $0xffff, v38  }
0x27b: {  	s0 =	simm.s32 $0x95F0  }
0x27c: {  	v2 =	vld [tilespmem:s0+$0x0]  }
0x27d: {  	v3 =	vld [tilespmem:s0+$0xFFFFFFF0]  }
0x27e: {  	v4 =	vld [tilespmem:s0+$0xFFFFFFE0]  }
0x27f: {  	v5 =	vld [tilespmem:s0+$0xFFFFFFD0]  }
0x280: {  	v6 =	vld [tilespmem:s0+$0xFFFFFFC0]  }
0x281: {  	v7 =	vld [tilespmem:s0+$0xFFFFFFB0]  }
0x282: {  	v8 =	vld [tilespmem:s0+$0xFFFFFFA0]  }
0x283: {  	v9 =	vld [tilespmem:s0+$0xFFFFFF90]  }
0x284: {  	v10 =	vld [tilespmem:s0+$0xFFFFFF80]  }
0x285: {  	v11 =	vld [tilespmem:s0+$0xFFFFFF70]  }
0x286: {  	v12 =	vld [tilespmem:s0+$0xFFFFFF60]  }
0x287: {  	v13 =	vld [tilespmem:s0+$0xFFFFFF50]  }
0x288: {  	v14 =	vld [tilespmem:s0+$0xFFFFFF40]  }
0x289: {  	v15 =	vld [tilespmem:s0+$0xFFFFFF30]  }
0x28a: {  	v16 =	vld [tilespmem:s0+$0xFFFFFF20]  }
0x28b: {  	v17 =	vld [tilespmem:s0+$0xFFFFFF10]  }
0x28c: {  	v18 =	vld [tilespmem:s0+$0xFFFFFF00]  }
0x28d: {  	v19 =	vld [tilespmem:s0+$0xFFFFFEF0]  }
0x28e: {  	v20 =	vld [tilespmem:s0+$0xFFFFFEE0]  }
0x28f: {  	v21 =	vld [tilespmem:s0+$0xFFFFFED0]  }
0x290: {  	s14 =	simm.s32 $0x0;
	v22 =	vld [tilespmem:s0+$0xFFFFFEC0]  }
0x291: {  	v23 =	vld [tilespmem:s0+$0xFFFFFEB0];
	v25 =	vmov s14  }
0x292: {  	v24 =	vld [tilespmem:s0+$0xFFFFFEA0];
	v25 =	vshrl.u32 v25, $0x3  }
0x293: {  	v26 =	vld [tilespmem:s0+$0xFFFFFE90];
	v25 =	vshll.u32 v25, v0  }
0x294: {  	v27 =	vld [tilespmem:s0+$0xFFFFFE80];
	v25 =	vbroadcast v25, $0x0  }
0x295: {  	v28 =	vld [tilespmem:s0+$0xFFFFFE70]  }
0x296: {  	v30 =	vld [tilespmem:s0+$0xFFFFFE10];
	v31 =	vadd.s32 v49, v25  }
0x297: {  	v32 =	vld [tilespmem:s0+$0xFFFFFE20];
	v33 =	vadd.s32 v50, v25  }
0x298: {  	v34 =	vld [tilespmem:s0+$0xFFFFFE30];
	v35 =	vadd.s32 v51, v25  }
0x299: {  	v36 =	vld [tilespmem:s0+$0xFFFFFE40];
	v37 =	vadd.s32 v52, v25  }
0x29a: {  	v38 =	vld [tilespmem:s0+$0xFFFFFE50];
	v39 =	vadd.s32 v53, v25  }
0x29b: {  	v29 =	vld [tilespmem:s0+$0xFFFFFE60];
	v46 =	vadd.s32 v54, v25;
	[tilespmem:v31+s24+$0x0] =	vst.idx.msk $0xffff, v30  }
0x29c: {  	v47 =	vadd.s32 v55, v25;
	[tilespmem:v33+s24+$0x0] =	vst.idx.msk $0xffff, v32  }
0x29d: {  	v48 =	vadd.s32 v56, v25;
	[tilespmem:v35+s24+$0x0] =	vst.idx.msk $0xffff, v34  }
0x29e: {  	[tilespmem:v37+s24+$0x0] =	vst.idx.msk $0xffff, v36;
	v37 =	vadd.s32 v57, v25  }
0x29f: {  	[tilespmem:v39+s24+$0x0] =	vst.idx.msk $0xffff, v38;
	v39 =	vadd.s32 v58, v25  }
0x2a0: {  	s17 =	simm.s32 $0x8;
	v40 =	vadd.s32 v59, v25;
	[tilespmem:v46+s24+$0x0] =	vst.idx.msk $0xffff, v29  }
0x2a1: {  	v42 =	vmov s17;
	v41 =	vadd.s32 v60, v25;
	[tilespmem:v47+s24+$0x0] =	vst.idx.msk $0xffff, v28  }
0x2a2: {  	s15 =	simm.s32 $0x9;
	v43 =	vadd.s32 v61, v25;
	v30 =	vshrl.u32 v42, $0x3;
	[tilespmem:v48+s24+$0x0] =	vst.idx.msk $0xffff, v27  }
0x2a3: {  	v45 =	vmov s15;
	v44 =	vadd.s32 v62, v25;
	v30 =	vshll.u32 v30, v0;
	[tilespmem:v37+s24+$0x0] =	vst.idx.msk $0xffff, v26  }
0x2a4: {  	s16 =	simm.s32 $0xA;
	v31 =	vshrl.u32 v45, $0x3;
	v30 =	vbroadcast v30, $0x0;
	v46 =	vadd.s32 v63, v25;
	[tilespmem:v39+s24+$0x0] =	vst.idx.msk $0xffff, v24  }
0x2a5: {  	v32 =	vmov s16;
	v47 =	vadd.s32 v1, v25;
	v48 =	vshll.u32 v31, v0;
	[tilespmem:v40+s24+$0x0] =	vst.idx.msk $0xffff, v23  }
0x2a6: {  	s17 =	simm.s32 $0xB;
	v34 =	vshrl.u32 v32, $0x3;
	v33 =	vadd.s32 v49, v30;
	v25 =	vbroadcast v48, $0x0;
	[tilespmem:v41+s24+$0x0] =	vst.idx.msk $0xffff, v22  }
0x2a7: {  	v36 =	vshll.u32 v34, v0;
	v35 =	vadd.s32 v50, v30;
	v37 =	vmov s17;
	[tilespmem:v43+s24+$0x0] =	vst.idx.msk $0xffff, v21  }
0x2a8: {  	s15 =	simm.s32 $0xC;
	v39 =	vbroadcast v36, $0x0;
	v38 =	vadd.s32 v51, v25;
	v40 =	vshrl.u32 v37, $0x3;
	[tilespmem:v44+s24+$0x0] =	vst.idx.msk $0xffff, v20  }
0x2a9: {  	v41 =	vadd.s32 v52, v25;
	v42 =	vshll.u32 v40, v0;
	v43 =	vmov s15;
	[tilespmem:v46+s24+$0x0] =	vst.idx.msk $0xffff, v19  }
0x2aa: {  	s16 =	simm.s32 $0xD;
	v45 =	vbroadcast v42, $0x0;
	v44 =	vadd.s32 v53, v39;
	v46 =	vshrl.u32 v43, $0x3;
	[tilespmem:v47+s24+$0x0] =	vst.idx.msk $0xffff, v18  }
0x2ab: {  	v28 =	vmov s16;
	v47 =	vadd.s32 v54, v39;
	v48 =	vshll.u32 v46, v0;
	[tilespmem:v33+s24+$0x0] =	vst.idx.msk $0xffff, v17  }
0x2ac: {  	v31 =	vshrl.u32 v28, $0x3;
	s17 =	simm.s32 $0xE;
	v29 =	vadd.s32 v55, v45;
	v30 =	vbroadcast v48, $0x0;
	[tilespmem:v35+s24+$0x0] =	vst.idx.msk $0xffff, v16  }
0x2ad: {  	v34 =	vmov s17;
	v32 =	vadd.s32 v56, v45;
	v33 =	vshll.u32 v31, v0;
	[tilespmem:v38+s24+$0x0] =	vst.idx.msk $0xffff, v15  }
0x2ae: {  	v37 =	vshrl.u32 v34, $0x3;
	v36 =	vbroadcast v33, $0x0;
	v35 =	vadd.s32 v57, v30;
	[tilespmem:v41+s24+$0x0] =	vst.idx.msk $0xffff, v14  }
0x2af: {  	v40 =	vmov s13;
	v39 =	vshll.u32 v37, v0;
	v38 =	vadd.s32 v58, v30;
	[tilespmem:v44+s24+$0x0] =	vst.idx.msk $0xffff, v13  }
0x2b0: {  	v43 =	vshrl.u32 v40, $0x3;
	v42 =	vbroadcast v39, $0x0;
	v41 =	vadd.s32 v59, v36;
	[tilespmem:v47+s24+$0x0] =	vst.idx.msk $0xffff, v12  }
0x2b1: {  	v45 =	vshll.u32 v43, v0;
	v44 =	vadd.s32 v60, v36;
	[tilespmem:v29+s24+$0x0] =	vst.idx.msk $0xffff, v11  }
0x2b2: {  	v46 =	vadd.s32 v61, v42;
	v47 =	vbroadcast v45, $0x0;
	[tilespmem:v32+s24+$0x0] =	vst.idx.msk $0xffff, v10  }
0x2b3: {  	v48 =	vadd.s32 v62, v42;
	[tilespmem:v35+s24+$0x0] =	vst.idx.msk $0xffff, v9  }
0x2b4: {  	[tilespmem:v38+s24+$0x0] =	vst.idx.msk $0xffff, v8;
	v8 =	vadd.s32 v63, v47  }
0x2b5: {  	[tilespmem:v41+s24+$0x0] =	vst.idx.msk $0xffff, v7  }
0x2b6: {  	v7 =	vadd.s32 v1, v47;
	[tilespmem:v44+s24+$0x0] =	vst.idx.msk $0xffff, v6  }
0x2b7: {  	[tilespmem:v46+s24+$0x0] =	vst.idx.msk $0xffff, v5  }
0x2b8: {  	[tilespmem:v48+s24+$0x0] =	vst.idx.msk $0xffff, v4  }
0x2b9: {  	s13 =	simm.s32 $0x1F;
	[tilespmem:v8+s24+$0x0] =	vst.idx.msk $0xffff, v3  }
.LBB2_9:
0x2ba: {  	p1 =	sne.s32 s13, $0x7F  }
0x2bb: {  	[tilespmem:v7+s24+$0x0] =	vst.idx.msk $0xffff, v2;
	s0 =	sadd.s32 $0x200, s0;
	s14 =	smov.u32 s13;
	s13 =	sadd.s32 $0x10, s13  }
0x2bc: {  	v2 =	vld [tilespmem:s0+$0x0]  }
0x2bd: {  	v3 =	vld [tilespmem:s0+$0xFFFFFFF0]  }
0x2be: {  	v4 =	vld [tilespmem:s0+$0xFFFFFFE0]  }
0x2bf: {  	v5 =	vld [tilespmem:s0+$0xFFFFFFD0]  }
0x2c0: {  	v6 =	vld [tilespmem:s0+$0xFFFFFFC0]  }
0x2c1: {  	v7 =	vld [tilespmem:s0+$0xFFFFFFB0]  }
0x2c2: {  	v8 =	vld [tilespmem:s0+$0xFFFFFFA0]  }
0x2c3: {  	v9 =	vld [tilespmem:s0+$0xFFFFFF90]  }
0x2c4: {  	v10 =	vld [tilespmem:s0+$0xFFFFFF80]  }
0x2c5: {  	v11 =	vld [tilespmem:s0+$0xFFFFFF70]  }
0x2c6: {  	v12 =	vld [tilespmem:s0+$0xFFFFFF60]  }
0x2c7: {  	v13 =	vld [tilespmem:s0+$0xFFFFFF50]  }
0x2c8: {  	v14 =	vld [tilespmem:s0+$0xFFFFFF40]  }
0x2c9: {  	v15 =	vld [tilespmem:s0+$0xFFFFFF30]  }
0x2ca: {  	v16 =	vld [tilespmem:s0+$0xFFFFFF20]  }
0x2cb: {  	v17 =	vld [tilespmem:s0+$0xFFFFFF10]  }
0x2cc: {  	v18 =	vld [tilespmem:s0+$0xFFFFFF00]  }
0x2cd: {  	v19 =	vld [tilespmem:s0+$0xFFFFFEF0]  }
0x2ce: {  	v20 =	vld [tilespmem:s0+$0xFFFFFEE0]  }
0x2cf: {  	v21 =	vld [tilespmem:s0+$0xFFFFFED0]  }
0x2d0: {  	v22 =	vld [tilespmem:s0+$0xFFFFFEC0]  }
0x2d1: {  	s15 =	sadd.s32 $0xFFFFFFF1, s14;
	v23 =	vld [tilespmem:s0+$0xFFFFFEB0]  }
0x2d2: {  	v25 =	vmov s15;
	v24 =	vld [tilespmem:s0+$0xFFFFFEA0]  }
0x2d3: {  	v25 =	vshrl.u32 v25, $0x3;
	v26 =	vld [tilespmem:s0+$0xFFFFFE90]  }
0x2d4: {  	v25 =	vshll.u32 v25, v0;
	v27 =	vld [tilespmem:s0+$0xFFFFFE80]  }
0x2d5: {  	v25 =	vbroadcast v25, $0x0;
	v28 =	vld [tilespmem:s0+$0xFFFFFE70]  }
0x2d6: {  	v29 =	vld [tilespmem:s0+$0xFFFFFE60]  }
0x2d7: {  	v31 =	vadd.s32 v49, v25;
	v30 =	vld [tilespmem:s0+$0xFFFFFE10]  }
0x2d8: {  	v33 =	vadd.s32 v50, v25;
	v32 =	vld [tilespmem:s0+$0xFFFFFE20]  }
0x2d9: {  	v35 =	vadd.s32 v51, v25;
	v34 =	vld [tilespmem:s0+$0xFFFFFE30]  }
0x2da: {  	v37 =	vadd.s32 v52, v25;
	v36 =	vld [tilespmem:s0+$0xFFFFFE40]  }
0x2db: {  	v39 =	vadd.s32 v53, v25;
	v38 =	vld [tilespmem:s0+$0xFFFFFE50]  }
0x2dc: {  	[tilespmem:v31+s24+$0x0] =	vst.idx.msk $0xffff, v30;
	v30 =	vadd.s32 v54, v25  }
0x2dd: {  	v31 =	vadd.s32 v55, v25;
	[tilespmem:v33+s24+$0x0] =	vst.idx.msk $0xffff, v32  }
0x2de: {  	v32 =	vadd.s32 v56, v25;
	[tilespmem:v35+s24+$0x0] =	vst.idx.msk $0xffff, v34  }
0x2df: {  	v33 =	vadd.s32 v57, v25;
	[tilespmem:v37+s24+$0x0] =	vst.idx.msk $0xffff, v36  }
0x2e0: {  	v34 =	vadd.s32 v58, v25;
	[tilespmem:v39+s24+$0x0] =	vst.idx.msk $0xffff, v38  }
0x2e1: {  	s15 =	sadd.s32 $0xFFFFFFF9, s14;
	[tilespmem:v30+s24+$0x0] =	vst.idx.msk $0xffff, v29;
	v29 =	vadd.s32 v59, v25  }
0x2e2: {  	v30 =	vmov s15;
	[tilespmem:v31+s24+$0x0] =	vst.idx.msk $0xffff, v28;
	v28 =	vadd.s32 v60, v25  }
0x2e3: {  	s15 =	sadd.s32 $0xFFFFFFFA, s14;
	v30 =	vshrl.u32 v30, $0x3;
	[tilespmem:v32+s24+$0x0] =	vst.idx.msk $0xffff, v27;
	v27 =	vadd.s32 v61, v25  }
0x2e4: {  	v31 =	vmov s15;
	v30 =	vshll.u32 v30, v0;
	[tilespmem:v33+s24+$0x0] =	vst.idx.msk $0xffff, v26;
	v26 =	vadd.s32 v62, v25  }
0x2e5: {  	s15 =	sadd.s32 $0xFFFFFFFB, s14;
	v31 =	vshrl.u32 v31, $0x3;
	v30 =	vbroadcast v30, $0x0;
	[tilespmem:v34+s24+$0x0] =	vst.idx.msk $0xffff, v24;
	v24 =	vadd.s32 v63, v25  }
0x2e6: {  	[tilespmem:v29+s24+$0x0] =	vst.idx.msk $0xffff, v23;
	v23 =	vadd.s32 v1, v25;
	v25 =	vshll.u32 v31, v0;
	v29 =	vmov s15  }
0x2e7: {  	s15 =	sadd.s32 $0xFFFFFFFC, s14;
	[tilespmem:v28+s24+$0x0] =	vst.idx.msk $0xffff, v22;
	v22 =	vadd.s32 v49, v30;
	v25 =	vbroadcast v25, $0x0;
	v28 =	vshrl.u32 v29, $0x3  }
0x2e8: {  	[tilespmem:v27+s24+$0x0] =	vst.idx.msk $0xffff, v21;
	v21 =	vadd.s32 v50, v30;
	v27 =	vshll.u32 v28, v0;
	v28 =	vmov s15  }
0x2e9: {  	s15 =	sadd.s32 $0xFFFFFFFD, s14;
	[tilespmem:v26+s24+$0x0] =	vst.idx.msk $0xffff, v20;
	v20 =	vadd.s32 v51, v25;
	v26 =	vbroadcast v27, $0x0;
	v27 =	vshrl.u32 v28, $0x3  }
0x2ea: {  	[tilespmem:v24+s24+$0x0] =	vst.idx.msk $0xffff, v19;
	v19 =	vadd.s32 v52, v25;
	v24 =	vshll.u32 v27, v0;
	v25 =	vmov s15  }
0x2eb: {  	s15 =	sadd.s32 $0xFFFFFFFE, s14;
	[tilespmem:v23+s24+$0x0] =	vst.idx.msk $0xffff, v18;
	v18 =	vadd.s32 v53, v26;
	v23 =	vbroadcast v24, $0x0;
	v24 =	vshrl.u32 v25, $0x3  }
0x2ec: {  	[tilespmem:v22+s24+$0x0] =	vst.idx.msk $0xffff, v17;
	v17 =	vadd.s32 v54, v26;
	v22 =	vshll.u32 v24, v0;
	v24 =	vmov s15  }
0x2ed: {  	s15 =	sadd.s32 $0xFFFFFFFF, s14;
	[tilespmem:v21+s24+$0x0] =	vst.idx.msk $0xffff, v16;
	v16 =	vadd.s32 v55, v23;
	v21 =	vbroadcast v22, $0x0;
	v22 =	vshrl.u32 v24, $0x3  }
0x2ee: {  	[tilespmem:v20+s24+$0x0] =	vst.idx.msk $0xffff, v15;
	v15 =	vadd.s32 v56, v23;
	v20 =	vshll.u32 v22, v0;
	v22 =	vmov s15  }
0x2ef: {  	[tilespmem:v19+s24+$0x0] =	vst.idx.msk $0xffff, v14;
	v14 =	vadd.s32 v57, v21;
	v19 =	vbroadcast v20, $0x0;
	v20 =	vshrl.u32 v22, $0x3  }
0x2f0: {  	[tilespmem:v18+s24+$0x0] =	vst.idx.msk $0xffff, v13;
	v13 =	vadd.s32 v58, v21;
	v18 =	vshll.u32 v20, v0;
	v20 =	vmov s14  }
0x2f1: {  	[tilespmem:v17+s24+$0x0] =	vst.idx.msk $0xffff, v12;
	v12 =	vadd.s32 v59, v19;
	v17 =	vbroadcast v18, $0x0;
	v18 =	vshrl.u32 v20, $0x3  }
0x2f2: {  	[tilespmem:v16+s24+$0x0] =	vst.idx.msk $0xffff, v11;
	v11 =	vadd.s32 v60, v19;
	v16 =	vshll.u32 v18, v0  }
0x2f3: {  	[tilespmem:v15+s24+$0x0] =	vst.idx.msk $0xffff, v10;
	v10 =	vadd.s32 v61, v17;
	v15 =	vbroadcast v16, $0x0  }
0x2f4: {  	[tilespmem:v14+s24+$0x0] =	vst.idx.msk $0xffff, v9;
	v9 =	vadd.s32 v62, v17  }
0x2f5: {  	[tilespmem:v13+s24+$0x0] =	vst.idx.msk $0xffff, v8;
	v8 =	vadd.s32 v63, v15  }
.Ltmp3:
0x2f6: {  	[tilespmem:v12+s24+$0x0] =	vst.idx.msk $0xffff, v7;
	v7 =	vadd.s32 v1, v15;
	(pc) =	sbr.rel @p1 .LBB2_9-.Ltmp3, $4  }
0x2f7: {  	[tilespmem:v11+s24+$0x0] =	vst.idx.msk $0xffff, v6  }
0x2f8: {  	[tilespmem:v10+s24+$0x0] =	vst.idx.msk $0xffff, v5  }
0x2f9: {  	[tilespmem:v9+s24+$0x0] =	vst.idx.msk $0xffff, v4  }
0x2fa: {  	[tilespmem:v8+s24+$0x0] =	vst.idx.msk $0xffff, v3  }
0x2fb: {  	s0 =	sshll.u32 s31, $0x14  }
0x2fc: {  	s0 =	sor.u32 s6, s0  }
0x2fd: {  	s0 =	sshrl.u32 s0, $0x3  }
0x2fe: {  	s14 =	simm.s32 $0xE400;
	s13 =	sadd.s32 s2, s0  }
0x2ff: {  	[tilespmem:v7+s24+$0x0] =	vst.idx.msk $0xffff, v2;
	s15 =	simm.s32 $0x10;
	s16 =	simm.s32 $0xE488;
	s17 =	sadd.s32 $0x0, s13  }
.LBB2_11:
0x300: {  	[hbm4b:s17+s3] =	stream.linear.scatter [tilespmem:s14], [sflag:$0x3], $0x80, $0x38;
	[tilespmem:$0x16C00] =	vst v63  }
0x301: {  	s17 =	smov.u32 s15;
	s14 =	smov.u32 s16;
	p1 =	sne.s32 s15, $0x1F0  }
.Ltmp4:
0x302: {  	s15 =	sadd.s32 $0x10, s15;
	(pc) =	sbr.rel @p1 .LBB2_11-.Ltmp4, $2  }
0x303: {  	_ =	sdelay $0x2  }
0x304: {  	s16 =	sadd.s32 $0x88, s16;
	s17 =	sadd.s32 s17, s13  }
0x305: {  	[hbm4b:s17+s3] =	stream.linear.scatter [tilespmem:s14], [sflag:$0x3], $0x80, $0x38;
	[tilespmem:$0x16C00] =	vst v63  }
0x306: {  	s13 =	sadd.s32 s0, s7;
	s14 =	simm.s32 $0xF500  }
0x307: {  	s15 =	simm.s32 $0x10;
	s16 =	simm.s32 $0xF588;
	s17 =	sadd.s32 $0x0, s13  }
.LBB2_13:
0x308: {  	[hbm4b:s17+s3] =	stream.linear.scatter [tilespmem:s14], [sflag:$0x3], $0x80, $0x38;
	[tilespmem:$0x16C00] =	vst v63  }
0x309: {  	s17 =	smov.u32 s15;
	s14 =	smov.u32 s16;
	p1 =	sne.s32 s15, $0x1F0  }
.Ltmp5:
0x30a: {  	s15 =	sadd.s32 $0x10, s15;
	(pc) =	sbr.rel @p1 .LBB2_13-.Ltmp5, $2  }
0x30b: {  	_ =	sdelay $0x2  }
0x30c: {  	s16 =	sadd.s32 $0x88, s16;
	s17 =	sadd.s32 s17, s13  }
0x30d: {  	[hbm4b:s17+s3] =	stream.linear.scatter [tilespmem:s14], [sflag:$0x3], $0x80, $0x38;
	[tilespmem:$0x16C00] =	vst v63  }
0x30e: {  	s13 =	sadd.s32 s0, s8;
	s14 =	simm.s32 $0x10600  }
0x30f: {  	s15 =	simm.s32 $0x10;
	s16 =	simm.s32 $0x10688;
	s17 =	sadd.s32 $0x0, s13  }
.LBB2_15:
0x310: {  	[hbm4b:s17+s3] =	stream.linear.scatter [tilespmem:s14], [sflag:$0x3], $0x80, $0x38;
	[tilespmem:$0x16C00] =	vst v63  }
0x311: {  	s17 =	smov.u32 s15;
	s14 =	smov.u32 s16;
	p1 =	sne.s32 s15, $0x1F0  }
.Ltmp6:
0x312: {  	s15 =	sadd.s32 $0x10, s15;
	(pc) =	sbr.rel @p1 .LBB2_15-.Ltmp6, $2  }
0x313: {  	_ =	sdelay $0x2  }
0x314: {  	s16 =	sadd.s32 $0x88, s16;
	s17 =	sadd.s32 s17, s13  }
0x315: {  	[hbm4b:s17+s3] =	stream.linear.scatter [tilespmem:s14], [sflag:$0x3], $0x80, $0x38;
	[tilespmem:$0x16C00] =	vst v63  }
0x316: {  	s0 =	sadd.s32 s0, s9;
	s13 =	simm.s32 $0x11700  }
0x317: {  	s14 =	simm.s32 $0x10;
	s15 =	simm.s32 $0x11788;
	s16 =	sadd.s32 $0x0, s0  }
.LBB2_17:
0x318: {  	[hbm4b:s16+s3] =	stream.linear.scatter [tilespmem:s13], [sflag:$0x3], $0x80, $0x38;
	[tilespmem:$0x16C00] =	vst v63  }
0x319: {  	s16 =	smov.u32 s14;
	s13 =	smov.u32 s15;
	p1 =	sne.s32 s14, $0x1F0  }
.Ltmp7:
0x31a: {  	s14 =	sadd.s32 $0x10, s14;
	(pc) =	sbr.rel @p1 .LBB2_17-.Ltmp7, $2  }
0x31b: {  	_ =	sdelay $0x2  }
0x31c: {  	s15 =	sadd.s32 $0x88, s15;
	s16 =	sadd.s32 s16, s0  }
0x31d: {  	[hbm4b:s16+s3] =	stream.linear.scatter [tilespmem:s13], [sflag:$0x3], $0x80, $0x38;
	[tilespmem:$0x16C00] =	vst v63  }
0x31e: {  	p1 =	seq.s32 s31, $0x18  }
0x31f: {  	s0 =	sshll.u32 @!p1 s31, $0xA  }
0x320: {  	s0 =	sand.u32 @!p1 $0x3FFFFC00, s0  }
0x321: {  	s14 =	simm.s32 @!p1 $0x80;
	s15 =	simm.s32 @!p1 $0x6400;
	s13 =	sadd.s32 @!p1 $0x400, s0  }
0x322: {  	[tilespmem:s15], [sflag:$0x1] =	stream.indirect.gather @!p1 [hbm4b:s4+s14], $0x20, s13, s14, $0xb8;
	[tilespmem:$0x16C00] =	vst v63  }
0x323: {  	s13 =	sadd.s32 @!p1 $0x480, s0;
	s15 =	simm.s32 @!p1 $0x7400  }
0x324: {  	[tilespmem:s15], [sflag:$0x1] =	stream.indirect.gather @!p1 [hbm4b:s4+s14], $0x20, s13, s14, $0xb8;
	[tilespmem:$0x16C00] =	vst v63  }
0x325: {  	s13 =	sadd.s32 @!p1 $0x500, s0;
	s15 =	simm.s32 @!p1 $0x8400  }
0x326: {  	[tilespmem:s15], [sflag:$0x1] =	stream.indirect.gather @!p1 [hbm4b:s4+s14], $0x20, s13, s14, $0xb8;
	[tilespmem:$0x16C00] =	vst v63  }
0x327: {  	s0 =	sadd.s32 @!p1 $0x580, s0;
	s13 =	simm.s32 @!p1 $0x9400  }
0x328: {  	[tilespmem:s13], [sflag:$0x1] =	stream.indirect.gather @!p1 [hbm4b:s4+s14], $0x20, s0, s14, $0xb8;
	[tilespmem:$0x16C00] =	vst v63  }
0x329: {  	_ =	swait.ge [sflag:s25], $0x1000  }
0x32a: {  	[sflag:s25] =	ssyncset.done $0x0  }
0x32b: {  	[sflag:s25] =	ssyncadd.s32 $0xFFFFF000  }
0x32c: {  	_ =	swait.ge [sflag:s25], $0x1000  }
0x32d: {  	[sflag:s25] =	ssyncset.done $0x0  }
0x32e: {  	[sflag:s25] =	ssyncadd.s32 $0xFFFFF000  }
0x32f: {  	_ =	swait.ge [sflag:s25], $0x1000  }
0x330: {  	[sflag:s25] =	ssyncset.done $0x0  }
0x331: {  	[sflag:s25] =	ssyncadd.s32 $0xFFFFF000  }
0x332: {  	_ =	swait.ge [sflag:s25], $0x1000  }
0x333: {  	[sflag:s25] =	ssyncset.done $0x0  }
0x334: {  	s0 =	simm.s32 @!p0 $0x4;
	[sflag:s25] =	ssyncadd.s32 $0xFFFFF000  }
0x335: {  	_ =	swait.ge @!p0 [sflag:s0], $0x1000  }
0x336: {  	[sflag:s0] =	ssyncset.done @!p0 $0x0  }
0x337: {  	[sflag:s0] =	ssyncadd.s32 @!p0 $0xFFFFF000  }
0x338: {  	_ =	swait.ge @!p0 [sflag:s0], $0x1000  }
0x339: {  	[sflag:s0] =	ssyncset.done @!p0 $0x0  }
0x33a: {  	[sflag:s0] =	ssyncadd.s32 @!p0 $0xFFFFF000  }
0x33b: {  	_ =	swait.ge @!p0 [sflag:s0], $0x1000  }
0x33c: {  	[sflag:s0] =	ssyncset.done @!p0 $0x0  }
0x33d: {  	[sflag:s0] =	ssyncadd.s32 @!p0 $0xFFFFF000  }
0x33e: {  	_ =	swait.ge @!p0 [sflag:s0], $0x1000  }
0x33f: {  	s13 =	simm.s32 $0xA500;
	[sflag:s0] =	ssyncset.done @!p0 $0x0  }
0x340: {  	s14 =	simm.s32 $0xF;
	v43 =	vld [tilespmem:$0x1FE10];
	[sflag:s0] =	ssyncadd.s32 @!p0 $0xFFFFF000;
	s0 =	simm.s32 $0xF  }
.LBB2_19:
0x341: {  	v10 =	vld [tilespmem:s13+$0xFFFFFF00]  }
0x342: {  	v11 =	vld [tilespmem:s13+$0xFFFFFF10]  }
0x343: {  	v12 =	vld [tilespmem:s13+$0xFFFFFF20]  }
0x344: {  	v13 =	vld [tilespmem:s13+$0xFFFFFF30]  }
0x345: {  	v14 =	vld [tilespmem:s13+$0xFFFFFF40]  }
0x346: {  	v15 =	vld [tilespmem:s13+$0xFFFFFF50]  }
0x347: {  	v16 =	vld [tilespmem:s13+$0xFFFFFF60]  }
0x348: {  	v17 =	vld [tilespmem:s13+$0xFFFFFF70]  }
0x349: {  	v18 =	vld [tilespmem:s13+$0xFFFFFF80]  }
0x34a: {  	v19 =	vld [tilespmem:s13+$0xFFFFFF90]  }
0x34b: {  	v20 =	vld [tilespmem:s13+$0xFFFFFFA0]  }
0x34c: {  	v21 =	vld [tilespmem:s13+$0xFFFFFFB0]  }
0x34d: {  	v22 =	vld [tilespmem:s13+$0xFFFFFFC0]  }
0x34e: {  	v23 =	vld [tilespmem:s13+$0xFFFFFFD0]  }
0x34f: {  	v24 =	vld [tilespmem:s13+$0xFFFFFFE0]  }
0x350: {  	v25 =	vld [tilespmem:s13+$0xFFFFFFF0]  }
0x351: {  	v26 =	vld [tilespmem:s13+$0x0]  }
0x352: {  	v27 =	vld [tilespmem:s13+$0x10]  }
0x353: {  	v28 =	vld [tilespmem:s13+$0x20]  }
0x354: {  	v29 =	vld [tilespmem:s13+$0x30]  }
0x355: {  	v9 =	vld [tilespmem:s13+$0x40]  }
0x356: {  	v7 =	vld [tilespmem:s13+$0x50]  }
0x357: {  	v3 =	vld [tilespmem:s13+$0x60]  }
0x358: {  	v4 =	vld [tilespmem:s13+$0x70]  }
0x359: {  	v33 =	vld [tilespmem:$0x1FD00]  }
0x35a: {  	v34 =	vld [tilespmem:s13+$0xC0]  }
0x35b: {  	s15 =	sadd.s32 $0xFFFFFFF1, s14;
	v44 =	vld [tilespmem:$0x1FD30]  }
0x35c: {  	v36 =	vld [tilespmem:s13+$0xD0];
	v2 =	vmov s15  }
0x35d: {  	s16 =	sadd.s32 $0xFFFFFFF2, s14;
	v45 =	vld [tilespmem:$0x1FD40];
	v5 =	vshrl.u32 v2, $0x3  }
0x35e: {  	v38 =	vld [tilespmem:s13+$0xE0];
	v8 =	vmov s16;
	v6 =	vshll.u32 v5, v0  }
0x35f: {  	v46 =	vld [tilespmem:$0x1FD50];
	v8 =	vshrl.u32 v8, $0x3;
	v30 =	vbroadcast v6, $0x0  }
0x360: {  	s17 =	sadd.s32 $0xFFFFFFF3, s14;
	v40 =	vld [tilespmem:s13+$0xF0];
	v31 =	vshll.u32 v8, v0  }
0x361: {  	v47 =	vld [tilespmem:$0x1FD60];
	v32 =	vmov s17;
	v31 =	vbroadcast v31, $0x0;
	v33 =	vadd.s32 v33, v30  }
0x362: {  	v48 =	vld [tilespmem:$0x1FD70];
	v32 =	vshrl.u32 v32, $0x3;
	v30 =	vadd.s32 v44, v30  }
0x363: {  	v2 =	vld [tilespmem:s13+$0x80];
	v32 =	vshll.u32 v32, v0;
	v37 =	vadd.s32 v45, v31  }
0x364: {  	s17 =	sadd.s32 $0xFFFFFFF5, s14;
	v5 =	vld [tilespmem:s13+$0x90];
	v32 =	vbroadcast v32, $0x0  }
0x365: {  	v39 =	vmov s17;
	v8 =	vld [tilespmem:s13+$0xB0]  }
0x366: {  	v39 =	vshrl.u32 v39, $0x3;
	v6 =	vld [tilespmem:s13+$0xA0];
	v31 =	vadd.s32 v46, v31;
	v41 =	vadd.s32 v47, v32;
	[tilespmem:v33+s26+$0x0] =	vst.idx.msk $0xffff, v10  }
0x367: {  	s16 =	sadd.s32 $0xFFFFFFF4, s14;
	v10 =	vadd.s32 v48, v32;
	v32 =	vshll.u32 v39, v0;
	v39 =	vld [tilespmem:$0x1FD80];
	[tilespmem:v30+s26+$0x0] =	vst.idx.msk $0xffff, v11  }
0x368: {  	v35 =	vmov s16;
	[tilespmem:v37+s26+$0x0] =	vst.idx.msk $0xffff, v12;
	v37 =	vld [tilespmem:$0x1FD90]  }
0x369: {  	v35 =	vshrl.u32 v35, $0x3  }
0x36a: {  	v35 =	vshll.u32 v35, v0  }
0x36b: {  	v35 =	vbroadcast v35, $0x0;
	[tilespmem:v31+s26+$0x0] =	vst.idx.msk $0xffff, v13  }
0x36c: {  	[tilespmem:v41+s26+$0x0] =	vst.idx.msk $0xffff, v14;
	v41 =	vld [tilespmem:$0x1FDB0]  }
0x36d: {  	s16 =	sadd.s32 $0xFFFFFFF6, s14;
	v11 =	vadd.s32 v39, v35;
	v12 =	vadd.s32 v37, v35;
	v35 =	vld [tilespmem:$0x1FDA0]  }
0x36e: {  	v42 =	vmov s16  }
0x36f: {  	s17 =	sadd.s32 $0xFFFFFFF7, s14;
	v42 =	vshrl.u32 v42, $0x3;
	v30 =	vbroadcast v32, $0x0  }
0x370: {  	v32 =	vshll.u32 v42, v0;
	v42 =	vmov s17  }
0x371: {  	s16 =	sadd.s32 $0xFFFFFFF8, s14;
	v31 =	vbroadcast v32, $0x0;
	v32 =	vshrl.u32 v42, $0x3;
	v14 =	vadd.s32 v41, v30  }
0x372: {  	v42 =	vld [tilespmem:$0x1FDC0];
	v13 =	vadd.s32 v35, v30;
	v30 =	vshll.u32 v32, v0;
	v32 =	vmov s16  }
0x373: {  	[tilespmem:v10+s26+$0x0] =	vst.idx.msk $0xffff, v15;
	v15 =	vbroadcast v30, $0x0;
	v30 =	vshrl.u32 v32, $0x3;
	v32 =	vld [tilespmem:$0x1FDD0];
	_ =	sdelay $0x3  }
0x374: {  	[tilespmem:v11+s26+$0x0] =	vst.idx.msk $0xffff, v16  }
0x375: {  	v10 =	vadd.s32 v42, v31;
	[tilespmem:v12+s26+$0x0] =	vst.idx.msk $0xffff, v17;
	v11 =	vadd.s32 v32, v31;
	v31 =	vld [tilespmem:$0x1FDE0]  }
0x376: {  	[tilespmem:v13+s26+$0x0] =	vst.idx.msk $0xffff, v18;
	v18 =	vld [tilespmem:$0x1FDF0]  }
0x377: {  	[tilespmem:v14+s26+$0x0] =	vst.idx.msk $0xffff, v19;
	v19 =	vld [tilespmem:$0x1FE00]  }
0x378: {  	s17 =	sadd.s32 $0xFFFFFFF9, s14  }
0x379: {  	v33 =	vld [tilespmem:$0x1FD00];
	v16 =	vshll.u32 v30, v0;
	v30 =	vmov s17  }
0x37a: {  	s16 =	sadd.s32 $0xFFFFFFFA, s14;
	v16 =	vbroadcast v16, $0x0;
	v30 =	vshrl.u32 v30, $0x3;
	v12 =	vadd.s32 v31, v15  }
0x37b: {  	v13 =	vadd.s32 v18, v15;
	v15 =	vshll.u32 v30, v0;
	v30 =	vmov s16  }
0x37c: {  	s17 =	sadd.s32 $0xFFFFFFFB, s14;
	v14 =	vadd.s32 v19, v16;
	v15 =	vbroadcast v15, $0x0;
	v17 =	vshrl.u32 v30, $0x3  }
0x37d: {  	[tilespmem:v10+s26+$0x0] =	vst.idx.msk $0xffff, v20;
	v10 =	vadd.s32 v43, v16;
	v20 =	vmov s17;
	v30 =	vshll.u32 v17, v0  }
0x37e: {  	s16 =	sadd.s32 $0xFFFFFFFC, s14;
	[tilespmem:v11+s26+$0x0] =	vst.idx.msk $0xffff, v21;
	v17 =	vshrl.u32 v20, $0x3;
	v11 =	vadd.s32 v33, v15;
	v16 =	vbroadcast v30, $0x0  }
0x37f: {  	v30 =	vadd.s32 v44, v15;
	v33 =	vshll.u32 v17, v0;
	v44 =	vmov s16;
	[tilespmem:v12+s26+$0x0] =	vst.idx.msk $0xffff, v22  }
0x380: {  	s17 =	sadd.s32 $0xFFFFFFFD, s14;
	v15 =	vbroadcast v33, $0x0;
	v17 =	vshrl.u32 v44, $0x3;
	v45 =	vadd.s32 v45, v16;
	[tilespmem:v13+s26+$0x0] =	vst.idx.msk $0xffff, v23  }
0x381: {  	v20 =	vadd.s32 v46, v16;
	v21 =	vshll.u32 v17, v0;
	v22 =	vmov s17;
	[tilespmem:v14+s26+$0x0] =	vst.idx.msk $0xffff, v24  }
0x382: {  	s16 =	sadd.s32 $0xFFFFFFFE, s14;
	v23 =	vadd.s32 v47, v15;
	v16 =	vbroadcast v21, $0x0;
	v17 =	vshrl.u32 v22, $0x3;
	[tilespmem:v10+s26+$0x0] =	vst.idx.msk $0xffff, v25  }
0x383: {  	v24 =	vadd.s32 v48, v15;
	v25 =	vshll.u32 v17, v0;
	[tilespmem:v11+s26+$0x0] =	vst.idx.msk $0xffff, v26;
	v26 =	vmov s16  }
0x384: {  	s17 =	sadd.s32 $0xFFFFFFFF, s14;
	v15 =	vbroadcast v25, $0x0;
	[tilespmem:v30+s26+$0x0] =	vst.idx.msk $0xffff, v27;
	v27 =	vadd.s32 v39, v16;
	v17 =	vshrl.u32 v26, $0x3  }
0x385: {  	v33 =	vmov s17;
	[tilespmem:v45+s26+$0x0] =	vst.idx.msk $0xffff, v28;
	v28 =	vadd.s32 v37, v16;
	v30 =	vshll.u32 v17, v0  }
0x386: {  	v35 =	vadd.s32 v35, v15;
	v17 =	vshrl.u32 v33, $0x3;
	[tilespmem:v20+s26+$0x0] =	vst.idx.msk $0xffff, v29;
	v16 =	vbroadcast v30, $0x0  }
0x387: {  	v37 =	vadd.s32 v41, v15;
	v41 =	vmov s14;
	v39 =	vshll.u32 v17, v0;
	[tilespmem:v23+s26+$0x0] =	vst.idx.msk $0xffff, v9  }
0x388: {  	v45 =	vshrl.u32 v41, $0x3;
	v10 =	vbroadcast v39, $0x0;
	[tilespmem:v24+s26+$0x0] =	vst.idx.msk $0xffff, v7;
	v44 =	vadd.s32 v42, v16  }
0x389: {  	v11 =	vshll.u32 v45, v0;
	[tilespmem:v27+s26+$0x0] =	vst.idx.msk $0xffff, v3;
	v3 =	vadd.s32 v32, v16  }
0x38a: {  	v11 =	vbroadcast v11, $0x0;
	v46 =	vadd.s32 v31, v10;
	[tilespmem:v28+s26+$0x0] =	vst.idx.msk $0xffff, v4  }
0x38b: {  	[tilespmem:v35+s26+$0x0] =	vst.idx.msk $0xffff, v2;
	v2 =	vadd.s32 v18, v10  }
0x38c: {  	v47 =	vadd.s32 v19, v11;
	[tilespmem:v37+s26+$0x0] =	vst.idx.msk $0xffff, v5  }
0x38d: {  	p0 =	sne.s32 s14, $0x7F;
	v48 =	vadd.s32 v43, v11;
	[tilespmem:v44+s26+$0x0] =	vst.idx.msk $0xffff, v6  }
.Ltmp8:
0x38e: {  	[tilespmem:v3+s26+$0x0] =	vst.idx.msk $0xffff, v8;
	(pc) =	sbr.rel @p0 .LBB2_19-.Ltmp8, $4  }
0x38f: {  	[tilespmem:v46+s26+$0x0] =	vst.idx.msk $0xffff, v34  }
0x390: {  	[tilespmem:v2+s26+$0x0] =	vst.idx.msk $0xffff, v36  }
0x391: {  	[tilespmem:v47+s26+$0x0] =	vst.idx.msk $0xffff, v38  }
0x392: {  	s13 =	sadd.s32 $0x200, s13;
	s14 =	sadd.s32 $0x10, s14;
	[tilespmem:v48+s26+$0x0] =	vst.idx.msk $0xffff, v40  }
0x393: {  	v33 =	vld [tilespmem:$0x1FE30]  }
0x394: {  	v35 =	vld [tilespmem:$0x1FE40]  }
0x395: {  	s13 =	simm.s32 $0xB5F0;
	v47 =	vld [tilespmem:$0x1FF10]  }
.LBB2_21:
0x396: {  	v2 =	vld [tilespmem:s13+$0xFFFFFE10]  }
0x397: {  	v3 =	vld [tilespmem:s13+$0xFFFFFE20]  }
0x398: {  	v4 =	vld [tilespmem:s13+$0xFFFFFE30]  }
0x399: {  	v5 =	vld [tilespmem:s13+$0xFFFFFE40]  }
0x39a: {  	v6 =	vld [tilespmem:s13+$0xFFFFFE50]  }
0x39b: {  	v7 =	vld [tilespmem:s13+$0xFFFFFE60]  }
0x39c: {  	v8 =	vld [tilespmem:s13+$0xFFFFFE70]  }
0x39d: {  	v9 =	vld [tilespmem:s13+$0xFFFFFE80]  }
0x39e: {  	v10 =	vld [tilespmem:s13+$0xFFFFFE90]  }
0x39f: {  	v11 =	vld [tilespmem:s13+$0xFFFFFEA0]  }
0x3a0: {  	v12 =	vld [tilespmem:s13+$0xFFFFFEB0]  }
0x3a1: {  	v13 =	vld [tilespmem:s13+$0xFFFFFEC0]  }
0x3a2: {  	v14 =	vld [tilespmem:s13+$0xFFFFFED0]  }
0x3a3: {  	v15 =	vld [tilespmem:s13+$0xFFFFFEE0]  }
0x3a4: {  	v16 =	vld [tilespmem:s13+$0xFFFFFEF0]  }
0x3a5: {  	v17 =	vld [tilespmem:s13+$0xFFFFFF00]  }
0x3a6: {  	v18 =	vld [tilespmem:s13+$0xFFFFFF10]  }
0x3a7: {  	v19 =	vld [tilespmem:s13+$0xFFFFFF20]  }
0x3a8: {  	v20 =	vld [tilespmem:s13+$0xFFFFFF30]  }
0x3a9: {  	v21 =	vld [tilespmem:s13+$0xFFFFFF40]  }
0x3aa: {  	v22 =	vld [tilespmem:s13+$0xFFFFFF50]  }
0x3ab: {  	v23 =	vld [tilespmem:s13+$0xFFFFFF60]  }
0x3ac: {  	v24 =	vld [tilespmem:s13+$0xFFFFFF70]  }
0x3ad: {  	v26 =	vld [tilespmem:s13+$0xFFFFFF80]  }
0x3ae: {  	s14 =	sadd.s32 $0xFFFFFFF1, s0;
	v27 =	vld [tilespmem:s13+$0xFFFFFF90]  }
0x3af: {  	v42 =	vld [tilespmem:$0x1FE20];
	v25 =	vmov s14  }
0x3b0: {  	v28 =	vld [tilespmem:s13+$0xFFFFFFA0];
	v25 =	vshrl.u32 v25, $0x3  }
0x3b1: {  	v29 =	vld [tilespmem:s13+$0xFFFFFFB0];
	v25 =	vshll.u32 v25, v0  }
0x3b2: {  	v37 =	vld [tilespmem:$0x1FE50];
	v25 =	vbroadcast v25, $0x0  }
0x3b3: {  	v41 =	vld [tilespmem:$0x1FE60]  }
0x3b4: {  	v30 =	vld [tilespmem:s13+$0xFFFFFFC0];
	v31 =	vadd.s32 v42, v25  }
0x3b5: {  	v32 =	vld [tilespmem:s13+$0xFFFFFFD0];
	v33 =	vadd.s32 v33, v25  }
0x3b6: {  	v34 =	vld [tilespmem:s13+$0xFFFFFFE0];
	v35 =	vadd.s32 v35, v25  }
0x3b7: {  	v36 =	vld [tilespmem:s13+$0xFFFFFFF0];
	v37 =	vadd.s32 v37, v25  }
0x3b8: {  	v38 =	vld [tilespmem:s13+$0x0];
	v39 =	vadd.s32 v41, v25  }
0x3b9: {  	v43 =	vld [tilespmem:$0x1FE70];
	[tilespmem:v31+s26+$0x0] =	vst.idx.msk $0xffff, v2  }
0x3ba: {  	v44 =	vld [tilespmem:$0x1FE80];
	[tilespmem:v33+s26+$0x0] =	vst.idx.msk $0xffff, v3  }
0x3bb: {  	v45 =	vld [tilespmem:$0x1FE90];
	[tilespmem:v35+s26+$0x0] =	vst.idx.msk $0xffff, v4  }
0x3bc: {  	[tilespmem:v37+s26+$0x0] =	vst.idx.msk $0xffff, v5;
	v37 =	vld [tilespmem:$0x1FEA0]  }
0x3bd: {  	[tilespmem:v39+s26+$0x0] =	vst.idx.msk $0xffff, v6;
	v39 =	vld [tilespmem:$0x1FEB0]  }
0x3be: {  	v2 =	vadd.s32 v43, v25  }
0x3bf: {  	v3 =	vadd.s32 v44, v25  }
0x3c0: {  	v46 =	vadd.s32 v45, v25  }
0x3c1: {  	v5 =	vadd.s32 v37, v25  }
0x3c2: {  	v6 =	vadd.s32 v39, v25  }
0x3c3: {  	v40 =	vld [tilespmem:$0x1FEC0];
	[tilespmem:v2+s26+$0x0] =	vst.idx.msk $0xffff, v7  }
0x3c4: {  	v48 =	vld [tilespmem:$0x1FED0];
	[tilespmem:v3+s26+$0x0] =	vst.idx.msk $0xffff, v8  }
0x3c5: {  	[tilespmem:v46+s26+$0x0] =	vst.idx.msk $0xffff, v9;
	v46 =	vld [tilespmem:$0x1FEE0]  }
0x3c6: {  	[tilespmem:v5+s26+$0x0] =	vst.idx.msk $0xffff, v10;
	v10 =	vld [tilespmem:$0x1FEF0]  }
0x3c7: {  	[tilespmem:v6+s26+$0x0] =	vst.idx.msk $0xffff, v11;
	v11 =	vld [tilespmem:$0x1FF00]  }
0x3c8: {  	s17 =	sadd.s32 $0xFFFFFFF9, s0;
	v2 =	vadd.s32 v40, v25  }
0x3c9: {  	v7 =	vmov s17;
	v3 =	vadd.s32 v48, v25  }
0x3ca: {  	s15 =	sadd.s32 $0xFFFFFFFA, s0;
	v33 =	vld [tilespmem:$0x1FE30];
	v7 =	vshrl.u32 v7, $0x3;
	v4 =	vadd.s32 v46, v25  }
0x3cb: {  	v35 =	vld [tilespmem:$0x1FE40];
	v8 =	vmov s15;
	v7 =	vshll.u32 v7, v0;
	v5 =	vadd.s32 v10, v25  }
0x3cc: {  	s16 =	sadd.s32 $0xFFFFFFFB, s0;
	v31 =	vld [tilespmem:$0x1FE50];
	v8 =	vshrl.u32 v8, $0x3;
	v7 =	vbroadcast v7, $0x0;
	v6 =	vadd.s32 v11, v25  }
0x3cd: {  	v8 =	vshll.u32 v8, v0;
	[tilespmem:v2+s26+$0x0] =	vst.idx.msk $0xffff, v12;
	v2 =	vadd.s32 v47, v25;
	v12 =	vmov s16  }
0x3ce: {  	s17 =	sadd.s32 $0xFFFFFFFC, s0;
	v8 =	vbroadcast v8, $0x0;
	[tilespmem:v3+s26+$0x0] =	vst.idx.msk $0xffff, v13;
	v3 =	vadd.s32 v42, v7;
	v9 =	vshrl.u32 v12, $0x3  }
0x3cf: {  	v12 =	vmov s17;
	[tilespmem:v4+s26+$0x0] =	vst.idx.msk $0xffff, v14;
	v42 =	vshll.u32 v9, v0;
	v25 =	vadd.s32 v33, v7  }
0x3d0: {  	s15 =	sadd.s32 $0xFFFFFFFD, s0;
	v13 =	vadd.s32 v35, v8;
	v9 =	vshrl.u32 v12, $0x3;
	v7 =	vbroadcast v42, $0x0;
	[tilespmem:v5+s26+$0x0] =	vst.idx.msk $0xffff, v15  }
0x3d1: {  	v14 =	vadd.s32 v31, v8;
	v15 =	vshll.u32 v9, v0;
	[tilespmem:v6+s26+$0x0] =	vst.idx.msk $0xffff, v16;
	v16 =	vmov s15  }
0x3d2: {  	s16 =	sadd.s32 $0xFFFFFFFE, s0;
	v8 =	vbroadcast v15, $0x0;
	[tilespmem:v2+s26+$0x0] =	vst.idx.msk $0xffff, v17;
	v2 =	vadd.s32 v41, v7;
	v9 =	vshrl.u32 v16, $0x3  }
0x3d3: {  	[tilespmem:v3+s26+$0x0] =	vst.idx.msk $0xffff, v18;
	v3 =	vadd.s32 v43, v7;
	v17 =	vshll.u32 v9, v0;
	v18 =	vmov s16  }
0x3d4: {  	s17 =	sadd.s32 $0xFFFFFFFF, s0;
	[tilespmem:v25+s26+$0x0] =	vst.idx.msk $0xffff, v19;
	v19 =	vadd.s32 v44, v8;
	v7 =	vbroadcast v17, $0x0;
	v9 =	vshrl.u32 v18, $0x3  }
0x3d5: {  	v31 =	vmov s17;
	[tilespmem:v13+s26+$0x0] =	vst.idx.msk $0xffff, v20;
	v20 =	vadd.s32 v45, v8;
	v25 =	vshll.u32 v9, v0  }
0x3d6: {  	v9 =	vshrl.u32 v31, $0x3;
	[tilespmem:v14+s26+$0x0] =	vst.idx.msk $0xffff, v21;
	v41 =	vadd.s32 v37, v7;
	v8 =	vbroadcast v25, $0x0  }
0x3d7: {  	v43 =	vmov s0;
	v42 =	vshll.u32 v9, v0;
	[tilespmem:v2+s26+$0x0] =	vst.idx.msk $0xffff, v22;
	v2 =	vadd.s32 v39, v7  }
0x3d8: {  	v9 =	vshrl.u32 v43, $0x3;
	v7 =	vbroadcast v42, $0x0;
	[tilespmem:v3+s26+$0x0] =	vst.idx.msk $0xffff, v23;
	v3 =	vadd.s32 v40, v8  }
0x3d9: {  	v45 =	vshll.u32 v9, v0;
	v44 =	vadd.s32 v48, v8;
	[tilespmem:v19+s26+$0x0] =	vst.idx.msk $0xffff, v24  }
0x3da: {  	v8 =	vbroadcast v45, $0x0;
	v46 =	vadd.s32 v46, v7;
	[tilespmem:v20+s26+$0x0] =	vst.idx.msk $0xffff, v26  }
0x3db: {  	v48 =	vadd.s32 v10, v7;
	[tilespmem:v41+s26+$0x0] =	vst.idx.msk $0xffff, v27  }
0x3dc: {  	[tilespmem:v2+s26+$0x0] =	vst.idx.msk $0xffff, v28;
	v2 =	vadd.s32 v11, v8  }
0x3dd: {  	p0 =	sne.s32 s0, $0x7F;
	[tilespmem:v3+s26+$0x0] =	vst.idx.msk $0xffff, v29;
	v3 =	vadd.s32 v47, v8  }
.Ltmp9:
0x3de: {  	[tilespmem:v44+s26+$0x0] =	vst.idx.msk $0xffff, v30;
	(pc) =	sbr.rel @p0 .LBB2_21-.Ltmp9, $4  }
0x3df: {  	[tilespmem:v46+s26+$0x0] =	vst.idx.msk $0xffff, v32  }
0x3e0: {  	[tilespmem:v48+s26+$0x0] =	vst.idx.msk $0xffff, v34  }
0x3e1: {  	[tilespmem:v2+s26+$0x0] =	vst.idx.msk $0xffff, v36  }
0x3e2: {  	s13 =	sadd.s32 $0x200, s13;
	s0 =	sadd.s32 $0x10, s0;
	[tilespmem:v3+s26+$0x0] =	vst.idx.msk $0xffff, v38  }
0x3e3: {  	v42 =	vld [tilespmem:$0x1FF20]  }
0x3e4: {  	v43 =	vld [tilespmem:$0x1FF30]  }
0x3e5: {  	v44 =	vld [tilespmem:$0x1FF40]  }
0x3e6: {  	v45 =	vld [tilespmem:$0x1FF50]  }
0x3e7: {  	v46 =	vld [tilespmem:$0x1FF60]  }
0x3e8: {  	v47 =	vld [tilespmem:$0x1FF70]  }
0x3e9: {  	v48 =	vld [tilespmem:$0x1FF80]  }
0x3ea: {  	v41 =	vld [tilespmem:$0x1FD10]  }
0x3eb: {  	s13 =	simm.s32 $0xF;
	s0 =	simm.s32 $0xC5F0;
	s14 =	simm.s32 $0xF;
	v40 =	vld [tilespmem:$0x1FFF0]  }
.LBB2_23:
0x3ec: {  	v2 =	vld [tilespmem:s0+$0xFFFFFE10]  }
0x3ed: {  	v3 =	vld [tilespmem:s0+$0xFFFFFE20]  }
0x3ee: {  	v4 =	vld [tilespmem:s0+$0xFFFFFE30]  }
0x3ef: {  	v5 =	vld [tilespmem:s0+$0xFFFFFE40]  }
0x3f0: {  	v6 =	vld [tilespmem:s0+$0xFFFFFE50]  }
0x3f1: {  	v7 =	vld [tilespmem:s0+$0xFFFFFE60]  }
0x3f2: {  	v8 =	vld [tilespmem:s0+$0xFFFFFE70]  }
0x3f3: {  	v9 =	vld [tilespmem:s0+$0xFFFFFE80]  }
0x3f4: {  	v10 =	vld [tilespmem:s0+$0xFFFFFE90]  }
0x3f5: {  	v11 =	vld [tilespmem:s0+$0xFFFFFEA0]  }
0x3f6: {  	v12 =	vld [tilespmem:s0+$0xFFFFFEB0]  }
0x3f7: {  	v13 =	vld [tilespmem:s0+$0xFFFFFEC0]  }
0x3f8: {  	v14 =	vld [tilespmem:s0+$0xFFFFFED0]  }
0x3f9: {  	v15 =	vld [tilespmem:s0+$0xFFFFFEE0]  }
0x3fa: {  	v16 =	vld [tilespmem:s0+$0xFFFFFEF0]  }
0x3fb: {  	v17 =	vld [tilespmem:s0+$0xFFFFFF00]  }
0x3fc: {  	v18 =	vld [tilespmem:s0+$0xFFFFFF10]  }
0x3fd: {  	v19 =	vld [tilespmem:s0+$0xFFFFFF20]  }
0x3fe: {  	v20 =	vld [tilespmem:s0+$0xFFFFFF30]  }
0x3ff: {  	v21 =	vld [tilespmem:s0+$0xFFFFFF40]  }
0x400: {  	v22 =	vld [tilespmem:s0+$0xFFFFFF50]  }
0x401: {  	s15 =	sadd.s32 $0xFFFFFFF1, s14;
	v23 =	vld [tilespmem:s0+$0xFFFFFF60]  }
0x402: {  	v24 =	vld [tilespmem:s0+$0xFFFFFF70];
	v25 =	vmov s15  }
0x403: {  	v26 =	vld [tilespmem:s0+$0xFFFFFF80];
	v25 =	vshrl.u32 v25, $0x3  }
0x404: {  	v27 =	vld [tilespmem:s0+$0xFFFFFF90];
	v25 =	vshll.u32 v25, v0  }
0x405: {  	v28 =	vld [tilespmem:s0+$0xFFFFFFA0];
	v25 =	vbroadcast v25, $0x0  }
0x406: {  	v29 =	vld [tilespmem:s0+$0xFFFFFFB0]  }
0x407: {  	v30 =	vld [tilespmem:s0+$0xFFFFFFC0];
	v31 =	vadd.s32 v42, v25  }
0x408: {  	v32 =	vld [tilespmem:s0+$0xFFFFFFD0];
	v33 =	vadd.s32 v43, v25  }
0x409: {  	v34 =	vld [tilespmem:s0+$0xFFFFFFE0]  }
0x40a: {  	v36 =	vld [tilespmem:s0+$0xFFFFFFF0]  }
0x40b: {  	v38 =	vld [tilespmem:s0+$0x0];
	v35 =	vadd.s32 v44, v25  }
0x40c: {  	v37 =	vadd.s32 v45, v25;
	[tilespmem:v31+s26+$0x0] =	vst.idx.msk $0xffff, v2;
	v31 =	vld [tilespmem:$0x1FD20]  }
0x40d: {  	v39 =	vadd.s32 v46, v25;
	[tilespmem:v33+s26+$0x0] =	vst.idx.msk $0xffff, v3;
	v33 =	vld [tilespmem:$0x1FF90]  }
0x40e: {  	v2 =	vadd.s32 v47, v25  }
0x40f: {  	v3 =	vadd.s32 v48, v25  }
0x410: {  	[tilespmem:v35+s26+$0x0] =	vst.idx.msk $0xffff, v4;
	v4 =	vadd.s32 v41, v25  }
0x411: {  	[tilespmem:v37+s26+$0x0] =	vst.idx.msk $0xffff, v5;
	v5 =	vadd.s32 v31, v25  }
0x412: {  	[tilespmem:v39+s26+$0x0] =	vst.idx.msk $0xffff, v6;
	v6 =	vadd.s32 v33, v25  }
0x413: {  	v35 =	vld [tilespmem:$0x1FFA0];
	[tilespmem:v2+s26+$0x0] =	vst.idx.msk $0xffff, v7  }
0x414: {  	v37 =	vld [tilespmem:$0x1FFB0];
	[tilespmem:v3+s26+$0x0] =	vst.idx.msk $0xffff, v8  }
0x415: {  	v39 =	vld [tilespmem:$0x1FFC0];
	[tilespmem:v4+s26+$0x0] =	vst.idx.msk $0xffff, v9  }
0x416: {  	[tilespmem:v5+s26+$0x0] =	vst.idx.msk $0xffff, v10;
	v10 =	vld [tilespmem:$0x1FFD0]  }
0x417: {  	[tilespmem:v6+s26+$0x0] =	vst.idx.msk $0xffff, v11;
	v11 =	vld [tilespmem:$0x1FFE0]  }
0x418: {  	s17 =	sadd.s32 $0xFFFFFFF9, s14;
	v2 =	vadd.s32 v35, v25  }
0x419: {  	v7 =	vmov s17;
	v3 =	vadd.s32 v37, v25  }
0x41a: {  	s16 =	sadd.s32 $0xFFFFFFFA, s14;
	v7 =	vshrl.u32 v7, $0x3;
	v4 =	vadd.s32 v39, v25  }
0x41b: {  	v8 =	vmov s16;
	v7 =	vshll.u32 v7, v0;
	v5 =	vadd.s32 v10, v25  }
0x41c: {  	s17 =	sadd.s32 $0xFFFFFFFB, s14;
	v8 =	vshrl.u32 v8, $0x3;
	v7 =	vbroadcast v7, $0x0;
	v6 =	vadd.s32 v11, v25  }
0x41d: {  	v8 =	vshll.u32 v8, v0;
	[tilespmem:v2+s26+$0x0] =	vst.idx.msk $0xffff, v12;
	v2 =	vadd.s32 v40, v25;
	v12 =	vmov s17  }
0x41e: {  	s16 =	sadd.s32 $0xFFFFFFFC, s14;
	v8 =	vbroadcast v8, $0x0;
	[tilespmem:v3+s26+$0x0] =	vst.idx.msk $0xffff, v13;
	v3 =	vadd.s32 v42, v7;
	v9 =	vshrl.u32 v12, $0x3  }
0x41f: {  	[tilespmem:v4+s26+$0x0] =	vst.idx.msk $0xffff, v14;
	v4 =	vadd.s32 v43, v7;
	v13 =	vshll.u32 v9, v0;
	v14 =	vmov s16  }
0x420: {  	s17 =	sadd.s32 $0xFFFFFFFD, s14;
	v7 =	vbroadcast v13, $0x0;
	v9 =	vshrl.u32 v14, $0x3;
	v25 =	vadd.s32 v44, v8;
	[tilespmem:v5+s26+$0x0] =	vst.idx.msk $0xffff, v15  }
0x421: {  	v12 =	vadd.s32 v45, v8;
	v14 =	vmov s17;
	v13 =	vshll.u32 v9, v0;
	[tilespmem:v6+s26+$0x0] =	vst.idx.msk $0xffff, v16  }
0x422: {  	s16 =	sadd.s32 $0xFFFFFFFE, s14;
	v9 =	vshrl.u32 v14, $0x3;
	v8 =	vbroadcast v13, $0x0;
	[tilespmem:v2+s26+$0x0] =	vst.idx.msk $0xffff, v17;
	v2 =	vadd.s32 v46, v7  }
0x423: {  	v15 =	vshll.u32 v9, v0;
	v16 =	vmov s16;
	[tilespmem:v3+s26+$0x0] =	vst.idx.msk $0xffff, v18;
	v3 =	vadd.s32 v47, v7  }
0x424: {  	s17 =	sadd.s32 $0xFFFFFFFF, s14;
	v17 =	vadd.s32 v48, v8;
	v9 =	vshrl.u32 v16, $0x3;
	v7 =	vbroadcast v15, $0x0;
	[tilespmem:v4+s26+$0x0] =	vst.idx.msk $0xffff, v19  }
0x425: {  	v18 =	vadd.s32 v41, v8;
	v19 =	vshll.u32 v9, v0;
	[tilespmem:v25+s26+$0x0] =	vst.idx.msk $0xffff, v20;
	v20 =	vmov s17  }
0x426: {  	v8 =	vbroadcast v19, $0x0;
	[tilespmem:v12+s26+$0x0] =	vst.idx.msk $0xffff, v21;
	v21 =	vadd.s32 v31, v7;
	v9 =	vshrl.u32 v20, $0x3  }
0x427: {  	v31 =	vmov s14;
	[tilespmem:v2+s26+$0x0] =	vst.idx.msk $0xffff, v22;
	v2 =	vadd.s32 v33, v7;
	v25 =	vshll.u32 v9, v0  }
0x428: {  	v9 =	vshrl.u32 v31, $0x3;
	[tilespmem:v3+s26+$0x0] =	vst.idx.msk $0xffff, v23;
	v3 =	vadd.s32 v35, v8;
	v7 =	vbroadcast v25, $0x0  }
0x429: {  	v33 =	vadd.s32 v37, v8;
	v35 =	vshll.u32 v9, v0;
	[tilespmem:v17+s26+$0x0] =	vst.idx.msk $0xffff, v24  }
0x42a: {  	v8 =	vbroadcast v35, $0x0;
	[tilespmem:v18+s26+$0x0] =	vst.idx.msk $0xffff, v26;
	v37 =	vadd.s32 v39, v7  }
0x42b: {  	v39 =	vadd.s32 v10, v7;
	[tilespmem:v21+s26+$0x0] =	vst.idx.msk $0xffff, v27  }
0x42c: {  	[tilespmem:v2+s26+$0x0] =	vst.idx.msk $0xffff, v28;
	v2 =	vadd.s32 v11, v8  }
0x42d: {  	p0 =	sne.s32 s14, $0x7F;
	[tilespmem:v3+s26+$0x0] =	vst.idx.msk $0xffff, v29;
	v3 =	vadd.s32 v40, v8  }
.Ltmp10:
0x42e: {  	[tilespmem:v33+s26+$0x0] =	vst.idx.msk $0xffff, v30;
	(pc) =	sbr.rel @p0 .LBB2_23-.Ltmp10, $4  }
0x42f: {  	[tilespmem:v37+s26+$0x0] =	vst.idx.msk $0xffff, v32  }
0x430: {  	[tilespmem:v39+s26+$0x0] =	vst.idx.msk $0xffff, v34  }
0x431: {  	[tilespmem:v2+s26+$0x0] =	vst.idx.msk $0xffff, v36  }
0x432: {  	s0 =	sadd.s32 $0x200, s0;
	s14 =	sadd.s32 $0x10, s14;
	[tilespmem:v3+s26+$0x0] =	vst.idx.msk $0xffff, v38  }
0x433: {  	s0 =	simm.s32 $0xD5F0  }
0x434: {  	v2 =	vld [tilespmem:s0+$0x0]  }
0x435: {  	v3 =	vld [tilespmem:s0+$0xFFFFFFF0]  }
0x436: {  	v4 =	vld [tilespmem:s0+$0xFFFFFFE0]  }
0x437: {  	v5 =	vld [tilespmem:s0+$0xFFFFFFD0]  }
0x438: {  	v6 =	vld [tilespmem:s0+$0xFFFFFFC0]  }
0x439: {  	v7 =	vld [tilespmem:s0+$0xFFFFFFB0]  }
0x43a: {  	v8 =	vld [tilespmem:s0+$0xFFFFFFA0]  }
0x43b: {  	v9 =	vld [tilespmem:s0+$0xFFFFFF90]  }
0x43c: {  	v10 =	vld [tilespmem:s0+$0xFFFFFF80]  }
0x43d: {  	v11 =	vld [tilespmem:s0+$0xFFFFFF70]  }
0x43e: {  	v12 =	vld [tilespmem:s0+$0xFFFFFF60]  }
0x43f: {  	v13 =	vld [tilespmem:s0+$0xFFFFFF50]  }
0x440: {  	v14 =	vld [tilespmem:s0+$0xFFFFFF40]  }
0x441: {  	v15 =	vld [tilespmem:s0+$0xFFFFFF30]  }
0x442: {  	v16 =	vld [tilespmem:s0+$0xFFFFFF20]  }
0x443: {  	v17 =	vld [tilespmem:s0+$0xFFFFFF10]  }
0x444: {  	v18 =	vld [tilespmem:s0+$0xFFFFFF00]  }
0x445: {  	v19 =	vld [tilespmem:s0+$0xFFFFFEF0]  }
0x446: {  	v20 =	vld [tilespmem:s0+$0xFFFFFEE0]  }
0x447: {  	v21 =	vld [tilespmem:s0+$0xFFFFFED0]  }
0x448: {  	s14 =	simm.s32 $0x0;
	v22 =	vld [tilespmem:s0+$0xFFFFFEC0]  }
0x449: {  	v23 =	vld [tilespmem:s0+$0xFFFFFEB0];
	v25 =	vmov s14  }
0x44a: {  	v24 =	vld [tilespmem:s0+$0xFFFFFEA0];
	v25 =	vshrl.u32 v25, $0x3  }
0x44b: {  	v26 =	vld [tilespmem:s0+$0xFFFFFE90];
	v25 =	vshll.u32 v25, v0  }
0x44c: {  	v27 =	vld [tilespmem:s0+$0xFFFFFE80];
	v25 =	vbroadcast v25, $0x0  }
0x44d: {  	v28 =	vld [tilespmem:s0+$0xFFFFFE70]  }
0x44e: {  	v30 =	vld [tilespmem:s0+$0xFFFFFE10];
	v31 =	vadd.s32 v49, v25  }
0x44f: {  	v32 =	vld [tilespmem:s0+$0xFFFFFE20];
	v33 =	vadd.s32 v50, v25  }
0x450: {  	v34 =	vld [tilespmem:s0+$0xFFFFFE30];
	v35 =	vadd.s32 v51, v25  }
0x451: {  	v36 =	vld [tilespmem:s0+$0xFFFFFE40];
	v37 =	vadd.s32 v52, v25  }
0x452: {  	v38 =	vld [tilespmem:s0+$0xFFFFFE50];
	v39 =	vadd.s32 v53, v25  }
0x453: {  	v29 =	vld [tilespmem:s0+$0xFFFFFE60];
	v46 =	vadd.s32 v54, v25;
	[tilespmem:v31+s26+$0x0] =	vst.idx.msk $0xffff, v30  }
0x454: {  	v47 =	vadd.s32 v55, v25;
	[tilespmem:v33+s26+$0x0] =	vst.idx.msk $0xffff, v32  }
0x455: {  	v48 =	vadd.s32 v56, v25;
	[tilespmem:v35+s26+$0x0] =	vst.idx.msk $0xffff, v34  }
0x456: {  	[tilespmem:v37+s26+$0x0] =	vst.idx.msk $0xffff, v36;
	v37 =	vadd.s32 v57, v25  }
0x457: {  	[tilespmem:v39+s26+$0x0] =	vst.idx.msk $0xffff, v38;
	v39 =	vadd.s32 v58, v25  }
0x458: {  	s17 =	simm.s32 $0x8;
	v40 =	vadd.s32 v59, v25;
	[tilespmem:v46+s26+$0x0] =	vst.idx.msk $0xffff, v29  }
0x459: {  	v42 =	vmov s17;
	v41 =	vadd.s32 v60, v25;
	[tilespmem:v47+s26+$0x0] =	vst.idx.msk $0xffff, v28  }
0x45a: {  	s15 =	simm.s32 $0x9;
	v43 =	vadd.s32 v61, v25;
	v30 =	vshrl.u32 v42, $0x3;
	[tilespmem:v48+s26+$0x0] =	vst.idx.msk $0xffff, v27  }
0x45b: {  	v45 =	vmov s15;
	v44 =	vadd.s32 v62, v25;
	v30 =	vshll.u32 v30, v0;
	[tilespmem:v37+s26+$0x0] =	vst.idx.msk $0xffff, v26  }
0x45c: {  	s16 =	simm.s32 $0xA;
	v31 =	vshrl.u32 v45, $0x3;
	v30 =	vbroadcast v30, $0x0;
	v46 =	vadd.s32 v63, v25;
	[tilespmem:v39+s26+$0x0] =	vst.idx.msk $0xffff, v24  }
0x45d: {  	v32 =	vmov s16;
	v47 =	vadd.s32 v1, v25;
	v48 =	vshll.u32 v31, v0;
	[tilespmem:v40+s26+$0x0] =	vst.idx.msk $0xffff, v23  }
0x45e: {  	s17 =	simm.s32 $0xB;
	v34 =	vshrl.u32 v32, $0x3;
	v33 =	vadd.s32 v49, v30;
	v25 =	vbroadcast v48, $0x0;
	[tilespmem:v41+s26+$0x0] =	vst.idx.msk $0xffff, v22  }
0x45f: {  	v36 =	vshll.u32 v34, v0;
	v35 =	vadd.s32 v50, v30;
	v37 =	vmov s17;
	[tilespmem:v43+s26+$0x0] =	vst.idx.msk $0xffff, v21  }
0x460: {  	s15 =	simm.s32 $0xC;
	v39 =	vbroadcast v36, $0x0;
	v38 =	vadd.s32 v51, v25;
	v40 =	vshrl.u32 v37, $0x3;
	[tilespmem:v44+s26+$0x0] =	vst.idx.msk $0xffff, v20  }
0x461: {  	v41 =	vadd.s32 v52, v25;
	v42 =	vshll.u32 v40, v0;
	v43 =	vmov s15;
	[tilespmem:v46+s26+$0x0] =	vst.idx.msk $0xffff, v19  }
0x462: {  	s16 =	simm.s32 $0xD;
	v45 =	vbroadcast v42, $0x0;
	v44 =	vadd.s32 v53, v39;
	v46 =	vshrl.u32 v43, $0x3;
	[tilespmem:v47+s26+$0x0] =	vst.idx.msk $0xffff, v18  }
0x463: {  	v28 =	vmov s16;
	v47 =	vadd.s32 v54, v39;
	v48 =	vshll.u32 v46, v0;
	[tilespmem:v33+s26+$0x0] =	vst.idx.msk $0xffff, v17  }
0x464: {  	v31 =	vshrl.u32 v28, $0x3;
	s17 =	simm.s32 $0xE;
	v29 =	vadd.s32 v55, v45;
	v30 =	vbroadcast v48, $0x0;
	[tilespmem:v35+s26+$0x0] =	vst.idx.msk $0xffff, v16  }
0x465: {  	v34 =	vmov s17;
	v32 =	vadd.s32 v56, v45;
	v33 =	vshll.u32 v31, v0;
	[tilespmem:v38+s26+$0x0] =	vst.idx.msk $0xffff, v15  }
0x466: {  	v37 =	vshrl.u32 v34, $0x3;
	v36 =	vbroadcast v33, $0x0;
	v35 =	vadd.s32 v57, v30;
	[tilespmem:v41+s26+$0x0] =	vst.idx.msk $0xffff, v14  }
0x467: {  	v40 =	vmov s13;
	v39 =	vshll.u32 v37, v0;
	v38 =	vadd.s32 v58, v30;
	[tilespmem:v44+s26+$0x0] =	vst.idx.msk $0xffff, v13  }
0x468: {  	v43 =	vshrl.u32 v40, $0x3;
	v42 =	vbroadcast v39, $0x0;
	v41 =	vadd.s32 v59, v36;
	[tilespmem:v47+s26+$0x0] =	vst.idx.msk $0xffff, v12  }
0x469: {  	v45 =	vshll.u32 v43, v0;
	v44 =	vadd.s32 v60, v36;
	[tilespmem:v29+s26+$0x0] =	vst.idx.msk $0xffff, v11  }
0x46a: {  	v46 =	vadd.s32 v61, v42;
	v47 =	vbroadcast v45, $0x0;
	[tilespmem:v32+s26+$0x0] =	vst.idx.msk $0xffff, v10  }
0x46b: {  	v48 =	vadd.s32 v62, v42;
	[tilespmem:v35+s26+$0x0] =	vst.idx.msk $0xffff, v9  }
0x46c: {  	[tilespmem:v38+s26+$0x0] =	vst.idx.msk $0xffff, v8;
	v8 =	vadd.s32 v63, v47  }
0x46d: {  	[tilespmem:v41+s26+$0x0] =	vst.idx.msk $0xffff, v7  }
0x46e: {  	v7 =	vadd.s32 v1, v47;
	[tilespmem:v44+s26+$0x0] =	vst.idx.msk $0xffff, v6  }
0x46f: {  	[tilespmem:v46+s26+$0x0] =	vst.idx.msk $0xffff, v5  }
0x470: {  	[tilespmem:v48+s26+$0x0] =	vst.idx.msk $0xffff, v4  }
0x471: {  	s13 =	simm.s32 $0x1F;
	[tilespmem:v8+s26+$0x0] =	vst.idx.msk $0xffff, v3  }
.LBB2_25:
0x472: {  	p0 =	sne.s32 s13, $0x7F  }
0x473: {  	[tilespmem:v7+s26+$0x0] =	vst.idx.msk $0xffff, v2;
	s0 =	sadd.s32 $0x200, s0;
	s14 =	smov.u32 s13;
	s13 =	sadd.s32 $0x10, s13  }
0x474: {  	v2 =	vld [tilespmem:s0+$0x0]  }
0x475: {  	v3 =	vld [tilespmem:s0+$0xFFFFFFF0]  }
0x476: {  	v4 =	vld [tilespmem:s0+$0xFFFFFFE0]  }
0x477: {  	v5 =	vld [tilespmem:s0+$0xFFFFFFD0]  }
0x478: {  	v6 =	vld [tilespmem:s0+$0xFFFFFFC0]  }
0x479: {  	v7 =	vld [tilespmem:s0+$0xFFFFFFB0]  }
0x47a: {  	v8 =	vld [tilespmem:s0+$0xFFFFFFA0]  }
0x47b: {  	v9 =	vld [tilespmem:s0+$0xFFFFFF90]  }
0x47c: {  	v10 =	vld [tilespmem:s0+$0xFFFFFF80]  }
0x47d: {  	v11 =	vld [tilespmem:s0+$0xFFFFFF70]  }
0x47e: {  	v12 =	vld [tilespmem:s0+$0xFFFFFF60]  }
0x47f: {  	v13 =	vld [tilespmem:s0+$0xFFFFFF50]  }
0x480: {  	v14 =	vld [tilespmem:s0+$0xFFFFFF40]  }
0x481: {  	v15 =	vld [tilespmem:s0+$0xFFFFFF30]  }
0x482: {  	v16 =	vld [tilespmem:s0+$0xFFFFFF20]  }
0x483: {  	v17 =	vld [tilespmem:s0+$0xFFFFFF10]  }
0x484: {  	v18 =	vld [tilespmem:s0+$0xFFFFFF00]  }
0x485: {  	v19 =	vld [tilespmem:s0+$0xFFFFFEF0]  }
0x486: {  	v20 =	vld [tilespmem:s0+$0xFFFFFEE0]  }
0x487: {  	v21 =	vld [tilespmem:s0+$0xFFFFFED0]  }
0x488: {  	v22 =	vld [tilespmem:s0+$0xFFFFFEC0]  }
0x489: {  	s15 =	sadd.s32 $0xFFFFFFF1, s14;
	v23 =	vld [tilespmem:s0+$0xFFFFFEB0]  }
0x48a: {  	v25 =	vmov s15;
	v24 =	vld [tilespmem:s0+$0xFFFFFEA0]  }
0x48b: {  	v25 =	vshrl.u32 v25, $0x3;
	v26 =	vld [tilespmem:s0+$0xFFFFFE90]  }
0x48c: {  	v25 =	vshll.u32 v25, v0;
	v27 =	vld [tilespmem:s0+$0xFFFFFE80]  }
0x48d: {  	v25 =	vbroadcast v25, $0x0;
	v28 =	vld [tilespmem:s0+$0xFFFFFE70]  }
0x48e: {  	v29 =	vld [tilespmem:s0+$0xFFFFFE60]  }
0x48f: {  	v31 =	vadd.s32 v49, v25;
	v30 =	vld [tilespmem:s0+$0xFFFFFE10]  }
0x490: {  	v33 =	vadd.s32 v50, v25;
	v32 =	vld [tilespmem:s0+$0xFFFFFE20]  }
0x491: {  	v35 =	vadd.s32 v51, v25;
	v34 =	vld [tilespmem:s0+$0xFFFFFE30]  }
0x492: {  	v37 =	vadd.s32 v52, v25;
	v36 =	vld [tilespmem:s0+$0xFFFFFE40]  }
0x493: {  	v39 =	vadd.s32 v53, v25;
	v38 =	vld [tilespmem:s0+$0xFFFFFE50]  }
0x494: {  	[tilespmem:v31+s26+$0x0] =	vst.idx.msk $0xffff, v30;
	v30 =	vadd.s32 v54, v25  }
0x495: {  	v31 =	vadd.s32 v55, v25;
	[tilespmem:v33+s26+$0x0] =	vst.idx.msk $0xffff, v32  }
0x496: {  	v32 =	vadd.s32 v56, v25;
	[tilespmem:v35+s26+$0x0] =	vst.idx.msk $0xffff, v34  }
0x497: {  	v33 =	vadd.s32 v57, v25;
	[tilespmem:v37+s26+$0x0] =	vst.idx.msk $0xffff, v36  }
0x498: {  	v34 =	vadd.s32 v58, v25;
	[tilespmem:v39+s26+$0x0] =	vst.idx.msk $0xffff, v38  }
0x499: {  	s15 =	sadd.s32 $0xFFFFFFF9, s14;
	[tilespmem:v30+s26+$0x0] =	vst.idx.msk $0xffff, v29;
	v29 =	vadd.s32 v59, v25  }
0x49a: {  	v30 =	vmov s15;
	[tilespmem:v31+s26+$0x0] =	vst.idx.msk $0xffff, v28;
	v28 =	vadd.s32 v60, v25  }
0x49b: {  	s15 =	sadd.s32 $0xFFFFFFFA, s14;
	v30 =	vshrl.u32 v30, $0x3;
	[tilespmem:v32+s26+$0x0] =	vst.idx.msk $0xffff, v27;
	v27 =	vadd.s32 v61, v25  }
0x49c: {  	v31 =	vmov s15;
	v30 =	vshll.u32 v30, v0;
	[tilespmem:v33+s26+$0x0] =	vst.idx.msk $0xffff, v26;
	v26 =	vadd.s32 v62, v25  }
0x49d: {  	s15 =	sadd.s32 $0xFFFFFFFB, s14;
	v31 =	vshrl.u32 v31, $0x3;
	v30 =	vbroadcast v30, $0x0;
	[tilespmem:v34+s26+$0x0] =	vst.idx.msk $0xffff, v24;
	v24 =	vadd.s32 v63, v25  }
0x49e: {  	[tilespmem:v29+s26+$0x0] =	vst.idx.msk $0xffff, v23;
	v23 =	vadd.s32 v1, v25;
	v25 =	vshll.u32 v31, v0;
	v29 =	vmov s15  }
0x49f: {  	s15 =	sadd.s32 $0xFFFFFFFC, s14;
	[tilespmem:v28+s26+$0x0] =	vst.idx.msk $0xffff, v22;
	v22 =	vadd.s32 v49, v30;
	v25 =	vbroadcast v25, $0x0;
	v28 =	vshrl.u32 v29, $0x3  }
0x4a0: {  	[tilespmem:v27+s26+$0x0] =	vst.idx.msk $0xffff, v21;
	v21 =	vadd.s32 v50, v30;
	v27 =	vshll.u32 v28, v0;
	v28 =	vmov s15  }
0x4a1: {  	s15 =	sadd.s32 $0xFFFFFFFD, s14;
	[tilespmem:v26+s26+$0x0] =	vst.idx.msk $0xffff, v20;
	v20 =	vadd.s32 v51, v25;
	v26 =	vbroadcast v27, $0x0;
	v27 =	vshrl.u32 v28, $0x3  }
0x4a2: {  	[tilespmem:v24+s26+$0x0] =	vst.idx.msk $0xffff, v19;
	v19 =	vadd.s32 v52, v25;
	v24 =	vshll.u32 v27, v0;
	v25 =	vmov s15  }
0x4a3: {  	s15 =	sadd.s32 $0xFFFFFFFE, s14;
	[tilespmem:v23+s26+$0x0] =	vst.idx.msk $0xffff, v18;
	v18 =	vadd.s32 v53, v26;
	v23 =	vbroadcast v24, $0x0;
	v24 =	vshrl.u32 v25, $0x3  }
0x4a4: {  	[tilespmem:v22+s26+$0x0] =	vst.idx.msk $0xffff, v17;
	v17 =	vadd.s32 v54, v26;
	v22 =	vshll.u32 v24, v0;
	v24 =	vmov s15  }
0x4a5: {  	s15 =	sadd.s32 $0xFFFFFFFF, s14;
	[tilespmem:v21+s26+$0x0] =	vst.idx.msk $0xffff, v16;
	v16 =	vadd.s32 v55, v23;
	v21 =	vbroadcast v22, $0x0;
	v22 =	vshrl.u32 v24, $0x3  }
0x4a6: {  	[tilespmem:v20+s26+$0x0] =	vst.idx.msk $0xffff, v15;
	v15 =	vadd.s32 v56, v23;
	v20 =	vshll.u32 v22, v0;
	v22 =	vmov s15  }
0x4a7: {  	[tilespmem:v19+s26+$0x0] =	vst.idx.msk $0xffff, v14;
	v14 =	vadd.s32 v57, v21;
	v19 =	vbroadcast v20, $0x0;
	v20 =	vshrl.u32 v22, $0x3  }
0x4a8: {  	[tilespmem:v18+s26+$0x0] =	vst.idx.msk $0xffff, v13;
	v13 =	vadd.s32 v58, v21;
	v18 =	vshll.u32 v20, v0;
	v20 =	vmov s14  }
0x4a9: {  	[tilespmem:v17+s26+$0x0] =	vst.idx.msk $0xffff, v12;
	v12 =	vadd.s32 v59, v19;
	v17 =	vbroadcast v18, $0x0;
	v18 =	vshrl.u32 v20, $0x3  }
0x4aa: {  	[tilespmem:v16+s26+$0x0] =	vst.idx.msk $0xffff, v11;
	v11 =	vadd.s32 v60, v19;
	v16 =	vshll.u32 v18, v0  }
0x4ab: {  	[tilespmem:v15+s26+$0x0] =	vst.idx.msk $0xffff, v10;
	v10 =	vadd.s32 v61, v17;
	v15 =	vbroadcast v16, $0x0  }
0x4ac: {  	[tilespmem:v14+s26+$0x0] =	vst.idx.msk $0xffff, v9;
	v9 =	vadd.s32 v62, v17  }
0x4ad: {  	[tilespmem:v13+s26+$0x0] =	vst.idx.msk $0xffff, v8;
	v8 =	vadd.s32 v63, v15  }
.Ltmp11:
0x4ae: {  	[tilespmem:v12+s26+$0x0] =	vst.idx.msk $0xffff, v7;
	v7 =	vadd.s32 v1, v15;
	(pc) =	sbr.rel @p0 .LBB2_25-.Ltmp11, $4  }
0x4af: {  	[tilespmem:v11+s26+$0x0] =	vst.idx.msk $0xffff, v6  }
0x4b0: {  	[tilespmem:v10+s26+$0x0] =	vst.idx.msk $0xffff, v5  }
0x4b1: {  	[tilespmem:v9+s26+$0x0] =	vst.idx.msk $0xffff, v4  }
0x4b2: {  	[tilespmem:v8+s26+$0x0] =	vst.idx.msk $0xffff, v3  }
0x4b3: {  	s0 =	sshll.u32 s1, $0x13  }
0x4b4: {  	s0 =	sor.u32 s6, s0  }
0x4b5: {  	s0 =	sshrl.u32 s0, $0x3  }
0x4b6: {  	s13 =	simm.s32 $0x12800;
	s1 =	sadd.s32 s2, s0  }
0x4b7: {  	[tilespmem:v7+s26+$0x0] =	vst.idx.msk $0xffff, v2;
	s14 =	simm.s32 $0x10;
	s15 =	simm.s32 $0x12888;
	s16 =	sadd.s32 $0x0, s1  }
.LBB2_27:
0x4b8: {  	[hbm4b:s16+s3] =	stream.linear.scatter [tilespmem:s13], [sflag:$0x4], $0x80, $0x38;
	[tilespmem:$0x16C00] =	vst v63  }
0x4b9: {  	s16 =	smov.u32 s14;
	s13 =	smov.u32 s15;
	p0 =	sne.s32 s14, $0x1F0  }
.Ltmp12:
0x4ba: {  	s14 =	sadd.s32 $0x10, s14;
	(pc) =	sbr.rel @p0 .LBB2_27-.Ltmp12, $2  }
0x4bb: {  	_ =	sdelay $0x2  }
0x4bc: {  	s15 =	sadd.s32 $0x88, s15;
	s16 =	sadd.s32 s16, s1  }
0x4bd: {  	[hbm4b:s16+s3] =	stream.linear.scatter [tilespmem:s13], [sflag:$0x4], $0x80, $0x38;
	[tilespmem:$0x16C00] =	vst v63  }
0x4be: {  	s1 =	sadd.s32 s0, s7;
	s13 =	simm.s32 $0x13900  }
0x4bf: {  	s14 =	simm.s32 $0x10;
	s15 =	simm.s32 $0x13988;
	v18 =	vld [tilespmem:$0x1FE10];
	s16 =	sadd.s32 $0x0, s1  }
.LBB2_29:
0x4c0: {  	[hbm4b:s16+s3] =	stream.linear.scatter [tilespmem:s13], [sflag:$0x4], $0x80, $0x38;
	[tilespmem:$0x16C00] =	vst v63  }
0x4c1: {  	s16 =	smov.u32 s14;
	s13 =	smov.u32 s15;
	p0 =	sne.s32 s14, $0x1F0  }
.Ltmp13:
0x4c2: {  	s14 =	sadd.s32 $0x10, s14;
	(pc) =	sbr.rel @p0 .LBB2_29-.Ltmp13, $2  }
0x4c3: {  	_ =	sdelay $0x2  }
0x4c4: {  	s15 =	sadd.s32 $0x88, s15;
	s16 =	sadd.s32 s16, s1  }
0x4c5: {  	[hbm4b:s16+s3] =	stream.linear.scatter [tilespmem:s13], [sflag:$0x4], $0x80, $0x38;
	[tilespmem:$0x16C00] =	vst v63  }
0x4c6: {  	s1 =	sadd.s32 s0, s8;
	s13 =	simm.s32 $0x14A00  }
0x4c7: {  	s14 =	simm.s32 $0x10;
	s15 =	simm.s32 $0x14A88;
	s16 =	sadd.s32 $0x0, s1  }
.LBB2_31:
0x4c8: {  	[hbm4b:s16+s3] =	stream.linear.scatter [tilespmem:s13], [sflag:$0x4], $0x80, $0x38;
	[tilespmem:$0x16C00] =	vst v63  }
0x4c9: {  	s16 =	smov.u32 s14;
	s13 =	smov.u32 s15;
	p0 =	sne.s32 s14, $0x1F0  }
.Ltmp14:
0x4ca: {  	s14 =	sadd.s32 $0x10, s14;
	(pc) =	sbr.rel @p0 .LBB2_31-.Ltmp14, $2  }
0x4cb: {  	_ =	sdelay $0x2  }
0x4cc: {  	s15 =	sadd.s32 $0x88, s15;
	s16 =	sadd.s32 s16, s1  }
0x4cd: {  	[hbm4b:s16+s3] =	stream.linear.scatter [tilespmem:s13], [sflag:$0x4], $0x80, $0x38;
	[tilespmem:$0x16C00] =	vst v63  }
0x4ce: {  	s0 =	sadd.s32 s0, s9;
	s1 =	simm.s32 $0x15B00  }
0x4cf: {  	s13 =	simm.s32 $0x10;
	s14 =	simm.s32 $0x15B88;
	s15 =	sadd.s32 $0x0, s0  }
.LBB2_33:
0x4d0: {  	[hbm4b:s15+s3] =	stream.linear.scatter [tilespmem:s1], [sflag:$0x4], $0x80, $0x38;
	[tilespmem:$0x16C00] =	vst v63  }
0x4d1: {  	s15 =	smov.u32 s13;
	s1 =	smov.u32 s14;
	p0 =	sne.s32 s13, $0x1F0  }
.Ltmp15:
0x4d2: {  	s13 =	sadd.s32 $0x10, s13;
	(pc) =	sbr.rel @p0 .LBB2_33-.Ltmp15, $2  }
0x4d3: {  	_ =	sdelay $0x2  }
0x4d4: {  	s14 =	sadd.s32 $0x88, s14;
	s15 =	sadd.s32 s15, s0  }
0x4d5: {  	s31 =	sadd.s32 $0x1, s31  }
0x4d6: {  	p0 =	sne.s32 s31, $0x19  }
.Ltmp16:
0x4d7: {  	_ = 	snop;
	(pc) =	sbr.rel @p0 .LBB2_2-.Ltmp16, $2  }
0x4d8: {  	_ =	sdelay $0x2  }
0x4d9: {  	[hbm4b:s15+s3] =	stream.linear.scatter [tilespmem:s1], [sflag:$0x4], $0x80, $0x38;
	[tilespmem:$0x16C00] =	vst v63  }
0x4da: {  	_ =	swait.ge [sflag:s28], $0x1000  }
0x4db: {  	[sflag:s28] =	ssyncset.done $0x0  }
0x4dc: {  	[sflag:s28] =	ssyncadd.s32 $0xFFFFF000  }
0x4dd: {  	_ =	swait.ge [sflag:s28], $0x1000  }
0x4de: {  	[sflag:s28] =	ssyncset.done $0x0  }
0x4df: {  	[sflag:s28] =	ssyncadd.s32 $0xFFFFF000  }
0x4e0: {  	_ =	swait.ge [sflag:s28], $0x1000  }
0x4e1: {  	[sflag:s28] =	ssyncset.done $0x0  }
0x4e2: {  	[sflag:s28] =	ssyncadd.s32 $0xFFFFF000  }
0x4e3: {  	_ =	swait.ge [sflag:s28], $0x1000  }
0x4e4: {  	[sflag:s28] =	ssyncset.done $0x0  }
0x4e5: {  	[sflag:s28] =	ssyncadd.s32 $0xFFFFF000  }
0x4e6: {  	_ =	swait.ge [sflag:s29], $0x1000  }
0x4e7: {  	[sflag:s29] =	ssyncset.done $0x0  }
0x4e8: {  	[sflag:s29] =	ssyncadd.s32 $0xFFFFF000  }
0x4e9: {  	_ =	swait.ge [sflag:s29], $0x1000  }
0x4ea: {  	[sflag:s29] =	ssyncset.done $0x0  }
0x4eb: {  	s30 =	sadd.s32 $0x1, s30;
	[sflag:s29] =	ssyncadd.s32 $0xFFFFF000  }
0x4ec: {  	p0 =	sne.s32 s30, s10;
	_ =	swait.ge [sflag:s29], $0x1000  }
.Ltmp17:
0x4ed: {  	[sflag:s29] =	ssyncset.done $0x0;
	(pc) =	sbr.rel @p0 .LBB2_1-.Ltmp17, $4  }
0x4ee: {  	[sflag:s29] =	ssyncadd.s32 $0xFFFFF000  }
0x4ef: {  	_ =	swait.ge [sflag:s29], $0x1000  }
0x4f0: {  	[sflag:s29] =	ssyncset.done $0x0  }
0x4f1: {  	[sflag:s29] =	ssyncadd.s32 $0xFFFFF000  }
0x4f2: {  	_ =	sfence.sel $0x180000  }
0x4f3: {  	[bflag:$0x0] =	sbarrier.arrive $0xFFFF  }
0x4f4: {  	_ =	strace $0x90000047  }
0x4f5: {  	s0 =	stileid.u32;
	[bflag:$0x2] =	sbarrier.arrive $0xFFFF  }
0x4f6: {  	p0 =	sne.s32 s0, $0x0;
	s0 =	rddreg [dreg:$0x2]  }
0x4f7: {  	s0 =	sadd.s32 @!p0 $0x100000, s0  }
0x4f8: {  	[sflag:s0] =	ssyncadd.tile.s32 @!p0 $0x1;
	_ =	shalt  }
.Lfunc_end2:
_tile_overlayer_lowered:
.L_overlay_start_2:
0x4f9: {  	(tag) =	ssettag $0x2  }
0x4fa: {  	s0 =	rddreg [dreg:$0x0];
	s2 =	stileid.u32  }
0x4fb: {  	s1 =	rddreg [dreg:$0x1];
	p0 =	sne.s32 s2, $0x0  }
0x4fc: {  	s3 =	rddreg [dreg:$0x2];
	[bflag:$0x3] =	sbarrier.arrive $0xFFFF;
	s2 =	simm.s32 @!p0 $0x1C05  }
0x4fd: {  	[timem:s3], [sflag:s2] =	dma.local @!p0 [hbm:s0], s1  }
0x4fe: {  	s0 =	simm.s32 @!p0 $0x5  }
0x4ff: {  	_ =	swait.ge @!p0 [sflag:s0], s1  }
0x500: {  	s1 =	ssub.s32 @!p0 $0x0, s1;
	[sflag:s0] =	ssyncset.done @!p0 $0x0  }
0x501: {  	[sflag:s0] =	ssyncadd.s32 @!p0 s1  }
0x502: {  	[bflag:$0x3] =	sbarrier.arrive $0xFFFF  }
0x503: {  	_ =	shalt  }

</sc_bundles>
